<compile_context>
chip_gen: v7x
topology: tpu7x:2x2x1
jax: 0.10.2.dev20260603
libtpu: 0.0.44.dev20260713+nightly
codegen_flags: <defaults>
</compile_context>

<pallas_src>
import functools

import jax
import jax.numpy as jnp
import numpy as np
from jax.experimental import pallas as pl
from jax.experimental.pallas import tpu as pltpu

N = 10000; M = 8192; E = 320000; T = 640000; EA = 160000; EM = 160000
H = 128; HT = 64; RBF = 16; NR = 16; F = 128; NH = 8; B = 16; G = 512


def _ln(x, g, b):
    mu = jnp.mean(x, axis=-1, keepdims=True)
    var = jnp.var(x, axis=-1, keepdims=True)
    return (x - mu) / jnp.sqrt(var + 1e-5) * g + b


def _silu(x):
    return x * jax.nn.sigmoid(x)


def _interaction(x, ei, w, attr, Wf1, Wf2, Win, Wout, dim_size):
    filt = _silu(attr @ Wf1) @ Wf2
    C = 0.5 * (jnp.cos(jnp.pi * w) + 1.0)
    msg = (x @ Win)[ei[0]] * filt * C[:, None]
    agg = jax.ops.segment_sum(msg, ei[1], num_segments=dim_size)
    return agg @ Wout


def _comb_kernel(mj_ref, mi_ref, wc1_ref, wc2_ref, b_ref, g_ref, beta_ref,
                 base_ref, out_ref):
    x = (mj_ref[...] @ wc1_ref[...] + mi_ref[...] @ wc2_ref[...]
         + b_ref[...])
    x = x * jax.nn.sigmoid(x)
    mu = jnp.mean(x, axis=-1, keepdims=True)
    var = jnp.mean((x - mu) ** 2, axis=-1, keepdims=True)
    x = (x - mu) / jnp.sqrt(var + 1e-5) * g_ref[...] + beta_ref[...]
    out_ref[...] = base_ref[...] + x


def kernel(a_x, m_x, m, rbf3, cbf3, id3_ragged_idx, id_swap, id3_ba, id3_ca,
           rbf_h, idx_s, idx_t, a2m_edge_index, m2a_edge_index,
           a2m_edge_weights, m2a_edge_weights, a2m_edge_attr, m2a_edge_attr,
           W_trip, W_rbf3, W_up, W_h, W_atom,
           a2m_Wf1, a2m_Wf2, a2m_Win, a2m_Wout,
           m2a_Wf1, m2a_Wf2, m2a_Win, m2a_Wout,
           Wq, Wk, Wv, Wo, W_comb, b_comb,
           ln_short_g, ln_short_b, ln_sedge_g, ln_sedge_b,
           ln_long_g, ln_long_b, ln_a2m_g, ln_a2m_b,
           ln_m2a_g, ln_m2a_b):
    a_x = a_x + (0 * id3_ragged_idx[0]).astype(a_x.dtype)
    n_atoms = a_x.shape[0]
    n_mesh = m_x.shape[0]
    n_edges = m.shape[0]
    delta_m_x = m_x
    a_xn = _ln(a_x, ln_short_g, ln_short_b)
    mn = _ln(m, ln_sedge_g, ln_sedge_b)
    m_proj = _silu(mn @ W_trip)
    x_ba = m_proj[id3_ba] * cbf3
    trip = jax.ops.segment_sum(x_ba, id3_ca, num_segments=n_edges)
    trip = trip * (rbf3 @ W_rbf3)
    m_new = mn + _silu(trip @ W_up)
    m_new = m_new + m_new[id_swap]
    h_e = m_new * (rbf_h @ W_h)
    a_agg = jax.ops.segment_sum(h_e, idx_t, num_segments=n_atoms)
    a_x2 = a_xn + _silu(a_agg @ W_atom)
    m_xn = _ln(m_x, ln_long_g, ln_long_b)
    z = m_xn.reshape(B, G, H)
    dh = H // NH
    q = (z @ Wq).reshape(B, G, NH, dh).transpose(0, 2, 1, 3)
    k = (z @ Wk).reshape(B, G, NH, dh).transpose(0, 2, 1, 3)
    v = (z @ Wv).reshape(B, G, NH, dh).transpose(0, 2, 1, 3)
    att = jax.nn.softmax(jnp.einsum('bhqd,bhkd->bhqk', q, k) / np.sqrt(dh),
                         axis=-1)
    o = jnp.einsum('bhqk,bhkd->bhqd', att, v).transpose(0, 2, 1, 3)
    o = o.reshape(B, G, H) @ Wo
    m_x2 = o.reshape(n_mesh, H)
    a2m_msg = _interaction(a_x2, a2m_edge_index, a2m_edge_weights,
                           a2m_edge_attr, a2m_Wf1, a2m_Wf2, a2m_Win,
                           a2m_Wout, n_mesh)
    a2m_msg = _ln(a2m_msg, ln_a2m_g, ln_a2m_b)
    m2a_msg = _interaction(m_x2, m2a_edge_index, m2a_edge_weights,
                           m2a_edge_attr, m2a_Wf1, m2a_Wf2, m2a_Win,
                           m2a_Wout, n_atoms)
    mj = m2a_msg[idx_s]
    mi = m2a_msg[idx_t]
    BLK = 2000
    grid = (E // BLK,)
    out3 = pl.pallas_call(
        _comb_kernel,
        grid=grid,
        in_specs=[
            pl.BlockSpec((BLK, H), lambda i: (i, 0)),
            pl.BlockSpec((BLK, H), lambda i: (i, 0)),
            pl.BlockSpec((H, H), lambda i: (0, 0)),
            pl.BlockSpec((H, H), lambda i: (0, 0)),
            pl.BlockSpec((1, H), lambda i: (0, 0)),
            pl.BlockSpec((1, H), lambda i: (0, 0)),
            pl.BlockSpec((1, H), lambda i: (0, 0)),
            pl.BlockSpec((BLK, H), lambda i: (i, 0)),
        ],
        out_specs=pl.BlockSpec((BLK, H), lambda i: (i, 0)),
        out_shape=jax.ShapeDtypeStruct((E, H), jnp.float32),
    )(mj, mi, W_comb[:H], W_comb[H:], b_comb[None], ln_m2a_g[None],
      ln_m2a_b[None], m_new)
    return (a_x2, m_x2 + a2m_msg + delta_m_x, out3)

# --- scband reference (transcript-rebuilt; emitter-appended) ---
"""Pipeline reference for scband-gem-net-t-p3-m-57904749085214 (READ-ONLY COPY).

The authoritative reference and input builder live on the scoring server;
editing this copy changes nothing except your own understanding.
"""

import jax, jax.numpy as jnp
import numpy as np

N = 10000; M = 8192; E = 320000; T = 640000; EA = 160000; EM = 160000
H = 128; HT = 64; RBF = 16; NR = 16; F = 128; NH = 8; B = 16; G = 512

PKEYS = ["W_trip", "W_rbf3", "W_up", "W_h", "W_atom",
         "a2m_Wf1", "a2m_Wf2", "a2m_Win", "a2m_Wout",
         "m2a_Wf1", "m2a_Wf2", "m2a_Win", "m2a_Wout",
         "Wq", "Wk", "Wv", "Wo", "W_comb", "b_comb",
         "ln_short_g", "ln_short_b", "ln_sedge_g", "ln_sedge_b",
         "ln_long_g", "ln_long_b", "ln_a2m_g", "ln_a2m_b",
         "ln_m2a_g", "ln_m2a_b"]


def _glorot(k, shape):
    return jax.random.normal(k, shape, jnp.float32) / np.sqrt(shape[0])


def setup_inputs(seed: int = 0) -> dict:
    key = jax.random.key(seed)
    ks = jax.random.split(key, 40)
    inp = {}
    inp["a_x"] = jax.random.normal(ks[0], (N, H), jnp.float32)
    inp["m_x"] = jax.random.normal(ks[1], (M, H), jnp.float32)
    inp["m"] = jax.random.normal(ks[2], (E, H), jnp.float32)
    inp["rbf3"] = jax.random.normal(ks[3], (E, RBF), jnp.float32)
    inp["cbf3"] = jax.random.normal(ks[4], (T, HT), jnp.float32)
    inp["id3_ragged_idx"] = jax.random.randint(ks[5], (T,), 0, 64)
    inp["id_swap"] = jax.random.randint(ks[6], (E,), 0, E)
    inp["id3_ba"] = jax.random.randint(ks[7], (T,), 0, E)
    inp["id3_ca"] = jax.random.randint(ks[8], (T,), 0, E)
    inp["rbf_h"] = jax.random.normal(ks[9], (E, RBF), jnp.float32)
    inp["idx_s"] = jax.random.randint(ks[10], (E,), 0, N)
    inp["idx_t"] = jax.random.randint(ks[11], (E,), 0, N)
    inp["a2m_edge_index"] = jax.random.randint(ks[12], (2, EA), 0, M)
    inp["m2a_edge_index"] = jax.random.randint(ks[13], (2, EM), 0, M)
    inp["a2m_edge_weights"] = jax.random.uniform(ks[14], (EA,), jnp.float32)
    inp["m2a_edge_weights"] = jax.random.uniform(ks[15], (EM,), jnp.float32)
    inp["a2m_edge_attr"] = jax.random.normal(ks[16], (EA, NR), jnp.float32)
    inp["m2a_edge_attr"] = jax.random.normal(ks[17], (EM, NR), jnp.float32)
    inp["W_trip"] = _glorot(ks[18], (H, HT))
    inp["W_rbf3"] = _glorot(ks[19], (RBF, HT))
    inp["W_up"] = _glorot(ks[20], (HT, H))
    inp["W_h"] = _glorot(ks[21], (RBF, H))
    inp["W_atom"] = _glorot(ks[22], (H, H))
    inp["a2m_Wf1"] = _glorot(ks[23], (NR, F))
    inp["a2m_Wf2"] = _glorot(ks[24], (F, F))
    inp["a2m_Win"] = _glorot(ks[25], (H, F))
    inp["a2m_Wout"] = _glorot(ks[26], (F, H))
    inp["m2a_Wf1"] = _glorot(ks[27], (NR, F))
    inp["m2a_Wf2"] = _glorot(ks[28], (F, F))
    inp["m2a_Win"] = _glorot(ks[29], (H, F))
    inp["m2a_Wout"] = _glorot(ks[30], (F, H))
    inp["Wq"] = _glorot(ks[31], (H, H))
    inp["Wk"] = _glorot(ks[32], (H, H))
    inp["Wv"] = _glorot(ks[33], (H, H))
    inp["Wo"] = _glorot(ks[34], (H, H))
    inp["W_comb"] = _glorot(ks[35], (2 * H, H))
    inp["b_comb"] = jnp.zeros((H,), jnp.float32)
    for nm in ["short", "sedge", "long", "a2m", "m2a"]:
        inp["ln_" + nm + "_g"] = jnp.ones((H,), jnp.float32)
        inp["ln_" + nm + "_b"] = jnp.zeros((H,), jnp.float32)
    return inp


def _ln(x, g, b):
    mu = jnp.mean(x, axis=-1, keepdims=True)
    var = jnp.var(x, axis=-1, keepdims=True)
    return (x - mu) / jnp.sqrt(var + 1e-5) * g + b


def _silu(x):
    return x * jax.nn.sigmoid(x)


def _interaction(x, ei, w, attr, Wf1, Wf2, Win, Wout, dim_size):
    # SchNet-style continuous-filter conv interaction block
    filt = _silu(attr @ Wf1) @ Wf2
    C = 0.5 * (jnp.cos(jnp.pi * w) + 1.0)  # cosine cutoff envelope
    msg = (x @ Win)[ei[0]] * filt * C[:, None]
    agg = jax.ops.segment_sum(msg, ei[1], num_segments=dim_size)
    return agg @ Wout


def _forward(a_x, m_x, m, rbf3, cbf3, rbf_h, a2m_edge_weights, m2a_edge_weights,
             a2m_edge_attr, m2a_edge_attr, params, id_swap, id3_ba, id3_ca,
             idx_s, idx_t, a2m_edge_index, m2a_edge_index):
    p = params
    n_atoms = a_x.shape[0]
    n_mesh = m_x.shape[0]
    n_edges = m.shape[0]
    delta_m_x = m_x
    # --- short-range (triplet) message passing ---
    a_xn = _ln(a_x, p["ln_short_g"], p["ln_short_b"])
    mn = _ln(m, p["ln_sedge_g"], p["ln_sedge_b"])
    m_proj = _silu(mn @ p["W_trip"])
    x_ba = m_proj[id3_ba] * cbf3
    trip = jax.ops.segment_sum(x_ba, id3_ca, num_segments=n_edges)
    trip = trip * (rbf3 @ p["W_rbf3"])
    m_new = mn + _silu(trip @ p["W_up"])
    m_new = m_new + m_new[id_swap]
    h_e = m_new * (rbf_h @ p["W_h"])
    a_agg = jax.ops.segment_sum(h_e, idx_t, num_segments=n_atoms)
    a_x2 = a_xn + _silu(a_agg @ p["W_atom"])
    # --- long-range mesh update (MHA over grid points per graph) ---
    m_xn = _ln(m_x, p["ln_long_g"], p["ln_long_b"])
    z = m_xn.reshape(B, G, H)
    dh = H // NH
    q = (z @ p["Wq"]).reshape(B, G, NH, dh).transpose(0, 2, 1, 3)
    k = (z @ p["Wk"]).reshape(B, G, NH, dh).transpose(0, 2, 1, 3)
    v = (z @ p["Wv"]).reshape(B, G, NH, dh).transpose(0, 2, 1, 3)
    att = jax.nn.softmax(jnp.einsum('bhqd,bhkd->bhqk', q, k) / np.sqrt(dh), axis=-1)
    o = jnp.einsum('bhqk,bhkd->bhqd', att, v).transpose(0, 2, 1, 3).reshape(B, G, H) @ p["Wo"]
    m_x2 = o.reshape(n_mesh, H)
    # --- atom -> mesh ---
    a2m_msg = _interaction(a_x2, a2m_edge_index, a2m_edge_weights, a2m_edge_attr,
                           p["a2m_Wf1"], p["a2m_Wf2"], p["a2m_Win"], p["a2m_Wout"], n_mesh)
    a2m_msg = _ln(a2m_msg, p["ln_a2m_g"], p["ln_a2m_b"])
    # --- mesh -> atom, then project onto edges ---
    m2a_msg = _interaction(m_x2, m2a_edge_index, m2a_edge_weights, m2a_edge_attr,
                           p["m2a_Wf1"], p["m2a_Wf2"], p["m2a_Win"], p["m2a_Wout"], n_atoms)
    mj = m2a_msg[idx_s]
    mi = m2a_msg[idx_t]
    edge_msg = _silu(jnp.concatenate([mj, mi], axis=-1) @ p["W_comb"] + p["b_comb"])
    edge_msg = _ln(edge_msg, p["ln_m2a_g"], p["ln_m2a_b"])
    return (a_x2, m_x2 + a2m_msg + delta_m_x, m_new + edge_msg)


def reference(a_x, m_x, m, rbf3, cbf3, id3_ragged_idx, id_swap, id3_ba, id3_ca,
              rbf_h, idx_s, idx_t, a2m_edge_index, m2a_edge_index,
              a2m_edge_weights, m2a_edge_weights, a2m_edge_attr, m2a_edge_attr,
              W_trip, W_rbf3, W_up, W_h, W_atom,
              a2m_Wf1, a2m_Wf2, a2m_Win, a2m_Wout,
              m2a_Wf1, m2a_Wf2, m2a_Win, m2a_Wout,
              Wq, Wk, Wv, Wo, W_comb, b_comb,
              ln_short_g, ln_short_b, ln_sedge_g, ln_sedge_b,
              ln_long_g, ln_long_b, ln_a2m_g, ln_a2m_b,
              ln_m2a_g, ln_m2a_b):
    params = {"W_trip": W_trip, "W_rbf3": W_rbf3, "W_up": W_up, "W_h": W_h,
              "W_atom": W_atom,
              "a2m_Wf1": a2m_Wf1, "a2m_Wf2": a2m_Wf2, "a2m_Win": a2m_Win,
              "a2m_Wout": a2m_Wout,
              "m2a_Wf1": m2a_Wf1, "m2a_Wf2": m2a_Wf2, "m2a_Win": m2a_Win,
              "m2a_Wout": m2a_Wout,
              "Wq": Wq, "Wk": Wk, "Wv": Wv, "Wo": Wo,
              "W_comb": W_comb, "b_comb": b_comb,
              "ln_short_g": ln_short_g, "ln_short_b": ln_short_b,
              "ln_sedge_g": ln_sedge_g, "ln_sedge_b": ln_sedge_b,
              "ln_long_g": ln_long_g, "ln_long_b": ln_long_b,
              "ln_a2m_g": ln_a2m_g, "ln_a2m_b": ln_a2m_b,
              "ln_m2a_g": ln_m2a_g, "ln_m2a_b": ln_m2a_b}
    a_x = a_x + (0 * id3_ragged_idx[0]).astype(a_x.dtype)
    return _forward(a_x, m_x, m, rbf3, cbf3,
                    rbf_h, a2m_edge_weights, m2a_edge_weights,
                    a2m_edge_attr, m2a_edge_attr, params,
                    id_swap, id3_ba, id3_ca,
                    idx_s, idx_t,
                    a2m_edge_index, m2a_edge_index)

if __name__ == "__main__":
    import jax
    _d = setup_inputs()
    print(jax.jit(kernel)(*tuple(_d.values())))

</pallas_src>

<mosaic_0001>
module {
  func.func @main(%arg0: i32, %arg1: i32, %arg2: i32, %arg3: i32, %arg4: memref<1x1x512x512xf32, #tpu.memory_space<vmem>>, %arg5: memref<1x1x512x16xf32, #tpu.memory_space<vmem>>, %arg6: memref<1x1x512x16xf32, #tpu.memory_space<vmem>>, %arg7: memref<1x1x512x1xf32, #tpu.memory_space<vmem>>, %arg8: memref<1x1x512x1xf32, #tpu.memory_space<vmem>>) attributes {dimension_semantics = [#tpu.dimension_semantics<parallel>, #tpu.dimension_semantics<parallel>, #tpu.dimension_semantics<parallel>, #tpu.dimension_semantics<arbitrary>], iteration_bounds = array<i64: 16, 8, 1, 1>, scratch_operands = 2 : i64, window_params = [{transform_indices = @qk_fn, window_bounds = array<i64: 1, 1, 512, 512>}, {transform_indices = @v_fn, window_bounds = array<i64: 1, 1, 512, 16>}, {transform_indices = @oi_fn, window_bounds = array<i64: 1, 1, 512, 16>}]} {
    %c0 = arith.constant 0 : index
    %c0_i32 = arith.constant 0 : i32
    %0 = arith.cmpi eq, %c0_i32, %arg3 : i32
    scf.if %0 {
      %cst_3 = arith.constant dense<0.000000e+00> : vector<1x1x512x16xf32>
      vector.store %cst_3, %arg6[%c0, %c0, %c0, %c0] : memref<1x1x512x16xf32, #tpu.memory_space<vmem>>, vector<1x1x512x16xf32>
      %cst_4 = arith.constant dense<0xFF800000> : vector<1x1x512x1xf32>
      vector.store %cst_4, %arg7[%c0, %c0, %c0, %c0] : memref<1x1x512x1xf32, #tpu.memory_space<vmem>>, vector<1x1x512x1xf32>
      %cst_5 = arith.constant dense<0.000000e+00> : vector<1x1x512x1xf32>
      vector.store %cst_5, %arg8[%c0, %c0, %c0, %c0] : memref<1x1x512x1xf32, #tpu.memory_space<vmem>>, vector<1x1x512x1xf32>
    }
    %1 = vector.load %arg4[%c0, %c0, %c0, %c0] : memref<1x1x512x512xf32, #tpu.memory_space<vmem>>, vector<1x1x512x512xf32>
    %cst = arith.constant dense<0xFF800000> : vector<1x1x512xf32>
    %2 = vector.multi_reduction <maximumf>, %1, %cst [3] : vector<1x1x512x512xf32> to vector<1x1x512xf32>
    %3 = vector.shape_cast %2 : vector<1x1x512xf32> to vector<1x1x512x1xf32>
    %4 = vector.load %arg7[%c0, %c0, %c0, %c0] : memref<1x1x512x1xf32, #tpu.memory_space<vmem>>, vector<1x1x512x1xf32>
    %5 = arith.maximumf %4, %3 : vector<1x1x512x1xf32>
    %cst_0 = arith.constant dense<0.000000e+00> : vector<1x1x512x1xf32>
    %6 = arith.cmpf oeq, %4, %5 : vector<1x1x512x1xf32>
    %7 = arith.subf %4, %5 : vector<1x1x512x1xf32>
    %8 = arith.select %6, %cst_0, %7 : vector<1x1x512x1xi1>, vector<1x1x512x1xf32>
    %9 = vector.broadcast %5 : vector<1x1x512x1xf32> to vector<1x1x512x512xf32>
    %10 = arith.subf %1, %9 : vector<1x1x512x512xf32>
    %11 = math.exp %10 : vector<1x1x512x512xf32>
    %cst_1 = arith.constant dense<0.000000e+00> : vector<1x1x512xf32>
    %12 = vector.multi_reduction <add>, %11, %cst_1 [3] : vector<1x1x512x512xf32> to vector<1x1x512xf32>
    %13 = vector.shape_cast %12 : vector<1x1x512xf32> to vector<1x1x512x1xf32>
    %14 = vector.load %arg8[%c0, %c0, %c0, %c0] : memref<1x1x512x1xf32, #tpu.memory_space<vmem>>, vector<1x1x512x1xf32>
    %15 = math.exp %8 : vector<1x1x512x1xf32>
    %16 = arith.mulf %15, %14 : vector<1x1x512x1xf32>
    %17 = arith.addf %16, %13 : vector<1x1x512x1xf32>
    %18 = vector.load %arg6[%c0, %c0, %c0, %c0] : memref<1x1x512x16xf32, #tpu.memory_space<vmem>>, vector<1x1x512x16xf32>
    %19 = math.exp %8 : vector<1x1x512x1xf32>
    %20 = arith.mulf %19, %14 : vector<1x1x512x1xf32>
    %21 = vector.broadcast %20 : vector<1x1x512x1xf32> to vector<1x1x512x16xf32>
    %22 = arith.mulf %21, %18 : vector<1x1x512x16xf32>
    %23 = vector.load %arg5[%c0, %c0, %c0, %c0] : memref<1x1x512x16xf32, #tpu.memory_space<vmem>>, vector<1x1x512x16xf32>
    %24 = vector.shape_cast %23 : vector<1x1x512x16xf32> to vector<512x16xf32>
    %25 = vector.shape_cast %11 : vector<1x1x512x512xf32> to vector<512x512xf32>
    %26 = vector.shape_cast %22 : vector<1x1x512x16xf32> to vector<512x16xf32>
    %27 = tpu.matmul %25, %24, %26 {dimension_numbers = #tpu.dot_dimension_numbers<[1], [0], [0], [1], [0, 0, 1, 1], [], []>, precision = #tpu.contract_precision<bf16>, transpose_lhs_hint = false} : vector<512x512xf32>, vector<512x16xf32>, vector<512x16xf32> -> vector<512x16xf32>
    %28 = vector.shape_cast %27 : vector<512x16xf32> to vector<1x1x512x16xf32>
    %cst_2 = arith.constant dense<1.000000e+00> : vector<1x1x512x1xf32>
    %29 = arith.divf %cst_2, %17 : vector<1x1x512x1xf32>
    %30 = vector.broadcast %29 : vector<1x1x512x1xf32> to vector<1x1x512x16xf32>
    %31 = arith.mulf %28, %30 : vector<1x1x512x16xf32>
    %32 = vector.shape_cast %31 : vector<1x1x512x16xf32> to vector<1x1x512x16xf32>
    vector.store %32, %arg6[%c0, %c0, %c0, %c0] : memref<1x1x512x16xf32, #tpu.memory_space<vmem>>, vector<1x1x512x16xf32>
    vector.store %5, %arg7[%c0, %c0, %c0, %c0] : memref<1x1x512x1xf32, #tpu.memory_space<vmem>>, vector<1x1x512x1xf32>
    vector.store %17, %arg8[%c0, %c0, %c0, %c0] : memref<1x1x512x1xf32, #tpu.memory_space<vmem>>, vector<1x1x512x1xf32>
    return
  }
  func.func @qk_fn(%arg0: i32, %arg1: i32, %arg2: i32, %arg3: i32) -> (i32, i32, i32, i32) {
    return %arg0, %arg1, %arg2, %arg3 : i32, i32, i32, i32
  }
  func.func @v_fn(%arg0: i32, %arg1: i32, %arg2: i32, %arg3: i32) -> (i32, i32, i32, i32) {
    %c0_i32 = arith.constant 0 : i32
    return %arg0, %arg1, %arg3, %c0_i32 : i32, i32, i32, i32
  }
  func.func @oi_fn(%arg0: i32, %arg1: i32, %arg2: i32, %arg3: i32) -> (i32, i32, i32, i32) {
    %c0_i32 = arith.constant 0 : i32
    return %arg0, %arg1, %arg2, %c0_i32 : i32, i32, i32, i32
  }
}

module attributes {stable_mosaic.version = 14 : i64} {
  func.func @_comb_kernel(%arg0: i32, %arg1: memref<2000x128xf32, #tpu.memory_space<vmem>>, %arg2: memref<2000x128xf32, #tpu.memory_space<vmem>>, %arg3: memref<128x128xf32, #tpu.memory_space<vmem>>, %arg4: memref<128x128xf32, #tpu.memory_space<vmem>>, %arg5: memref<1x128xf32, #tpu.memory_space<vmem>>, %arg6: memref<1x128xf32, #tpu.memory_space<vmem>>, %arg7: memref<1x128xf32, #tpu.memory_space<vmem>>, %arg8: memref<2000x128xf32, #tpu.memory_space<vmem>>, %arg9: memref<2000x128xf32, #tpu.memory_space<vmem>>) attributes {dimension_semantics = [#tpu.dimension_semantics<arbitrary>], iteration_bounds = array<i64: 160>, scalar_prefetch = 0 : i64, scratch_operands = 0 : i64, tpu.core_type = #tpu.core_type<tc>, window_params = [{transform_indices = @transform_0, window_bounds = array<i64: 2000, 128>}, {transform_indices = @transform_1, window_bounds = array<i64: 2000, 128>}, {pipeline_mode = #tpu.pipeline_mode<synchronous>, transform_indices = @transform_2, window_bounds = array<i64: 128, 128>}, {pipeline_mode = #tpu.pipeline_mode<synchronous>, transform_indices = @transform_3, window_bounds = array<i64: 128, 128>}, {pipeline_mode = #tpu.pipeline_mode<synchronous>, transform_indices = @transform_4, window_bounds = array<i64: 1, 128>}, {pipeline_mode = #tpu.pipeline_mode<synchronous>, transform_indices = @transform_5, window_bounds = array<i64: 1, 128>}, {pipeline_mode = #tpu.pipeline_mode<synchronous>, transform_indices = @transform_6, window_bounds = array<i64: 1, 128>}, {transform_indices = @transform_7, window_bounds = array<i64: 2000, 128>}, {transform_indices = @transform_8, window_bounds = array<i64: 2000, 128>}]} {
    %get3A = arith.constant 0 : index
    %get3A_0 = arith.constant 0 : index
    %get3A_1 = vector.load %arg1[%get3A, %get3A_0] : memref<2000x128xf32, #tpu.memory_space<vmem>>, vector<2000x128xf32>
    %get3A_2 = arith.constant 0 : index
    %get3A_3 = arith.constant 0 : index
    %get3A_4 = vector.load %arg3[%get3A_2, %get3A_3] : memref<128x128xf32, #tpu.memory_space<vmem>>, vector<128x128xf32>
    %dot_general3A = arith.constant dense<0.000000e+00> : vector<2000x128xf32>
    %dot_general3A_5 = tpu.matmul %get3A_1, %get3A_4, %dot_general3A {dimension_numbers = #tpu.dot_dimension_numbers<[1], [0], [0], [1], [0, 0, 1, 1], [], []>, transpose_lhs_hint = false} : vector<2000x128xf32>, vector<128x128xf32>, vector<2000x128xf32> -> vector<2000x128xf32>
    %get3A_6 = arith.constant 0 : index
    %get3A_7 = arith.constant 0 : index
    %get3A_8 = vector.load %arg2[%get3A_6, %get3A_7] : memref<2000x128xf32, #tpu.memory_space<vmem>>, vector<2000x128xf32>
    %get3A_9 = arith.constant 0 : index
    %get3A_10 = arith.constant 0 : index
    %get3A_11 = vector.load %arg4[%get3A_9, %get3A_10] : memref<128x128xf32, #tpu.memory_space<vmem>>, vector<128x128xf32>
    %dot_general3A_12 = arith.constant dense<0.000000e+00> : vector<2000x128xf32>
    %dot_general3A_13 = tpu.matmul %get3A_8, %get3A_11, %dot_general3A_12 {dimension_numbers = #tpu.dot_dimension_numbers<[1], [0], [0], [1], [0, 0, 1, 1], [], []>, transpose_lhs_hint = false} : vector<2000x128xf32>, vector<128x128xf32>, vector<2000x128xf32> -> vector<2000x128xf32>
    %add3A = arith.addf %dot_general3A_5, %dot_general3A_13 : vector<2000x128xf32>
    %get3A_14 = arith.constant 0 : index
    %get3A_15 = arith.constant 0 : index
    %get3A_16 = vector.load %arg5[%get3A_14, %get3A_15] : memref<1x128xf32, #tpu.memory_space<vmem>>, vector<1x128xf32>
    %add3A_17 = vector.broadcast %get3A_16 : vector<1x128xf32> to vector<2000x128xf32>
    %add3A_18 = arith.addf %add3A, %add3A_17 : vector<2000x128xf32>
    %logistic3A = arith.negf %add3A_18 : vector<2000x128xf32>
    %logistic3A_19 = math.exp %logistic3A : vector<2000x128xf32>
    %logistic3A_20 = arith.constant 1.000000e+00 : f32
    %logistic3A_21 = vector.broadcast %logistic3A_20 : f32 to vector<2000x128xf32>
    %logistic3A_22 = arith.addf %logistic3A_21, %logistic3A_19 : vector<2000x128xf32>
    %logistic3A_23 = arith.divf %logistic3A_21, %logistic3A_22 : vector<2000x128xf32>
    %mul3A = arith.mulf %add3A_18, %logistic3A_23 : vector<2000x128xf32>
    %reduce_sum3A = arith.constant dense<0.000000e+00> : vector<2000xf32>
    %reduce_sum3A_24 = vector.multi_reduction <add>, %mul3A, %reduce_sum3A [1] : vector<2000x128xf32> to vector<2000xf32>
    %broadcast_in_dim3A = vector.shape_cast %reduce_sum3A_24 : vector<2000xf32> to vector<2000x1xf32>
    %div3A = arith.constant 1.280000e+02 : f32
    %div3A_25 = vector.broadcast %div3A : f32 to vector<2000x1xf32>
    %div3A_26 = arith.divf %broadcast_in_dim3A, %div3A_25 : vector<2000x1xf32>
    %sub3A = vector.broadcast %div3A_26 : vector<2000x1xf32> to vector<2000x128xf32>
    %sub3A_27 = arith.subf %mul3A, %sub3A : vector<2000x128xf32>
    %integer_pow3A = arith.mulf %sub3A_27, %sub3A_27 : vector<2000x128xf32>
    %reduce_sum3A_28 = arith.constant dense<0.000000e+00> : vector<2000xf32>
    %reduce_sum3A_29 = vector.multi_reduction <add>, %integer_pow3A, %reduce_sum3A_28 [1] : vector<2000x128xf32> to vector<2000xf32>
    %broadcast_in_dim3A_30 = vector.shape_cast %reduce_sum3A_29 : vector<2000xf32> to vector<2000x1xf32>
    %div3A_31 = arith.constant 1.280000e+02 : f32
    %div3A_32 = vector.broadcast %div3A_31 : f32 to vector<2000x1xf32>
    %div3A_33 = arith.divf %broadcast_in_dim3A_30, %div3A_32 : vector<2000x1xf32>
    %sub3A_34 = vector.broadcast %div3A_26 : vector<2000x1xf32> to vector<2000x128xf32>
    %sub3A_35 = arith.subf %mul3A, %sub3A_34 : vector<2000x128xf32>
    %add3A_36 = arith.constant 9.99999974E-6 : f32
    %add3A_37 = vector.broadcast %add3A_36 : f32 to vector<2000x1xf32>
    %add3A_38 = arith.addf %div3A_33, %add3A_37 : vector<2000x1xf32>
    %sqrt3A = math.sqrt %add3A_38 : vector<2000x1xf32>
    %div3A_39 = vector.broadcast %sqrt3A : vector<2000x1xf32> to vector<2000x128xf32>
    %div3A_40 = arith.divf %sub3A_35, %div3A_39 : vector<2000x128xf32>
    %get3A_41 = arith.constant 0 : index
    %get3A_42 = arith.constant 0 : index
    %get3A_43 = vector.load %arg6[%get3A_41, %get3A_42] : memref<1x128xf32, #tpu.memory_space<vmem>>, vector<1x128xf32>
    %mul3A_44 = vector.broadcast %get3A_43 : vector<1x128xf32> to vector<2000x128xf32>
    %mul3A_45 = arith.mulf %div3A_40, %mul3A_44 : vector<2000x128xf32>
    %get3A_46 = arith.constant 0 : index
    %get3A_47 = arith.constant 0 : index
    %get3A_48 = vector.load %arg7[%get3A_46, %get3A_47] : memref<1x128xf32, #tpu.memory_space<vmem>>, vector<1x128xf32>
    %add3A_49 = vector.broadcast %get3A_48 : vector<1x128xf32> to vector<2000x128xf32>
    %add3A_50 = arith.addf %mul3A_45, %add3A_49 : vector<2000x128xf32>
    %get3A_51 = arith.constant 0 : index
    %get3A_52 = arith.constant 0 : index
    %get3A_53 = vector.load %arg8[%get3A_51, %get3A_52] : memref<2000x128xf32, #tpu.memory_space<vmem>>, vector<2000x128xf32>
    %add3A_54 = arith.addf %get3A_53, %add3A_50 : vector<2000x128xf32>
    %swap3A = arith.constant 0 : index
    %swap3A_55 = arith.constant 0 : index
    %swap3A_56 = vector.load %arg9[%swap3A, %swap3A_55] : memref<2000x128xf32, #tpu.memory_space<vmem>>, vector<2000x128xf32>
    tpu.vector_store %arg9[%swap3A, %swap3A_55], %add3A_54 {strides = array<i32>} : memref<2000x128xf32, #tpu.memory_space<vmem>>, vector<2000x128xf32>,
    return
  }
  func.func @transform_0(%arg0: i32) -> (i32, i32) {
    %c0_i32 = arith.constant 0 : i32
    %c0_i32_0 = arith.constant 0 : i32
    return %arg0, %c0_i32 : i32, i32
  }
  func.func @transform_1(%arg0: i32) -> (i32, i32) {
    %c0_i32 = arith.constant 0 : i32
    %c0_i32_0 = arith.constant 0 : i32
    return %arg0, %c0_i32 : i32, i32
  }
  func.func @transform_2(%arg0: i32) -> (i32, i32) {
    %c0_i32 = arith.constant 0 : i32
    %c0_i32_0 = arith.constant 0 : i32
    %c0_i32_1 = arith.constant 0 : i32
    return %c0_i32, %c0_i32_0 : i32, i32
  }
  func.func @transform_3(%arg0: i32) -> (i32, i32) {
    %c0_i32 = arith.constant 0 : i32
    %c0_i32_0 = arith.constant 0 : i32
    %c0_i32_1 = arith.constant 0 : i32
    return %c0_i32, %c0_i32_0 : i32, i32
  }
  func.func @transform_4(%arg0: i32) -> (i32, i32) {
    %c0_i32 = arith.constant 0 : i32
    %c0_i32_0 = arith.constant 0 : i32
    %c0_i32_1 = arith.constant 0 : i32
    return %c0_i32, %c0_i32_0 : i32, i32
  }
  func.func @transform_5(%arg0: i32) -> (i32, i32) {
    %c0_i32 = arith.constant 0 : i32
    %c0_i32_0 = arith.constant 0 : i32
    %c0_i32_1 = arith.constant 0 : i32
    return %c0_i32, %c0_i32_0 : i32, i32
  }
  func.func @transform_6(%arg0: i32) -> (i32, i32) {
    %c0_i32 = arith.constant 0 : i32
    %c0_i32_0 = arith.constant 0 : i32
    %c0_i32_1 = arith.constant 0 : i32
    return %c0_i32, %c0_i32_0 : i32, i32
  }
  func.func @transform_7(%arg0: i32) -> (i32, i32) {
    %c0_i32 = arith.constant 0 : i32
    %c0_i32_0 = arith.constant 0 : i32
    return %arg0, %c0_i32 : i32, i32
  }
  func.func @transform_8(%arg0: i32) -> (i32, i32) {
    %c0_i32 = arith.constant 0 : i32
    %c0_i32_0 = arith.constant 0 : i32
    return %arg0, %c0_i32 : i32, i32
  }
}

</mosaic_0001>

<sc_bundles>
// kernel: gather_offload_async_start.1
scs
__scs_entry_jumppad:
0x0: {  	(pc) =	sbr.rel $0x88, $3  }
0x1: {  	(tag) =	ssettag $0x0;
	lr =	simm.s32 $0x1  }
0x2: {  	[smem:$0x3F72] =	sst lr;
	_ =	strace $0xD0000000  }
0x3: {  	_ = 	snop  }
0x4: {  	_ = 	snop  }
0x5: {  	_ = 	snop  }
0x6: {  	_ = 	snop  }
0x7: {  	_ = 	snop  }
__scs_overlays_trampoline_lowered:
0x8: {  	[smem:$0x3F81] =	sst s0  }
0x9: {  	[smem:$0x3F82] =	sst s1  }
0xa: {  	[smem:$0x3F83] =	sst s2  }
0xb: {  	[smem:$0x3F84] =	sst s3  }
0xc: {  	[smem:$0x3F85] =	sst s4  }
0xd: {  	[smem:$0x3F86] =	sst s5  }
0xe: {  	[smem:$0x3F87] =	sst s6  }
0xf: {  	[smem:$0x3F88] =	sst s7  }
0x10: {  	[smem:$0x3F89] =	sst s8  }
0x11: {  	[smem:$0x3F8A] =	sst s9;
	s0 =	simm.s32 @!p0 $0x0  }
0x12: {  	s1 =	sld [smem:$0x3F70];
	s0 =	simm.s32 @p0 $0x1  }
0x13: {  	[smem:$0x3F8B] =	sst s0;
	s0 =	simm.s32 @!p1 $0x0  }
0x14: {  	s2 =	sld [smem:$0x3F6F];
	s0 =	simm.s32 @p1 $0x1  }
0x15: {  	[smem:$0x3F8C] =	sst s0;
	s0 =	simm.s32 @!p2 $0x0  }
0x16: {  	s3 =	sld [smem:$0x3FDB];
	s0 =	simm.s32 @p2 $0x1  }
0x17: {  	s4 =	simm.s32 $0x1BF5;
	[smem:$0x3F8E] =	sst s0  }
0x18: {  	s0 =	sld [smem:$0x3F71];
	_ =	swait.ge [sflag:s4], $0x0  }
0x19: {  	s7 =	sld [smem:$0x3F72]  }
0x1a: {  	s8 =	sadd.s32 $0xFFFFE003, lr  }
0x1b: {  	s9 =	sadd.s32 $0xFFFFFEF7, lr;
	s5 =	simm.s32 $0xFFFFFFFF;
	p2 =	slt.u32 s8, $0xFFFFF086  }
0x1c: {  	p1 =	slt.u32 s9, $0xF7A;
	s5 =	simm.s32 @!p2 $0x0  }
0x1d: {  	s5 =	simm.s32 @p1 $0x1;
	p0 =	seq.s32 s7, s2  }
0x1e: {  	s7 =	smul.u32 @!p0 $0xF7A, s2;
	p2 =	seq.s32 @!p0 s5, $0x0  }
0x1f: {  	s9 =	smul.u32 $0xF7A, s1;
	s8 =	simm.s32 @!p0 $0x1BF5;
	p2 =	por !p2, p0  }
0x20: {  	[sflag:s8] =	ssyncset.s32 @!p0 $0xFFFFF086;
	s6 =	sadd.s32 @!p0 s3, s7;
	s7 =	simm.s32 @!p0 $0x108  }
0x21: {  	s3 =	sadd.s32 s3, s9;
	s6 =	sadd.s32 @!p0 $0x88, s6;
	s7 =	simm.s32 @p2 $0x1082  }
0x22: {  	[simem:s7], [sflag:s8] =	dma.local @!p0 [hbm:s6], $0xF7A  }
0x23: {  	s9 =	sor.u32 $0xD0000000, s2;
	s6 =	simm.s32 $0x108;
	_ =	swait.ge @!p0 [sflag:s8], $0x0  }
0x24: {  	s3 =	sadd.s32 $0x88, s3;
	s6 =	simm.s32 @!p1 $0x1082;
	[sflag:s4] =	ssyncset.s32 $0xFFFFF086  }
0x25: {  	[simem:s6], [sflag:s4] =	dma.local [hbm:s3], $0xF7A  }
0x26: {  	[smem:$0x3F72] =	sst s1;
	(tag) =	ssettag s2;
	_ =	strace s9  }
0x27: {  	s1 =	sld [smem:$0x3F82]  }
0x28: {  	s2 =	sld [smem:$0x3F83]  }
0x29: {  	s4 =	sld [smem:$0x3F85]  }
0x2a: {  	p0 =	seq.s32 s5, $0x0;
	s5 =	sld [smem:$0x3F86]  }
0x2b: {  	s6 =	sld [smem:$0x3F87]  }
0x2c: {  	s7 =	sld [smem:$0x3F88]  }
0x2d: {  	s3 =	simm.s32 $0x108;
	s8 =	sld [smem:$0x3F89]  }
0x2e: {  	s3 =	simm.s32 @!p0 $0x1082;
	s9 =	sld [smem:$0x3F8A]  }
0x2f: {  	lr =	sadd.s32 s0, s3;
	s0 =	sld [smem:$0x3F81]  }
0x30: {  	s3 =	sld [smem:$0x3F84]  }
0x31: {  	[smem:$0x3F8D] =	sst s10  }
0x32: {  	s10 =	sld [smem:$0x3F8B];
	_ =	sdelay $0x3  }
0x33: {  	p0 =	seq.s32 s10, $0x1;
	s10 =	sld [smem:$0x3F8D];
	_ =	sdelay $0x3  }
0x34: {  	[smem:$0x3F8D] =	sst s10  }
0x35: {  	s10 =	sld [smem:$0x3F8C];
	_ =	sdelay $0x3  }
0x36: {  	p1 =	seq.s32 s10, $0x1;
	s10 =	sld [smem:$0x3F8D];
	_ =	sdelay $0x3  }
0x37: {  	[smem:$0x3F8D] =	sst s10  }
0x38: {  	s10 =	sld [smem:$0x3F8E]  }
0x39: {  	_ = 	snop;
	(pc) =	sbr.ind lr, $3  }
0x3a: {  	_ = 	snop  }
0x3b: {  	_ = 	snop  }
0x3c: {  	p2 =	seq.s32 s10, $0x1;
	s10 =	sld [smem:$0x3F8D]  }
0x3d: {  	_ =	shalt  }
0x3e: {  	_ =	shalt  }
0x3f: {  	_ =	shalt  }
0x40: {  	_ =	shalt  }
0x41: {  	_ =	shalt  }
0x42: {  	_ =	shalt  }
0x43: {  	_ =	shalt  }
0x44: {  	_ =	shalt  }
0x45: {  	_ =	shalt  }
0x46: {  	_ =	shalt  }
0x47: {  	_ =	shalt  }
0x48: {  	_ =	shalt  }
0x49: {  	_ =	shalt  }
0x4a: {  	_ =	shalt  }
0x4b: {  	_ =	shalt  }
0x4c: {  	_ =	shalt  }
0x4d: {  	_ =	shalt  }
0x4e: {  	_ =	shalt  }
0x4f: {  	_ =	shalt  }
0x50: {  	_ =	shalt  }
0x51: {  	_ =	shalt  }
0x52: {  	_ =	shalt  }
0x53: {  	_ =	shalt  }
0x54: {  	_ =	shalt  }
0x55: {  	_ =	shalt  }
0x56: {  	_ =	shalt  }
0x57: {  	_ =	shalt  }
0x58: {  	_ =	shalt  }
0x59: {  	_ =	shalt  }
0x5a: {  	_ =	shalt  }
0x5b: {  	_ =	shalt  }
0x5c: {  	_ =	shalt  }
0x5d: {  	_ =	shalt  }
0x5e: {  	_ =	shalt  }
0x5f: {  	_ =	shalt  }
0x60: {  	_ =	shalt  }
0x61: {  	_ =	shalt  }
0x62: {  	_ =	shalt  }
0x63: {  	_ =	shalt  }
0x64: {  	_ =	shalt  }
0x65: {  	_ =	shalt  }
0x66: {  	_ =	shalt  }
0x67: {  	_ =	shalt  }
0x68: {  	_ =	shalt  }
0x69: {  	_ =	shalt  }
0x6a: {  	_ =	shalt  }
0x6b: {  	_ =	shalt  }
0x6c: {  	_ =	shalt  }
0x6d: {  	_ =	shalt  }
0x6e: {  	_ =	shalt  }
0x6f: {  	_ =	shalt  }
0x70: {  	_ =	shalt  }
0x71: {  	_ =	shalt  }
0x72: {  	_ =	shalt  }
0x73: {  	_ =	shalt  }
0x74: {  	_ =	shalt  }
0x75: {  	_ =	shalt  }
0x76: {  	_ =	shalt  }
0x77: {  	_ =	shalt  }
0x78: {  	_ =	shalt  }
0x79: {  	_ =	shalt  }
0x7a: {  	_ =	shalt  }
0x7b: {  	_ =	shalt  }
0x7c: {  	_ =	shalt  }
0x7d: {  	_ =	shalt  }
0x7e: {  	_ =	shalt  }
0x7f: {  	_ =	shalt  }
0x80: {  	_ =	shalt  }
0x81: {  	_ =	shalt  }
0x82: {  	_ =	shalt  }
0x83: {  	_ =	shalt  }
0x84: {  	_ =	shalt  }
0x85: {  	_ =	shalt  }
0x86: {  	_ =	shalt  }
0x87: {  	_ =	shalt  }
.Lfunc_end0:
.L_simem_size_0:
called_computation.7_lowered:
.L_overlay_start_0:
0x88: {  	s2 =	sld [smem:$0x3FD9]  }
0x89: {  	s3 =	sld [smem:$0x3FFE];
	_ =	sdelay $0x1  }
0x8a: {  	s1 =	srdreg.scid  }
0x8b: {  	s0 =	sand.u32 $0x1, s1  }
0x8c: {  	s14 =	sshll.u32 s0, $0xA;
	s2 =	sadd.s32 s3, s2  }
0x8d: {  	s2 =	sadd.s32 s2, s14  }
0x8e: {  	[smem:$0x3F99] =	sst s2  }
0x8f: {  	_ = 	snop  }
0x90: {  	s2 =	sld [smem:$0x3FD0];
	_ =	sdelay $0x2  }
0x91: {  	s15 =	simm.s32 $0xB;
	s4 =	simm.s32 $0x10  }
0x92: {  	[smem:s4], [sflag:s15] =	dma.local [hbm:s2], $0x1  }
0x93: {  	_ =	swait.eq [sflag:s15], $0x1  }
0x94: {  	[sflag:s15] =	ssyncset.done $0x0  }
0x95: {  	s16 =	sld [smem:$0x10];
	[sflag:s15] =	ssyncadd.s32 $0xFFFFFFFF  }
0x96: {  	s17 =	sld [smem:$0x12];
	(tm) =	ssettm $0x1  }
0x97: {  	s18 =	sld [smem:$0x3FFB];
	_ =	sdelay $0x3  }
0x98: {  	_ =	strace s18  }
0x99: {  	s4 =	sld [smem:$0x3FFC];
	_ =	sdelay $0x3  }
0x9a: {  	_ =	strace s4  }
0x9b: {  	s4 =	sld [smem:$0x3FFD];
	_ =	sdelay $0x3  }
0x9c: {  	_ =	strace s4  }
0x9d: {  	_ =	strace $0x8FFFFFFF  }
0x9e: {  	s19 =	sld [smem:$0x3FDB];
	_ =	sdelay $0x1  }
0x9f: {  	s5 =	simm.s32 $_scs_section_size  }
0xa0: {  	s6 =	simm.s32 $_size__tile_overlayer_lowered;
	s7 =	simm.s32 $_tile_overlayer_lowered  }
0xa1: {  	s22 =	simm.s32 $0x1BFF;
	s21 =	sshll.u32 s7, $0x1;
	s4 =	sadd.s32 s5, s19  }
0xa2: {  	s8 =	simm.s32 $0x0;
	s20 =	sshll.u32 s6, $0x1;
	s6 =	sadd.s32 s21, s4  }
0xa3: {  	[timem:s8], [sflag:s22] =	dma.local [hbm:s6], s20  }
0xa4: {  	_ =	swait.ge [sflag:s22], s20  }
0xa5: {  	s5 =	ssub.s32 $0x0, s20;
	[sflag:s22] =	ssyncset.done $0x0  }
0xa6: {  	[sflag:s22] =	ssyncadd.s32 s5;
	_ =	sdelay $0x1  }
0xa7: {  	s23 =	simm.s32 $0x1B8B  }
0xa8: {  	_ =	swait.ge [sflag:s23], $0x1  }
0xa9: {  	[sflag:s23] =	ssyncset.done $0x0  }
0xaa: {  	s25 =	simm.s32 $0x1B8E;
	s24 =	sld [smem:$0x3FFE];
	[sflag:s23] =	ssyncadd.s32 $0xFFFFFFFF  }
0xab: {  	s26 =	simm.s32 $execute0_lowered;
	[smem:$0x3FD2] =	sst s25  }
0xac: {  	s6 =	sshll.u32 s26, $0x1;
	_ =	strace $0x80000052;
	[dreg:$0x1] =	wrdreg $0xFFFFFFFF  }
0xad: {  	s28 =	simm.s32 $_size_execute0_lowered;
	s4 =	sadd.s32 s4, s6;
	[dreg:$0x0] =	wrdreg $0x0  }
0xae: {  	s6 =	sshll.u32 s28, $0x1;
	[dreg:$0x2] =	wrdreg s4  }
0xaf: {  	[dreg:$0x3] =	wrdreg s6  }
0xb0: {  	[dreg:$0x4] =	wrdreg $0xC0  }
0xb1: {  	_ =	task [dreg:s8], $0x5FFFF  }
0xb2: {  	[dreg:$0x1] =	wrdreg $0xFFFFFFFF  }
0xb3: {  	[dreg:$0x0] =	wrdreg $0x60  }
0xb4: {  	[dreg:$0x2] =	wrdreg s17  }
0xb5: {  	[dreg:$0x3] =	wrdreg s16  }
0xb6: {  	[dreg:$0x4] =	wrdreg s24  }
0xb7: {  	[dreg:$0x5] =	wrdreg $0x9  }
0xb8: {  	_ =	task.clear_ibuf [dreg:s8], $0x6FFFF;
	_ =	strace $0x90000052  }
0xb9: {  	s29 =	simm.s32 $0x9;
	_ =	strace $0x80000054  }
0xba: {  	_ =	swait.ge [sflag:s29], $0x1  }
0xbb: {  	[sflag:s29] =	ssyncadd.s32 $0xFFFFFFFF  }
0xbc: {  	_ =	strace $0x90000054  }
0xbd: {  	_ =	sfence  }
0xbe: {  	s30 =	sld [smem:$0x0];
	_ =	sdelay $0x2  }
0xbf: {  	s31 =	sshll.u32 s1, $0xD;
	s1 =	sshrl.u32 s1, $0x2  }
0xc0: {  	s3 =	sand.u32 $0x4000, s31;
	s1 =	sadd.s32 s1, s30  }
0xc1: {  	s0 =	sor.u32 s3, s0;
	s1 =	sshll.u32 s1, $0x11  }
0xc2: {  	s0 =	sor.u32 s1, s0  }
0xc3: {  	s0 =	sadd.s32 $0x8F2B, s0  }
0xc4: {  	[sflag:s0] =	ssyncadd.remote.s32 $0x1  }
0xc5: {  	_ =	sfence.sel $0xFFFF  }
0xc6: {  	[dreg:$0x0] =	wrdreg $0xFFFFFFFF;
	(pc) =	sbr.abs _section_cstart, $3  }
0xc7: {  	[dreg:$0x1] =	wrdreg $0xFFFFFFFF  }
0xc8: {  	_ =	task.clear_ibuf [dreg:s8], $0x2FFFF;
	_ =	strace $0x9FFFFFFF  }
0xc9: {  	(tm) =	ssettm $0x7FFFFFFF  }
tec
execute0_lowered:
.L_overlay_start_1:
0x0: {  	(tag) =	ssettag $0x1  }
0x1: {  	s0 =	srdreg.scid  }
0x2: {  	s1 =	sshll.u32 s0, $0x4  }
0x3: {  	s0 =	stileid.u32;
	s1 =	sand.u32 $0x10, s1  }
0x4: {  	s2 =	sor.u32 s0, s1  }
0x5: {  	s1 =	smul.u32 $0x1F, s2  }
0x6: {  	s3 =	smin.u32 s2, $0x8  }
0x7: {  	s1 =	sadd.s32 s3, s1  }
0x8: {  	p0 =	slt.u32 s2, $0x8;
	s2 =	simm.s32 $0x2800;
	s1 =	smul.u32 $0x140, s1  }
0x9: {  	s2 =	simm.s32 @!p0 $0x26C0  }
0xa: {  	s2 =	sadd.s32 s2, s1  }
0xb: {  	s3 =	smin.u32 s2, $0x4E200  }
0xc: {  	s7 =	ssub.s32 s3, s1  }
0xd: {  	p0 =	sgt.s32 s7, $0x0  }
0xe: {  	s4 =	rddreg [dreg:$0x0];
	s7 =	simm.s32 @!p0 $0x0  }
0xf: {  	s5 =	rddreg [dreg:$0x1];
	s31 =	smulhi.u32 $0x66666667, s7  }
0x10: {  	s9 =	rddreg [dreg:$0x2]  }
0x11: {  	s6 =	simm.s32 $0x1;
	s11 =	simm.s32 $0x3;
	s8 =	sshrl.u32 s31, $0x7  }
0x12: {  	s13 =	simm.s32 $0x0;
	s12 =	simm.s32 $0x0;
	s10 =	smul.u32 $0x140, s8  }
.Ltmp0:
0x13: {  	s9 =	sadd.s32 $0x600, s9;
	s2 =	rddreg [dreg:$0x3];
	(pc) =	sbr.rel .LBB2_1-.Ltmp0, $4  }
0x14: {  	_ =	strace $0x80000053;
	p0 =	sne.s32 s7, s10;
	s10 =	simm.s32 $0x1  }
0x15: {  	[sflag:s6] =	ssyncpa.u1 $0x0;
	s7 =	simm.s32 $0x2;
	s10 =	simm.s32 @!p0 $0x0  }
0x16: {  	[sflag:s7] =	ssyncpa.u1 $0x0;
	p0 =	por $0x0, $0x0;
	s8 =	sadd.s32 s10, s8  }
0x17: {  	vm0 =	vmmov $0xff;
	vm1 =	vcmask $0x3F20;
	[sflag:s11] =	ssyncpa.u1 $0x0;
	s11 =	smov.u32 s1;
	s10 =	sadd.s32 $0x1, s8  }
.LBB2_6:
0x18: {  	[hbm:s17] =	stream.linear.scatter [tilespmem:s14], [sflag:$0x3], $0x400, $0x38;
	[tilespmem:$0x14280] =	vst v63  }
.LBB2_7:
0x19: {  	s13 =	sadd.s32 $0x140, s11  }
0x1a: {  	s15 =	smov.u32 s1;
	p2 =	slt.s32 s13, s3  }
0x1b: {  	s15 =	smov.u32 @p2 s13;
	p2 =	sne.s32 s12, s10  }
.Ltmp1:
0x1c: {  	p1 =	slt.u32 s12, $0x2;
	(pc) =	sbr.rel @!p2 .LBB2_8-.Ltmp1, $4  }
0x1d: {  	s14 =	simm.s32 @!p1 $0x3  }
0x1e: {  	s16 =	sadd.s32 $0x1, s12;
	_ =	swait.ge @!p1 [sflag:s14], $0xA000  }
0x1f: {  	p0 =	por !p0, !p0;
	s13 =	smov.u32 s11;
	[sflag:s14] =	ssyncset.done @!p1 $0x0  }
0x20: {  	s12 =	smov.u32 s16;
	s11 =	smov.u32 s15;
	[sflag:s14] =	ssyncadd.s32 @!p1 $0xFFFF6000  }
.LBB2_1:
0x21: {  	p1 =	sge.u32 s12, s8  }
0x22: {  	s14 =	sxor.u32 @!p1 $0xFFFFFFFF, s12  }
0x23: {  	s14 =	sand.u32 @!p1 $0x1, s14  }
0x24: {  	s14 =	smul.u32 @!p1 $0x500, s14  }
0x25: {  	s31 =	sadd.s32 $0xFFFFFFFF, s12;
	s15 =	sshrl.u32 @!p1 s11, $0x3  }
0x26: {  	s16 =	sand.u32 @!p1 $0x7, s11;
	s15 =	sadd.s32 @!p1 s5, s15;
	s14 =	sshrl.u32 @!p1 s14, $0x2  }
0x27: {  	[tilespmem:s14], [sflag:$0x2] =	stream.linear.gather @!p1 [hbm4b:s15+s16], $0x140, $0x38;
	[tilespmem:$0x14280] =	vst v63  }
0x28: {  	p1 =	sge.u32 s31, s8  }
.Ltmp2:
0x29: {  	_ = 	snop;
	(pc) =	sbr.rel @p1 .LBB2_7-.Ltmp2, $1  }
0x2a: {  	_ =	sdelay $0x3  }
0x2b: {  	s14 =	simm.s32 $0x1  }
0x2c: {  	s14 =	simm.s32 @!p0 $0x0  }
0x2d: {  	s15 =	smul.u32 $0x500, s14  }
0x2e: {  	_ =	swait.ge [sflag:s7], $0x140  }
0x2f: {  	[sflag:s7] =	ssyncset.done $0x0;
	s16 =	sshrl.u32 s15, $0x2  }
0x30: {  	[sflag:s7] =	ssyncadd.s32 $0xFFFFFEC0;
	s15 =	sadd.s32 $0x0, s16  }
0x31: {  	v0 =	vld.msk [tilespmem:s15+$0x0 ss:$0x1], $0xffff;
	_ =	sdelay $0x4  }
0x32: {  	vm2 =	vgt.s32 v0, $0x0  }
0x33: {  	v0 =	vnsel vm2, $0x0, v0  }
0x34: {  	v0 =	vmin.u32 v0, $0x4E1FF  }
0x35: {  	v0 =	vshll.u32 v0, $0x4  }
0x36: {  	s14 =	smul.u32 $0x28000, s14;
	_ =	sdelay $0x1  }
0x37: {  	s14 =	sshrl.u32 s14, $0x2  }
0x38: {  	s14 =	sor.u32 $0x280, s14  }
0x39: {  	[tilespmem:s14], [sflag:$0x1] =	stream.indirect_vreg.gather [hbm:s4], $0x80, v0, vm0, $0x38;
	[tilespmem:$0x14280] =	vst v63  }
0x3a: {  	s17 =	sadd.s32 $0x10, s16;
	s15 =	sadd.s32 $0x400, s14  }
0x3b: {  	[tilespmem:s15], [sflag:$0x1] =	stream.indirect_vreg.gather [hbm:s4], $0x80, v0, vm1, $0x38;
	[tilespmem:$0x14280] =	vst v63  }
0x3c: {  	s18 =	simm.s32 $0x80;
	v0 =	vld.msk [tilespmem:s17+$0x0 ss:$0x1], $0xffff;
	s17 =	smov.u32 s14  }
.LBB2_3:
0x3d: {  	p1 =	sne.s32 s18, $0x4C0;
	_ =	sdelay $0x4  }
0x3e: {  	vm2 =	vgt.s32 v0, $0x0  }
0x3f: {  	v0 =	vnsel vm2, $0x0, v0  }
0x40: {  	v0 =	vmin.u32 v0, $0x4E1FF  }
0x41: {  	v0 =	vshll.u32 v0, $0x4;
	_ =	sdelay $0x3  }
.Ltmp3:
0x42: {  	s19 =	sshra.s32 s18, $0x2;
	s17 =	sadd.s32 $0x800, s17;
	(pc) =	sbr.rel @p1 .LBB2_3-.Ltmp3, $4  }
0x43: {  	[tilespmem:s17], [sflag:$0x1] =	stream.indirect_vreg.gather [hbm:s4], $0x80, v0, vm0, $0x38;
	[tilespmem:$0x14280] =	vst v63  }
0x44: {  	s19 =	sadd.s32 s19, s16;
	s20 =	sadd.s32 $0x400, s17  }
0x45: {  	[tilespmem:s20], [sflag:$0x1] =	stream.indirect_vreg.gather [hbm:s4], $0x80, v0, vm1, $0x38;
	[tilespmem:$0x14280] =	vst v63  }
0x46: {  	s18 =	sadd.s32 $0x40, s18;
	v0 =	vld.msk [tilespmem:s19+$0x0 ss:$0x1], $0xffff  }
0x47: {  	_ =	sdelay $0x3  }
0x48: {  	vm2 =	vgt.s32 v0, $0x0  }
0x49: {  	v0 =	vnsel vm2, $0x0, v0  }
0x4a: {  	v0 =	vmin.u32 v0, $0x4E1FF  }
0x4b: {  	v0 =	vshll.u32 v0, $0x4;
	_ =	sdelay $0x3  }
0x4c: {  	s16 =	sadd.s32 $0x800, s17  }
0x4d: {  	[tilespmem:s16], [sflag:$0x1] =	stream.indirect_vreg.gather [hbm:s4], $0x80, v0, vm0, $0x38;
	[tilespmem:$0x14280] =	vst v63  }
0x4e: {  	s16 =	sadd.s32 $0x400, s16  }
0x4f: {  	[tilespmem:s16], [sflag:$0x1] =	stream.indirect_vreg.gather [hbm:s4], $0x80, v0, vm1, $0x38;
	[tilespmem:$0x14280] =	vst v63  }
0x50: {  	s13 =	sshll.u32 s13, $0x4;
	_ =	swait.ge [sflag:s6], $0xA000  }
0x51: {  	s13 =	sadd.s32 s13, s9;
	[sflag:s6] =	ssyncset.done $0x0  }
0x52: {  	s17 =	sadd.s32 $0x0, s13;
	s16 =	simm.s32 $0x80;
	[sflag:s6] =	ssyncadd.s32 $0xFFFF6000  }
.LBB2_5:
0x53: {  	[hbm:s17] =	stream.linear.scatter [tilespmem:s14], [sflag:$0x3], $0x400, $0x38;
	[tilespmem:$0x14280] =	vst v63  }
0x54: {  	s17 =	smov.u32 s16;
	s14 =	smov.u32 s15;
	p1 =	sne.s32 s16, $0x1380  }
.Ltmp4:
0x55: {  	s16 =	sadd.s32 $0x80, s16;
	(pc) =	sbr.rel @p1 .LBB2_5-.Ltmp4, $2  }
0x56: {  	_ =	sdelay $0x2  }
0x57: {  	s15 =	sadd.s32 $0x400, s15;
	s17 =	sadd.s32 s17, s13  }
.Ltmp5:
0x58: {  	_ = 	snop;
	(pc) =	sbr.rel .LBB2_6-.Ltmp5, $1  }
0x59: {  	_ =	sdelay $0x3  }
.LBB2_8:
0x5a: {  	_ =	sfence.sel $0x180000  }
0x5b: {  	s1 =	simm.s32 $0x2;
	[bflag:$0x0] =	sbarrier.arrive $0xFFFF  }
0x5c: {  	s30 =	simm.s32 $0x3;
	[sflag:s1] =	ssyncpa.u1 $0x1  }
0x5d: {  	s31 =	simm.s32 $0x1;
	[sflag:s30] =	ssyncpa.u1 $0x1  }
0x5e: {  	[sflag:s31] =	ssyncpa.u1 $0x1  }
0x5f: {  	p0 =	sne.s32 s0, $0x0;
	_ =	strace $0x90000053  }
0x60: {  	s0 =	sadd.s32 @!p0 $0x100000, s2;
	[bflag:$0x2] =	sbarrier.arrive $0xFFFF  }
0x61: {  	[sflag:s0] =	ssyncadd.tile.s32 @!p0 $0x1;
	_ =	shalt  }
.Lfunc_end2:
_tile_overlayer_lowered:
.L_overlay_start_2:
0x62: {  	(tag) =	ssettag $0x2  }
0x63: {  	s0 =	rddreg [dreg:$0x0];
	s2 =	stileid.u32  }
0x64: {  	s1 =	rddreg [dreg:$0x1];
	p0 =	sne.s32 s2, $0x0  }
0x65: {  	s3 =	rddreg [dreg:$0x2];
	[bflag:$0x3] =	sbarrier.arrive $0xFFFF;
	s2 =	simm.s32 @!p0 $0x1C01  }
0x66: {  	[timem:s3], [sflag:s2] =	dma.local @!p0 [hbm:s0], s1  }
0x67: {  	s0 =	simm.s32 @!p0 $0x1  }
0x68: {  	_ =	swait.ge @!p0 [sflag:s0], s1  }
0x69: {  	s1 =	ssub.s32 @!p0 $0x0, s1;
	[sflag:s0] =	ssyncset.done @!p0 $0x0  }
0x6a: {  	[sflag:s0] =	ssyncadd.s32 @!p0 s1  }
0x6b: {  	[bflag:$0x3] =	sbarrier.arrive $0xFFFF  }
0x6c: {  	_ =	shalt  }

// kernel: gather_offload_async_start
scs
__scs_entry_jumppad:
0x0: {  	(pc) =	sbr.rel $0x88, $3  }
0x1: {  	(tag) =	ssettag $0x0;
	lr =	simm.s32 $0x1  }
0x2: {  	[smem:$0x3F72] =	sst lr;
	_ =	strace $0xD0000000  }
0x3: {  	_ = 	snop  }
0x4: {  	_ = 	snop  }
0x5: {  	_ = 	snop  }
0x6: {  	_ = 	snop  }
0x7: {  	_ = 	snop  }
__scs_overlays_trampoline_lowered:
0x8: {  	[smem:$0x3F81] =	sst s0  }
0x9: {  	[smem:$0x3F82] =	sst s1  }
0xa: {  	[smem:$0x3F83] =	sst s2  }
0xb: {  	[smem:$0x3F84] =	sst s3  }
0xc: {  	[smem:$0x3F85] =	sst s4  }
0xd: {  	[smem:$0x3F86] =	sst s5  }
0xe: {  	[smem:$0x3F87] =	sst s6  }
0xf: {  	[smem:$0x3F88] =	sst s7  }
0x10: {  	[smem:$0x3F89] =	sst s8  }
0x11: {  	[smem:$0x3F8A] =	sst s9;
	s0 =	simm.s32 @!p0 $0x0  }
0x12: {  	s1 =	sld [smem:$0x3F70];
	s0 =	simm.s32 @p0 $0x1  }
0x13: {  	[smem:$0x3F8B] =	sst s0;
	s0 =	simm.s32 @!p1 $0x0  }
0x14: {  	s2 =	sld [smem:$0x3F6F];
	s0 =	simm.s32 @p1 $0x1  }
0x15: {  	[smem:$0x3F8C] =	sst s0;
	s0 =	simm.s32 @!p2 $0x0  }
0x16: {  	s3 =	sld [smem:$0x3FDB];
	s0 =	simm.s32 @p2 $0x1  }
0x17: {  	s4 =	simm.s32 $0x1BF5;
	[smem:$0x3F8E] =	sst s0  }
0x18: {  	s0 =	sld [smem:$0x3F71];
	_ =	swait.ge [sflag:s4], $0x0  }
0x19: {  	s7 =	sld [smem:$0x3F72]  }
0x1a: {  	s8 =	sadd.s32 $0xFFFFE003, lr  }
0x1b: {  	s9 =	sadd.s32 $0xFFFFFEF7, lr;
	s5 =	simm.s32 $0xFFFFFFFF;
	p2 =	slt.u32 s8, $0xFFFFF086  }
0x1c: {  	p1 =	slt.u32 s9, $0xF7A;
	s5 =	simm.s32 @!p2 $0x0  }
0x1d: {  	s5 =	simm.s32 @p1 $0x1;
	p0 =	seq.s32 s7, s2  }
0x1e: {  	s7 =	smul.u32 @!p0 $0xF7A, s2;
	p2 =	seq.s32 @!p0 s5, $0x0  }
0x1f: {  	s9 =	smul.u32 $0xF7A, s1;
	s8 =	simm.s32 @!p0 $0x1BF5;
	p2 =	por !p2, p0  }
0x20: {  	[sflag:s8] =	ssyncset.s32 @!p0 $0xFFFFF086;
	s6 =	sadd.s32 @!p0 s3, s7;
	s7 =	simm.s32 @!p0 $0x108  }
0x21: {  	s3 =	sadd.s32 s3, s9;
	s6 =	sadd.s32 @!p0 $0x88, s6;
	s7 =	simm.s32 @p2 $0x1082  }
0x22: {  	[simem:s7], [sflag:s8] =	dma.local @!p0 [hbm:s6], $0xF7A  }
0x23: {  	s9 =	sor.u32 $0xD0000000, s2;
	s6 =	simm.s32 $0x108;
	_ =	swait.ge @!p0 [sflag:s8], $0x0  }
0x24: {  	s3 =	sadd.s32 $0x88, s3;
	s6 =	simm.s32 @!p1 $0x1082;
	[sflag:s4] =	ssyncset.s32 $0xFFFFF086  }
0x25: {  	[simem:s6], [sflag:s4] =	dma.local [hbm:s3], $0xF7A  }
0x26: {  	[smem:$0x3F72] =	sst s1;
	(tag) =	ssettag s2;
	_ =	strace s9  }
0x27: {  	s1 =	sld [smem:$0x3F82]  }
0x28: {  	s2 =	sld [smem:$0x3F83]  }
0x29: {  	s4 =	sld [smem:$0x3F85]  }
0x2a: {  	p0 =	seq.s32 s5, $0x0;
	s5 =	sld [smem:$0x3F86]  }
0x2b: {  	s6 =	sld [smem:$0x3F87]  }
0x2c: {  	s7 =	sld [smem:$0x3F88]  }
0x2d: {  	s3 =	simm.s32 $0x108;
	s8 =	sld [smem:$0x3F89]  }
0x2e: {  	s3 =	simm.s32 @!p0 $0x1082;
	s9 =	sld [smem:$0x3F8A]  }
0x2f: {  	lr =	sadd.s32 s0, s3;
	s0 =	sld [smem:$0x3F81]  }
0x30: {  	s3 =	sld [smem:$0x3F84]  }
0x31: {  	[smem:$0x3F8D] =	sst s10  }
0x32: {  	s10 =	sld [smem:$0x3F8B];
	_ =	sdelay $0x3  }
0x33: {  	p0 =	seq.s32 s10, $0x1;
	s10 =	sld [smem:$0x3F8D];
	_ =	sdelay $0x3  }
0x34: {  	[smem:$0x3F8D] =	sst s10  }
0x35: {  	s10 =	sld [smem:$0x3F8C];
	_ =	sdelay $0x3  }
0x36: {  	p1 =	seq.s32 s10, $0x1;
	s10 =	sld [smem:$0x3F8D];
	_ =	sdelay $0x3  }
0x37: {  	[smem:$0x3F8D] =	sst s10  }
0x38: {  	s10 =	sld [smem:$0x3F8E]  }
0x39: {  	_ = 	snop;
	(pc) =	sbr.ind lr, $3  }
0x3a: {  	_ = 	snop  }
0x3b: {  	_ = 	snop  }
0x3c: {  	p2 =	seq.s32 s10, $0x1;
	s10 =	sld [smem:$0x3F8D]  }
0x3d: {  	_ =	shalt  }
0x3e: {  	_ =	shalt  }
0x3f: {  	_ =	shalt  }
0x40: {  	_ =	shalt  }
0x41: {  	_ =	shalt  }
0x42: {  	_ =	shalt  }
0x43: {  	_ =	shalt  }
0x44: {  	_ =	shalt  }
0x45: {  	_ =	shalt  }
0x46: {  	_ =	shalt  }
0x47: {  	_ =	shalt  }
0x48: {  	_ =	shalt  }
0x49: {  	_ =	shalt  }
0x4a: {  	_ =	shalt  }
0x4b: {  	_ =	shalt  }
0x4c: {  	_ =	shalt  }
0x4d: {  	_ =	shalt  }
0x4e: {  	_ =	shalt  }
0x4f: {  	_ =	shalt  }
0x50: {  	_ =	shalt  }
0x51: {  	_ =	shalt  }
0x52: {  	_ =	shalt  }
0x53: {  	_ =	shalt  }
0x54: {  	_ =	shalt  }
0x55: {  	_ =	shalt  }
0x56: {  	_ =	shalt  }
0x57: {  	_ =	shalt  }
0x58: {  	_ =	shalt  }
0x59: {  	_ =	shalt  }
0x5a: {  	_ =	shalt  }
0x5b: {  	_ =	shalt  }
0x5c: {  	_ =	shalt  }
0x5d: {  	_ =	shalt  }
0x5e: {  	_ =	shalt  }
0x5f: {  	_ =	shalt  }
0x60: {  	_ =	shalt  }
0x61: {  	_ =	shalt  }
0x62: {  	_ =	shalt  }
0x63: {  	_ =	shalt  }
0x64: {  	_ =	shalt  }
0x65: {  	_ =	shalt  }
0x66: {  	_ =	shalt  }
0x67: {  	_ =	shalt  }
0x68: {  	_ =	shalt  }
0x69: {  	_ =	shalt  }
0x6a: {  	_ =	shalt  }
0x6b: {  	_ =	shalt  }
0x6c: {  	_ =	shalt  }
0x6d: {  	_ =	shalt  }
0x6e: {  	_ =	shalt  }
0x6f: {  	_ =	shalt  }
0x70: {  	_ =	shalt  }
0x71: {  	_ =	shalt  }
0x72: {  	_ =	shalt  }
0x73: {  	_ =	shalt  }
0x74: {  	_ =	shalt  }
0x75: {  	_ =	shalt  }
0x76: {  	_ =	shalt  }
0x77: {  	_ =	shalt  }
0x78: {  	_ =	shalt  }
0x79: {  	_ =	shalt  }
0x7a: {  	_ =	shalt  }
0x7b: {  	_ =	shalt  }
0x7c: {  	_ =	shalt  }
0x7d: {  	_ =	shalt  }
0x7e: {  	_ =	shalt  }
0x7f: {  	_ =	shalt  }
0x80: {  	_ =	shalt  }
0x81: {  	_ =	shalt  }
0x82: {  	_ =	shalt  }
0x83: {  	_ =	shalt  }
0x84: {  	_ =	shalt  }
0x85: {  	_ =	shalt  }
0x86: {  	_ =	shalt  }
0x87: {  	_ =	shalt  }
.Lfunc_end0:
.L_simem_size_0:
called_computation.6_lowered:
.L_overlay_start_0:
0x88: {  	s2 =	sld [smem:$0x3FD9]  }
0x89: {  	s3 =	sld [smem:$0x3FFE];
	_ =	sdelay $0x1  }
0x8a: {  	s1 =	srdreg.scid  }
0x8b: {  	s0 =	sand.u32 $0x1, s1  }
0x8c: {  	s14 =	sshll.u32 s0, $0xA;
	s2 =	sadd.s32 s3, s2  }
0x8d: {  	s2 =	sadd.s32 s2, s14  }
0x8e: {  	[smem:$0x3F99] =	sst s2  }
0x8f: {  	_ = 	snop  }
0x90: {  	s2 =	sld [smem:$0x3FD0];
	_ =	sdelay $0x2  }
0x91: {  	s15 =	simm.s32 $0xB;
	s4 =	simm.s32 $0x10  }
0x92: {  	[smem:s4], [sflag:s15] =	dma.local [hbm:s2], $0x1  }
0x93: {  	_ =	swait.eq [sflag:s15], $0x1  }
0x94: {  	[sflag:s15] =	ssyncset.done $0x0  }
0x95: {  	[sflag:s15] =	ssyncadd.s32 $0xFFFFFFFF  }
0x96: {  	s16 =	sld [smem:$0x12];
	(tm) =	ssettm $0x1  }
0x97: {  	s17 =	sld [smem:$0x3FFB];
	_ =	sdelay $0x3  }
0x98: {  	_ =	strace s17  }
0x99: {  	s3 =	sld [smem:$0x3FFC];
	_ =	sdelay $0x3  }
0x9a: {  	_ =	strace s3  }
0x9b: {  	s3 =	sld [smem:$0x3FFD];
	_ =	sdelay $0x3  }
0x9c: {  	_ =	strace s3  }
0x9d: {  	_ =	strace $0x8FFFFFFF  }
0x9e: {  	s18 =	sld [smem:$0x3FDB];
	_ =	sdelay $0x1  }
0x9f: {  	s19 =	simm.s32 $_scs_section_size  }
0xa0: {  	s5 =	simm.s32 $_size__tile_overlayer_lowered;
	s6 =	simm.s32 $_tile_overlayer_lowered  }
0xa1: {  	s22 =	simm.s32 $0x1BFF;
	s21 =	sshll.u32 s6, $0x1;
	s3 =	sadd.s32 s19, s18  }
0xa2: {  	s7 =	simm.s32 $0x0;
	s20 =	sshll.u32 s5, $0x1;
	s5 =	sadd.s32 s21, s3  }
0xa3: {  	[timem:s7], [sflag:s22] =	dma.local [hbm:s5], s20  }
0xa4: {  	_ =	swait.ge [sflag:s22], s20  }
0xa5: {  	s4 =	ssub.s32 $0x0, s20;
	[sflag:s22] =	ssyncset.done $0x0  }
0xa6: {  	[sflag:s22] =	ssyncadd.s32 s4;
	_ =	sdelay $0x1  }
0xa7: {  	s23 =	simm.s32 $0x1B8B  }
0xa8: {  	_ =	swait.ge [sflag:s23], $0x1  }
0xa9: {  	[sflag:s23] =	ssyncset.done $0x0  }
0xaa: {  	s25 =	simm.s32 $0x1B8E;
	s24 =	sld [smem:$0x3FFE];
	[sflag:s23] =	ssyncadd.s32 $0xFFFFFFFF  }
0xab: {  	s26 =	simm.s32 $execute0_lowered;
	[smem:$0x3FD2] =	sst s25  }
0xac: {  	s5 =	sshll.u32 s26, $0x1;
	_ =	strace $0x80000049;
	[dreg:$0x1] =	wrdreg $0xFFFFFFFF  }
0xad: {  	s28 =	simm.s32 $_size_execute0_lowered;
	s3 =	sadd.s32 s3, s5;
	[dreg:$0x0] =	wrdreg $0x0  }
0xae: {  	s5 =	sshll.u32 s28, $0x1;
	[dreg:$0x2] =	wrdreg s3  }
0xaf: {  	[dreg:$0x3] =	wrdreg s5  }
0xb0: {  	[dreg:$0x4] =	wrdreg $0xC0  }
0xb1: {  	_ =	task [dreg:s7], $0x5FFFF  }
0xb2: {  	[dreg:$0x1] =	wrdreg $0xFFFFFFFF  }
0xb3: {  	[dreg:$0x0] =	wrdreg $0x60  }
0xb4: {  	[dreg:$0x2] =	wrdreg s16  }
0xb5: {  	[dreg:$0x3] =	wrdreg s24  }
0xb6: {  	[dreg:$0x4] =	wrdreg $0x9  }
0xb7: {  	_ =	task.clear_ibuf [dreg:s7], $0x5FFFF;
	_ =	strace $0x90000049  }
0xb8: {  	s29 =	simm.s32 $0x9;
	_ =	strace $0x8000004B  }
0xb9: {  	_ =	swait.ge [sflag:s29], $0x1  }
0xba: {  	[sflag:s29] =	ssyncadd.s32 $0xFFFFFFFF  }
0xbb: {  	_ =	strace $0x9000004B  }
0xbc: {  	_ =	sfence  }
0xbd: {  	s30 =	sld [smem:$0x0];
	_ =	sdelay $0x2  }
0xbe: {  	s31 =	sshll.u32 s1, $0xD;
	s1 =	sshrl.u32 s1, $0x2  }
0xbf: {  	s3 =	sand.u32 $0x4000, s31;
	s1 =	sadd.s32 s1, s30  }
0xc0: {  	s0 =	sor.u32 s3, s0;
	s1 =	sshll.u32 s1, $0x11  }
0xc1: {  	s0 =	sor.u32 s1, s0  }
0xc2: {  	s0 =	sadd.s32 $0x8F2B, s0  }
0xc3: {  	[sflag:s0] =	ssyncadd.remote.s32 $0x1  }
0xc4: {  	_ =	sfence.sel $0xFFFF  }
0xc5: {  	[dreg:$0x0] =	wrdreg $0xFFFFFFFF;
	(pc) =	sbr.abs _section_cstart, $3  }
0xc6: {  	[dreg:$0x1] =	wrdreg $0xFFFFFFFF  }
0xc7: {  	_ =	task.clear_ibuf [dreg:s7], $0x2FFFF;
	_ =	strace $0x9FFFFFFF  }
0xc8: {  	(tm) =	ssettm $0x7FFFFFFF  }
0xc9: {  	_ =	shalt  }
tec
execute0_lowered:
.L_overlay_start_1:
0x0: {  	(tag) =	ssettag $0x1  }
0x1: {  	s0 =	srdreg.scid  }
0x2: {  	s1 =	sshll.u32 s0, $0x4  }
0x3: {  	s0 =	stileid.u32;
	s1 =	sand.u32 $0x10, s1  }
0x4: {  	s2 =	sor.u32 s0, s1  }
0x5: {  	s3 =	smul.u32 $0x3E, s2  }
0x6: {  	s1 =	sshrl.u32 s1, $0x4;
	s2 =	smin.u32 s2, $0x10  }
0x7: {  	s1 =	sxor.u32 $0x3F, s1;
	s2 =	sadd.s32 s2, s3  }
0x8: {  	s1 =	sadd.s32 s1, s2  }
0x9: {  	s1 =	smul.u32 $0x140, s1  }
0xa: {  	s2 =	smul.u32 $0x140, s2  }
0xb: {  	s3 =	smin.u32 s1, $0x9C400  }
0xc: {  	s7 =	ssub.s32 s3, s2  }
0xd: {  	p0 =	sgt.s32 s7, $0x0  }
0xe: {  	s7 =	simm.s32 @!p0 $0x0  }
0xf: {  	s4 =	rddreg [dreg:$0x0];
	s31 =	smulhi.u32 $0x66666667, s7  }
0x10: {  	s9 =	rddreg [dreg:$0x1];
	s6 =	simm.s32 $0x1  }
0x11: {  	s11 =	simm.s32 $0x3;
	s13 =	simm.s32 $0x0;
	s8 =	sshrl.u32 s31, $0x7  }
0x12: {  	s12 =	simm.s32 $0x0;
	s5 =	sadd.s32 $0x285200, s9;
	s10 =	smul.u32 $0x140, s8  }
.Ltmp0:
0x13: {  	s9 =	sadd.s32 $0x298C00, s9;
	s1 =	rddreg [dreg:$0x2];
	(pc) =	sbr.rel .LBB2_1-.Ltmp0, $4  }
0x14: {  	_ =	strace $0x8000004A;
	p0 =	sne.s32 s7, s10;
	s10 =	simm.s32 $0x1  }
0x15: {  	[sflag:s6] =	ssyncpa.u1 $0x0;
	s7 =	simm.s32 $0x2;
	s10 =	simm.s32 @!p0 $0x0  }
0x16: {  	[sflag:s7] =	ssyncpa.u1 $0x0;
	p0 =	por $0x0, $0x0;
	s8 =	sadd.s32 s10, s8  }
0x17: {  	vm0 =	vmmov $0xff;
	vm1 =	vcmask $0x3F20;
	[sflag:s11] =	ssyncpa.u1 $0x0;
	s11 =	smov.u32 s2;
	s10 =	sadd.s32 $0x1, s8  }
.LBB2_6:
0x18: {  	[hbm:s17] =	stream.linear.scatter [tilespmem:s14], [sflag:$0x3], $0x400, $0x38;
	[tilespmem:$0x14280] =	vst v63  }
.LBB2_7:
0x19: {  	s13 =	sadd.s32 $0x140, s11  }
0x1a: {  	s15 =	smov.u32 s2;
	p2 =	slt.s32 s13, s3  }
0x1b: {  	s15 =	smov.u32 @p2 s13;
	p2 =	sne.s32 s12, s10  }
.Ltmp1:
0x1c: {  	p1 =	slt.u32 s12, $0x2;
	(pc) =	sbr.rel @!p2 .LBB2_8-.Ltmp1, $4  }
0x1d: {  	s14 =	simm.s32 @!p1 $0x3  }
0x1e: {  	s16 =	sadd.s32 $0x1, s12;
	_ =	swait.ge @!p1 [sflag:s14], $0xA000  }
0x1f: {  	p0 =	por !p0, !p0;
	s13 =	smov.u32 s11;
	[sflag:s14] =	ssyncset.done @!p1 $0x0  }
0x20: {  	s12 =	smov.u32 s16;
	s11 =	smov.u32 s15;
	[sflag:s14] =	ssyncadd.s32 @!p1 $0xFFFF6000  }
.LBB2_1:
0x21: {  	p1 =	sge.u32 s12, s8  }
0x22: {  	s14 =	sxor.u32 @!p1 $0xFFFFFFFF, s12  }
0x23: {  	s14 =	sand.u32 @!p1 $0x1, s14  }
0x24: {  	s14 =	smul.u32 @!p1 $0x500, s14  }
0x25: {  	s31 =	sadd.s32 $0xFFFFFFFF, s12;
	s15 =	sshrl.u32 @!p1 s11, $0x3  }
0x26: {  	s16 =	sand.u32 @!p1 $0x7, s11;
	s15 =	sadd.s32 @!p1 s5, s15;
	s14 =	sshrl.u32 @!p1 s14, $0x2  }
0x27: {  	[tilespmem:s14], [sflag:$0x2] =	stream.linear.gather @!p1 [hbm4b:s15+s16], $0x140, $0x38;
	[tilespmem:$0x14280] =	vst v63  }
0x28: {  	p1 =	sge.u32 s31, s8  }
.Ltmp2:
0x29: {  	_ = 	snop;
	(pc) =	sbr.rel @p1 .LBB2_7-.Ltmp2, $1  }
0x2a: {  	_ =	sdelay $0x3  }
0x2b: {  	s14 =	simm.s32 $0x1  }
0x2c: {  	s14 =	simm.s32 @!p0 $0x0  }
0x2d: {  	s15 =	smul.u32 $0x500, s14  }
0x2e: {  	_ =	swait.ge [sflag:s7], $0x140  }
0x2f: {  	[sflag:s7] =	ssyncset.done $0x0;
	s16 =	sshrl.u32 s15, $0x2  }
0x30: {  	[sflag:s7] =	ssyncadd.s32 $0xFFFFFEC0;
	s15 =	sadd.s32 $0x0, s16  }
0x31: {  	v0 =	vld.msk [tilespmem:s15+$0x0 ss:$0x1], $0xffff;
	_ =	sdelay $0x4  }
0x32: {  	vm2 =	vgt.s32 v0, $0x0  }
0x33: {  	v0 =	vnsel vm2, $0x0, v0  }
0x34: {  	v0 =	vmin.u32 v0, $0x4E1FF  }
0x35: {  	v0 =	vshll.u32 v0, $0x4  }
0x36: {  	s14 =	smul.u32 $0x28000, s14;
	_ =	sdelay $0x1  }
0x37: {  	s14 =	sshrl.u32 s14, $0x2  }
0x38: {  	s14 =	sor.u32 $0x280, s14  }
0x39: {  	[tilespmem:s14], [sflag:$0x1] =	stream.indirect_vreg.gather [hbm:s4], $0x80, v0, vm0, $0x38;
	[tilespmem:$0x14280] =	vst v63  }
0x3a: {  	s17 =	sadd.s32 $0x10, s16;
	s15 =	sadd.s32 $0x400, s14  }
0x3b: {  	[tilespmem:s15], [sflag:$0x1] =	stream.indirect_vreg.gather [hbm:s4], $0x80, v0, vm1, $0x38;
	[tilespmem:$0x14280] =	vst v63  }
0x3c: {  	s18 =	simm.s32 $0x80;
	v0 =	vld.msk [tilespmem:s17+$0x0 ss:$0x1], $0xffff;
	s17 =	smov.u32 s14  }
.LBB2_3:
0x3d: {  	p1 =	sne.s32 s18, $0x4C0;
	_ =	sdelay $0x4  }
0x3e: {  	vm2 =	vgt.s32 v0, $0x0  }
0x3f: {  	v0 =	vnsel vm2, $0x0, v0  }
0x40: {  	v0 =	vmin.u32 v0, $0x4E1FF  }
0x41: {  	v0 =	vshll.u32 v0, $0x4;
	_ =	sdelay $0x3  }
.Ltmp3:
0x42: {  	s19 =	sshra.s32 s18, $0x2;
	s17 =	sadd.s32 $0x800, s17;
	(pc) =	sbr.rel @p1 .LBB2_3-.Ltmp3, $4  }
0x43: {  	[tilespmem:s17], [sflag:$0x1] =	stream.indirect_vreg.gather [hbm:s4], $0x80, v0, vm0, $0x38;
	[tilespmem:$0x14280] =	vst v63  }
0x44: {  	s19 =	sadd.s32 s19, s16;
	s20 =	sadd.s32 $0x400, s17  }
0x45: {  	[tilespmem:s20], [sflag:$0x1] =	stream.indirect_vreg.gather [hbm:s4], $0x80, v0, vm1, $0x38;
	[tilespmem:$0x14280] =	vst v63  }
0x46: {  	s18 =	sadd.s32 $0x40, s18;
	v0 =	vld.msk [tilespmem:s19+$0x0 ss:$0x1], $0xffff  }
0x47: {  	_ =	sdelay $0x3  }
0x48: {  	vm2 =	vgt.s32 v0, $0x0  }
0x49: {  	v0 =	vnsel vm2, $0x0, v0  }
0x4a: {  	v0 =	vmin.u32 v0, $0x4E1FF  }
0x4b: {  	v0 =	vshll.u32 v0, $0x4;
	_ =	sdelay $0x3  }
0x4c: {  	s16 =	sadd.s32 $0x800, s17  }
0x4d: {  	[tilespmem:s16], [sflag:$0x1] =	stream.indirect_vreg.gather [hbm:s4], $0x80, v0, vm0, $0x38;
	[tilespmem:$0x14280] =	vst v63  }
0x4e: {  	s16 =	sadd.s32 $0x400, s16  }
0x4f: {  	[tilespmem:s16], [sflag:$0x1] =	stream.indirect_vreg.gather [hbm:s4], $0x80, v0, vm1, $0x38;
	[tilespmem:$0x14280] =	vst v63  }
0x50: {  	s13 =	sshll.u32 s13, $0x4;
	_ =	swait.ge [sflag:s6], $0xA000  }
0x51: {  	s13 =	sadd.s32 s13, s9;
	[sflag:s6] =	ssyncset.done $0x0  }
0x52: {  	s17 =	sadd.s32 $0x0, s13;
	s16 =	simm.s32 $0x80;
	[sflag:s6] =	ssyncadd.s32 $0xFFFF6000  }
.LBB2_5:
0x53: {  	[hbm:s17] =	stream.linear.scatter [tilespmem:s14], [sflag:$0x3], $0x400, $0x38;
	[tilespmem:$0x14280] =	vst v63  }
0x54: {  	s17 =	smov.u32 s16;
	s14 =	smov.u32 s15;
	p1 =	sne.s32 s16, $0x1380  }
.Ltmp4:
0x55: {  	s16 =	sadd.s32 $0x80, s16;
	(pc) =	sbr.rel @p1 .LBB2_5-.Ltmp4, $2  }
0x56: {  	_ =	sdelay $0x2  }
0x57: {  	s15 =	sadd.s32 $0x400, s15;
	s17 =	sadd.s32 s17, s13  }
.Ltmp5:
0x58: {  	_ = 	snop;
	(pc) =	sbr.rel .LBB2_6-.Ltmp5, $1  }
0x59: {  	_ =	sdelay $0x3  }
.LBB2_8:
0x5a: {  	_ =	sfence.sel $0x180000  }
0x5b: {  	s2 =	simm.s32 $0x2;
	[bflag:$0x0] =	sbarrier.arrive $0xFFFF  }
0x5c: {  	s30 =	simm.s32 $0x3;
	[sflag:s2] =	ssyncpa.u1 $0x1  }
0x5d: {  	s31 =	simm.s32 $0x1;
	[sflag:s30] =	ssyncpa.u1 $0x1  }
0x5e: {  	[sflag:s31] =	ssyncpa.u1 $0x1  }
0x5f: {  	p0 =	sne.s32 s0, $0x0;
	_ =	strace $0x9000004A  }
0x60: {  	s0 =	sadd.s32 @!p0 $0x100000, s1;
	[bflag:$0x2] =	sbarrier.arrive $0xFFFF  }
0x61: {  	[sflag:s0] =	ssyncadd.tile.s32 @!p0 $0x1;
	_ =	shalt  }
.Lfunc_end2:
_tile_overlayer_lowered:
.L_overlay_start_2:
0x62: {  	(tag) =	ssettag $0x2  }
0x63: {  	s0 =	rddreg [dreg:$0x0];
	s2 =	stileid.u32  }
0x64: {  	s1 =	rddreg [dreg:$0x1];
	p0 =	sne.s32 s2, $0x0  }
0x65: {  	s3 =	rddreg [dreg:$0x2];
	[bflag:$0x3] =	sbarrier.arrive $0xFFFF;
	s2 =	simm.s32 @!p0 $0x1C01  }
0x66: {  	[timem:s3], [sflag:s2] =	dma.local @!p0 [hbm:s0], s1  }
0x67: {  	s0 =	simm.s32 @!p0 $0x1  }
0x68: {  	_ =	swait.ge @!p0 [sflag:s0], s1  }
0x69: {  	s1 =	ssub.s32 @!p0 $0x0, s1;
	[sflag:s0] =	ssyncset.done @!p0 $0x0  }
0x6a: {  	[sflag:s0] =	ssyncadd.s32 @!p0 s1  }
0x6b: {  	[bflag:$0x3] =	sbarrier.arrive $0xFFFF  }
0x6c: {  	_ =	shalt  }

// kernel: scatter_offload_async_start.1
scs
__scs_entry_jumppad:
0x0: {  	(pc) =	sbr.rel $0x88, $3  }
0x1: {  	(tag) =	ssettag $0x0;
	lr =	simm.s32 $0x1  }
0x2: {  	[smem:$0x3F72] =	sst lr;
	_ =	strace $0xD0000000  }
0x3: {  	_ = 	snop  }
0x4: {  	_ = 	snop  }
0x5: {  	_ = 	snop  }
0x6: {  	_ = 	snop  }
0x7: {  	_ = 	snop  }
__scs_overlays_trampoline_lowered:
0x8: {  	[smem:$0x3F81] =	sst s0  }
0x9: {  	[smem:$0x3F82] =	sst s1  }
0xa: {  	[smem:$0x3F83] =	sst s2  }
0xb: {  	[smem:$0x3F84] =	sst s3  }
0xc: {  	[smem:$0x3F85] =	sst s4  }
0xd: {  	[smem:$0x3F86] =	sst s5  }
0xe: {  	[smem:$0x3F87] =	sst s6  }
0xf: {  	[smem:$0x3F88] =	sst s7  }
0x10: {  	[smem:$0x3F89] =	sst s8  }
0x11: {  	[smem:$0x3F8A] =	sst s9;
	s0 =	simm.s32 @!p0 $0x0  }
0x12: {  	s1 =	sld [smem:$0x3F70];
	s0 =	simm.s32 @p0 $0x1  }
0x13: {  	[smem:$0x3F8B] =	sst s0;
	s0 =	simm.s32 @!p1 $0x0  }
0x14: {  	s2 =	sld [smem:$0x3F6F];
	s0 =	simm.s32 @p1 $0x1  }
0x15: {  	[smem:$0x3F8C] =	sst s0;
	s0 =	simm.s32 @!p2 $0x0  }
0x16: {  	s3 =	sld [smem:$0x3FDB];
	s0 =	simm.s32 @p2 $0x1  }
0x17: {  	s4 =	simm.s32 $0x1BF5;
	[smem:$0x3F8E] =	sst s0  }
0x18: {  	s0 =	sld [smem:$0x3F71];
	_ =	swait.ge [sflag:s4], $0x0  }
0x19: {  	s7 =	sld [smem:$0x3F72]  }
0x1a: {  	s8 =	sadd.s32 $0xFFFFE003, lr  }
0x1b: {  	s9 =	sadd.s32 $0xFFFFFEF7, lr;
	s5 =	simm.s32 $0xFFFFFFFF;
	p2 =	slt.u32 s8, $0xFFFFF086  }
0x1c: {  	p1 =	slt.u32 s9, $0xF7A;
	s5 =	simm.s32 @!p2 $0x0  }
0x1d: {  	s5 =	simm.s32 @p1 $0x1;
	p0 =	seq.s32 s7, s2  }
0x1e: {  	s7 =	smul.u32 @!p0 $0xF7A, s2;
	p2 =	seq.s32 @!p0 s5, $0x0  }
0x1f: {  	s9 =	smul.u32 $0xF7A, s1;
	s8 =	simm.s32 @!p0 $0x1BF5;
	p2 =	por !p2, p0  }
0x20: {  	[sflag:s8] =	ssyncset.s32 @!p0 $0xFFFFF086;
	s6 =	sadd.s32 @!p0 s3, s7;
	s7 =	simm.s32 @!p0 $0x108  }
0x21: {  	s3 =	sadd.s32 s3, s9;
	s6 =	sadd.s32 @!p0 $0x88, s6;
	s7 =	simm.s32 @p2 $0x1082  }
0x22: {  	[simem:s7], [sflag:s8] =	dma.local @!p0 [hbm:s6], $0xF7A  }
0x23: {  	s9 =	sor.u32 $0xD0000000, s2;
	s6 =	simm.s32 $0x108;
	_ =	swait.ge @!p0 [sflag:s8], $0x0  }
0x24: {  	s3 =	sadd.s32 $0x88, s3;
	s6 =	simm.s32 @!p1 $0x1082;
	[sflag:s4] =	ssyncset.s32 $0xFFFFF086  }
0x25: {  	[simem:s6], [sflag:s4] =	dma.local [hbm:s3], $0xF7A  }
0x26: {  	[smem:$0x3F72] =	sst s1;
	(tag) =	ssettag s2;
	_ =	strace s9  }
0x27: {  	s1 =	sld [smem:$0x3F82]  }
0x28: {  	s2 =	sld [smem:$0x3F83]  }
0x29: {  	s4 =	sld [smem:$0x3F85]  }
0x2a: {  	p0 =	seq.s32 s5, $0x0;
	s5 =	sld [smem:$0x3F86]  }
0x2b: {  	s6 =	sld [smem:$0x3F87]  }
0x2c: {  	s7 =	sld [smem:$0x3F88]  }
0x2d: {  	s3 =	simm.s32 $0x108;
	s8 =	sld [smem:$0x3F89]  }
0x2e: {  	s3 =	simm.s32 @!p0 $0x1082;
	s9 =	sld [smem:$0x3F8A]  }
0x2f: {  	lr =	sadd.s32 s0, s3;
	s0 =	sld [smem:$0x3F81]  }
0x30: {  	s3 =	sld [smem:$0x3F84]  }
0x31: {  	[smem:$0x3F8D] =	sst s10  }
0x32: {  	s10 =	sld [smem:$0x3F8B];
	_ =	sdelay $0x3  }
0x33: {  	p0 =	seq.s32 s10, $0x1;
	s10 =	sld [smem:$0x3F8D];
	_ =	sdelay $0x3  }
0x34: {  	[smem:$0x3F8D] =	sst s10  }
0x35: {  	s10 =	sld [smem:$0x3F8C];
	_ =	sdelay $0x3  }
0x36: {  	p1 =	seq.s32 s10, $0x1;
	s10 =	sld [smem:$0x3F8D];
	_ =	sdelay $0x3  }
0x37: {  	[smem:$0x3F8D] =	sst s10  }
0x38: {  	s10 =	sld [smem:$0x3F8E]  }
0x39: {  	_ = 	snop;
	(pc) =	sbr.ind lr, $3  }
0x3a: {  	_ = 	snop  }
0x3b: {  	_ = 	snop  }
0x3c: {  	p2 =	seq.s32 s10, $0x1;
	s10 =	sld [smem:$0x3F8D]  }
0x3d: {  	_ =	shalt  }
0x3e: {  	_ =	shalt  }
0x3f: {  	_ =	shalt  }
0x40: {  	_ =	shalt  }
0x41: {  	_ =	shalt  }
0x42: {  	_ =	shalt  }
0x43: {  	_ =	shalt  }
0x44: {  	_ =	shalt  }
0x45: {  	_ =	shalt  }
0x46: {  	_ =	shalt  }
0x47: {  	_ =	shalt  }
0x48: {  	_ =	shalt  }
0x49: {  	_ =	shalt  }
0x4a: {  	_ =	shalt  }
0x4b: {  	_ =	shalt  }
0x4c: {  	_ =	shalt  }
0x4d: {  	_ =	shalt  }
0x4e: {  	_ =	shalt  }
0x4f: {  	_ =	shalt  }
0x50: {  	_ =	shalt  }
0x51: {  	_ =	shalt  }
0x52: {  	_ =	shalt  }
0x53: {  	_ =	shalt  }
0x54: {  	_ =	shalt  }
0x55: {  	_ =	shalt  }
0x56: {  	_ =	shalt  }
0x57: {  	_ =	shalt  }
0x58: {  	_ =	shalt  }
0x59: {  	_ =	shalt  }
0x5a: {  	_ =	shalt  }
0x5b: {  	_ =	shalt  }
0x5c: {  	_ =	shalt  }
0x5d: {  	_ =	shalt  }
0x5e: {  	_ =	shalt  }
0x5f: {  	_ =	shalt  }
0x60: {  	_ =	shalt  }
0x61: {  	_ =	shalt  }
0x62: {  	_ =	shalt  }
0x63: {  	_ =	shalt  }
0x64: {  	_ =	shalt  }
0x65: {  	_ =	shalt  }
0x66: {  	_ =	shalt  }
0x67: {  	_ =	shalt  }
0x68: {  	_ =	shalt  }
0x69: {  	_ =	shalt  }
0x6a: {  	_ =	shalt  }
0x6b: {  	_ =	shalt  }
0x6c: {  	_ =	shalt  }
0x6d: {  	_ =	shalt  }
0x6e: {  	_ =	shalt  }
0x6f: {  	_ =	shalt  }
0x70: {  	_ =	shalt  }
0x71: {  	_ =	shalt  }
0x72: {  	_ =	shalt  }
0x73: {  	_ =	shalt  }
0x74: {  	_ =	shalt  }
0x75: {  	_ =	shalt  }
0x76: {  	_ =	shalt  }
0x77: {  	_ =	shalt  }
0x78: {  	_ =	shalt  }
0x79: {  	_ =	shalt  }
0x7a: {  	_ =	shalt  }
0x7b: {  	_ =	shalt  }
0x7c: {  	_ =	shalt  }
0x7d: {  	_ =	shalt  }
0x7e: {  	_ =	shalt  }
0x7f: {  	_ =	shalt  }
0x80: {  	_ =	shalt  }
0x81: {  	_ =	shalt  }
0x82: {  	_ =	shalt  }
0x83: {  	_ =	shalt  }
0x84: {  	_ =	shalt  }
0x85: {  	_ =	shalt  }
0x86: {  	_ =	shalt  }
0x87: {  	_ =	shalt  }
.Lfunc_end0:
.L_simem_size_0:
called_computation.1_lowered:
.L_overlay_start_0:
0x88: {  	s2 =	sld [smem:$0x3FD9]  }
0x89: {  	s3 =	sld [smem:$0x3FFE];
	_ =	sdelay $0x1  }
0x8a: {  	s1 =	srdreg.scid  }
0x8b: {  	s0 =	sand.u32 $0x1, s1  }
0x8c: {  	s13 =	sshll.u32 s0, $0xA;
	s2 =	sadd.s32 s3, s2  }
0x8d: {  	s2 =	sadd.s32 s2, s13  }
0x8e: {  	[smem:$0x3F99] =	sst s2  }
0x8f: {  	_ = 	snop  }
0x90: {  	s2 =	sld [smem:$0x3FD0];
	_ =	sdelay $0x2  }
0x91: {  	s5 =	simm.s32 $0xB;
	s14 =	simm.s32 $0x10  }
0x92: {  	[smem:s14], [sflag:s5] =	dma.local [hbm:s2], $0x1  }
0x93: {  	_ =	swait.eq [sflag:s5], $0x1  }
0x94: {  	s15 =	sld [smem:$0x10];
	[sflag:s5] =	ssyncset.done $0x0  }
0x95: {  	s4 =	sld [smem:$0x11];
	[sflag:s5] =	ssyncadd.s32 $0xFFFFFFFF  }
0x96: {  	s16 =	sld [smem:$0x12];
	(tm) =	ssettm $0x1  }
0x97: {  	s17 =	sld [smem:$0x3FFB];
	_ =	sdelay $0x3  }
0x98: {  	_ =	strace s17  }
0x99: {  	s2 =	sld [smem:$0x3FFC];
	_ =	sdelay $0x3  }
0x9a: {  	_ =	strace s2  }
0x9b: {  	s2 =	sld [smem:$0x3FFD];
	_ =	sdelay $0x3  }
0x9c: {  	_ =	strace s2  }
0x9d: {  	_ =	strace $0x8FFFFFFF  }
0x9e: {  	s18 =	sld [smem:$0x3FDB];
	_ =	sdelay $0x1  }
0x9f: {  	s6 =	simm.s32 $_scs_section_size  }
0xa0: {  	s7 =	simm.s32 $_size__tile_overlayer_lowered;
	s8 =	simm.s32 $_tile_overlayer_lowered  }
0xa1: {  	s9 =	simm.s32 $0x1BFF;
	s19 =	sshll.u32 s8, $0x1;
	s6 =	sadd.s32 s6, s18  }
0xa2: {  	s20 =	simm.s32 $0x0;
	s7 =	sshll.u32 s7, $0x1;
	s8 =	sadd.s32 s19, s6  }
0xa3: {  	[timem:s20], [sflag:s9] =	dma.local [hbm:s8], s7  }
0xa4: {  	_ =	swait.ge [sflag:s9], s7  }
0xa5: {  	s7 =	ssub.s32 $0x0, s7;
	[sflag:s9] =	ssyncset.done $0x0  }
0xa6: {  	[sflag:s9] =	ssyncadd.s32 s7;
	_ =	sdelay $0x1  }
0xa7: {  	s21 =	simm.s32 $0x1B8B  }
0xa8: {  	_ =	swait.ge [sflag:s21], $0x1  }
0xa9: {  	[sflag:s21] =	ssyncset.done $0x0  }
0xaa: {  	s22 =	sld [smem:$0x3FFE];
	[sflag:s21] =	ssyncadd.s32 $0xFFFFFFFF  }
0xab: {  	s24 =	simm.s32 $0x1B8E;
	s23 =	sld [smem:$0x0]  }
0xac: {  	s25 =	simm.s32 $execute0_lowered;
	[smem:$0x3FD2] =	sst s24  }
0xad: {  	s9 =	sshll.u32 s25, $0x1;
	_ =	strace $0x80000055;
	[dreg:$0x1] =	wrdreg $0xFFFFFFFF  }
0xae: {  	s10 =	simm.s32 $_size_execute0_lowered;
	s9 =	sadd.s32 s6, s9;
	[dreg:$0x0] =	wrdreg $0x0  }
0xaf: {  	s10 =	sshll.u32 s10, $0x1;
	[dreg:$0x2] =	wrdreg s9  }
0xb0: {  	[dreg:$0x3] =	wrdreg s10  }
0xb1: {  	[dreg:$0x4] =	wrdreg $0xC0  }
0xb2: {  	s26 =	simm.s32 $execute1_lowered;
	_ =	task [dreg:s20], $0x5FFFF  }
0xb3: {  	s9 =	sshll.u32 s26, $0x1;
	[dreg:$0x1] =	wrdreg $0xFFFFFFFF  }
0xb4: {  	s6 =	sadd.s32 s6, s9;
	[dreg:$0x0] =	wrdreg $0x60  }
0xb5: {  	[dreg:$0x2] =	wrdreg s6  }
0xb6: {  	[dreg:$0x3] =	wrdreg s22  }
0xb7: {  	[dreg:$0x4] =	wrdreg s15  }
0xb8: {  	[dreg:$0x5] =	wrdreg $0x9  }
0xb9: {  	_ =	task.clear_ibuf [dreg:s20], $0x6FFFF;
	_ =	strace $0x90000055  }
0xba: {  	s28 =	simm.s32 $0x9;
	_ =	strace $0x80000057  }
0xbb: {  	_ =	swait.ge [sflag:s28], $0x1  }
0xbc: {  	[sflag:s28] =	ssyncadd.s32 $0xFFFFFFFF  }
0xbd: {  	_ =	strace $0x90000057  }
0xbe: {  	s6 =	sld [smem:$0x0]  }
0xbf: {  	s9 =	sand.u32 $0xFFFFFFFE, s1  }
0xc0: {  	p0 =	sne.s32 s1, s9  }
0xc1: {  	s9 =	sshll.u32 @p0 s9, $0xE  }
0xc2: {  	s9 =	sadd.s32 @p0 $0x11BF3, s9;
	s10 =	sshll.u32 @p0 s6, $0x11  }
0xc3: {  	s9 =	sor.u32 @p0 s10, s9  }
0xc4: {  	[sflag:s9] =	ssyncadd.remote.s32 @p0 $0x1;
	_ =	sdelay $0x1  }
0xc5: {  	s9 =	simm.s32 @p0 $0x1BF3  }
0xc6: {  	_ =	swait.eq @p0 [sflag:s9], $0x1  }
0xc7: {  	[sflag:s9] =	ssyncadd.s32 @p0 $0xFFFFFFFF  }
0xc8: {  	s10 =	sshll.u32 @!p0 s1, $0xE  }
0xc9: {  	s10 =	sor.u32 @!p0 $0x4000, s10;
	s9 =	simm.s32 @!p0 $0x1BF3  }
0xca: {  	s6 =	sshll.u32 @!p0 s6, $0x11;
	s10 =	sadd.s32 @!p0 $0x11BF3, s10;
	_ =	swait.eq @!p0 [sflag:s9], $0x1  }
0xcb: {  	s6 =	sor.u32 @!p0 s6, s10;
	[sflag:s9] =	ssyncadd.s32 @!p0 $0xFFFFFFFF  }
0xcc: {  	[sflag:s6] =	ssyncadd.remote.s32 @!p0 $0x1  }
0xcd: {  	_ =	strace $0x80000058;
	[dreg:$0x1] =	wrdreg $0xFFFFFFFF  }
0xce: {  	[dreg:$0x0] =	wrdreg $0x2030  }
0xcf: {  	[dreg:$0x2] =	wrdreg s15  }
0xd0: {  	[dreg:$0x3] =	wrdreg s4  }
0xd1: {  	[dreg:$0x4] =	wrdreg s16  }
0xd2: {  	[dreg:$0x5] =	wrdreg s22  }
0xd3: {  	[dreg:$0x6] =	wrdreg s1  }
0xd4: {  	[dreg:$0x7] =	wrdreg s23  }
0xd5: {  	[dreg:$0x8] =	wrdreg $0xA  }
0xd6: {  	_ =	task.clear_ibuf [dreg:s20], $0x9FFFF;
	_ =	strace $0x90000058  }
0xd7: {  	s29 =	simm.s32 $0xA;
	_ =	strace $0x8000005A  }
0xd8: {  	_ =	swait.ge [sflag:s29], $0x1  }
0xd9: {  	[sflag:s29] =	ssyncadd.s32 $0xFFFFFFFF  }
0xda: {  	_ =	strace $0x9000005A  }
0xdb: {  	_ =	sfence  }
0xdc: {  	s30 =	sld [smem:$0x0];
	_ =	sdelay $0x2  }
0xdd: {  	s31 =	sshll.u32 s1, $0xD;
	s1 =	sshrl.u32 s1, $0x2  }
0xde: {  	s4 =	sand.u32 $0x4000, s31;
	s1 =	sadd.s32 s1, s30  }
0xdf: {  	s0 =	sor.u32 s4, s0;
	s1 =	sshll.u32 s1, $0x11  }
0xe0: {  	s0 =	sor.u32 s1, s0  }
0xe1: {  	s0 =	sadd.s32 $0x8F2B, s0  }
0xe2: {  	[sflag:s0] =	ssyncadd.remote.s32 $0x1  }
0xe3: {  	_ =	sfence.sel $0xFFFF  }
0xe4: {  	[dreg:$0x0] =	wrdreg $0xFFFFFFFF;
	(pc) =	sbr.abs _section_cstart, $3  }
0xe5: {  	[dreg:$0x1] =	wrdreg $0xFFFFFFFF  }
0xe6: {  	_ =	task.clear_ibuf [dreg:s20], $0x2FFFF;
	_ =	strace $0x9FFFFFFF  }
0xe7: {  	(tm) =	ssettm $0x7FFFFFFF  }
tec
execute0_lowered:
.L_overlay_start_1:
0x0: {  	(tag) =	ssettag $0x1  }
0x1: {  	s3 =	rddreg [dreg:$0x0]  }
0x2: {  	s4 =	rddreg [dreg:$0x1]  }
0x3: {  	s2 =	rddreg [dreg:$0x2]  }
0x4: {  	s0 =	rddreg [dreg:$0x3]  }
0x5: {  	s5 =	stileid.u32;
	[bflag:$0x3] =	sbarrier.arrive $0xFFFF;
	s1 =	simm.s32 $_size_execute1_lowered  }
0x6: {  	s29 =	srdreg.scid;
	s31 =	simm.s32 $0x2;
	p0 =	sne.s32 s5, $0x0  }
0x7: {  	s1 =	sshll.u32 s1, $0x1;
	s6 =	simm.s32 @!p0 $0x1C3F;
	s7 =	simm.s32 @!p0 $0x4060  }
0x8: {  	[timem:s7], [sflag:s6] =	dma.local @!p0 [hbm:s3], s1  }
0x9: {  	s8 =	simm.s32 $0x0;
	s12 =	simm.s32 $0x0;
	s3 =	sshll.u32 s29, $0x7  }
.Ltmp0:
0xa: {  	s5 =	sshll.u32 s5, $0x8;
	s3 =	sand.u32 $0x80, s3;
	(pc) =	sbr.rel .LBB2_1-.Ltmp0, $4  }
0xb: {  	s10 =	simm.s32 $0x0;
	s11 =	simm.s32 $0x0;
	s3 =	sor.u32 s5, s3  }
0xc: {  	_ =	strace $0x80000056;
	s5 =	simm.s32 $0x1;
	s30 =	ssub.s32 $0x2700, s3  }
0xd: {  	s4 =	sadd.s32 $0x600, s4;
	[sflag:s5] =	ssyncpa.u1 $0x0;
	s6 =	sshrl.u32 s30, $0xC  }
0xe: {  	s9 =	smov.u32 s3;
	[sflag:s31] =	ssyncpa.u1 $0x0;
	s7 =	sadd.s32 $0x2, s6  }
.LBB2_4:
0xf: {  	_ = 	snop  }
.LBB2_7:
0x10: {  	_ =	sdelay $0x3  }
0x11: {  	[tilespmem:v0+s16+$0x0 ss:$0x1] =	vst.idx.msk @p1 $0xffff, v2  }
0x12: {  	v56 =	vld.idx.msk [tilespmem:v1+s15+$0x0 ss:$0x1], $0xffff;
	s24 =	sor.u32 $0x70, s15;
	[tilespmem:v0+s17+$0x0 ss:$0x1] =	vst.idx.msk @p1 $0xffff, v4  }
0x13: {  	s25 =	sor.u32 $0x10, s15;
	[tilespmem:v0+s18+$0x0 ss:$0x1] =	vst.idx.msk @p1 $0xffff, v3;
	v57 =	vld.idx.msk [tilespmem:v1+s24+$0x0 ss:$0x1], $0xffff  }
0x14: {  	s26 =	sor.u32 $0x20, s15;
	[tilespmem:v0+s19+$0x0 ss:$0x1] =	vst.idx.msk @p1 $0xffff, v5;
	v58 =	vld.idx.msk [tilespmem:v1+s25+$0x0 ss:$0x1], $0xffff  }
0x15: {  	s28 =	sor.u32 $0x30, s15;
	[tilespmem:v0+s20+$0x0 ss:$0x1] =	vst.idx.msk @p1 $0xffff, v6;
	v59 =	vld.idx.msk [tilespmem:v1+s26+$0x0 ss:$0x1], $0xffff  }
0x16: {  	s29 =	sor.u32 $0x40, s15;
	[tilespmem:v0+s21+$0x0 ss:$0x1] =	vst.idx.msk @p1 $0xffff, v7;
	v60 =	vld.idx.msk [tilespmem:v1+s28+$0x0 ss:$0x1], $0xffff  }
0x17: {  	s30 =	sor.u32 $0x50, s15;
	v61 =	vld.idx.msk [tilespmem:v1+s29+$0x0 ss:$0x1], $0xffff;
	[tilespmem:v0+s15+$0x0 ss:$0x1] =	vst.idx.msk $0xffff, v56  }
0x18: {  	s31 =	sor.u32 $0x60, s15;
	v62 =	vld.idx.msk [tilespmem:v1+s30+$0x0 ss:$0x1], $0xffff;
	[tilespmem:v0+s24+$0x0 ss:$0x1] =	vst.idx.msk $0xffff, v57  }
0x19: {  	v63 =	vld.idx.msk [tilespmem:v1+s31+$0x0 ss:$0x1], $0xffff;
	[tilespmem:v0+s25+$0x0 ss:$0x1] =	vst.idx.msk $0xffff, v58  }
0x1a: {  	[tilespmem:v0+s26+$0x0 ss:$0x1] =	vst.idx.msk $0xffff, v59  }
0x1b: {  	[tilespmem:v0+s28+$0x0 ss:$0x1] =	vst.idx.msk $0xffff, v60  }
0x1c: {  	[tilespmem:v0+s29+$0x0 ss:$0x1] =	vst.idx.msk $0xffff, v61  }
0x1d: {  	[tilespmem:v0+s30+$0x0 ss:$0x1] =	vst.idx.msk $0xffff, v62  }
0x1e: {  	[tilespmem:v0+s31+$0x0 ss:$0x1] =	vst.idx.msk $0xffff, v63  }
.LBB2_8:
0x1f: {  	s15 =	sand.u32 $0x1FFFFFF, s10  }
0x20: {  	s16 =	smulhi.u32 $0x1A36E2F, s15;
	_ =	sdelay $0x1  }
0x21: {  	s16 =	sshrl.u32 s16, $0x6  }
0x22: {  	s16 =	smul.u32 $0x2710, s16;
	_ =	sdelay $0x1  }
0x23: {  	s15 =	ssub.s32 s15, s16  }
0x24: {  	s15 =	sshll.u32 s15, $0x4  }
0x25: {  	s15 =	sadd.s32 s2, s15  }
0x26: {  	[hbm4b:s15+s8] =	stream.linear.scatter [tilespmem:s14], [sflag:$0x2], s13, $0x38;
	[tilespmem:$0x10000] =	vst v63  }
.LBB2_9:
0x27: {  	p1 =	slt.u32 s11, $0x2  }
0x28: {  	p2 =	sgt.s32 @!p1 s12, $0x2690  }
0x29: {  	s13 =	smov.u32 s12;
	s14 =	sshra.s32 @!p1 s12, $0x1F;
	p2 =	por !p2, p1  }
0x2a: {  	s12 =	sand.u32 @!p1 s14, s12;
	s13 =	simm.s32 @p2 $0x2690  }
0x2b: {  	s12 =	ssub.s32 @!p1 s13, s12  }
0x2c: {  	s12 =	sadd.s32 @!p1 $0xFFFFD970, s12  }
0x2d: {  	s13 =	sshll.u32 @!p1 s12, $0x9  }
0x2e: {  	p2 =	sgt.s32 @!p1 s12, $0x7F;
	s12 =	ssub.s32 @!p1 $0x10000, s13  }
0x2f: {  	s14 =	sadd.s32 $0x1000, s9;
	p2 =	por !p2, p1;
	s12 =	sshrl.u32 @!p1 s12, $0x2  }
0x30: {  	s12 =	simm.s32 @!p2 $0x0;
	p2 =	sgt.s32 s14, $0x270F  }
0x31: {  	s14 =	smov.u32 @p2 s3;
	p2 =	sne.s32 s11, s7  }
.Ltmp1:
0x32: {  	_ = 	snop;
	(pc) =	sbr.rel @!p2 .LBB2_10-.Ltmp1, $4  }
0x33: {  	s13 =	simm.s32 @!p1 $0x2  }
0x34: {  	_ =	swait.ge @!p1 [sflag:s13], s12;
	s15 =	ssub.s32 @!p1 $0x0, s12  }
0x35: {  	s12 =	smov.u32 s10;
	s11 =	sadd.s32 $0x1, s11;
	[sflag:s13] =	ssyncset.done @!p1 $0x0  }
0x36: {  	s10 =	smov.u32 s9;
	s9 =	smov.u32 s14;
	[sflag:s13] =	ssyncadd.s32 @!p1 s15  }
.LBB2_1:
0x37: {  	p1 =	sgt.u32 s11, s6  }
0x38: {  	s13 =	sand.u32 @!p1 $0x1FFFFFF, s9  }
0x39: {  	p2 =	sgt.s32 @!p1 s9, $0x2690;
	s14 =	smulhi.u32 @!p1 $0x1A36E2F, s13  }
0x3a: {  	s15 =	smov.u32 s9;
	s16 =	sshra.s32 @!p1 s9, $0x1F;
	p2 =	por !p2, p1  }
0x3b: {  	s16 =	sand.u32 @!p1 s16, s9;
	s15 =	simm.s32 @p2 $0x2690;
	s14 =	sshrl.u32 @!p1 s14, $0x6  }
0x3c: {  	s15 =	ssub.s32 @!p1 s15, s16;
	s14 =	smul.u32 @!p1 $0x2710, s14  }
0x3d: {  	s16 =	sxor.u32 @!p1 $0xFFFFFFFF, s11;
	s15 =	sadd.s32 @!p1 $0xFFFFD970, s15  }
0x3e: {  	s16 =	sshll.u32 @!p1 s16, $0xE;
	s13 =	ssub.s32 @!p1 s13, s14;
	s14 =	sshll.u32 @!p1 s15, $0x9  }
0x3f: {  	s16 =	sand.u32 @!p1 $0x4000, s16;
	p2 =	sgt.s32 @!p1 s15, $0x7F;
	s14 =	ssub.s32 @!p1 $0x10000, s14  }
0x40: {  	p2 =	por !p2, p1;
	s13 =	sshll.u32 @!p1 s13, $0x4;
	s14 =	sshrl.u32 @!p1 s14, $0x2  }
0x41: {  	s15 =	simm.s32 @!p1 $0x0;
	s13 =	sadd.s32 @!p1 s4, s13;
	s14 =	simm.s32 @!p2 $0x0  }
0x42: {  	[tilespmem:s16], [sflag:$0x1] =	stream.linear.gather @!p1 [hbm4b:s13+s15], s14, $0x38;
	[tilespmem:$0x10000] =	vst v63  }
0x43: {  	p1 =	seq.s32 s11, $0x0  }
0x44: {  	p2 =	sge.u32 @!p1 s11, s7  }
0x45: {  	p1 =	por p1, p2  }
.Ltmp2:
0x46: {  	_ = 	snop;
	(pc) =	sbr.rel @p1 .LBB2_9-.Ltmp2, $1  }
0x47: {  	_ =	sdelay $0x3  }
0x48: {  	p1 =	sgt.s32 s10, $0x2690;
	s13 =	smov.u32 s10;
	s14 =	sshra.s32 s10, $0x1F  }
0x49: {  	s13 =	simm.s32 @!p1 $0x2690;
	s14 =	sand.u32 s14, s10  }
0x4a: {  	s13 =	ssub.s32 s13, s14  }
0x4b: {  	s13 =	sadd.s32 $0xFFFFD970, s13  }
0x4c: {  	s31 =	sshll.u32 s13, $0x9  }
0x4d: {  	s14 =	ssub.s32 $0x10000, s31  }
0x4e: {  	p1 =	sgt.s32 s13, $0x7F;
	s13 =	sshrl.u32 s14, $0x2;
	s14 =	sadd.s32 $0x80, s10  }
0x4f: {  	s13 =	simm.s32 @p1 $0x0;
	p1 =	slt.s32 s14, $0x2710  }
0x50: {  	s14 =	simm.s32 @!p1 $0x2710  }
0x51: {  	s16 =	ssub.s32 s14, s10  }
0x52: {  	p1 =	slt.s32 s16, $0x1  }
.Ltmp3:
0x53: {  	_ = 	snop;
	(pc) =	sbr.rel @p1 .LBB2_8-.Ltmp3, $4  }
0x54: {  	_ = 	snop  }
0x55: {  	s15 =	sshll.u32 s11, $0xE;
	_ =	swait.ge [sflag:s5], s13  }
0x56: {  	s15 =	sand.u32 $0x4000, s15;
	s17 =	ssub.s32 $0x0, s13;
	[sflag:s5] =	ssyncset.done $0x0  }
0x57: {  	s14 =	sor.u32 $0x8000, s15;
	[sflag:s5] =	ssyncadd.s32 s17  }
0x58: {  	p2 =	sne.s32 s16, $0x1  }
.Ltmp4:
0x59: {  	v1 =	vmov s15;
	v0 =	vmov s14;
	(pc) =	sbr.rel @!p2 .LBB2_4-.Ltmp4, $3  }
0x5a: {  	_ =	sdelay $0x1  }
0x5b: {  	s17 =	simm.s32 $0x0  }
0x5c: {  	s23 =	sadd.s32 $0xFFFFFFFF, s16;
	p1 =	por $0x0, $0x0;
	s15 =	sand.u32 $0x3F80, s17  }
0x5d: {  	_ =	sdelay $0x3  }
0x5e: {  	v6 =	vld.idx.msk [tilespmem:v1+s15+$0x0 ss:$0x1], $0xffff;
	s24 =	sor.u32 $0x70, s15  }
0x5f: {  	s16 =	sor.u32 $0x10, s15;
	v8 =	vld.idx.msk [tilespmem:v1+s24+$0x0 ss:$0x1], $0xffff  }
0x60: {  	s17 =	sor.u32 $0x20, s15;
	p2 =	sne.s32 s23, $0x1;
	v2 =	vld.idx.msk [tilespmem:v1+s16+$0x0 ss:$0x1], $0xffff  }
.Ltmp5:
0x61: {  	s18 =	sor.u32 $0x30, s15;
	v4 =	vld.idx.msk [tilespmem:v1+s17+$0x0 ss:$0x1], $0xffff;
	(pc) =	sbr.rel @!p2 .LBB2_7-.Ltmp5, $4  }
0x62: {  	s19 =	sor.u32 $0x40, s15;
	v3 =	vld.idx.msk [tilespmem:v1+s18+$0x0 ss:$0x1], $0xffff  }
0x63: {  	s21 =	sor.u32 $0x60, s15;
	v5 =	vld.idx.msk [tilespmem:v1+s19+$0x0 ss:$0x1], $0xffff  }
0x64: {  	s20 =	sor.u32 $0x50, s15;
	s22 =	simm.s32 $0x80;
	v7 =	vld.idx.msk [tilespmem:v1+s21+$0x0 ss:$0x1], $0xffff;
	[tilespmem:v0+s15+$0x0 ss:$0x1] =	vst.idx.msk $0xffff, v6  }
0x65: {  	s23 =	sadd.s32 $0xFFFFFFFF, s23;
	p1 =	por $0x1, $0x1;
	v6 =	vld.idx.msk [tilespmem:v1+s20+$0x0 ss:$0x1], $0xffff;
	s15 =	sand.u32 $0x3F80, s22;
	[tilespmem:v0+s24+$0x0 ss:$0x1] =	vst.idx.msk $0xffff, v8  }
.LBB2_6:
0x66: {  	p2 =	sne.s32 s23, $0x1;
	v8 =	vld.idx.msk [tilespmem:v1+s15+$0x0 ss:$0x1], $0xffff;
	s24 =	sor.u32 $0x70, s15;
	[tilespmem:v0+s16+$0x0 ss:$0x1] =	vst.idx.msk $0xffff, v2;
	s16 =	sor.u32 $0x10, s15  }
0x67: {  	s25 =	sor.u32 $0x30, s15;
	s26 =	sor.u32 $0x40, s15;
	v9 =	vld.idx.msk [tilespmem:v1+s24+$0x0 ss:$0x1], $0xffff;
	[tilespmem:v0+s17+$0x0 ss:$0x1] =	vst.idx.msk $0xffff, v4;
	s17 =	sor.u32 $0x20, s15  }
0x68: {  	s28 =	sor.u32 $0x50, s15;
	s29 =	sor.u32 $0x60, s15;
	v2 =	vld.idx.msk [tilespmem:v1+s16+$0x0 ss:$0x1], $0xffff;
	[tilespmem:v0+s18+$0x0 ss:$0x1] =	vst.idx.msk $0xffff, v3;
	s18 =	smov.u32 s25  }
.Ltmp6:
0x69: {  	v4 =	vld.idx.msk [tilespmem:v1+s17+$0x0 ss:$0x1], $0xffff;
	[tilespmem:v0+s19+$0x0 ss:$0x1] =	vst.idx.msk $0xffff, v5;
	s19 =	smov.u32 s26;
	(pc) =	sbr.rel @p2 .LBB2_6-.Ltmp6, $4  }
0x6a: {  	v3 =	vld.idx.msk [tilespmem:v1+s18+$0x0 ss:$0x1], $0xffff;
	[tilespmem:v0+s20+$0x0 ss:$0x1] =	vst.idx.msk $0xffff, v6;
	s20 =	smov.u32 s28  }
0x6b: {  	v5 =	vld.idx.msk [tilespmem:v1+s19+$0x0 ss:$0x1], $0xffff;
	[tilespmem:v0+s21+$0x0 ss:$0x1] =	vst.idx.msk $0xffff, v7;
	s21 =	smov.u32 s29  }
0x6c: {  	s22 =	sadd.s32 $0x80, s22;
	[tilespmem:v0+s15+$0x0 ss:$0x1] =	vst.idx.msk $0xffff, v8;
	v6 =	vld.idx.msk [tilespmem:v1+s20+$0x0 ss:$0x1], $0xffff  }
0x6d: {  	s23 =	sadd.s32 $0xFFFFFFFF, s23;
	s15 =	sand.u32 $0x3F80, s22;
	v7 =	vld.idx.msk [tilespmem:v1+s21+$0x0 ss:$0x1], $0xffff;
	[tilespmem:v0+s24+$0x0 ss:$0x1] =	vst.idx.msk $0xffff, v9  }
.Ltmp7:
0x6e: {  	_ = 	snop;
	(pc) =	sbr.rel .LBB2_7-.Ltmp7, $1  }
0x6f: {  	_ =	sdelay $0x3  }
.LBB2_10:
0x70: {  	_ =	sfence.sel $0x180000  }
0x71: {  	s2 =	simm.s32 $0x1;
	[bflag:$0x0] =	sbarrier.arrive $0xFFFF  }
0x72: {  	s31 =	simm.s32 $0x2;
	[sflag:s2] =	ssyncpa.u1 $0x1  }
0x73: {  	[sflag:s31] =	ssyncpa.u1 $0x1  }
0x74: {  	_ =	strace $0x90000056  }
0x75: {  	s0 =	sadd.s32 @!p0 $0x100000, s0;
	[bflag:$0x2] =	sbarrier.arrive $0xFFFF  }
0x76: {  	[sflag:s0] =	ssyncadd.tile.s32 @!p0 $0x1;
	s0 =	simm.s32 @!p0 $0x3F  }
0x77: {  	_ =	swait.ge @!p0 [sflag:s0], s1  }
0x78: {  	s1 =	ssub.s32 @!p0 $0x0, s1;
	[sflag:s0] =	ssyncset.done @!p0 $0x0  }
0x79: {  	[sflag:s0] =	ssyncadd.s32 @!p0 s1  }
0x7a: {  	[bflag:$0x3] =	sbarrier.arrive $0xFFFF  }
0x7b: {  	_ =	shalt  }
.Lfunc_end2:
execute1_lowered:
.L_overlay_start_2:
0x7c: {  	(tag) =	ssettag $0x2  }
0x7d: {  	s1 =	rddreg [dreg:$0x0]  }
0x7e: {  	s15 =	rddreg [dreg:$0x1]  }
0x7f: {  	s9 =	rddreg [dreg:$0x2]  }
0x80: {  	s2 =	rddreg [dreg:$0x3]  }
0x81: {  	s3 =	rddreg [dreg:$0x4];
	_ =	strace $0x80000059;
	s0 =	simm.s32 $0x1  }
0x82: {  	v0 =	vimm.s32 $0x0;
	[sflag:s0] =	ssyncpa.u1 $0x0;
	s0 =	simm.s32 $0x108  }
0x83: {  	[tilespmem:s0+$0x70] =	vst v0  }
0x84: {  	[tilespmem:s0+$0x60] =	vst v0  }
0x85: {  	[tilespmem:s0+$0x50] =	vst v0  }
0x86: {  	[tilespmem:s0+$0x40] =	vst v0  }
0x87: {  	[tilespmem:s0+$0x30] =	vst v0  }
0x88: {  	[tilespmem:s0+$0x20] =	vst v0  }
0x89: {  	s14 =	sadd.s32 $0x4E2600, s2;
	s5 =	sand.u32 $0x1, s3;
	s3 =	simm.s32 $0x40;
	[tilespmem:s0+$0x10] =	vst v0  }
.LBB3_1:
0x8a: {  	s3 =	sadd.s32 $0x40, s3;
	[tilespmem:s0+$0x0] =	vst v0;
	s0 =	sadd.s32 $0x80, s0  }
0x8b: {  	p0 =	slt.u32 s3, $0x3C40;
	[tilespmem:s0+$0x70] =	vst v0  }
0x8c: {  	[tilespmem:s0+$0x60] =	vst v0  }
.Ltmp8:
0x8d: {  	[tilespmem:s0+$0x50] =	vst v0;
	(pc) =	sbr.rel @p0 .LBB3_1-.Ltmp8, $4  }
0x8e: {  	[tilespmem:s0+$0x40] =	vst v0  }
0x8f: {  	[tilespmem:s0+$0x30] =	vst v0  }
0x90: {  	[tilespmem:s0+$0x20] =	vst v0  }
0x91: {  	[tilespmem:s0+$0x10] =	vst v0  }
0x92: {  	s6 =	stileid.u32  }
0x93: {  	s2 =	smul.u32 $0x29, s6  }
0x94: {  	s3 =	smin.u32 s6, $0xB  }
0x95: {  	s2 =	sadd.s32 s3, s2  }
0x96: {  	p0 =	slt.u32 s6, $0xB;
	s7 =	smul.u32 $0xF0, s2;
	s2 =	simm.s32 $0x2760  }
0x97: {  	s2 =	simm.s32 @!p0 $0x2670  }
0x98: {  	s2 =	sadd.s32 s2, s7  }
0x99: {  	s8 =	smin.u32 s2, $0x27100  }
0x9a: {  	s2 =	ssub.s32 s8, s7  }
0x9b: {  	p0 =	sgt.s32 s2, $0x0  }
0x9c: {  	s29 =	simm.s32 $0x2;
	s10 =	simm.s32 $0x9;
	s2 =	simm.s32 @!p0 $0x0  }
0x9d: {  	s4 =	simm.s32 $0xA;
	s11 =	simm.s32 $0xB;
	s28 =	smulhi.u32 $0x88888889, s2  }
0x9e: {  	[dreg:$0x7] =	wrdreg s5;
	s31 =	smul.u32 $0x4E20, s5;
	s12 =	simm.s32 $0x1  }
0x9f: {  	s22 =	simm.s32 $0x0;
	s18 =	simm.s32 $0xC;
	s30 =	sshrl.u32 s28, $0x7  }
0xa0: {  	s20 =	simm.s32 $0x0;
	s21 =	simm.s32 $0x0;
	s3 =	smul.u32 $0xF0, s30  }
.Ltmp9:
0xa1: {  	[tilespmem:s0+$0x0] =	vst v0;
	v0 =	vimm.s32 $0xFFFFFFFF;
	[sflag:s29] =	ssyncpa.u1 $0x0;
	s16 =	sshll.u32 s6, $0x8;
	(pc) =	sbr.rel .LBB3_3-.Ltmp9, $4  }
0xa2: {  	[tilespmem:$0xF208] =	vst v0;
	[sflag:s10] =	ssyncpa.u1 $0x0;
	p0 =	sne.s32 s2, s3;
	s2 =	simm.s32 $0x1  }
0xa3: {  	s14 =	sadd.s32 s31, s14;
	[sflag:s4] =	ssyncpa.u1 $0x0;
	s2 =	simm.s32 @!p0 $0x0  }
0xa4: {  	s15 =	sadd.s32 s31, s15;
	[sflag:s11] =	ssyncpa.u1 $0x0;
	s13 =	sadd.s32 s2, s30  }
0xa5: {  	v0 =	vlaneseq.u32;
	s19 =	smov.u32 s7;
	p0 =	por $0x0, $0x0;
	s17 =	sadd.s32 $0x1, s13  }
.LBB3_18:
0xa6: {  	s0 =	sshrl.u32 s31, $0x2  }
.LBB3_20:
0xa7: {  	_ =	swait.ge [sflag:s18], s0  }
0xa8: {  	s31 =	ssub.s32 $0x0, s0;
	v1 =	vmov s24;
	vm0 =	veq.s32 v0, $0x0;
	[sflag:s18] =	ssyncset.done $0x0  }
0xa9: {  	vm15 =	veq.s32 v0, $0x2;
	v1 =	vsel vm0, s30, v1;
	[sflag:s18] =	ssyncadd.s32 s31  }
0xaa: {  	v1 =	vsel vm15, s22, v1;
	[sflag:s18] =	ssyncpa.u1 $0x1  }
0xab: {  	[tilespmem:$0xF208] =	vst v1  }
.LBB3_21:
0xac: {  	s0 =	sadd.s32 $0xF0, s19  }
0xad: {  	s2 =	smov.u32 s7;
	p1 =	slt.s32 s0, s8  }
0xae: {  	s2 =	smov.u32 @p1 s0;
	p1 =	sne.s32 s21, s17  }
.Ltmp10:
0xaf: {  	_ = 	snop;
	(pc) =	sbr.rel @!p1 .LBB3_22-.Ltmp10, $3  }
0xb0: {  	_ =	sdelay $0x1  }
0xb1: {  	s22 =	smov.u32 s20;
	s31 =	sadd.s32 $0x1, s21;
	s20 =	smov.u32 s19  }
0xb2: {  	p0 =	por !p0, !p0;
	s21 =	smov.u32 s31;
	s19 =	smov.u32 s2  }
.LBB3_3:
0xb3: {  	p1 =	sge.u32 s21, s13  }
0xb4: {  	s0 =	smulhi.u32 @!p1 $0xAAAAAAAB, s21  }
0xb5: {  	s2 =	smov.u32 s19;
	p2 =	sgt.s32 @!p1 s19, $0x27010  }
0xb6: {  	s3 =	sshra.s32 @!p1 s19, $0x1F;
	p2 =	por !p2, p1;
	s0 =	sshrl.u32 @!p1 s0, $0x1  }
0xb7: {  	s3 =	sand.u32 @!p1 s3, s19;
	s2 =	simm.s32 @p2 $0x27010;
	s0 =	smul.u32 @!p1 $0x3, s0  }
0xb8: {  	s2 =	ssub.s32 @!p1 s2, s3  }
0xb9: {  	s2 =	sadd.s32 @!p1 $0xFFFD8FF0, s2;
	s0 =	ssub.s32 @!p1 s21, s0  }
0xba: {  	s3 =	sshll.u32 @!p1 s2, $0x2;
	p2 =	sgt.s32 @!p1 s2, $0xEF;
	s0 =	smul.u32 @!p1 $0x3C0, s0  }
0xbb: {  	s4 =	sand.u32 @!p1 $0x7, s19;
	s2 =	ssub.s32 @!p1 $0x3C0, s3;
	p2 =	por !p2, p1  }
0xbc: {  	s3 =	sshrl.u32 @!p1 s19, $0x3;
	s2 =	sshrl.u32 @!p1 s2, $0x2;
	s0 =	sshrl.u32 @!p1 s0, $0x2  }
0xbd: {  	s3 =	sadd.s32 @!p1 s3, s14;
	s2 =	simm.s32 @!p2 $0x0;
	s0 =	sadd.s32 @!p1 $0x10248, s0  }
0xbe: {  	[tilespmem:s0], [sflag:$0xA] =	stream.linear.gather @!p1 [hbm4b:s3+s4], s2, $0x38;
	[tilespmem:$0x1F6F8] =	vst v63  }
0xbf: {  	s0 =	sadd.s32 $0xFFFFFFFF, s21  }
0xc0: {  	p1 =	sge.u32 s0, s13  }
0xc1: {  	p2 =	sgt.s32 @!p1 s20, $0x27010  }
0xc2: {  	s2 =	smov.u32 s20;
	s3 =	sshra.s32 @!p1 s20, $0x1F;
	p2 =	por !p2, p1  }
0xc3: {  	s3 =	sand.u32 @!p1 s3, s20;
	s2 =	simm.s32 @p2 $0x27010  }
0xc4: {  	s2 =	ssub.s32 @!p1 s2, s3  }
0xc5: {  	s2 =	sadd.s32 @!p1 $0xFFFD8FF0, s2  }
0xc6: {  	s4 =	sand.u32 @!p1 $0x1, s0;
	s3 =	sshll.u32 @!p1 s2, $0x2  }
0xc7: {  	p2 =	sgt.s32 @!p1 s2, $0xEF;
	s2 =	ssub.s32 @!p1 $0x3C0, s3;
	s3 =	smulhi.u32 @!p1 $0xAAAAAAAB, s0  }
0xc8: {  	s23 =	smul.u32 @!p1 $0x3C0, s4;
	p2 =	por !p2, p1;
	s2 =	sshrl.u32 @!p1 s2, $0x2  }
0xc9: {  	s5 =	simm.s32 @!p1 $0xA;
	s2 =	simm.s32 @!p2 $0x0;
	s3 =	sshrl.u32 @!p1 s3, $0x1  }
0xca: {  	s23 =	sshrl.u32 @!p1 s23, $0x2;
	_ =	swait.ge @!p1 [sflag:s5], s2;
	s3 =	smul.u32 @!p1 $0x3, s3  }
0xcb: {  	s23 =	sadd.s32 @!p1 $0x10518, s23;
	s24 =	ssub.s32 @!p1 $0x0, s2;
	[sflag:s5] =	ssyncset.done @!p1 $0x0  }
0xcc: {  	[sflag:s5] =	ssyncadd.s32 @!p1 s24;
	s5 =	sshrl.u32 @!p1 s20, $0x3;
	s0 =	ssub.s32 @!p1 s0, s3  }
0xcd: {  	s24 =	sand.u32 @!p1 $0x7, s20;
	s5 =	sadd.s32 @!p1 s5, s15;
	s0 =	smul.u32 @!p1 $0x3C0, s0  }
0xce: {  	[tilespmem:s23], [sflag:$0xB] =	stream.linear.gather @!p1 [hbm4b:s5+s24], s2, $0x38;
	[tilespmem:$0x1F6F8] =	vst v63  }
0xcf: {  	s3 =	ssub.s32 @!p1 $0x27100, s20;
	s2 =	smul.u32 @!p1 $0x1E000, s4  }
0xd0: {  	p2 =	slt.s32 @!p1 s3, $0xF0  }
0xd1: {  	p2 =	por !p2, p1;
	s0 =	sshrl.u32 @!p1 s0, $0x2;
	s2 =	sshrl.u32 @!p1 s2, $0x2  }
0xd2: {  	s3 =	simm.s32 @p2 $0xF0;
	s0 =	sadd.s32 @!p1 $0x10248, s0;
	s2 =	sor.u32 @!p1 $0x106F8, s2  }
0xd3: {  	[tilespmem:s2], [sflag:$0x9] =	stream.indirect.gather @!p1 [hbm4b:s9+s3], $0x80, s0, s3, $0xb8;
	[tilespmem:$0x1F6F8] =	vst v63  }
0xd4: {  	p1 =	slt.u32 s21, $0x2  }
.Ltmp11:
0xd5: {  	_ = 	snop;
	(pc) =	sbr.rel @p1 .LBB3_21-.Ltmp11, $1  }
0xd6: {  	_ =	sdelay $0x3  }
0xd7: {  	p1 =	sgt.s32 s22, $0x27010  }
0xd8: {  	s0 =	smov.u32 s22;
	s2 =	sshra.s32 s22, $0x1F;
	s3 =	ssub.s32 $0x27100, s22  }
0xd9: {  	s0 =	simm.s32 @!p1 $0x27010;
	s2 =	sand.u32 s2, s22;
	p1 =	slt.s32 s3, $0xF0  }
0xda: {  	s0 =	ssub.s32 s0, s2;
	s3 =	simm.s32 @!p1 $0xF0  }
0xdb: {  	s0 =	sadd.s32 $0xFFFD8FF0, s0;
	s25 =	sshll.u32 s3, $0x7  }
0xdc: {  	s26 =	sshll.u32 s0, $0x2;
	s2 =	sand.u32 $0x3FFFFF80, s25  }
0xdd: {  	p1 =	sgt.s32 s0, $0xEF;
	s29 =	ssub.s32 $0x3C0, s26;
	_ =	swait.ge [sflag:s10], s2  }
0xde: {  	s2 =	ssub.s32 $0x0, s2;
	[sflag:s10] =	ssyncset.done $0x0;
	s0 =	sshrl.u32 s29, $0x2  }
0xdf: {  	[sflag:s10] =	ssyncadd.s32 s2;
	s0 =	simm.s32 @p1 $0x0  }
0xe0: {  	_ =	swait.ge [sflag:s11], s0  }
0xe1: {  	s0 =	ssub.s32 $0x0, s0;
	[sflag:s11] =	ssyncset.done $0x0  }
0xe2: {  	[sflag:s11] =	ssyncadd.s32 s0  }
0xe3: {  	v1 =	vld [tilespmem:$0xF208];
	_ =	sdelay $0x4  }
0xe4: {  	(v2sf) =	vpush v1, $0x0  }
0xe5: {  	(v2sf) =	vpush v1, $0x1  }
0xe6: {  	(v2sf) =	vpush v1, $0x2;
	_ =	sdelay $0x3  }
0xe7: {  	s0 =	sadd.s32 $0xF0, s22  }
0xe8: {  	s2 =	ssub.s32 $0x4E200, s22;
	p1 =	slt.s32 s8, s0  }
0xe9: {  	s0 =	smov.u32 @p1 s8;
	p1 =	sgt.s32 s2, $0x0  }
0xea: {  	s26 =	ssub.s32 s0, s22;
	s2 =	simm.s32 @!p1 $0x0  }
0xeb: {  	p1 =	slt.s32 s2, s26  }
0xec: {  	s26 =	smov.u32 @p1 s2  }
0xed: {  	s25 =	simm.s32 $0x1;
	p1 =	slt.s32 s26, $0x1  }
.Ltmp12:
0xee: {  	s25 =	simm.s32 @!p0 $0x0;
	(pc) =	sbr.rel @p1 .LBB3_8-.Ltmp12, $4  }
0xef: {  	s31 =	smul.u32 $0x3C0, s25  }
0xf0: {  	s28 =	spop (v2sf)  }
0xf1: {  	s0 =	sshrl.u32 s31, $0x2;
	s30 =	spop (v2sf)  }
0xf2: {  	s23 =	sadd.s32 $0x10518, s0;
	s22 =	spop (v2sf)  }
0xf3: {  	s0 =	smin.u32 s26, $0x10  }
0xf4: {  	v1 =	vmov s0  }
0xf5: {  	p2 =	sgt.s32 s26, $0x10;
	vm1 =	vgt.u32 v1, v0  }
.Ltmp13:
0xf6: {  	_ = 	snop;
	(pc) =	sbr.rel @!p2 .LBB3_7-.Ltmp13, $2  }
0xf7: {  	_ =	sdelay $0x2  }
0xf8: {  	s4 =	simm.s32 $0x10;
	s24 =	sadd.s32 $0xFFFFFFF0, s26;
	s0 =	smov.u32 s23;
	vm0 =	vmmov vm1  }
.LBB3_6:
0xf9: {  	s2 =	smin.u32 s24, $0x10;
	s4 =	sadd.s32 $0x10, s4;
	v1 =	vld.msk [tilespmem:s0+$0x0 ss:$0x1], vm1  }
0xfa: {  	v2 =	vmov s2;
	p2 =	slt.s32 s4, s26  }
0xfb: {  	vm1 =	vgt.u32 v2, v0  }
.Ltmp14:
0xfc: {  	(pc) =	sbr.rel @p2 .LBB3_6-.Ltmp14, $3  }
0xfd: {  	_ =	sdelay $0x1  }
0xfe: {  	v1 =	vshll.u32 v1, $0x4  }
0xff: {  	s24 =	sadd.s32 $0xFFFFFFF0, s24;
	[tilespmem:s0+$0x0] =	vst.msk vm0, v1;
	s0 =	sadd.s32 $0x10, s0;
	vm0 =	vmmov vm1  }
.LBB3_7:
0x100: {  	_ =	sdelay $0x4  }
0x101: {  	v1 =	vld.msk [tilespmem:s0+$0x0 ss:$0x1], vm1;
	_ =	sdelay $0x4  }
0x102: {  	v1 =	vshll.u32 v1, $0x4  }
0x103: {  	[tilespmem:s0+$0x0] =	vst.msk vm0, v1  }
.LBB3_8:
0x104: {  	s0 =	sand.u32 $0x1, s21  }
0x105: {  	s0 =	smul.u32 $0xF0, s0  }
0x106: {  	p2 =	sne.s32 s30, $0xFFFFFFFF  }
0x107: {  	v1 =	vld.msk @!p2 [tilespmem:s0+$0x10518], $0x1;
	_ =	sdelay $0x4  }
0x108: {  	(v2sf) =	vpush @!p2 v1, $0x0;
	_ =	sdelay $0xc  }
.Ltmp15:
0x109: {  	_ = 	snop;
	(pc) =	sbr.rel @p1 .LBB3_19-.Ltmp15, $4  }
0x10a: {  	_ = 	snop  }
0x10b: {  	s29 =	spop @!p2 (v2sf)  }
0x10c: {  	s22 =	simm.s32 @!p2 $0x0;
	s24 =	smov.u32 s29  }
0x10d: {  	[sflag:s18] =	ssyncpa.u1 $0x0;
	s29 =	smov.u32 @p2 s28;
	s24 =	smov.u32 @p2 s30  }
0x10e: {  	v1 =	vld.msk [tilespmem:s23+$0x0], $0x1;
	_ =	sdelay $0x4  }
0x10f: {  	(v2sf) =	vpush v1, $0x0;
	_ =	sdelay $0xe  }
0x110: {  	s2 =	smul.u32 $0x1E000, s25;
	s0 =	spop (v2sf)  }
0x111: {  	s26 =	ssub.s32 $0x0, s26;
	p1 =	seq.s32 s29, s0  }
0x112: {  	s30 =	sadd.s32 $0x1, s26;
	s2 =	sshrl.u32 s2, $0x2;
	p2 =	sgt.s32 @!p1 s29, $0x0  }
0x113: {  	s25 =	sor.u32 $0x10738, s2;
	s2 =	smov.u32 s29;
	p2 =	por !p2, p1  }
0x114: {  	s2 =	simm.s32 @p2 $0x0;
	p2 =	seq.s32 s30, $0x0  }
.Ltmp16:
0x115: {  	_ = 	snop;
	(pc) =	sbr.rel @p2 .LBB3_11-.Ltmp16, $4  }
0x116: {  	_ = 	snop  }
0x117: {  	s28 =	simm.s32 $0x0;
	s31 =	sadd.s32 $0x1, s23;
	s2 =	smin.u32 @!p1 s2, $0x270F0  }
0x118: {  	s4 =	simm.s32 @!p1 $0x1;
	s5 =	simm.s32 @!p1 $0x7988;
	s3 =	sand.u32 @!p1 $0x3FFF8, s2  }
0x119: {  	s4 =	smov.u32 @p1 s28;
	s2 =	sand.u32 @!p1 $0x7, s2;
	s3 =	sadd.s32 @!p1 s1, s3  }
.LBB3_10:
0x11a: {  	s6 =	smov.u32 s4  }
0x11b: {  	[tilespmem:s5], [sflag:$0x2] =	stream.linear.gather @!p1 [hbm4b:s3+s2], $0x80, $0x38;
	[tilespmem:$0x1F6F8] =	vst v63  }
0x11c: {  	s30 =	sadd.s32 $0x1, s30;
	s2 =	smov.u32 s0;
	v1 =	vld.msk [tilespmem:s31+$0x0], $0x1  }
0x11d: {  	p2 =	seq.s32 s30, $0x0;
	_ =	sdelay $0x3  }
0x11e: {  	(v2sf) =	vpush v1, $0x0;
	_ =	sdelay $0xe  }
0x11f: {  	s0 =	spop (v2sf)  }
0x120: {  	p1 =	seq.s32 s2, s0  }
0x121: {  	p3 =	sgt.s32 @!p1 s2, $0x0;
	s3 =	sshll.u32 @!p1 s4, $0x9;
	s4 =	sadd.s32 @!p1 $0x1, s4  }
.Ltmp17:
0x122: {  	p3 =	por !p3, p1;
	s3 =	sshra.s32 @!p1 s3, $0x2;
	(pc) =	sbr.rel @!p2 .LBB3_10-.Ltmp17, $4  }
0x123: {  	s4 =	smov.u32 @p1 s6;
	s2 =	simm.s32 @p3 $0x0;
	s5 =	sadd.s32 @!p1 $0x7988, s3  }
0x124: {  	s2 =	smin.u32 @!p1 s2, $0x270F0  }
0x125: {  	s3 =	sand.u32 @!p1 $0x3FFF8, s2;
	s2 =	sand.u32 @!p1 $0x7, s2  }
0x126: {  	s31 =	sadd.s32 $0x1, s31;
	s3 =	sadd.s32 @!p1 s1, s3  }
.LBB3_11:
0x127: {  	[tilespmem:s5], [sflag:$0x2] =	stream.linear.gather @!p1 [hbm4b:s3+s2], $0x80, $0x38;
	[tilespmem:$0x1F6F8] =	vst v63  }
.Ltmp18:
0x128: {  	s0 =	sshll.u32 s4, $0x7;
	(pc) =	sbr.rel .LBB3_12-.Ltmp18, $4  }
0x129: {  	s30 =	simm.s32 $0x2;
	s0 =	sand.u32 $0x3FFFFF80, s0  }
0x12a: {  	_ =	swait.ge [sflag:s30], s0  }
0x12b: {  	s0 =	ssub.s32 $0x0, s0;
	[sflag:s30] =	ssyncset.done $0x0  }
0x12c: {  	s31 =	simm.s32 $0x0;
	[sflag:s30] =	ssyncadd.s32 s0  }
.LBB3_13:
0x12d: {  	v1 =	vld [tilespmem:s25+$0xFFFFFFC0];
	_ =	sdelay $0x3  }
0x12e: {  	s0 =	sshra.s32 s0, $0x2  }
0x12f: {  	[tilespmem:s0+$0x108] =	vst.add.f32.msk $0xffff, v1  }
0x130: {  	v1 =	vld [tilespmem:s25+$0xFFFFFFD0];
	_ =	sdelay $0x4  }
0x131: {  	[tilespmem:s0+$0x118] =	vst.add.f32.msk $0xffff, v1  }
0x132: {  	v1 =	vld [tilespmem:s25+$0xFFFFFFE0];
	_ =	sdelay $0x4  }
0x133: {  	[tilespmem:s0+$0x128] =	vst.add.f32.msk $0xffff, v1  }
0x134: {  	v1 =	vld [tilespmem:s25+$0xFFFFFFF0];
	_ =	sdelay $0x4  }
0x135: {  	[tilespmem:s0+$0x138] =	vst.add.f32.msk $0xffff, v1  }
0x136: {  	v1 =	vld [tilespmem:s25+$0x0];
	_ =	sdelay $0x4  }
0x137: {  	[tilespmem:s0+$0x148] =	vst.add.f32.msk $0xffff, v1  }
0x138: {  	v1 =	vld [tilespmem:s25+$0x10];
	_ =	sdelay $0x4  }
0x139: {  	[tilespmem:s0+$0x158] =	vst.add.f32.msk $0xffff, v1  }
0x13a: {  	v1 =	vld [tilespmem:s25+$0x20];
	_ =	sdelay $0x4  }
0x13b: {  	[tilespmem:s0+$0x168] =	vst.add.f32.msk $0xffff, v1  }
0x13c: {  	v1 =	vld [tilespmem:s25+$0x30];
	_ =	sdelay $0x4  }
0x13d: {  	[tilespmem:s0+$0x178] =	vst.add.f32.msk $0xffff, v1  }
.LBB3_17:
0x13e: {  	s26 =	sadd.s32 $0x1, s26  }
0x13f: {  	p1 =	seq.s32 s26, $0x0  }
.Ltmp19:
0x140: {  	_ = 	snop;
	(pc) =	sbr.rel @p1 .LBB3_18-.Ltmp19, $2  }
0x141: {  	_ =	sdelay $0x2  }
0x142: {  	s23 =	sadd.s32 $0x1, s23;
	s25 =	sadd.s32 $0x80, s25;
	s29 =	smov.u32 s30  }
.LBB3_12:
0x143: {  	v1 =	vld.msk [tilespmem:s23+$0x0], $0x1;
	_ =	sdelay $0x4  }
0x144: {  	(v2sf) =	vpush v1, $0x0;
	_ =	sdelay $0xe  }
0x145: {  	s30 =	spop (v2sf)  }
0x146: {  	p1 =	sne.s32 s29, s30  }
.Ltmp20:
0x147: {  	_ = 	snop;
	(pc) =	sbr.rel @!p1 .LBB3_13-.Ltmp20, $2  }
0x148: {  	_ =	sdelay $0x2  }
0x149: {  	s0 =	sshll.u32 s22, $0x9  }
0x14a: {  	p1 =	seq.s32 s29, s24  }
.Ltmp21:
0x14b: {  	_ = 	snop;
	(pc) =	sbr.rel @!p1 .LBB3_15-.Ltmp21, $1  }
0x14c: {  	_ =	sdelay $0x3  }
0x14d: {  	s0 =	sshra.s32 s0, $0x2  }
.Ltmp22:
0x14e: {  	s0 =	sadd.s32 $0x108, s0;
	(pc) =	sbr.rel .LBB3_16-.Ltmp22, $4  }
0x14f: {  	[spmem:s16] =	stream.linear.scatter [tilespmem:s0], [sflag:$0x1], $0x80, $0x38;
	[tilespmem:$0x1F6F8] =	vst v63  }
0x150: {  	_ =	swait.ge [sflag:s12], $0x80  }
0x151: {  	[sflag:s12] =	ssyncset.done $0x0  }
0x152: {  	[sflag:s12] =	ssyncadd.s32 $0xFFFFFF80  }
.LBB3_15:
0x153: {  	s2 =	sshll.u32 s28, $0x9  }
0x154: {  	s2 =	sshra.s32 s2, $0x2  }
0x155: {  	v1 =	vld [tilespmem:s2+$0x7988];
	_ =	sdelay $0x3  }
0x156: {  	s0 =	sshra.s32 s0, $0x2  }
0x157: {  	[tilespmem:s0+$0x108] =	vst.add.f32.msk $0xffff, v1  }
0x158: {  	v1 =	vld [tilespmem:s2+$0x7998];
	_ =	sdelay $0x4  }
0x159: {  	[tilespmem:s0+$0x118] =	vst.add.f32.msk $0xffff, v1  }
0x15a: {  	v1 =	vld [tilespmem:s2+$0x79A8];
	_ =	sdelay $0x4  }
0x15b: {  	[tilespmem:s0+$0x128] =	vst.add.f32.msk $0xffff, v1  }
0x15c: {  	v1 =	vld [tilespmem:s2+$0x79B8];
	_ =	sdelay $0x4  }
0x15d: {  	[tilespmem:s0+$0x138] =	vst.add.f32.msk $0xffff, v1  }
0x15e: {  	v1 =	vld [tilespmem:s2+$0x79C8];
	_ =	sdelay $0x4  }
0x15f: {  	[tilespmem:s0+$0x148] =	vst.add.f32.msk $0xffff, v1  }
0x160: {  	v1 =	vld [tilespmem:s2+$0x79D8];
	_ =	sdelay $0x4  }
0x161: {  	[tilespmem:s0+$0x158] =	vst.add.f32.msk $0xffff, v1  }
0x162: {  	v1 =	vld [tilespmem:s2+$0x79E8];
	_ =	sdelay $0x4  }
0x163: {  	[tilespmem:s0+$0x168] =	vst.add.f32.msk $0xffff, v1  }
0x164: {  	v1 =	vld [tilespmem:s2+$0x79F8];
	_ =	sdelay $0x2  }
0x165: {  	p1 =	sgt.u32 s29, $0x270F0  }
0x166: {  	s2 =	sand.u32 @!p1 $0x3FFF8, s29  }
0x167: {  	s3 =	sadd.s32 $0x108, s0;
	[tilespmem:s0+$0x178] =	vst.add.f32.msk $0xffff, v1;
	s0 =	sadd.s32 @!p1 s1, s2;
	s2 =	sand.u32 @!p1 $0x7, s29  }
0x168: {  	[hbm4b:s0+s2] =	stream.linear.scatter @!p1 [tilespmem:s3], [sflag:$0xC], $0x80, $0x38;
	[tilespmem:$0x1F6F8] =	vst v63  }
0x169: {  	s0 =	simm.s32 $0x0  }
0x16a: {  	s0 =	simm.s32 @!p1 $0x200  }
0x16b: {  	s31 =	sadd.s32 s0, s31  }
.LBB3_16:
0x16c: {  	s0 =	sadd.s32 $0x1, s22  }
0x16d: {  	s2 =	smulhi.u32 $0x88888889, s0;
	_ =	sdelay $0x1  }
0x16e: {  	v1 =	vld [tilespmem:s25+$0xFFFFFFC0];
	s2 =	sshrl.u32 s2, $0x7  }
0x16f: {  	s2 =	smul.u32 $0xF0, s2;
	_ =	sdelay $0x1  }
0x170: {  	s22 =	ssub.s32 s0, s2  }
0x171: {  	s0 =	sshll.u32 s22, $0x7  }
0x172: {  	[tilespmem:s0+$0x108] =	vst v1  }
0x173: {  	v1 =	vld [tilespmem:s25+$0xFFFFFFD0];
	_ =	sdelay $0x4  }
0x174: {  	[tilespmem:s0+$0x118] =	vst v1  }
0x175: {  	v1 =	vld [tilespmem:s25+$0xFFFFFFE0];
	_ =	sdelay $0x4  }
0x176: {  	[tilespmem:s0+$0x128] =	vst v1  }
0x177: {  	v1 =	vld [tilespmem:s25+$0xFFFFFFF0];
	_ =	sdelay $0x4  }
0x178: {  	[tilespmem:s0+$0x138] =	vst v1  }
0x179: {  	v1 =	vld [tilespmem:s25+$0x0];
	_ =	sdelay $0x4  }
0x17a: {  	[tilespmem:s0+$0x148] =	vst v1  }
0x17b: {  	v1 =	vld [tilespmem:s25+$0x10];
	_ =	sdelay $0x4  }
0x17c: {  	[tilespmem:s0+$0x158] =	vst v1  }
0x17d: {  	v1 =	vld [tilespmem:s25+$0x20];
	_ =	sdelay $0x4  }
0x17e: {  	[tilespmem:s0+$0x168] =	vst v1  }
0x17f: {  	v1 =	vld [tilespmem:s25+$0x30]  }
.Ltmp23:
0x180: {  	_ = 	snop;
	(pc) =	sbr.rel .LBB3_17-.Ltmp23, $2  }
0x181: {  	_ =	sdelay $0x2  }
0x182: {  	s28 =	sadd.s32 $0x1, s28;
	[tilespmem:s0+$0x178] =	vst v1  }
.LBB3_19:
.Ltmp24:
0x183: {  	(pc) =	sbr.rel .LBB3_20-.Ltmp24, $4  }
0x184: {  	_ = 	snop  }
0x185: {  	s0 =	simm.s32 $0x2  }
0x186: {  	_ =	swait.ge [sflag:s0], $0x0  }
0x187: {  	s30 =	smov.u32 s29;
	[sflag:s0] =	ssyncset.done $0x0;
	s0 =	simm.s32 $0x0  }
.LBB3_22:
0x188: {  	_ =	sfence.sel $0x180000  }
0x189: {  	s0 =	simm.s32 $0x9;
	[bflag:$0x0] =	sbarrier.arrive $0xFFFF  }
0x18a: {  	s24 =	simm.s32 $0xA;
	[sflag:s0] =	ssyncpa.u1 $0x1  }
0x18b: {  	s25 =	simm.s32 $0xB;
	[sflag:s24] =	ssyncpa.u1 $0x1  }
0x18c: {  	s26 =	simm.s32 $0x2;
	[sflag:s25] =	ssyncpa.u1 $0x1  }
0x18d: {  	[sflag:s26] =	ssyncpa.u1 $0x1  }
0x18e: {  	v0 =	vld [tilespmem:$0xF208];
	_ =	sdelay $0x4  }
0x18f: {  	(v2sf) =	vpush v0, $0x0  }
0x190: {  	(v2sf) =	vpush v0, $0x1;
	_ =	sdelay $0x1  }
0x191: {  	(v2sf) =	vpush v0, $0x2;
	_ =	sdelay $0xb  }
0x192: {  	s0 =	spop (v2sf)  }
0x193: {  	s2 =	spop (v2sf)  }
0x194: {  	s3 =	smov.u32 s0;
	p0 =	sne.s32 s0, s2  }
0x195: {  	s4 =	spop (v2sf);
	s3 =	simm.s32 @!p0 $0xFFFFFFFF  }
0x196: {  	v2 =	vimm.s32 $0x1;
	v3 =	vlaneseq.u32;
	p0 =	seq.s32 s4, $0xFFFFFFFF;
	v1 =	vmov s3  }
0x197: {  	s16 =	stileid.u32;
	v0 =	vperm.xlane v0, v2;
	p1 =	sne.s32 @!p0 s0, s2;
	v1 =	vperm.xlane v1, v3  }
0x198: {  	vm0 =	vcmask $0x3F04;
	s6 =	simm.s32 $0xF208;
	s0 =	simm.s32 @!p0 $0x1;
	p1 =	por !p1, p0  }
0x199: {  	s3 =	sshll.u32 s16, $0x1;
	s2 =	sshll.u32 @!p0 s4, $0x9;
	s0 =	simm.s32 @p1 $0x0;
	v0 =	vsel vm0, v1, v0  }
0x19a: {  	s5 =	sor.u32 $0x1000, s3;
	s2 =	sshra.s32 @!p0 s2, $0x2;
	s0 =	sor.u32 @!p0 s0, s3;
	[tilespmem:$0xF208] =	vst v0  }
0x19b: {  	[spmem:s5] =	stream.linear.scatter [tilespmem:s6], [sflag:$0x1], $0x2, $0x38;
	[tilespmem:$0x1F6F8] =	vst v63  }
0x19c: {  	s2 =	sadd.s32 @!p0 $0x108, s2;
	s0 =	sshll.u32 @!p0 s0, $0x7  }
0x19d: {  	[spmem:s0] =	stream.linear.scatter @!p0 [tilespmem:s2], [sflag:$0x1], $0x80, $0x38;
	[tilespmem:$0x1F6F8] =	vst v63  }
0x19e: {  	s0 =	simm.s32 @!p0 $0x82  }
0x19f: {  	s28 =	simm.s32 $0x1;
	s0 =	simm.s32 @p0 $0x2  }
0x1a0: {  	_ =	swait.ge [sflag:s28], s0  }
0x1a1: {  	s0 =	ssub.s32 $0x0, s0;
	[sflag:s28] =	ssyncset.done $0x0  }
0x1a2: {  	p0 =	sne.s32 s16, $0x0;
	[sflag:s28] =	ssyncadd.s32 s0  }
.Ltmp25:
0x1a3: {  	_ =	sfence.stream.spmem;
	(pc) =	sbr.rel @p0 .LBB3_39-.Ltmp25, $4  }
0x1a4: {  	s29 =	simm.s32 $0x3;
	[bflag:$0x0] =	sbarrier.arrive $0xFFFF  }
0x1a5: {  	s30 =	simm.s32 $0x4;
	[sflag:s29] =	ssyncpa.u1 $0x1  }
0x1a6: {  	s31 =	simm.s32 $0x3C;
	[sflag:s30] =	ssyncpa.u1 $0x1  }
0x1a7: {  	s15 =	rddreg [dreg:$0x7];
	[sflag:s31] =	ssyncpa.u1 $0x1  }
0x1a8: {  	_ =	sfence.stream.spmem;
	s0 =	simm.s32 $0x5  }
0x1a9: {  	s2 =	simm.s32 $0x1000;
	s3 =	simm.s32 $0xF218;
	[sflag:s0] =	ssyncpa.u1 $0x0  }
0x1aa: {  	[tilespmem:s3], [sflag:$0x5] =	stream.linear.gather [spmem:s2], $0x20, $0x38;
	[tilespmem:$0x1F6F8] =	vst v63  }
0x1ab: {  	s26 =	simm.s32 $0x0;
	s28 =	simm.s32 $0xF238  }
0x1ac: {  	[tilespmem:s28], [sflag:$0x5] =	stream.linear.gather [spmem:s26], $0x1000, $0x38;
	[tilespmem:$0x1F6F8] =	vst v63  }
0x1ad: {  	_ =	swait.ge [sflag:s0], $0x1020  }
0x1ae: {  	[sflag:s0] =	ssyncset.done $0x0  }
0x1af: {  	s29 =	simm.s32 $0x0;
	[sflag:s0] =	ssyncadd.s32 $0xFFFFEFE0  }
0x1b0: {  	v0 =	vld.msk [tilespmem:s29+$0xF218], $0x1;
	_ =	sdelay $0x1  }
0x1b1: {  	s30 =	simm.s32 $0x1  }
0x1b2: {  	v1 =	vld.msk [tilespmem:s30+$0xF218], $0x1;
	_ =	sdelay $0x1  }
0x1b3: {  	(v2sf) =	vpush v0, $0x0;
	_ =	sdelay $0x2  }
0x1b4: {  	(v2sf) =	vpush v1, $0x0;
	_ =	sdelay $0x2  }
0x1b5: {  	s31 =	simm.s32 $0x2  }
0x1b6: {  	v0 =	vld.msk [tilespmem:s31+$0xF218], $0x1;
	_ =	sdelay $0x2  }
0x1b7: {  	s4 =	simm.s32 $0xFFFFFFFF;
	s5 =	simm.s32 $0xFFFFFFFF;
	s0 =	simm.s32 $0xC  }
.LBB3_24:
0x1b8: {  	s2 =	smov.u32 s5;
	s3 =	smov.u32 s4  }
0x1b9: {  	s4 =	sshra.s32 s0, $0x2;
	p1 =	sne.s32 s0, $0x7C;
	s0 =	sadd.s32 $0x4, s0;
	(v2sf) =	vpush v0, $0x0  }
0x1ba: {  	v0 =	vld.msk [tilespmem:s4+$0xF218], $0x1  }
.Ltmp26:
0x1bb: {  	(pc) =	sbr.rel @p1 .LBB3_24-.Ltmp26, $4  }
0x1bc: {  	s5 =	spop (v2sf)  }
0x1bd: {  	p2 =	sne.s32 s3, $0xFFFFFFFF;
	s4 =	smov.u32 s5  }
0x1be: {  	p3 =	seq.s32 s5, $0xFFFFFFFF;
	s4 =	smov.u32 @p2 s3  }
0x1bf: {  	s5 =	smov.u32 @p3 s2;
	s4 =	smov.u32 @p3 s3  }
0x1c0: {  	(v2sf) =	vpush v0, $0x0;
	_ =	sdelay $0x8  }
0x1c1: {  	s0 =	spop (v2sf)  }
0x1c2: {  	p1 =	sne.s32 s4, $0xFFFFFFFF;
	s2 =	smov.u32 s0  }
0x1c3: {  	s9 =	simm.s32 $0x6;
	p2 =	seq.s32 s0, $0xFFFFFFFF;
	s2 =	smov.u32 @p1 s4  }
0x1c4: {  	s6 =	simm.s32 $0x0;
	s2 =	smov.u32 @p2 s4;
	s3 =	spop (v2sf)  }
0x1c5: {  	s0 =	smov.u32 @p2 s5;
	p1 =	sne.s32 s2, $0xFFFFFFFF;
	s4 =	smov.u32 s3  }
.Ltmp27:
0x1c6: {  	p2 =	seq.s32 s3, $0xFFFFFFFF;
	s4 =	smov.u32 @p1 s2;
	(pc) =	sbr.rel .LBB3_26-.Ltmp27, $4  }
0x1c7: {  	s10 =	simm.s32 $0xF188;
	s4 =	smov.u32 @p2 s2;
	s7 =	spop (v2sf)  }
0x1c8: {  	s11 =	simm.s32 $0x0;
	p1 =	sne.s32 s4, $0xFFFFFFFF;
	s8 =	smov.u32 s7  }
0x1c9: {  	s3 =	smov.u32 @p2 s0;
	p2 =	seq.s32 s7, $0xFFFFFFFF;
	s8 =	smov.u32 @p1 s4  }
0x1ca: {  	[sflag:s9] =	ssyncpa.u1 $0x0;
	s7 =	smov.u32 @p2 s3;
	s8 =	smov.u32 @p2 s4  }
.LBB3_32:
0x1cb: {  	p1 =	sgt.u32 s12, $0x270F0  }
0x1cc: {  	p2 =	seq.s32 @!p1 s12, s8  }
0x1cd: {  	p1 =	por p1, p2  }
0x1ce: {  	p2 =	sne.s32 @!p1 s12, s7  }
0x1cf: {  	p1 =	por p1, !p2  }
0x1d0: {  	s0 =	sshll.u32 @p1 s11, $0x9  }
0x1d1: {  	s0 =	sand.u32 @!p1 $0x3FFF8, s12  }
0x1d2: {  	s2 =	sand.u32 @!p1 $0x7, s12;
	s0 =	sadd.s32 @!p1 s1, s0  }
0x1d3: {  	[tilespmem:s10], [sflag:$0x6] =	stream.linear.gather @!p1 [hbm4b:s0+s2], $0x80, $0x38;
	[tilespmem:$0x1F6F8] =	vst v63  }
0x1d4: {  	_ =	swait.ge @!p1 [sflag:s9], $0x80  }
0x1d5: {  	[sflag:s9] =	ssyncset.done @!p1 $0x0  }
0x1d6: {  	[sflag:s9] =	ssyncadd.s32 @!p1 $0xFFFFFF80  }
0x1d7: {  	v1 =	vld @!p1 [tilespmem:$0xF188];
	_ =	sdelay $0x2  }
0x1d8: {  	s0 =	sshll.u32 @!p1 s11, $0x9  }
0x1d9: {  	s2 =	sshrl.u32 @!p1 s0, $0x2  }
0x1da: {  	[tilespmem:s2+$0xF238] =	vst.add.f32.msk @!p1 $0xffff, v1  }
0x1db: {  	v1 =	vld @!p1 [tilespmem:$0xF198];
	_ =	sdelay $0x4  }
0x1dc: {  	[tilespmem:s2+$0xF248] =	vst.add.f32.msk @!p1 $0xffff, v1  }
0x1dd: {  	v1 =	vld @!p1 [tilespmem:$0xF1A8];
	_ =	sdelay $0x4  }
0x1de: {  	[tilespmem:s2+$0xF258] =	vst.add.f32.msk @!p1 $0xffff, v1  }
0x1df: {  	v1 =	vld @!p1 [tilespmem:$0xF1B8];
	_ =	sdelay $0x4  }
0x1e0: {  	[tilespmem:s2+$0xF268] =	vst.add.f32.msk @!p1 $0xffff, v1  }
0x1e1: {  	v1 =	vld @!p1 [tilespmem:$0xF1C8];
	_ =	sdelay $0x4  }
0x1e2: {  	[tilespmem:s2+$0xF278] =	vst.add.f32.msk @!p1 $0xffff, v1  }
0x1e3: {  	v1 =	vld @!p1 [tilespmem:$0xF1D8];
	_ =	sdelay $0x4  }
0x1e4: {  	[tilespmem:s2+$0xF288] =	vst.add.f32.msk @!p1 $0xffff, v1  }
0x1e5: {  	v1 =	vld @!p1 [tilespmem:$0xF1E8];
	_ =	sdelay $0x4  }
0x1e6: {  	[tilespmem:s2+$0xF298] =	vst.add.f32.msk @!p1 $0xffff, v1  }
0x1e7: {  	v1 =	vld @!p1 [tilespmem:$0xF1F8];
	_ =	sdelay $0x4  }
0x1e8: {  	[tilespmem:s2+$0xF2A8] =	vst.add.f32.msk @!p1 $0xffff, v1  }
0x1e9: {  	s0 =	sshrl.u32 s0, $0x2;
	[tilespmem:s6+$0xF218] =	vst.msk $0x1, v0  }
0x1ea: {  	v0 =	vld [tilespmem:s0+$0xF238];
	_ =	sdelay $0x2  }
0x1eb: {  	s31 =	sshll.u32 s6, $0x9  }
0x1ec: {  	s2 =	sshra.s32 s31, $0x2  }
0x1ed: {  	[tilespmem:s2+$0xF238] =	vst v0  }
0x1ee: {  	v0 =	vld [tilespmem:s0+$0xF248];
	_ =	sdelay $0x4  }
0x1ef: {  	[tilespmem:s2+$0xF248] =	vst v0  }
0x1f0: {  	v0 =	vld [tilespmem:s0+$0xF258];
	_ =	sdelay $0x4  }
0x1f1: {  	[tilespmem:s2+$0xF258] =	vst v0  }
0x1f2: {  	v0 =	vld [tilespmem:s0+$0xF268];
	_ =	sdelay $0x4  }
0x1f3: {  	[tilespmem:s2+$0xF268] =	vst v0  }
0x1f4: {  	v0 =	vld [tilespmem:s0+$0xF278];
	_ =	sdelay $0x4  }
0x1f5: {  	[tilespmem:s2+$0xF278] =	vst v0  }
0x1f6: {  	v0 =	vld [tilespmem:s0+$0xF288];
	_ =	sdelay $0x4  }
0x1f7: {  	[tilespmem:s2+$0xF288] =	vst v0  }
0x1f8: {  	v0 =	vld [tilespmem:s0+$0xF298];
	_ =	sdelay $0x4  }
0x1f9: {  	[tilespmem:s2+$0xF298] =	vst v0  }
0x1fa: {  	v0 =	vld [tilespmem:s0+$0xF2A8];
	_ =	sdelay $0x4  }
0x1fb: {  	s6 =	sadd.s32 $0x1, s6;
	[tilespmem:s2+$0xF2A8] =	vst v0  }
.LBB3_33:
0x1fc: {  	s11 =	sadd.s32 $0x1, s11  }
0x1fd: {  	p1 =	sne.s32 s11, $0x20  }
.Ltmp28:
0x1fe: {  	_ = 	snop;
	(pc) =	sbr.rel @!p1 .LBB3_34-.Ltmp28, $1  }
0x1ff: {  	_ =	sdelay $0x3  }
.LBB3_26:
0x200: {  	v0 =	vld.msk [tilespmem:s11+$0xF218], $0x1;
	_ =	sdelay $0x4  }
0x201: {  	(v2sf) =	vpush v0, $0x0;
	_ =	sdelay $0xe  }
0x202: {  	s12 =	spop (v2sf)  }
0x203: {  	p1 =	seq.s32 s12, $0xFFFFFFFF  }
.Ltmp29:
0x204: {  	_ = 	snop;
	(pc) =	sbr.rel @p1 .LBB3_33-.Ltmp29, $1  }
0x205: {  	_ =	sdelay $0x3  }
0x206: {  	p1 =	slt.s32 s6, $0x1  }
.Ltmp30:
0x207: {  	_ = 	snop;
	(pc) =	sbr.rel @p1 .LBB3_32-.Ltmp30, $1  }
0x208: {  	_ =	sdelay $0x3  }
0x209: {  	s13 =	simm.s32 $0xF218;
	p1 =	por $0x0, $0x0  }
0x20a: {  	v1 =	vld.msk @!p1 [tilespmem:s13+$0x0], $0x1;
	_ =	sdelay $0x4  }
0x20b: {  	(v2sf) =	vpush @!p1 v1, $0x0;
	_ =	sdelay $0xd  }
0x20c: {  	p3 =	sne.s32 s6, $0x1  }
.Ltmp31:
0x20d: {  	s0 =	spop @!p1 (v2sf);
	(pc) =	sbr.rel @!p3 .LBB3_30-.Ltmp31, $4  }
0x20e: {  	p2 =	seq.s32 @!p1 s12, s0  }
0x20f: {  	s14 =	simm.s32 $0x0;
	p2 =	por !p2, p1  }
0x210: {  	s2 =	simm.s32 $0xFFFFFFFF;
	s14 =	simm.s32 @p2 $0xFFFFFFFF  }
0x211: {  	s0 =	simm.s32 $0x1;
	s14 =	smov.u32 @p1 s2  }
.LBB3_29:
0x212: {  	s2 =	smov.u32 s14;
	p1 =	sne.s32 s14, $0xFFFFFFFF  }
0x213: {  	s13 =	sadd.s32 $0x1, s13;
	s14 =	smov.u32 s0;
	s0 =	sadd.s32 $0x1, s0  }
0x214: {  	p2 =	sne.s32 s6, s0;
	v1 =	vld.msk @!p1 [tilespmem:s13+$0x0], $0x1;
	_ =	sdelay $0x4  }
0x215: {  	(v2sf) =	vpush @!p1 v1, $0x0;
	_ =	sdelay $0xe  }
.Ltmp32:
0x216: {  	s3 =	spop @!p1 (v2sf);
	(pc) =	sbr.rel @p2 .LBB3_29-.Ltmp32, $4  }
0x217: {  	p3 =	seq.s32 @!p1 s12, s3  }
0x218: {  	p3 =	por !p3, p1  }
0x219: {  	s14 =	simm.s32 @p3 $0xFFFFFFFF  }
0x21a: {  	s14 =	smov.u32 @p1 s2  }
.LBB3_30:
0x21b: {  	p1 =	seq.s32 s14, $0xFFFFFFFF  }
.Ltmp33:
0x21c: {  	_ = 	snop;
	(pc) =	sbr.rel @p1 .LBB3_32-.Ltmp33, $1  }
0x21d: {  	_ =	sdelay $0x3  }
0x21e: {  	s0 =	sshll.u32 s11, $0x7  }
0x21f: {  	s0 =	sand.u32 $0x3FFFFF80, s0  }
0x220: {  	v0 =	vld [tilespmem:s0+$0xF238];
	_ =	sdelay $0x2  }
0x221: {  	s2 =	sshll.u32 s14, $0x9  }
0x222: {  	s2 =	sshra.s32 s2, $0x2  }
0x223: {  	[tilespmem:s2+$0xF238] =	vst.add.f32.msk $0xffff, v0  }
0x224: {  	v0 =	vld [tilespmem:s0+$0xF248];
	_ =	sdelay $0x4  }
0x225: {  	[tilespmem:s2+$0xF248] =	vst.add.f32.msk $0xffff, v0  }
0x226: {  	v0 =	vld [tilespmem:s0+$0xF258];
	_ =	sdelay $0x4  }
0x227: {  	[tilespmem:s2+$0xF258] =	vst.add.f32.msk $0xffff, v0  }
0x228: {  	v0 =	vld [tilespmem:s0+$0xF268];
	_ =	sdelay $0x4  }
0x229: {  	[tilespmem:s2+$0xF268] =	vst.add.f32.msk $0xffff, v0  }
0x22a: {  	v0 =	vld [tilespmem:s0+$0xF278];
	_ =	sdelay $0x4  }
0x22b: {  	[tilespmem:s2+$0xF278] =	vst.add.f32.msk $0xffff, v0  }
0x22c: {  	v0 =	vld [tilespmem:s0+$0xF288];
	_ =	sdelay $0x4  }
0x22d: {  	[tilespmem:s2+$0xF288] =	vst.add.f32.msk $0xffff, v0  }
0x22e: {  	v0 =	vld [tilespmem:s0+$0xF298];
	_ =	sdelay $0x4  }
0x22f: {  	[tilespmem:s2+$0xF298] =	vst.add.f32.msk $0xffff, v0  }
0x230: {  	v0 =	vld [tilespmem:s0+$0xF2A8]  }
.Ltmp34:
0x231: {  	_ = 	snop;
	(pc) =	sbr.rel .LBB3_33-.Ltmp34, $2  }
0x232: {  	_ =	sdelay $0x2  }
0x233: {  	[tilespmem:s2+$0xF2A8] =	vst.add.f32.msk $0xffff, v0  }
.LBB3_34:
0x234: {  	s0 =	simm.s32 $0x6;
	p1 =	seq.s32 s6, $0x0  }
0x235: {  	[sflag:s0] =	ssyncpa.u1 $0x1;
	v0 =	vimm.s32 @p1 $0xFFFFFFFF  }
0x236: {  	s9 =	sadd.s32 $0xFFFFFFFF, s6;
	[tilespmem:$0x10238] =	vst @p1 v0  }
0x237: {  	v0 =	vld.msk @!p1 [tilespmem:s9+$0xF218], $0x1;
	_ =	sdelay $0x1  }
0x238: {  	v1 =	vld.msk @!p1 [tilespmem:$0xF218], $0x1;
	_ =	sdelay $0x2  }
0x239: {  	p2 =	seq.s32 @!p1 s9, $0x0;
	v0 =	vbroadcast @!p1 v0, $0x0  }
0x23a: {  	vm0 =	vmmov @!p1 $0x1;
	p2 =	por !p2, p1  }
0x23b: {  	v1 =	vnsel @!p1 vm0, $0xFFFFFFFF, v1;
	vm0 =	vcmask @!p1 $0x308;
	v0 =	vpsel !p2, $0xFFFFFFFF, v0  }
0x23c: {  	p2 =	sne.s32 @!p1 s8, s7;
	v0 =	vsel @!p1 vm0, v1, v0  }
0x23d: {  	s0 =	simm.s32 @!p1 $0xF238;
	s2 =	simm.s32 @!p1 $0x0;
	p3 =	por !p2, p1;
	[tilespmem:$0x10238] =	vst @!p1 v0  }
0x23e: {  	[spmem:s2] =	stream.linear.scatter @!p1 [tilespmem:s0], [sflag:$0x1], $0x80, $0x38;
	[tilespmem:$0x1F6F8] =	vst v63  }
0x23f: {  	s0 =	sshll.u32 @!p3 s9, $0x9  }
0x240: {  	s0 =	sshra.s32 @!p3 s0, $0x2  }
0x241: {  	s2 =	simm.s32 @!p3 $0x80;
	s0 =	sadd.s32 @!p3 $0xF238, s0  }
0x242: {  	[spmem:s2] =	stream.linear.scatter @!p3 [tilespmem:s0], [sflag:$0x1], $0x80, $0x38;
	[tilespmem:$0x1F6F8] =	vst v63  }
0x243: {  	s0 =	simm.s32 @!p3 $0x1  }
0x244: {  	_ =	swait.ge @!p3 [sflag:s0], $0x100  }
0x245: {  	p1 =	por p2, p1;
	[sflag:s0] =	ssyncset.done @!p3 $0x0  }
0x246: {  	[sflag:s0] =	ssyncadd.s32 @!p3 $0xFFFFFF00;
	s0 =	simm.s32 @!p1 $0x1  }
0x247: {  	_ =	swait.ge @!p1 [sflag:s0], $0x80  }
0x248: {  	s29 =	simm.s32 $0x10238;
	[sflag:s0] =	ssyncset.done @!p1 $0x0  }
0x249: {  	s30 =	simm.s32 $0x1000;
	s31 =	simm.s32 $0x1;
	[sflag:s0] =	ssyncadd.s32 @!p1 $0xFFFFFF80  }
0x24a: {  	[spmem:s30] =	stream.linear.scatter [tilespmem:s29], [sflag:$0x1], $0x10, $0x38;
	[tilespmem:$0x1F6F8] =	vst v63  }
0x24b: {  	_ =	swait.ge [sflag:s31], $0x10  }
0x24c: {  	[sflag:s31] =	ssyncset.done $0x0  }
0x24d: {  	p1 =	seq.s32 s15, $0x0;
	s8 =	rddreg [dreg:$0x4];
	[sflag:s31] =	ssyncadd.s32 $0xFFFFFFF0  }
0x24e: {  	s2 =	sshll.u32 @p1 s8, $0xE;
	s7 =	rddreg [dreg:$0x5]  }
0x24f: {  	s0 =	sadd.s32 @p1 $0x15C3C, s2;
	s2 =	sshll.u32 @p1 s7, $0x11  }
0x250: {  	_ =	sfence.stream.spmem;
	s0 =	sor.u32 @p1 s2, s0  }
0x251: {  	[sflag:s0] =	ssyncadd.remote.s32 @p1 $0x1;
	s0 =	simm.s32 @p1 $0x4  }
0x252: {  	s3 =	simm.s32 @!p1 $0x3C;
	s2 =	sand.u32 $0xFFFFFFFE, s8;
	_ =	swait.ge @p1 [sflag:s0], $0x22  }
0x253: {  	s4 =	simm.s32 @!p1 $0x0;
	s2 =	sadd.s32 @!p1 $0x4, s2;
	[sflag:s0] =	ssyncset.done @p1 $0x0  }
0x254: {  	s5 =	simm.s32 @!p1 $0x100;
	[sflag:s0] =	ssyncadd.s32 @p1 $0xFFFFFFDE;
	s0 =	sshll.u32 @!p1 s2, $0x1A  }
0x255: {  	s2 =	sshll.u32 @!p1 s2, $0xD;
	s0 =	sor.u32 @!p1 s0, s7;
	_ =	swait.eq @!p1 [sflag:s3], $0x1  }
0x256: {  	s2 =	sor.u32 @!p1 $0x1C04, s2;
	s3 =	simm.s32 @!p1 $0x1C03;
	s0 =	sor.u32 @!p1 $0x80004000, s0  }
0x257: {  	[spmem:s5], [sflag:s2] =	dma.general @!p1 [spmem:s4], [sflag:s3], length:$0x20, [dreg:$0x0], stride_count:$0x0, ici_dest:s0, dma_misc:DstOpCode:WRITE  }
0x258: {  	p2 =	slt.s32 s9, $0x2;
	s4 =	simm.s32 @!p1 $0x200;
	s5 =	simm.s32 @!p1 $0x202  }
0x259: {  	[spmem:s5], [sflag:s2] =	dma.general @!p1 [spmem:s4], [sflag:s3], length:$0x2, [dreg:$0x0], stride_count:$0x0, ici_dest:s0, dma_misc:DstOpCode:WRITE  }
.Ltmp35:
0x25a: {  	s0 =	simm.s32 @!p1 $0x3;
	(pc) =	sbr.rel @p2 .LBB3_38-.Ltmp35, $4  }
0x25b: {  	s2 =	sshll.u32 @!p1 s8, $0xE;
	_ =	swait.ge @!p1 [sflag:s0], $0x22  }
0x25c: {  	s3 =	sshll.u32 @!p1 s7, $0x11;
	s2 =	sadd.s32 @!p1 $0x11C3C, s2;
	[sflag:s0] =	ssyncset.done @!p1 $0x0  }
0x25d: {  	[sflag:s0] =	ssyncadd.s32 @!p1 $0xFFFFFFDE;
	s0 =	sor.u32 @!p1 s3, s2  }
0x25e: {  	[sflag:s0] =	ssyncadd.remote.s32 @!p1 $0xFFFFFFFF;
	s0 =	simm.s32 $0x0  }
0x25f: {  	s0 =	simm.s32 $0xF219  }
0x260: {  	v0 =	vld.msk [tilespmem:s0+$0x0], $0x1;
	_ =	sdelay $0x4  }
0x261: {  	(v2sf) =	vpush v0, $0x0;
	_ =	sdelay $0xb  }
0x262: {  	s31 =	sadd.s32 $0xFFFFFFFE, s6  }
0x263: {  	s0 =	sadd.s32 $0xFFFFFFFF, s31  }
0x264: {  	p2 =	sne.s32 s0, $0x0  }
.Ltmp36:
0x265: {  	s2 =	spop (v2sf);
	(pc) =	sbr.rel @!p2 .LBB3_37-.Ltmp36, $4  }
0x266: {  	s4 =	simm.s32 $0xF2B8;
	s7 =	simm.s32 $0x0;
	p1 =	sgt.u32 s2, $0x270F0  }
0x267: {  	s5 =	simm.s32 $0x0;
	s6 =	simm.s32 $0xF21A;
	s3 =	sand.u32 @!p1 $0x3FFF8, s2  }
0x268: {  	s2 =	sand.u32 @!p1 $0x7, s2;
	s7 =	simm.s32 @!p1 $0x200;
	s3 =	sadd.s32 @!p1 s1, s3  }
0x269: {  	[hbm4b:s3+s2] =	stream.linear.scatter @!p1 [tilespmem:s4], [sflag:$0x5], $0x80, $0x38;
	[tilespmem:$0x1F6F8] =	vst v63  }
.LBB3_36:
0x26a: {  	v0 =	vld.msk [tilespmem:s6+$0x0], $0x1;
	s0 =	sadd.s32 $0xFFFFFFFF, s0;
	s5 =	sadd.s32 s5, s7  }
0x26b: {  	p1 =	sne.s32 s0, $0x0;
	_ =	sdelay $0x3  }
0x26c: {  	(v2sf) =	vpush v0, $0x0;
	_ =	sdelay $0xe  }
.Ltmp37:
0x26d: {  	s2 =	spop (v2sf);
	(pc) =	sbr.rel @p1 .LBB3_36-.Ltmp37, $4  }
0x26e: {  	s7 =	simm.s32 $0x0;
	p2 =	sgt.u32 s2, $0x270F0  }
0x26f: {  	s4 =	sadd.s32 $0x80, s4;
	s7 =	simm.s32 @!p2 $0x200;
	s3 =	sand.u32 @!p2 $0x3FFF8, s2  }
0x270: {  	s6 =	sadd.s32 $0x1, s6;
	s2 =	sand.u32 @!p2 $0x7, s2;
	s3 =	sadd.s32 @!p2 s1, s3  }
0x271: {  	[hbm4b:s3+s2] =	stream.linear.scatter @!p2 [tilespmem:s4], [sflag:$0x5], $0x80, $0x38;
	[tilespmem:$0x1F6F8] =	vst v63  }
.LBB3_37:
0x272: {  	s0 =	sadd.s32 s5, s7  }
0x273: {  	s0 =	sshrl.u32 s0, $0x2  }
.LBB3_38:
0x274: {  	s2 =	simm.s32 $0x5  }
0x275: {  	_ =	swait.ge [sflag:s2], s0  }
0x276: {  	s31 =	ssub.s32 $0x0, s0;
	[sflag:s2] =	ssyncset.done $0x0  }
0x277: {  	[sflag:s2] =	ssyncadd.s32 s31  }
0x278: {  	[sflag:s2] =	ssyncpa.u1 $0x1  }
.LBB3_39:
0x279: {  	s0 =	sor.u32 s15, s16  }
0x27a: {  	p1 =	sne.s32 s0, $0x0  }
.Ltmp38:
0x27b: {  	_ = 	snop;
	(pc) =	sbr.rel @p1 .LBB3_54-.Ltmp38, $3  }
0x27c: {  	_ =	sdelay $0x1  }
0x27d: {  	[bflag:$0x0] =	sbarrier.arrive $0xFFFF  }
0x27e: {  	_ =	sfence  }
0x27f: {  	s0 =	simm.s32 $0x7  }
0x280: {  	s2 =	simm.s32 $0x1000;
	s3 =	simm.s32 $0xF218;
	[sflag:s0] =	ssyncpa.u1 $0x0  }
0x281: {  	[tilespmem:s3], [sflag:$0x7] =	stream.linear.gather [spmem:s2], $0x20, $0x38;
	[tilespmem:$0x1F6F8] =	vst v63  }
0x282: {  	s30 =	simm.s32 $0xF238;
	s2 =	simm.s32 $0x0  }
0x283: {  	[tilespmem:s30], [sflag:$0x7] =	stream.linear.gather [spmem:s2], $0x1000, $0x38;
	[tilespmem:$0x1F6F8] =	vst v63  }
.Ltmp39:
0x284: {  	_ = 	snop;
	(pc) =	sbr.rel .LBB3_41-.Ltmp39, $4  }
0x285: {  	_ =	swait.ge [sflag:s0], $0x1020  }
0x286: {  	[sflag:s0] =	ssyncset.done $0x0  }
0x287: {  	s31 =	simm.s32 $0x8;
	[sflag:s0] =	ssyncadd.s32 $0xFFFFEFE0  }
0x288: {  	s3 =	simm.s32 $0x0;
	[sflag:s31] =	ssyncpa.u1 $0x0  }
.LBB3_47:
0x289: {  	p1 =	slt.u32 s4, $0x270F1  }
0x28a: {  	s0 =	sand.u32 @p1 $0x3FFF8, s4  }
0x28b: {  	s4 =	sand.u32 @p1 $0x7, s4;
	s5 =	simm.s32 @p1 $0xF188;
	s0 =	sadd.s32 @p1 s1, s0  }
0x28c: {  	[tilespmem:s5], [sflag:$0x8] =	stream.linear.gather @p1 [hbm4b:s0+s4], $0x80, $0x38;
	[tilespmem:$0x1F6F8] =	vst v63  }
0x28d: {  	s0 =	simm.s32 @p1 $0x8  }
0x28e: {  	_ =	swait.ge @p1 [sflag:s0], $0x80  }
0x28f: {  	[sflag:s0] =	ssyncset.done @p1 $0x0  }
0x290: {  	[sflag:s0] =	ssyncadd.s32 @p1 $0xFFFFFF80  }
0x291: {  	v1 =	vld @p1 [tilespmem:$0xF188];
	_ =	sdelay $0x2  }
0x292: {  	s0 =	sshll.u32 @p1 s3, $0x9  }
0x293: {  	s4 =	sshrl.u32 @p1 s0, $0x2  }
0x294: {  	[tilespmem:s4+$0xF238] =	vst.add.f32.msk @p1 $0xffff, v1  }
0x295: {  	v1 =	vld @p1 [tilespmem:$0xF198];
	_ =	sdelay $0x4  }
0x296: {  	[tilespmem:s4+$0xF248] =	vst.add.f32.msk @p1 $0xffff, v1  }
0x297: {  	v1 =	vld @p1 [tilespmem:$0xF1A8];
	_ =	sdelay $0x4  }
0x298: {  	[tilespmem:s4+$0xF258] =	vst.add.f32.msk @p1 $0xffff, v1  }
0x299: {  	v1 =	vld @p1 [tilespmem:$0xF1B8];
	_ =	sdelay $0x4  }
0x29a: {  	[tilespmem:s4+$0xF268] =	vst.add.f32.msk @p1 $0xffff, v1  }
0x29b: {  	v1 =	vld @p1 [tilespmem:$0xF1C8];
	_ =	sdelay $0x4  }
0x29c: {  	[tilespmem:s4+$0xF278] =	vst.add.f32.msk @p1 $0xffff, v1  }
0x29d: {  	v1 =	vld @p1 [tilespmem:$0xF1D8];
	_ =	sdelay $0x4  }
0x29e: {  	[tilespmem:s4+$0xF288] =	vst.add.f32.msk @p1 $0xffff, v1  }
0x29f: {  	v1 =	vld @p1 [tilespmem:$0xF1E8];
	_ =	sdelay $0x4  }
0x2a0: {  	[tilespmem:s4+$0xF298] =	vst.add.f32.msk @p1 $0xffff, v1  }
0x2a1: {  	v1 =	vld @p1 [tilespmem:$0xF1F8];
	_ =	sdelay $0x3  }
0x2a2: {  	s5 =	sshll.u32 @!p1 s3, $0x9  }
0x2a3: {  	s5 =	smov.u32 @p1 s0;
	[tilespmem:s4+$0xF2A8] =	vst.add.f32.msk @p1 $0xffff, v1  }
0x2a4: {  	s0 =	sshrl.u32 s5, $0x2;
	[tilespmem:s2+$0xF218] =	vst.msk $0x1, v0  }
0x2a5: {  	v0 =	vld [tilespmem:s0+$0xF238];
	_ =	sdelay $0x2  }
0x2a6: {  	s31 =	sshll.u32 s2, $0x9  }
0x2a7: {  	s4 =	sshra.s32 s31, $0x2  }
0x2a8: {  	[tilespmem:s4+$0xF238] =	vst v0  }
0x2a9: {  	v0 =	vld [tilespmem:s0+$0xF248];
	_ =	sdelay $0x4  }
0x2aa: {  	[tilespmem:s4+$0xF248] =	vst v0  }
0x2ab: {  	v0 =	vld [tilespmem:s0+$0xF258];
	_ =	sdelay $0x4  }
0x2ac: {  	[tilespmem:s4+$0xF258] =	vst v0  }
0x2ad: {  	v0 =	vld [tilespmem:s0+$0xF268];
	_ =	sdelay $0x4  }
0x2ae: {  	[tilespmem:s4+$0xF268] =	vst v0  }
0x2af: {  	v0 =	vld [tilespmem:s0+$0xF278];
	_ =	sdelay $0x4  }
0x2b0: {  	[tilespmem:s4+$0xF278] =	vst v0  }
0x2b1: {  	v0 =	vld [tilespmem:s0+$0xF288];
	_ =	sdelay $0x4  }
0x2b2: {  	[tilespmem:s4+$0xF288] =	vst v0  }
0x2b3: {  	v0 =	vld [tilespmem:s0+$0xF298];
	_ =	sdelay $0x4  }
0x2b4: {  	[tilespmem:s4+$0xF298] =	vst v0  }
0x2b5: {  	v0 =	vld [tilespmem:s0+$0xF2A8];
	_ =	sdelay $0x4  }
0x2b6: {  	s2 =	sadd.s32 $0x1, s2;
	[tilespmem:s4+$0xF2A8] =	vst v0  }
.LBB3_48:
0x2b7: {  	s3 =	sadd.s32 $0x1, s3  }
0x2b8: {  	p1 =	sne.s32 s3, $0x20  }
.Ltmp40:
0x2b9: {  	_ = 	snop;
	(pc) =	sbr.rel @!p1 .LBB3_49-.Ltmp40, $1  }
0x2ba: {  	_ =	sdelay $0x3  }
.LBB3_41:
0x2bb: {  	v0 =	vld.msk [tilespmem:s3+$0xF218], $0x1;
	_ =	sdelay $0x4  }
0x2bc: {  	(v2sf) =	vpush v0, $0x0;
	_ =	sdelay $0xe  }
0x2bd: {  	s4 =	spop (v2sf)  }
0x2be: {  	p1 =	seq.s32 s4, $0xFFFFFFFF  }
.Ltmp41:
0x2bf: {  	_ = 	snop;
	(pc) =	sbr.rel @p1 .LBB3_48-.Ltmp41, $1  }
0x2c0: {  	_ =	sdelay $0x3  }
0x2c1: {  	p1 =	slt.s32 s2, $0x1  }
.Ltmp42:
0x2c2: {  	_ = 	snop;
	(pc) =	sbr.rel @p1 .LBB3_47-.Ltmp42, $1  }
0x2c3: {  	_ =	sdelay $0x3  }
0x2c4: {  	s5 =	simm.s32 $0xF218;
	p1 =	por $0x0, $0x0  }
0x2c5: {  	v1 =	vld.msk @!p1 [tilespmem:s5+$0x0], $0x1;
	_ =	sdelay $0x4  }
0x2c6: {  	(v2sf) =	vpush @!p1 v1, $0x0;
	_ =	sdelay $0xd  }
0x2c7: {  	p3 =	sne.s32 s2, $0x1  }
.Ltmp43:
0x2c8: {  	s0 =	spop @!p1 (v2sf);
	(pc) =	sbr.rel @!p3 .LBB3_45-.Ltmp43, $4  }
0x2c9: {  	p2 =	seq.s32 @!p1 s4, s0  }
0x2ca: {  	s6 =	simm.s32 $0x0;
	p2 =	por !p2, p1  }
0x2cb: {  	s7 =	simm.s32 $0xFFFFFFFF;
	s6 =	simm.s32 @p2 $0xFFFFFFFF  }
0x2cc: {  	s0 =	simm.s32 $0x1;
	s6 =	smov.u32 @p1 s7  }
.LBB3_44:
0x2cd: {  	s7 =	smov.u32 s6;
	p1 =	sne.s32 s6, $0xFFFFFFFF  }
0x2ce: {  	s5 =	sadd.s32 $0x1, s5;
	s6 =	smov.u32 s0;
	s0 =	sadd.s32 $0x1, s0  }
0x2cf: {  	p2 =	sne.s32 s2, s0;
	v1 =	vld.msk @!p1 [tilespmem:s5+$0x0], $0x1;
	_ =	sdelay $0x4  }
0x2d0: {  	(v2sf) =	vpush @!p1 v1, $0x0;
	_ =	sdelay $0xe  }
.Ltmp44:
0x2d1: {  	s8 =	spop @!p1 (v2sf);
	(pc) =	sbr.rel @p2 .LBB3_44-.Ltmp44, $4  }
0x2d2: {  	p3 =	seq.s32 @!p1 s4, s8  }
0x2d3: {  	p3 =	por !p3, p1  }
0x2d4: {  	s6 =	simm.s32 @p3 $0xFFFFFFFF  }
0x2d5: {  	s6 =	smov.u32 @p1 s7  }
.LBB3_45:
0x2d6: {  	p1 =	seq.s32 s6, $0xFFFFFFFF  }
.Ltmp45:
0x2d7: {  	_ = 	snop;
	(pc) =	sbr.rel @p1 .LBB3_47-.Ltmp45, $1  }
0x2d8: {  	_ =	sdelay $0x3  }
0x2d9: {  	s0 =	sshll.u32 s3, $0x7  }
0x2da: {  	s0 =	sand.u32 $0x3FFFFF80, s0  }
0x2db: {  	v0 =	vld [tilespmem:s0+$0xF238];
	_ =	sdelay $0x2  }
0x2dc: {  	s4 =	sshll.u32 s6, $0x9  }
0x2dd: {  	s4 =	sshra.s32 s4, $0x2  }
0x2de: {  	[tilespmem:s4+$0xF238] =	vst.add.f32.msk $0xffff, v0  }
0x2df: {  	v0 =	vld [tilespmem:s0+$0xF248];
	_ =	sdelay $0x4  }
0x2e0: {  	[tilespmem:s4+$0xF248] =	vst.add.f32.msk $0xffff, v0  }
0x2e1: {  	v0 =	vld [tilespmem:s0+$0xF258];
	_ =	sdelay $0x4  }
0x2e2: {  	[tilespmem:s4+$0xF258] =	vst.add.f32.msk $0xffff, v0  }
0x2e3: {  	v0 =	vld [tilespmem:s0+$0xF268];
	_ =	sdelay $0x4  }
0x2e4: {  	[tilespmem:s4+$0xF268] =	vst.add.f32.msk $0xffff, v0  }
0x2e5: {  	v0 =	vld [tilespmem:s0+$0xF278];
	_ =	sdelay $0x4  }
0x2e6: {  	[tilespmem:s4+$0xF278] =	vst.add.f32.msk $0xffff, v0  }
0x2e7: {  	v0 =	vld [tilespmem:s0+$0xF288];
	_ =	sdelay $0x4  }
0x2e8: {  	[tilespmem:s4+$0xF288] =	vst.add.f32.msk $0xffff, v0  }
0x2e9: {  	v0 =	vld [tilespmem:s0+$0xF298];
	_ =	sdelay $0x4  }
0x2ea: {  	[tilespmem:s4+$0xF298] =	vst.add.f32.msk $0xffff, v0  }
0x2eb: {  	v0 =	vld [tilespmem:s0+$0xF2A8]  }
.Ltmp46:
0x2ec: {  	_ = 	snop;
	(pc) =	sbr.rel .LBB3_48-.Ltmp46, $2  }
0x2ed: {  	_ =	sdelay $0x2  }
0x2ee: {  	[tilespmem:s4+$0xF2A8] =	vst.add.f32.msk $0xffff, v0  }
.LBB3_49:
0x2ef: {  	p1 =	slt.s32 s2, $0x1  }
.Ltmp47:
0x2f0: {  	_ = 	snop;
	(pc) =	sbr.rel @p1 .LBB3_53-.Ltmp47, $3  }
0x2f1: {  	_ =	sdelay $0x1  }
0x2f2: {  	s0 =	simm.s32 $0x8  }
0x2f3: {  	s3 =	simm.s32 $0x0;
	[sflag:s0] =	ssyncpa.u1 $0x1  }
0x2f4: {  	s0 =	simm.s32 $0xF218  }
0x2f5: {  	v0 =	vld.msk [tilespmem:s0+$0x0], $0x1;
	_ =	sdelay $0x4  }
0x2f6: {  	(v2sf) =	vpush v0, $0x0;
	_ =	sdelay $0xe  }
0x2f7: {  	s0 =	sadd.s32 $0xFFFFFFFF, s2;
	s5 =	spop (v2sf)  }
0x2f8: {  	p2 =	sne.s32 s0, $0x0;
	p1 =	sgt.u32 s5, $0x270F0  }
.Ltmp48:
0x2f9: {  	s6 =	sand.u32 @!p1 $0x3FFF8, s5;
	(pc) =	sbr.rel @!p2 .LBB3_52-.Ltmp48, $4  }
0x2fa: {  	s4 =	simm.s32 $0xF238;
	s5 =	sand.u32 @!p1 $0x7, s5;
	s2 =	sadd.s32 @!p1 s1, s6  }
0x2fb: {  	[hbm4b:s2+s5] =	stream.linear.scatter @!p1 [tilespmem:s4], [sflag:$0x7], $0x80, $0x38;
	[tilespmem:$0x1F6F8] =	vst v63  }
0x2fc: {  	s5 =	simm.s32 $0x0  }
0x2fd: {  	s2 =	simm.s32 $0xF219;
	s5 =	simm.s32 @!p1 $0x200  }
.LBB3_51:
0x2fe: {  	v0 =	vld.msk [tilespmem:s2+$0x0], $0x1;
	s0 =	sadd.s32 $0xFFFFFFFF, s0;
	s3 =	sadd.s32 s3, s5  }
0x2ff: {  	p1 =	sne.s32 s0, $0x0;
	_ =	sdelay $0x3  }
0x300: {  	(v2sf) =	vpush v0, $0x0;
	_ =	sdelay $0xe  }
.Ltmp49:
0x301: {  	s6 =	spop (v2sf);
	(pc) =	sbr.rel @p1 .LBB3_51-.Ltmp49, $4  }
0x302: {  	s5 =	simm.s32 $0x0;
	p2 =	sgt.u32 s6, $0x270F0  }
0x303: {  	s4 =	sadd.s32 $0x80, s4;
	s5 =	simm.s32 @!p2 $0x200;
	s7 =	sand.u32 @!p2 $0x3FFF8, s6  }
0x304: {  	s2 =	sadd.s32 $0x1, s2;
	s6 =	sand.u32 @!p2 $0x7, s6;
	s7 =	sadd.s32 @!p2 s1, s7  }
0x305: {  	[hbm4b:s7+s6] =	stream.linear.scatter @!p2 [tilespmem:s4], [sflag:$0x7], $0x80, $0x38;
	[tilespmem:$0x1F6F8] =	vst v63  }
.LBB3_52:
0x306: {  	s0 =	sadd.s32 s3, s5  }
0x307: {  	s3 =	sshrl.u32 s0, $0x2  }
.LBB3_53:
0x308: {  	s0 =	simm.s32 $0x7  }
0x309: {  	_ =	swait.ge [sflag:s0], s3  }
0x30a: {  	s1 =	ssub.s32 $0x0, s3;
	[sflag:s0] =	ssyncset.done $0x0  }
0x30b: {  	[sflag:s0] =	ssyncadd.s32 s1  }
0x30c: {  	[sflag:s0] =	ssyncpa.u1 $0x1  }
.LBB3_54:
0x30d: {  	_ =	sfence;
	s0 =	simm.s32 $0x1  }
0x30e: {  	[sflag:s0] =	ssyncpa.u1 $0x1  }
0x30f: {  	_ =	strace $0x90000059  }
0x310: {  	[bflag:$0x2] =	sbarrier.arrive $0xFFFF  }
0x311: {  	s0 =	rddreg [dreg:$0x6]  }
0x312: {  	s0 =	sadd.s32 @!p0 $0x100000, s0  }
0x313: {  	[sflag:s0] =	ssyncadd.tile.s32 @!p0 $0x1;
	_ =	shalt  }
.Lfunc_end3:
_tile_overlayer_lowered:
.L_overlay_start_3:
0x314: {  	(tag) =	ssettag $0x3  }
0x315: {  	s0 =	rddreg [dreg:$0x0];
	s2 =	stileid.u32  }
0x316: {  	s1 =	rddreg [dreg:$0x1];
	p0 =	sne.s32 s2, $0x0  }
0x317: {  	s3 =	rddreg [dreg:$0x2];
	[bflag:$0x3] =	sbarrier.arrive $0xFFFF;
	s2 =	simm.s32 @!p0 $0x1C01  }
0x318: {  	[timem:s3], [sflag:s2] =	dma.local @!p0 [hbm:s0], s1  }
0x319: {  	s0 =	simm.s32 @!p0 $0x1  }
0x31a: {  	_ =	swait.ge @!p0 [sflag:s0], s1  }
0x31b: {  	s1 =	ssub.s32 @!p0 $0x0, s1;
	[sflag:s0] =	ssyncset.done @!p0 $0x0  }
0x31c: {  	[sflag:s0] =	ssyncadd.s32 @!p0 s1  }
0x31d: {  	[bflag:$0x3] =	sbarrier.arrive $0xFFFF  }
0x31e: {  	_ =	shalt  }

// kernel: scatter_offload_async_start.2
scs
__scs_entry_jumppad:
0x0: {  	(pc) =	sbr.rel $0x88, $3  }
0x1: {  	(tag) =	ssettag $0x0;
	lr =	simm.s32 $0x1  }
0x2: {  	[smem:$0x3F72] =	sst lr;
	_ =	strace $0xD0000000  }
0x3: {  	_ = 	snop  }
0x4: {  	_ = 	snop  }
0x5: {  	_ = 	snop  }
0x6: {  	_ = 	snop  }
0x7: {  	_ = 	snop  }
__scs_overlays_trampoline_lowered:
0x8: {  	[smem:$0x3F81] =	sst s0  }
0x9: {  	[smem:$0x3F82] =	sst s1  }
0xa: {  	[smem:$0x3F83] =	sst s2  }
0xb: {  	[smem:$0x3F84] =	sst s3  }
0xc: {  	[smem:$0x3F85] =	sst s4  }
0xd: {  	[smem:$0x3F86] =	sst s5  }
0xe: {  	[smem:$0x3F87] =	sst s6  }
0xf: {  	[smem:$0x3F88] =	sst s7  }
0x10: {  	[smem:$0x3F89] =	sst s8  }
0x11: {  	[smem:$0x3F8A] =	sst s9;
	s0 =	simm.s32 @!p0 $0x0  }
0x12: {  	s1 =	sld [smem:$0x3F70];
	s0 =	simm.s32 @p0 $0x1  }
0x13: {  	[smem:$0x3F8B] =	sst s0;
	s0 =	simm.s32 @!p1 $0x0  }
0x14: {  	s2 =	sld [smem:$0x3F6F];
	s0 =	simm.s32 @p1 $0x1  }
0x15: {  	[smem:$0x3F8C] =	sst s0;
	s0 =	simm.s32 @!p2 $0x0  }
0x16: {  	s3 =	sld [smem:$0x3FDB];
	s0 =	simm.s32 @p2 $0x1  }
0x17: {  	s4 =	simm.s32 $0x1BF5;
	[smem:$0x3F8E] =	sst s0  }
0x18: {  	s0 =	sld [smem:$0x3F71];
	_ =	swait.ge [sflag:s4], $0x0  }
0x19: {  	s7 =	sld [smem:$0x3F72]  }
0x1a: {  	s8 =	sadd.s32 $0xFFFFE003, lr  }
0x1b: {  	s9 =	sadd.s32 $0xFFFFFEF7, lr;
	s5 =	simm.s32 $0xFFFFFFFF;
	p2 =	slt.u32 s8, $0xFFFFF086  }
0x1c: {  	p1 =	slt.u32 s9, $0xF7A;
	s5 =	simm.s32 @!p2 $0x0  }
0x1d: {  	s5 =	simm.s32 @p1 $0x1;
	p0 =	seq.s32 s7, s2  }
0x1e: {  	s7 =	smul.u32 @!p0 $0xF7A, s2;
	p2 =	seq.s32 @!p0 s5, $0x0  }
0x1f: {  	s9 =	smul.u32 $0xF7A, s1;
	s8 =	simm.s32 @!p0 $0x1BF5;
	p2 =	por !p2, p0  }
0x20: {  	[sflag:s8] =	ssyncset.s32 @!p0 $0xFFFFF086;
	s6 =	sadd.s32 @!p0 s3, s7;
	s7 =	simm.s32 @!p0 $0x108  }
0x21: {  	s3 =	sadd.s32 s3, s9;
	s6 =	sadd.s32 @!p0 $0x88, s6;
	s7 =	simm.s32 @p2 $0x1082  }
0x22: {  	[simem:s7], [sflag:s8] =	dma.local @!p0 [hbm:s6], $0xF7A  }
0x23: {  	s9 =	sor.u32 $0xD0000000, s2;
	s6 =	simm.s32 $0x108;
	_ =	swait.ge @!p0 [sflag:s8], $0x0  }
0x24: {  	s3 =	sadd.s32 $0x88, s3;
	s6 =	simm.s32 @!p1 $0x1082;
	[sflag:s4] =	ssyncset.s32 $0xFFFFF086  }
0x25: {  	[simem:s6], [sflag:s4] =	dma.local [hbm:s3], $0xF7A  }
0x26: {  	[smem:$0x3F72] =	sst s1;
	(tag) =	ssettag s2;
	_ =	strace s9  }
0x27: {  	s1 =	sld [smem:$0x3F82]  }
0x28: {  	s2 =	sld [smem:$0x3F83]  }
0x29: {  	s4 =	sld [smem:$0x3F85]  }
0x2a: {  	p0 =	seq.s32 s5, $0x0;
	s5 =	sld [smem:$0x3F86]  }
0x2b: {  	s6 =	sld [smem:$0x3F87]  }
0x2c: {  	s7 =	sld [smem:$0x3F88]  }
0x2d: {  	s3 =	simm.s32 $0x108;
	s8 =	sld [smem:$0x3F89]  }
0x2e: {  	s3 =	simm.s32 @!p0 $0x1082;
	s9 =	sld [smem:$0x3F8A]  }
0x2f: {  	lr =	sadd.s32 s0, s3;
	s0 =	sld [smem:$0x3F81]  }
0x30: {  	s3 =	sld [smem:$0x3F84]  }
0x31: {  	[smem:$0x3F8D] =	sst s10  }
0x32: {  	s10 =	sld [smem:$0x3F8B];
	_ =	sdelay $0x3  }
0x33: {  	p0 =	seq.s32 s10, $0x1;
	s10 =	sld [smem:$0x3F8D];
	_ =	sdelay $0x3  }
0x34: {  	[smem:$0x3F8D] =	sst s10  }
0x35: {  	s10 =	sld [smem:$0x3F8C];
	_ =	sdelay $0x3  }
0x36: {  	p1 =	seq.s32 s10, $0x1;
	s10 =	sld [smem:$0x3F8D];
	_ =	sdelay $0x3  }
0x37: {  	[smem:$0x3F8D] =	sst s10  }
0x38: {  	s10 =	sld [smem:$0x3F8E]  }
0x39: {  	_ = 	snop;
	(pc) =	sbr.ind lr, $3  }
0x3a: {  	_ = 	snop  }
0x3b: {  	_ = 	snop  }
0x3c: {  	p2 =	seq.s32 s10, $0x1;
	s10 =	sld [smem:$0x3F8D]  }
0x3d: {  	_ =	shalt  }
0x3e: {  	_ =	shalt  }
0x3f: {  	_ =	shalt  }
0x40: {  	_ =	shalt  }
0x41: {  	_ =	shalt  }
0x42: {  	_ =	shalt  }
0x43: {  	_ =	shalt  }
0x44: {  	_ =	shalt  }
0x45: {  	_ =	shalt  }
0x46: {  	_ =	shalt  }
0x47: {  	_ =	shalt  }
0x48: {  	_ =	shalt  }
0x49: {  	_ =	shalt  }
0x4a: {  	_ =	shalt  }
0x4b: {  	_ =	shalt  }
0x4c: {  	_ =	shalt  }
0x4d: {  	_ =	shalt  }
0x4e: {  	_ =	shalt  }
0x4f: {  	_ =	shalt  }
0x50: {  	_ =	shalt  }
0x51: {  	_ =	shalt  }
0x52: {  	_ =	shalt  }
0x53: {  	_ =	shalt  }
0x54: {  	_ =	shalt  }
0x55: {  	_ =	shalt  }
0x56: {  	_ =	shalt  }
0x57: {  	_ =	shalt  }
0x58: {  	_ =	shalt  }
0x59: {  	_ =	shalt  }
0x5a: {  	_ =	shalt  }
0x5b: {  	_ =	shalt  }
0x5c: {  	_ =	shalt  }
0x5d: {  	_ =	shalt  }
0x5e: {  	_ =	shalt  }
0x5f: {  	_ =	shalt  }
0x60: {  	_ =	shalt  }
0x61: {  	_ =	shalt  }
0x62: {  	_ =	shalt  }
0x63: {  	_ =	shalt  }
0x64: {  	_ =	shalt  }
0x65: {  	_ =	shalt  }
0x66: {  	_ =	shalt  }
0x67: {  	_ =	shalt  }
0x68: {  	_ =	shalt  }
0x69: {  	_ =	shalt  }
0x6a: {  	_ =	shalt  }
0x6b: {  	_ =	shalt  }
0x6c: {  	_ =	shalt  }
0x6d: {  	_ =	shalt  }
0x6e: {  	_ =	shalt  }
0x6f: {  	_ =	shalt  }
0x70: {  	_ =	shalt  }
0x71: {  	_ =	shalt  }
0x72: {  	_ =	shalt  }
0x73: {  	_ =	shalt  }
0x74: {  	_ =	shalt  }
0x75: {  	_ =	shalt  }
0x76: {  	_ =	shalt  }
0x77: {  	_ =	shalt  }
0x78: {  	_ =	shalt  }
0x79: {  	_ =	shalt  }
0x7a: {  	_ =	shalt  }
0x7b: {  	_ =	shalt  }
0x7c: {  	_ =	shalt  }
0x7d: {  	_ =	shalt  }
0x7e: {  	_ =	shalt  }
0x7f: {  	_ =	shalt  }
0x80: {  	_ =	shalt  }
0x81: {  	_ =	shalt  }
0x82: {  	_ =	shalt  }
0x83: {  	_ =	shalt  }
0x84: {  	_ =	shalt  }
0x85: {  	_ =	shalt  }
0x86: {  	_ =	shalt  }
0x87: {  	_ =	shalt  }
.Lfunc_end0:
.L_simem_size_0:
called_computation.2_lowered:
.L_overlay_start_0:
0x88: {  	s2 =	sld [smem:$0x3FD9]  }
0x89: {  	s3 =	sld [smem:$0x3FFE];
	_ =	sdelay $0x1  }
0x8a: {  	s1 =	srdreg.scid  }
0x8b: {  	s0 =	sand.u32 $0x1, s1  }
0x8c: {  	s13 =	sshll.u32 s0, $0xA;
	s2 =	sadd.s32 s3, s2  }
0x8d: {  	s2 =	sadd.s32 s2, s13  }
0x8e: {  	[smem:$0x3F99] =	sst s2  }
0x8f: {  	_ = 	snop  }
0x90: {  	s2 =	sld [smem:$0x3FD0];
	_ =	sdelay $0x2  }
0x91: {  	s14 =	simm.s32 $0xB;
	s4 =	simm.s32 $0x10  }
0x92: {  	[smem:s4], [sflag:s14] =	dma.local [hbm:s2], $0x1  }
0x93: {  	_ =	swait.eq [sflag:s14], $0x1  }
0x94: {  	[sflag:s14] =	ssyncset.done $0x0  }
0x95: {  	[sflag:s14] =	ssyncadd.s32 $0xFFFFFFFF  }
0x96: {  	s15 =	sld [smem:$0x11];
	(tm) =	ssettm $0x1  }
0x97: {  	s16 =	sld [smem:$0x3FFB];
	_ =	sdelay $0x3  }
0x98: {  	_ =	strace s16  }
0x99: {  	s3 =	sld [smem:$0x3FFC];
	_ =	sdelay $0x3  }
0x9a: {  	_ =	strace s3  }
0x9b: {  	s3 =	sld [smem:$0x3FFD];
	_ =	sdelay $0x3  }
0x9c: {  	_ =	strace s3  }
0x9d: {  	_ =	strace $0x8FFFFFFF  }
0x9e: {  	s17 =	sld [smem:$0x3FDB];
	_ =	sdelay $0x1  }
0x9f: {  	s18 =	simm.s32 $_scs_section_size  }
0xa0: {  	s5 =	simm.s32 $_size__tile_overlayer_lowered;
	s6 =	simm.s32 $_tile_overlayer_lowered  }
0xa1: {  	s21 =	simm.s32 $0x1BFF;
	s20 =	sshll.u32 s6, $0x1;
	s3 =	sadd.s32 s18, s17  }
0xa2: {  	s7 =	simm.s32 $0x0;
	s19 =	sshll.u32 s5, $0x1;
	s5 =	sadd.s32 s20, s3  }
0xa3: {  	[timem:s7], [sflag:s21] =	dma.local [hbm:s5], s19  }
0xa4: {  	_ =	swait.ge [sflag:s21], s19  }
0xa5: {  	s4 =	ssub.s32 $0x0, s19;
	[sflag:s21] =	ssyncset.done $0x0  }
0xa6: {  	[sflag:s21] =	ssyncadd.s32 s4;
	_ =	sdelay $0x1  }
0xa7: {  	s22 =	simm.s32 $0x1B8B  }
0xa8: {  	_ =	swait.ge [sflag:s22], $0x1  }
0xa9: {  	[sflag:s22] =	ssyncset.done $0x0  }
0xaa: {  	s23 =	sld [smem:$0x3FFE];
	[sflag:s22] =	ssyncadd.s32 $0xFFFFFFFF  }
0xab: {  	s25 =	simm.s32 $0x1B8E;
	s24 =	sld [smem:$0x0]  }
0xac: {  	s26 =	simm.s32 $execute0_lowered;
	[smem:$0x3FD2] =	sst s25  }
0xad: {  	s6 =	sshll.u32 s26, $0x1;
	_ =	strace $0x8000005B;
	[dreg:$0x1] =	wrdreg $0xFFFFFFFF  }
0xae: {  	s28 =	simm.s32 $_size_execute0_lowered;
	s3 =	sadd.s32 s3, s6;
	[dreg:$0x0] =	wrdreg $0x0  }
0xaf: {  	s6 =	sshll.u32 s28, $0x1;
	[dreg:$0x2] =	wrdreg s3  }
0xb0: {  	[dreg:$0x3] =	wrdreg s6  }
0xb1: {  	[dreg:$0x4] =	wrdreg $0xC0  }
0xb2: {  	_ =	task [dreg:s7], $0x5FFFF  }
0xb3: {  	[dreg:$0x1] =	wrdreg $0xFFFFFFFF  }
0xb4: {  	[dreg:$0x0] =	wrdreg $0x60  }
0xb5: {  	[dreg:$0x2] =	wrdreg s15  }
0xb6: {  	[dreg:$0x3] =	wrdreg s23  }
0xb7: {  	[dreg:$0x4] =	wrdreg s1  }
0xb8: {  	[dreg:$0x5] =	wrdreg s24  }
0xb9: {  	[dreg:$0x6] =	wrdreg $0x9  }
0xba: {  	_ =	task.clear_ibuf [dreg:s7], $0x7FFFF;
	_ =	strace $0x9000005B  }
0xbb: {  	s29 =	simm.s32 $0x9;
	_ =	strace $0x8000005D  }
0xbc: {  	_ =	swait.ge [sflag:s29], $0x1  }
0xbd: {  	[sflag:s29] =	ssyncadd.s32 $0xFFFFFFFF  }
0xbe: {  	_ =	strace $0x9000005D  }
0xbf: {  	_ =	sfence  }
0xc0: {  	s30 =	sld [smem:$0x0];
	_ =	sdelay $0x2  }
0xc1: {  	s31 =	sshll.u32 s1, $0xD;
	s1 =	sshrl.u32 s1, $0x2  }
0xc2: {  	s3 =	sand.u32 $0x4000, s31;
	s1 =	sadd.s32 s1, s30  }
0xc3: {  	s0 =	sor.u32 s3, s0;
	s1 =	sshll.u32 s1, $0x11  }
0xc4: {  	s0 =	sor.u32 s1, s0  }
0xc5: {  	s0 =	sadd.s32 $0x8F2B, s0  }
0xc6: {  	[sflag:s0] =	ssyncadd.remote.s32 $0x1  }
0xc7: {  	_ =	sfence.sel $0xFFFF  }
0xc8: {  	[dreg:$0x0] =	wrdreg $0xFFFFFFFF;
	(pc) =	sbr.abs _section_cstart, $3  }
0xc9: {  	[dreg:$0x1] =	wrdreg $0xFFFFFFFF  }
0xca: {  	_ =	task.clear_ibuf [dreg:s7], $0x2FFFF;
	_ =	strace $0x9FFFFFFF  }
0xcb: {  	(tm) =	ssettm $0x7FFFFFFF  }
tec
execute0_lowered:
.L_overlay_start_1:
0x0: {  	(tag) =	ssettag $0x1  }
0x1: {  	s1 =	rddreg [dreg:$0x0]  }
0x2: {  	s2 =	rddreg [dreg:$0x1]  }
0x3: {  	s3 =	rddreg [dreg:$0x2];
	_ =	strace $0x8000005C;
	s0 =	simm.s32 $0x1  }
0x4: {  	v0 =	vimm.s32 $0x0;
	[sflag:s0] =	ssyncpa.u1 $0x0;
	s0 =	simm.s32 $0x108  }
0x5: {  	[tilespmem:s0+$0x70] =	vst v0  }
0x6: {  	[tilespmem:s0+$0x60] =	vst v0  }
0x7: {  	[tilespmem:s0+$0x50] =	vst v0  }
0x8: {  	[tilespmem:s0+$0x40] =	vst v0  }
0x9: {  	[tilespmem:s0+$0x30] =	vst v0  }
0xa: {  	s15 =	sadd.s32 $0x27800, s2;
	s6 =	sadd.s32 $0x31800, s2;
	[tilespmem:s0+$0x20] =	vst v0  }
0xb: {  	s14 =	sadd.s32 $0x2C800, s2;
	s5 =	sand.u32 $0x1, s3;
	s3 =	simm.s32 $0x40;
	[tilespmem:s0+$0x10] =	vst v0  }
.LBB2_1:
0xc: {  	s3 =	sadd.s32 $0x40, s3;
	[tilespmem:s0+$0x0] =	vst v0;
	s0 =	sadd.s32 $0x80, s0  }
0xd: {  	p0 =	slt.u32 s3, $0x3C40;
	[tilespmem:s0+$0x70] =	vst v0  }
0xe: {  	[tilespmem:s0+$0x60] =	vst v0  }
.Ltmp0:
0xf: {  	[tilespmem:s0+$0x50] =	vst v0;
	(pc) =	sbr.rel @p0 .LBB2_1-.Ltmp0, $4  }
0x10: {  	[tilespmem:s0+$0x40] =	vst v0  }
0x11: {  	[tilespmem:s0+$0x30] =	vst v0  }
0x12: {  	[tilespmem:s0+$0x20] =	vst v0  }
0x13: {  	[tilespmem:s0+$0x10] =	vst v0  }
0x14: {  	s9 =	stileid.u32  }
0x15: {  	s2 =	smul.u32 $0x14, s9  }
0x16: {  	s3 =	smin.u32 s9, $0xE  }
0x17: {  	s2 =	sadd.s32 s3, s2  }
0x18: {  	p0 =	slt.u32 s9, $0xE;
	s7 =	smul.u32 $0xF0, s2;
	s2 =	simm.s32 $0x13B0  }
0x19: {  	s2 =	simm.s32 @!p0 $0x12C0  }
0x1a: {  	s2 =	sadd.s32 s2, s7  }
0x1b: {  	s8 =	smin.u32 s2, $0x13880  }
0x1c: {  	s2 =	ssub.s32 s8, s7  }
0x1d: {  	p0 =	sgt.s32 s2, $0x0  }
0x1e: {  	s29 =	simm.s32 $0x2;
	s10 =	simm.s32 $0x9;
	s2 =	simm.s32 @!p0 $0x0  }
0x1f: {  	s4 =	simm.s32 $0xA;
	s11 =	simm.s32 $0xB;
	s28 =	smulhi.u32 $0x88888889, s2  }
0x20: {  	[dreg:$0x5] =	wrdreg s5;
	s31 =	smul.u32 $0x2710, s5;
	s12 =	simm.s32 $0x1  }
0x21: {  	s22 =	simm.s32 $0x0;
	s18 =	simm.s32 $0xC;
	s30 =	sshrl.u32 s28, $0x7  }
0x22: {  	s20 =	simm.s32 $0x0;
	s21 =	simm.s32 $0x0;
	s3 =	smul.u32 $0xF0, s30  }
.Ltmp1:
0x23: {  	[tilespmem:s0+$0x0] =	vst v0;
	v0 =	vimm.s32 $0xFFFFFFFF;
	[sflag:s29] =	ssyncpa.u1 $0x0;
	s16 =	sshll.u32 s9, $0x8;
	(pc) =	sbr.rel .LBB2_3-.Ltmp1, $4  }
0x24: {  	[tilespmem:$0xF208] =	vst v0;
	[sflag:s10] =	ssyncpa.u1 $0x0;
	p0 =	sne.s32 s2, s3;
	s2 =	simm.s32 $0x1  }
0x25: {  	s14 =	sadd.s32 s31, s14;
	[sflag:s4] =	ssyncpa.u1 $0x0;
	s2 =	simm.s32 @!p0 $0x0  }
0x26: {  	s15 =	sadd.s32 s31, s15;
	[sflag:s11] =	ssyncpa.u1 $0x0;
	s13 =	sadd.s32 s2, s30  }
0x27: {  	v0 =	vlaneseq.u32;
	s19 =	smov.u32 s7;
	p0 =	por $0x0, $0x0;
	s17 =	sadd.s32 $0x1, s13  }
.LBB2_18:
0x28: {  	s0 =	sshrl.u32 s31, $0x2  }
.LBB2_20:
0x29: {  	_ =	swait.ge [sflag:s18], s0  }
0x2a: {  	s31 =	ssub.s32 $0x0, s0;
	v1 =	vmov s24;
	vm0 =	veq.s32 v0, $0x0;
	[sflag:s18] =	ssyncset.done $0x0  }
0x2b: {  	vm15 =	veq.s32 v0, $0x2;
	v1 =	vsel vm0, s30, v1;
	[sflag:s18] =	ssyncadd.s32 s31  }
0x2c: {  	v1 =	vsel vm15, s22, v1;
	[sflag:s18] =	ssyncpa.u1 $0x1  }
0x2d: {  	[tilespmem:$0xF208] =	vst v1  }
.LBB2_21:
0x2e: {  	s0 =	sadd.s32 $0xF0, s19  }
0x2f: {  	s2 =	smov.u32 s7;
	p1 =	slt.s32 s0, s8  }
0x30: {  	s2 =	smov.u32 @p1 s0;
	p1 =	sne.s32 s21, s17  }
.Ltmp2:
0x31: {  	_ = 	snop;
	(pc) =	sbr.rel @!p1 .LBB2_22-.Ltmp2, $3  }
0x32: {  	_ =	sdelay $0x1  }
0x33: {  	s22 =	smov.u32 s20;
	s31 =	sadd.s32 $0x1, s21;
	s20 =	smov.u32 s19  }
0x34: {  	p0 =	por !p0, !p0;
	s21 =	smov.u32 s31;
	s19 =	smov.u32 s2  }
.LBB2_3:
0x35: {  	p1 =	sge.u32 s21, s13  }
0x36: {  	s0 =	smulhi.u32 @!p1 $0xAAAAAAAB, s21  }
0x37: {  	s2 =	smov.u32 s19;
	p2 =	sgt.s32 @!p1 s19, $0x13790  }
0x38: {  	s3 =	sshra.s32 @!p1 s19, $0x1F;
	p2 =	por !p2, p1;
	s0 =	sshrl.u32 @!p1 s0, $0x1  }
0x39: {  	s3 =	sand.u32 @!p1 s3, s19;
	s2 =	simm.s32 @p2 $0x13790;
	s0 =	smul.u32 @!p1 $0x3, s0  }
0x3a: {  	s2 =	ssub.s32 @!p1 s2, s3  }
0x3b: {  	s2 =	sadd.s32 @!p1 $0xFFFEC870, s2;
	s0 =	ssub.s32 @!p1 s21, s0  }
0x3c: {  	s3 =	sshll.u32 @!p1 s2, $0x2;
	p2 =	sgt.s32 @!p1 s2, $0xEF;
	s0 =	smul.u32 @!p1 $0x3C0, s0  }
0x3d: {  	s4 =	sand.u32 @!p1 $0x7, s19;
	s2 =	ssub.s32 @!p1 $0x3C0, s3;
	p2 =	por !p2, p1  }
0x3e: {  	s3 =	sshrl.u32 @!p1 s19, $0x3;
	s2 =	sshrl.u32 @!p1 s2, $0x2;
	s0 =	sshrl.u32 @!p1 s0, $0x2  }
0x3f: {  	s3 =	sadd.s32 @!p1 s3, s14;
	s2 =	simm.s32 @!p2 $0x0;
	s0 =	sadd.s32 @!p1 $0x10248, s0  }
0x40: {  	[tilespmem:s0], [sflag:$0xA] =	stream.linear.gather @!p1 [hbm4b:s3+s4], s2, $0x38;
	[tilespmem:$0x1F6F8] =	vst v63  }
0x41: {  	s0 =	sadd.s32 $0xFFFFFFFF, s21  }
0x42: {  	p1 =	sge.u32 s0, s13  }
0x43: {  	p2 =	sgt.s32 @!p1 s20, $0x13790  }
0x44: {  	s2 =	smov.u32 s20;
	s3 =	sshra.s32 @!p1 s20, $0x1F;
	p2 =	por !p2, p1  }
0x45: {  	s3 =	sand.u32 @!p1 s3, s20;
	s2 =	simm.s32 @p2 $0x13790  }
0x46: {  	s2 =	ssub.s32 @!p1 s2, s3  }
0x47: {  	s2 =	sadd.s32 @!p1 $0xFFFEC870, s2  }
0x48: {  	s4 =	sand.u32 @!p1 $0x1, s0;
	s3 =	sshll.u32 @!p1 s2, $0x2  }
0x49: {  	p2 =	sgt.s32 @!p1 s2, $0xEF;
	s2 =	ssub.s32 @!p1 $0x3C0, s3;
	s3 =	smulhi.u32 @!p1 $0xAAAAAAAB, s0  }
0x4a: {  	s23 =	smul.u32 @!p1 $0x3C0, s4;
	p2 =	por !p2, p1;
	s2 =	sshrl.u32 @!p1 s2, $0x2  }
0x4b: {  	s5 =	simm.s32 @!p1 $0xA;
	s2 =	simm.s32 @!p2 $0x0;
	s3 =	sshrl.u32 @!p1 s3, $0x1  }
0x4c: {  	s23 =	sshrl.u32 @!p1 s23, $0x2;
	_ =	swait.ge @!p1 [sflag:s5], s2;
	s3 =	smul.u32 @!p1 $0x3, s3  }
0x4d: {  	s23 =	sadd.s32 @!p1 $0x10518, s23;
	s24 =	ssub.s32 @!p1 $0x0, s2;
	[sflag:s5] =	ssyncset.done @!p1 $0x0  }
0x4e: {  	[sflag:s5] =	ssyncadd.s32 @!p1 s24;
	s5 =	sshrl.u32 @!p1 s20, $0x3;
	s0 =	ssub.s32 @!p1 s0, s3  }
0x4f: {  	s24 =	sand.u32 @!p1 $0x7, s20;
	s5 =	sadd.s32 @!p1 s5, s15;
	s0 =	smul.u32 @!p1 $0x3C0, s0  }
0x50: {  	[tilespmem:s23], [sflag:$0xB] =	stream.linear.gather @!p1 [hbm4b:s5+s24], s2, $0x38;
	[tilespmem:$0x1F6F8] =	vst v63  }
0x51: {  	s3 =	ssub.s32 @!p1 $0x13880, s20;
	s2 =	smul.u32 @!p1 $0x1E000, s4  }
0x52: {  	p2 =	slt.s32 @!p1 s3, $0xF0  }
0x53: {  	p2 =	por !p2, p1;
	s0 =	sshrl.u32 @!p1 s0, $0x2;
	s2 =	sshrl.u32 @!p1 s2, $0x2  }
0x54: {  	s3 =	simm.s32 @p2 $0xF0;
	s0 =	sadd.s32 @!p1 $0x10248, s0;
	s2 =	sor.u32 @!p1 $0x106F8, s2  }
0x55: {  	[tilespmem:s2], [sflag:$0x9] =	stream.indirect.gather @!p1 [hbm4b:s6+s3], $0x80, s0, s3, $0xb8;
	[tilespmem:$0x1F6F8] =	vst v63  }
0x56: {  	p1 =	slt.u32 s21, $0x2  }
.Ltmp3:
0x57: {  	_ = 	snop;
	(pc) =	sbr.rel @p1 .LBB2_21-.Ltmp3, $1  }
0x58: {  	_ =	sdelay $0x3  }
0x59: {  	p1 =	sgt.s32 s22, $0x13790  }
0x5a: {  	s0 =	smov.u32 s22;
	s2 =	sshra.s32 s22, $0x1F;
	s3 =	ssub.s32 $0x13880, s22  }
0x5b: {  	s0 =	simm.s32 @!p1 $0x13790;
	s2 =	sand.u32 s2, s22;
	p1 =	slt.s32 s3, $0xF0  }
0x5c: {  	s0 =	ssub.s32 s0, s2;
	s3 =	simm.s32 @!p1 $0xF0  }
0x5d: {  	s0 =	sadd.s32 $0xFFFEC870, s0;
	s25 =	sshll.u32 s3, $0x7  }
0x5e: {  	s26 =	sshll.u32 s0, $0x2;
	s2 =	sand.u32 $0x3FFFFF80, s25  }
0x5f: {  	p1 =	sgt.s32 s0, $0xEF;
	s29 =	ssub.s32 $0x3C0, s26;
	_ =	swait.ge [sflag:s10], s2  }
0x60: {  	s2 =	ssub.s32 $0x0, s2;
	[sflag:s10] =	ssyncset.done $0x0;
	s0 =	sshrl.u32 s29, $0x2  }
0x61: {  	[sflag:s10] =	ssyncadd.s32 s2;
	s0 =	simm.s32 @p1 $0x0  }
0x62: {  	_ =	swait.ge [sflag:s11], s0  }
0x63: {  	s0 =	ssub.s32 $0x0, s0;
	[sflag:s11] =	ssyncset.done $0x0  }
0x64: {  	[sflag:s11] =	ssyncadd.s32 s0  }
0x65: {  	v1 =	vld [tilespmem:$0xF208];
	_ =	sdelay $0x4  }
0x66: {  	(v2sf) =	vpush v1, $0x0  }
0x67: {  	(v2sf) =	vpush v1, $0x1  }
0x68: {  	(v2sf) =	vpush v1, $0x2;
	_ =	sdelay $0x3  }
0x69: {  	s0 =	sadd.s32 $0xF0, s22  }
0x6a: {  	s2 =	ssub.s32 $0x27100, s22;
	p1 =	slt.s32 s8, s0  }
0x6b: {  	s0 =	smov.u32 @p1 s8;
	p1 =	sgt.s32 s2, $0x0  }
0x6c: {  	s26 =	ssub.s32 s0, s22;
	s2 =	simm.s32 @!p1 $0x0  }
0x6d: {  	p1 =	slt.s32 s2, s26  }
0x6e: {  	s26 =	smov.u32 @p1 s2  }
0x6f: {  	s25 =	simm.s32 $0x1;
	p1 =	slt.s32 s26, $0x1  }
.Ltmp4:
0x70: {  	s25 =	simm.s32 @!p0 $0x0;
	(pc) =	sbr.rel @p1 .LBB2_8-.Ltmp4, $4  }
0x71: {  	s31 =	smul.u32 $0x3C0, s25  }
0x72: {  	s28 =	spop (v2sf)  }
0x73: {  	s0 =	sshrl.u32 s31, $0x2;
	s30 =	spop (v2sf)  }
0x74: {  	s23 =	sadd.s32 $0x10518, s0;
	s22 =	spop (v2sf)  }
0x75: {  	s0 =	smin.u32 s26, $0x10  }
0x76: {  	v1 =	vmov s0  }
0x77: {  	p2 =	sgt.s32 s26, $0x10;
	vm1 =	vgt.u32 v1, v0  }
.Ltmp5:
0x78: {  	_ = 	snop;
	(pc) =	sbr.rel @!p2 .LBB2_7-.Ltmp5, $2  }
0x79: {  	_ =	sdelay $0x2  }
0x7a: {  	s4 =	simm.s32 $0x10;
	s24 =	sadd.s32 $0xFFFFFFF0, s26;
	s0 =	smov.u32 s23;
	vm0 =	vmmov vm1  }
.LBB2_6:
0x7b: {  	s2 =	smin.u32 s24, $0x10;
	s4 =	sadd.s32 $0x10, s4;
	v1 =	vld.msk [tilespmem:s0+$0x0 ss:$0x1], vm1  }
0x7c: {  	v2 =	vmov s2;
	p2 =	slt.s32 s4, s26  }
0x7d: {  	vm1 =	vgt.u32 v2, v0  }
.Ltmp6:
0x7e: {  	(pc) =	sbr.rel @p2 .LBB2_6-.Ltmp6, $3  }
0x7f: {  	_ =	sdelay $0x1  }
0x80: {  	v1 =	vshll.u32 v1, $0x4  }
0x81: {  	s24 =	sadd.s32 $0xFFFFFFF0, s24;
	[tilespmem:s0+$0x0] =	vst.msk vm0, v1;
	s0 =	sadd.s32 $0x10, s0;
	vm0 =	vmmov vm1  }
.LBB2_7:
0x82: {  	_ =	sdelay $0x4  }
0x83: {  	v1 =	vld.msk [tilespmem:s0+$0x0 ss:$0x1], vm1;
	_ =	sdelay $0x4  }
0x84: {  	v1 =	vshll.u32 v1, $0x4  }
0x85: {  	[tilespmem:s0+$0x0] =	vst.msk vm0, v1  }
.LBB2_8:
0x86: {  	s0 =	sand.u32 $0x1, s21  }
0x87: {  	s0 =	smul.u32 $0xF0, s0  }
0x88: {  	p2 =	sne.s32 s30, $0xFFFFFFFF  }
0x89: {  	v1 =	vld.msk @!p2 [tilespmem:s0+$0x10518], $0x1;
	_ =	sdelay $0x4  }
0x8a: {  	(v2sf) =	vpush @!p2 v1, $0x0;
	_ =	sdelay $0xc  }
.Ltmp7:
0x8b: {  	_ = 	snop;
	(pc) =	sbr.rel @p1 .LBB2_19-.Ltmp7, $4  }
0x8c: {  	_ = 	snop  }
0x8d: {  	s29 =	spop @!p2 (v2sf)  }
0x8e: {  	s22 =	simm.s32 @!p2 $0x0;
	s24 =	smov.u32 s29  }
0x8f: {  	[sflag:s18] =	ssyncpa.u1 $0x0;
	s29 =	smov.u32 @p2 s28;
	s24 =	smov.u32 @p2 s30  }
0x90: {  	v1 =	vld.msk [tilespmem:s23+$0x0], $0x1;
	_ =	sdelay $0x4  }
0x91: {  	(v2sf) =	vpush v1, $0x0;
	_ =	sdelay $0xe  }
0x92: {  	s2 =	smul.u32 $0x1E000, s25;
	s0 =	spop (v2sf)  }
0x93: {  	s26 =	ssub.s32 $0x0, s26;
	p1 =	seq.s32 s29, s0  }
0x94: {  	s30 =	sadd.s32 $0x1, s26;
	s2 =	sshrl.u32 s2, $0x2;
	p2 =	sgt.s32 @!p1 s29, $0x0  }
0x95: {  	s25 =	sor.u32 $0x10738, s2;
	s2 =	smov.u32 s29;
	p2 =	por !p2, p1  }
0x96: {  	s2 =	simm.s32 @p2 $0x0;
	p2 =	seq.s32 s30, $0x0  }
.Ltmp8:
0x97: {  	_ = 	snop;
	(pc) =	sbr.rel @p2 .LBB2_11-.Ltmp8, $4  }
0x98: {  	_ = 	snop  }
0x99: {  	s28 =	simm.s32 $0x0;
	s31 =	sadd.s32 $0x1, s23;
	s2 =	smin.u32 @!p1 s2, $0x1FFF0  }
0x9a: {  	s4 =	simm.s32 @!p1 $0x1;
	s5 =	simm.s32 @!p1 $0x7988;
	s3 =	sand.u32 @!p1 $0x1FFF8, s2  }
0x9b: {  	s4 =	smov.u32 @p1 s28;
	s2 =	sand.u32 @!p1 $0x7, s2;
	s3 =	sadd.s32 @!p1 s1, s3  }
.LBB2_10:
0x9c: {  	s9 =	smov.u32 s4  }
0x9d: {  	[tilespmem:s5], [sflag:$0x2] =	stream.linear.gather @!p1 [hbm4b:s3+s2], $0x80, $0x38;
	[tilespmem:$0x1F6F8] =	vst v63  }
0x9e: {  	s30 =	sadd.s32 $0x1, s30;
	s2 =	smov.u32 s0;
	v1 =	vld.msk [tilespmem:s31+$0x0], $0x1  }
0x9f: {  	p2 =	seq.s32 s30, $0x0;
	_ =	sdelay $0x3  }
0xa0: {  	(v2sf) =	vpush v1, $0x0;
	_ =	sdelay $0xe  }
0xa1: {  	s0 =	spop (v2sf)  }
0xa2: {  	p1 =	seq.s32 s2, s0  }
0xa3: {  	p3 =	sgt.s32 @!p1 s2, $0x0;
	s3 =	sshll.u32 @!p1 s4, $0x9;
	s4 =	sadd.s32 @!p1 $0x1, s4  }
.Ltmp9:
0xa4: {  	p3 =	por !p3, p1;
	s3 =	sshra.s32 @!p1 s3, $0x2;
	(pc) =	sbr.rel @!p2 .LBB2_10-.Ltmp9, $4  }
0xa5: {  	s4 =	smov.u32 @p1 s9;
	s2 =	simm.s32 @p3 $0x0;
	s5 =	sadd.s32 @!p1 $0x7988, s3  }
0xa6: {  	s2 =	smin.u32 @!p1 s2, $0x1FFF0  }
0xa7: {  	s3 =	sand.u32 @!p1 $0x1FFF8, s2;
	s2 =	sand.u32 @!p1 $0x7, s2  }
0xa8: {  	s31 =	sadd.s32 $0x1, s31;
	s3 =	sadd.s32 @!p1 s1, s3  }
.LBB2_11:
0xa9: {  	[tilespmem:s5], [sflag:$0x2] =	stream.linear.gather @!p1 [hbm4b:s3+s2], $0x80, $0x38;
	[tilespmem:$0x1F6F8] =	vst v63  }
.Ltmp10:
0xaa: {  	s0 =	sshll.u32 s4, $0x7;
	(pc) =	sbr.rel .LBB2_12-.Ltmp10, $4  }
0xab: {  	s30 =	simm.s32 $0x2;
	s0 =	sand.u32 $0x3FFFFF80, s0  }
0xac: {  	_ =	swait.ge [sflag:s30], s0  }
0xad: {  	s0 =	ssub.s32 $0x0, s0;
	[sflag:s30] =	ssyncset.done $0x0  }
0xae: {  	s31 =	simm.s32 $0x0;
	[sflag:s30] =	ssyncadd.s32 s0  }
.LBB2_13:
0xaf: {  	v1 =	vld [tilespmem:s25+$0xFFFFFFC0];
	_ =	sdelay $0x3  }
0xb0: {  	s0 =	sshra.s32 s0, $0x2  }
0xb1: {  	[tilespmem:s0+$0x108] =	vst.add.f32.msk $0xffff, v1  }
0xb2: {  	v1 =	vld [tilespmem:s25+$0xFFFFFFD0];
	_ =	sdelay $0x4  }
0xb3: {  	[tilespmem:s0+$0x118] =	vst.add.f32.msk $0xffff, v1  }
0xb4: {  	v1 =	vld [tilespmem:s25+$0xFFFFFFE0];
	_ =	sdelay $0x4  }
0xb5: {  	[tilespmem:s0+$0x128] =	vst.add.f32.msk $0xffff, v1  }
0xb6: {  	v1 =	vld [tilespmem:s25+$0xFFFFFFF0];
	_ =	sdelay $0x4  }
0xb7: {  	[tilespmem:s0+$0x138] =	vst.add.f32.msk $0xffff, v1  }
0xb8: {  	v1 =	vld [tilespmem:s25+$0x0];
	_ =	sdelay $0x4  }
0xb9: {  	[tilespmem:s0+$0x148] =	vst.add.f32.msk $0xffff, v1  }
0xba: {  	v1 =	vld [tilespmem:s25+$0x10];
	_ =	sdelay $0x4  }
0xbb: {  	[tilespmem:s0+$0x158] =	vst.add.f32.msk $0xffff, v1  }
0xbc: {  	v1 =	vld [tilespmem:s25+$0x20];
	_ =	sdelay $0x4  }
0xbd: {  	[tilespmem:s0+$0x168] =	vst.add.f32.msk $0xffff, v1  }
0xbe: {  	v1 =	vld [tilespmem:s25+$0x30];
	_ =	sdelay $0x4  }
0xbf: {  	[tilespmem:s0+$0x178] =	vst.add.f32.msk $0xffff, v1  }
.LBB2_17:
0xc0: {  	s26 =	sadd.s32 $0x1, s26  }
0xc1: {  	p1 =	seq.s32 s26, $0x0  }
.Ltmp11:
0xc2: {  	_ = 	snop;
	(pc) =	sbr.rel @p1 .LBB2_18-.Ltmp11, $2  }
0xc3: {  	_ =	sdelay $0x2  }
0xc4: {  	s23 =	sadd.s32 $0x1, s23;
	s25 =	sadd.s32 $0x80, s25;
	s29 =	smov.u32 s30  }
.LBB2_12:
0xc5: {  	v1 =	vld.msk [tilespmem:s23+$0x0], $0x1;
	_ =	sdelay $0x4  }
0xc6: {  	(v2sf) =	vpush v1, $0x0;
	_ =	sdelay $0xe  }
0xc7: {  	s30 =	spop (v2sf)  }
0xc8: {  	p1 =	sne.s32 s29, s30  }
.Ltmp12:
0xc9: {  	_ = 	snop;
	(pc) =	sbr.rel @!p1 .LBB2_13-.Ltmp12, $2  }
0xca: {  	_ =	sdelay $0x2  }
0xcb: {  	s0 =	sshll.u32 s22, $0x9  }
0xcc: {  	p1 =	seq.s32 s29, s24  }
.Ltmp13:
0xcd: {  	_ = 	snop;
	(pc) =	sbr.rel @!p1 .LBB2_15-.Ltmp13, $1  }
0xce: {  	_ =	sdelay $0x3  }
0xcf: {  	s0 =	sshra.s32 s0, $0x2  }
.Ltmp14:
0xd0: {  	s0 =	sadd.s32 $0x108, s0;
	(pc) =	sbr.rel .LBB2_16-.Ltmp14, $4  }
0xd1: {  	[spmem:s16] =	stream.linear.scatter [tilespmem:s0], [sflag:$0x1], $0x80, $0x38;
	[tilespmem:$0x1F6F8] =	vst v63  }
0xd2: {  	_ =	swait.ge [sflag:s12], $0x80  }
0xd3: {  	[sflag:s12] =	ssyncset.done $0x0  }
0xd4: {  	[sflag:s12] =	ssyncadd.s32 $0xFFFFFF80  }
.LBB2_15:
0xd5: {  	s2 =	sshll.u32 s28, $0x9  }
0xd6: {  	s2 =	sshra.s32 s2, $0x2  }
0xd7: {  	v1 =	vld [tilespmem:s2+$0x7988];
	_ =	sdelay $0x3  }
0xd8: {  	s0 =	sshra.s32 s0, $0x2  }
0xd9: {  	[tilespmem:s0+$0x108] =	vst.add.f32.msk $0xffff, v1  }
0xda: {  	v1 =	vld [tilespmem:s2+$0x7998];
	_ =	sdelay $0x4  }
0xdb: {  	[tilespmem:s0+$0x118] =	vst.add.f32.msk $0xffff, v1  }
0xdc: {  	v1 =	vld [tilespmem:s2+$0x79A8];
	_ =	sdelay $0x4  }
0xdd: {  	[tilespmem:s0+$0x128] =	vst.add.f32.msk $0xffff, v1  }
0xde: {  	v1 =	vld [tilespmem:s2+$0x79B8];
	_ =	sdelay $0x4  }
0xdf: {  	[tilespmem:s0+$0x138] =	vst.add.f32.msk $0xffff, v1  }
0xe0: {  	v1 =	vld [tilespmem:s2+$0x79C8];
	_ =	sdelay $0x4  }
0xe1: {  	[tilespmem:s0+$0x148] =	vst.add.f32.msk $0xffff, v1  }
0xe2: {  	v1 =	vld [tilespmem:s2+$0x79D8];
	_ =	sdelay $0x4  }
0xe3: {  	[tilespmem:s0+$0x158] =	vst.add.f32.msk $0xffff, v1  }
0xe4: {  	v1 =	vld [tilespmem:s2+$0x79E8];
	_ =	sdelay $0x4  }
0xe5: {  	[tilespmem:s0+$0x168] =	vst.add.f32.msk $0xffff, v1  }
0xe6: {  	v1 =	vld [tilespmem:s2+$0x79F8];
	_ =	sdelay $0x2  }
0xe7: {  	p1 =	sgt.u32 s29, $0x1FFF0  }
0xe8: {  	s2 =	sand.u32 @!p1 $0x1FFF8, s29  }
0xe9: {  	s3 =	sadd.s32 $0x108, s0;
	[tilespmem:s0+$0x178] =	vst.add.f32.msk $0xffff, v1;
	s0 =	sadd.s32 @!p1 s1, s2;
	s2 =	sand.u32 @!p1 $0x7, s29  }
0xea: {  	[hbm4b:s0+s2] =	stream.linear.scatter @!p1 [tilespmem:s3], [sflag:$0xC], $0x80, $0x38;
	[tilespmem:$0x1F6F8] =	vst v63  }
0xeb: {  	s0 =	simm.s32 $0x0  }
0xec: {  	s0 =	simm.s32 @!p1 $0x200  }
0xed: {  	s31 =	sadd.s32 s0, s31  }
.LBB2_16:
0xee: {  	s0 =	sadd.s32 $0x1, s22  }
0xef: {  	s2 =	smulhi.u32 $0x88888889, s0;
	_ =	sdelay $0x1  }
0xf0: {  	v1 =	vld [tilespmem:s25+$0xFFFFFFC0];
	s2 =	sshrl.u32 s2, $0x7  }
0xf1: {  	s2 =	smul.u32 $0xF0, s2;
	_ =	sdelay $0x1  }
0xf2: {  	s22 =	ssub.s32 s0, s2  }
0xf3: {  	s0 =	sshll.u32 s22, $0x7  }
0xf4: {  	[tilespmem:s0+$0x108] =	vst v1  }
0xf5: {  	v1 =	vld [tilespmem:s25+$0xFFFFFFD0];
	_ =	sdelay $0x4  }
0xf6: {  	[tilespmem:s0+$0x118] =	vst v1  }
0xf7: {  	v1 =	vld [tilespmem:s25+$0xFFFFFFE0];
	_ =	sdelay $0x4  }
0xf8: {  	[tilespmem:s0+$0x128] =	vst v1  }
0xf9: {  	v1 =	vld [tilespmem:s25+$0xFFFFFFF0];
	_ =	sdelay $0x4  }
0xfa: {  	[tilespmem:s0+$0x138] =	vst v1  }
0xfb: {  	v1 =	vld [tilespmem:s25+$0x0];
	_ =	sdelay $0x4  }
0xfc: {  	[tilespmem:s0+$0x148] =	vst v1  }
0xfd: {  	v1 =	vld [tilespmem:s25+$0x10];
	_ =	sdelay $0x4  }
0xfe: {  	[tilespmem:s0+$0x158] =	vst v1  }
0xff: {  	v1 =	vld [tilespmem:s25+$0x20];
	_ =	sdelay $0x4  }
0x100: {  	[tilespmem:s0+$0x168] =	vst v1  }
0x101: {  	v1 =	vld [tilespmem:s25+$0x30]  }
.Ltmp15:
0x102: {  	_ = 	snop;
	(pc) =	sbr.rel .LBB2_17-.Ltmp15, $2  }
0x103: {  	_ =	sdelay $0x2  }
0x104: {  	s28 =	sadd.s32 $0x1, s28;
	[tilespmem:s0+$0x178] =	vst v1  }
.LBB2_19:
.Ltmp16:
0x105: {  	(pc) =	sbr.rel .LBB2_20-.Ltmp16, $4  }
0x106: {  	_ = 	snop  }
0x107: {  	s0 =	simm.s32 $0x2  }
0x108: {  	_ =	swait.ge [sflag:s0], $0x0  }
0x109: {  	s30 =	smov.u32 s29;
	[sflag:s0] =	ssyncset.done $0x0;
	s0 =	simm.s32 $0x0  }
.LBB2_22:
0x10a: {  	_ =	sfence.sel $0x180000  }
0x10b: {  	s0 =	simm.s32 $0x9;
	[bflag:$0x0] =	sbarrier.arrive $0xFFFF  }
0x10c: {  	s24 =	simm.s32 $0xA;
	[sflag:s0] =	ssyncpa.u1 $0x1  }
0x10d: {  	s25 =	simm.s32 $0xB;
	[sflag:s24] =	ssyncpa.u1 $0x1  }
0x10e: {  	s26 =	simm.s32 $0x2;
	[sflag:s25] =	ssyncpa.u1 $0x1  }
0x10f: {  	[sflag:s26] =	ssyncpa.u1 $0x1  }
0x110: {  	v0 =	vld [tilespmem:$0xF208];
	_ =	sdelay $0x4  }
0x111: {  	(v2sf) =	vpush v0, $0x0  }
0x112: {  	(v2sf) =	vpush v0, $0x1;
	_ =	sdelay $0x1  }
0x113: {  	(v2sf) =	vpush v0, $0x2;
	_ =	sdelay $0xb  }
0x114: {  	s0 =	spop (v2sf)  }
0x115: {  	s2 =	spop (v2sf)  }
0x116: {  	s3 =	smov.u32 s0;
	p0 =	sne.s32 s0, s2  }
0x117: {  	s4 =	spop (v2sf);
	s3 =	simm.s32 @!p0 $0xFFFFFFFF  }
0x118: {  	v2 =	vimm.s32 $0x1;
	v3 =	vlaneseq.u32;
	p0 =	seq.s32 s4, $0xFFFFFFFF;
	v1 =	vmov s3  }
0x119: {  	s16 =	stileid.u32;
	v0 =	vperm.xlane v0, v2;
	p1 =	sne.s32 @!p0 s0, s2;
	v1 =	vperm.xlane v1, v3  }
0x11a: {  	vm0 =	vcmask $0x3F04;
	s6 =	simm.s32 $0xF208;
	s0 =	simm.s32 @!p0 $0x1;
	p1 =	por !p1, p0  }
0x11b: {  	s3 =	sshll.u32 s16, $0x1;
	s2 =	sshll.u32 @!p0 s4, $0x9;
	s0 =	simm.s32 @p1 $0x0;
	v0 =	vsel vm0, v1, v0  }
0x11c: {  	s5 =	sor.u32 $0x1000, s3;
	s2 =	sshra.s32 @!p0 s2, $0x2;
	s0 =	sor.u32 @!p0 s0, s3;
	[tilespmem:$0xF208] =	vst v0  }
0x11d: {  	[spmem:s5] =	stream.linear.scatter [tilespmem:s6], [sflag:$0x1], $0x2, $0x38;
	[tilespmem:$0x1F6F8] =	vst v63  }
0x11e: {  	s2 =	sadd.s32 @!p0 $0x108, s2;
	s0 =	sshll.u32 @!p0 s0, $0x7  }
0x11f: {  	[spmem:s0] =	stream.linear.scatter @!p0 [tilespmem:s2], [sflag:$0x1], $0x80, $0x38;
	[tilespmem:$0x1F6F8] =	vst v63  }
0x120: {  	s0 =	simm.s32 @!p0 $0x82  }
0x121: {  	s28 =	simm.s32 $0x1;
	s0 =	simm.s32 @p0 $0x2  }
0x122: {  	_ =	swait.ge [sflag:s28], s0  }
0x123: {  	s0 =	ssub.s32 $0x0, s0;
	[sflag:s28] =	ssyncset.done $0x0  }
0x124: {  	p0 =	sne.s32 s16, $0x0;
	[sflag:s28] =	ssyncadd.s32 s0  }
.Ltmp17:
0x125: {  	_ =	sfence.stream.spmem;
	(pc) =	sbr.rel @p0 .LBB2_39-.Ltmp17, $4  }
0x126: {  	s29 =	simm.s32 $0x3;
	[bflag:$0x0] =	sbarrier.arrive $0xFFFF  }
0x127: {  	s30 =	simm.s32 $0x4;
	[sflag:s29] =	ssyncpa.u1 $0x1  }
0x128: {  	s31 =	simm.s32 $0x3C;
	[sflag:s30] =	ssyncpa.u1 $0x1  }
0x129: {  	s15 =	rddreg [dreg:$0x5];
	[sflag:s31] =	ssyncpa.u1 $0x1  }
0x12a: {  	_ =	sfence.stream.spmem;
	s0 =	simm.s32 $0x5  }
0x12b: {  	s2 =	simm.s32 $0x1000;
	s3 =	simm.s32 $0xF218;
	[sflag:s0] =	ssyncpa.u1 $0x0  }
0x12c: {  	[tilespmem:s3], [sflag:$0x5] =	stream.linear.gather [spmem:s2], $0x20, $0x38;
	[tilespmem:$0x1F6F8] =	vst v63  }
0x12d: {  	s26 =	simm.s32 $0x0;
	s28 =	simm.s32 $0xF238  }
0x12e: {  	[tilespmem:s28], [sflag:$0x5] =	stream.linear.gather [spmem:s26], $0x1000, $0x38;
	[tilespmem:$0x1F6F8] =	vst v63  }
0x12f: {  	_ =	swait.ge [sflag:s0], $0x1020  }
0x130: {  	[sflag:s0] =	ssyncset.done $0x0  }
0x131: {  	s29 =	simm.s32 $0x0;
	[sflag:s0] =	ssyncadd.s32 $0xFFFFEFE0  }
0x132: {  	v0 =	vld.msk [tilespmem:s29+$0xF218], $0x1;
	_ =	sdelay $0x1  }
0x133: {  	s30 =	simm.s32 $0x1  }
0x134: {  	v1 =	vld.msk [tilespmem:s30+$0xF218], $0x1;
	_ =	sdelay $0x1  }
0x135: {  	(v2sf) =	vpush v0, $0x0;
	_ =	sdelay $0x2  }
0x136: {  	(v2sf) =	vpush v1, $0x0;
	_ =	sdelay $0x2  }
0x137: {  	s31 =	simm.s32 $0x2  }
0x138: {  	v0 =	vld.msk [tilespmem:s31+$0xF218], $0x1;
	_ =	sdelay $0x2  }
0x139: {  	s4 =	simm.s32 $0xFFFFFFFF;
	s5 =	simm.s32 $0xFFFFFFFF;
	s0 =	simm.s32 $0xC  }
.LBB2_24:
0x13a: {  	s2 =	smov.u32 s5;
	s3 =	smov.u32 s4  }
0x13b: {  	s4 =	sshra.s32 s0, $0x2;
	p1 =	sne.s32 s0, $0x7C;
	s0 =	sadd.s32 $0x4, s0;
	(v2sf) =	vpush v0, $0x0  }
0x13c: {  	v0 =	vld.msk [tilespmem:s4+$0xF218], $0x1  }
.Ltmp18:
0x13d: {  	(pc) =	sbr.rel @p1 .LBB2_24-.Ltmp18, $4  }
0x13e: {  	s5 =	spop (v2sf)  }
0x13f: {  	p2 =	sne.s32 s3, $0xFFFFFFFF;
	s4 =	smov.u32 s5  }
0x140: {  	p3 =	seq.s32 s5, $0xFFFFFFFF;
	s4 =	smov.u32 @p2 s3  }
0x141: {  	s5 =	smov.u32 @p3 s2;
	s4 =	smov.u32 @p3 s3  }
0x142: {  	(v2sf) =	vpush v0, $0x0;
	_ =	sdelay $0x8  }
0x143: {  	s0 =	spop (v2sf)  }
0x144: {  	p1 =	sne.s32 s4, $0xFFFFFFFF;
	s2 =	smov.u32 s0  }
0x145: {  	s9 =	simm.s32 $0x6;
	p2 =	seq.s32 s0, $0xFFFFFFFF;
	s2 =	smov.u32 @p1 s4  }
0x146: {  	s6 =	simm.s32 $0x0;
	s2 =	smov.u32 @p2 s4;
	s3 =	spop (v2sf)  }
0x147: {  	s0 =	smov.u32 @p2 s5;
	p1 =	sne.s32 s2, $0xFFFFFFFF;
	s4 =	smov.u32 s3  }
.Ltmp19:
0x148: {  	p2 =	seq.s32 s3, $0xFFFFFFFF;
	s4 =	smov.u32 @p1 s2;
	(pc) =	sbr.rel .LBB2_26-.Ltmp19, $4  }
0x149: {  	s10 =	simm.s32 $0xF188;
	s4 =	smov.u32 @p2 s2;
	s7 =	spop (v2sf)  }
0x14a: {  	s11 =	simm.s32 $0x0;
	p1 =	sne.s32 s4, $0xFFFFFFFF;
	s8 =	smov.u32 s7  }
0x14b: {  	s3 =	smov.u32 @p2 s0;
	p2 =	seq.s32 s7, $0xFFFFFFFF;
	s8 =	smov.u32 @p1 s4  }
0x14c: {  	[sflag:s9] =	ssyncpa.u1 $0x0;
	s7 =	smov.u32 @p2 s3;
	s8 =	smov.u32 @p2 s4  }
.LBB2_32:
0x14d: {  	p1 =	sgt.u32 s12, $0x1FFF0  }
0x14e: {  	p2 =	seq.s32 @!p1 s12, s8  }
0x14f: {  	p1 =	por p1, p2  }
0x150: {  	p2 =	sne.s32 @!p1 s12, s7  }
0x151: {  	p1 =	por p1, !p2  }
0x152: {  	s0 =	sshll.u32 @p1 s11, $0x9  }
0x153: {  	s0 =	sand.u32 @!p1 $0x1FFF8, s12  }
0x154: {  	s2 =	sand.u32 @!p1 $0x7, s12;
	s0 =	sadd.s32 @!p1 s1, s0  }
0x155: {  	[tilespmem:s10], [sflag:$0x6] =	stream.linear.gather @!p1 [hbm4b:s0+s2], $0x80, $0x38;
	[tilespmem:$0x1F6F8] =	vst v63  }
0x156: {  	_ =	swait.ge @!p1 [sflag:s9], $0x80  }
0x157: {  	[sflag:s9] =	ssyncset.done @!p1 $0x0  }
0x158: {  	[sflag:s9] =	ssyncadd.s32 @!p1 $0xFFFFFF80  }
0x159: {  	v1 =	vld @!p1 [tilespmem:$0xF188];
	_ =	sdelay $0x2  }
0x15a: {  	s0 =	sshll.u32 @!p1 s11, $0x9  }
0x15b: {  	s2 =	sshrl.u32 @!p1 s0, $0x2  }
0x15c: {  	[tilespmem:s2+$0xF238] =	vst.add.f32.msk @!p1 $0xffff, v1  }
0x15d: {  	v1 =	vld @!p1 [tilespmem:$0xF198];
	_ =	sdelay $0x4  }
0x15e: {  	[tilespmem:s2+$0xF248] =	vst.add.f32.msk @!p1 $0xffff, v1  }
0x15f: {  	v1 =	vld @!p1 [tilespmem:$0xF1A8];
	_ =	sdelay $0x4  }
0x160: {  	[tilespmem:s2+$0xF258] =	vst.add.f32.msk @!p1 $0xffff, v1  }
0x161: {  	v1 =	vld @!p1 [tilespmem:$0xF1B8];
	_ =	sdelay $0x4  }
0x162: {  	[tilespmem:s2+$0xF268] =	vst.add.f32.msk @!p1 $0xffff, v1  }
0x163: {  	v1 =	vld @!p1 [tilespmem:$0xF1C8];
	_ =	sdelay $0x4  }
0x164: {  	[tilespmem:s2+$0xF278] =	vst.add.f32.msk @!p1 $0xffff, v1  }
0x165: {  	v1 =	vld @!p1 [tilespmem:$0xF1D8];
	_ =	sdelay $0x4  }
0x166: {  	[tilespmem:s2+$0xF288] =	vst.add.f32.msk @!p1 $0xffff, v1  }
0x167: {  	v1 =	vld @!p1 [tilespmem:$0xF1E8];
	_ =	sdelay $0x4  }
0x168: {  	[tilespmem:s2+$0xF298] =	vst.add.f32.msk @!p1 $0xffff, v1  }
0x169: {  	v1 =	vld @!p1 [tilespmem:$0xF1F8];
	_ =	sdelay $0x4  }
0x16a: {  	[tilespmem:s2+$0xF2A8] =	vst.add.f32.msk @!p1 $0xffff, v1  }
0x16b: {  	s0 =	sshrl.u32 s0, $0x2;
	[tilespmem:s6+$0xF218] =	vst.msk $0x1, v0  }
0x16c: {  	v0 =	vld [tilespmem:s0+$0xF238];
	_ =	sdelay $0x2  }
0x16d: {  	s31 =	sshll.u32 s6, $0x9  }
0x16e: {  	s2 =	sshra.s32 s31, $0x2  }
0x16f: {  	[tilespmem:s2+$0xF238] =	vst v0  }
0x170: {  	v0 =	vld [tilespmem:s0+$0xF248];
	_ =	sdelay $0x4  }
0x171: {  	[tilespmem:s2+$0xF248] =	vst v0  }
0x172: {  	v0 =	vld [tilespmem:s0+$0xF258];
	_ =	sdelay $0x4  }
0x173: {  	[tilespmem:s2+$0xF258] =	vst v0  }
0x174: {  	v0 =	vld [tilespmem:s0+$0xF268];
	_ =	sdelay $0x4  }
0x175: {  	[tilespmem:s2+$0xF268] =	vst v0  }
0x176: {  	v0 =	vld [tilespmem:s0+$0xF278];
	_ =	sdelay $0x4  }
0x177: {  	[tilespmem:s2+$0xF278] =	vst v0  }
0x178: {  	v0 =	vld [tilespmem:s0+$0xF288];
	_ =	sdelay $0x4  }
0x179: {  	[tilespmem:s2+$0xF288] =	vst v0  }
0x17a: {  	v0 =	vld [tilespmem:s0+$0xF298];
	_ =	sdelay $0x4  }
0x17b: {  	[tilespmem:s2+$0xF298] =	vst v0  }
0x17c: {  	v0 =	vld [tilespmem:s0+$0xF2A8];
	_ =	sdelay $0x4  }
0x17d: {  	s6 =	sadd.s32 $0x1, s6;
	[tilespmem:s2+$0xF2A8] =	vst v0  }
.LBB2_33:
0x17e: {  	s11 =	sadd.s32 $0x1, s11  }
0x17f: {  	p1 =	sne.s32 s11, $0x20  }
.Ltmp20:
0x180: {  	_ = 	snop;
	(pc) =	sbr.rel @!p1 .LBB2_34-.Ltmp20, $1  }
0x181: {  	_ =	sdelay $0x3  }
.LBB2_26:
0x182: {  	v0 =	vld.msk [tilespmem:s11+$0xF218], $0x1;
	_ =	sdelay $0x4  }
0x183: {  	(v2sf) =	vpush v0, $0x0;
	_ =	sdelay $0xe  }
0x184: {  	s12 =	spop (v2sf)  }
0x185: {  	p1 =	seq.s32 s12, $0xFFFFFFFF  }
.Ltmp21:
0x186: {  	_ = 	snop;
	(pc) =	sbr.rel @p1 .LBB2_33-.Ltmp21, $1  }
0x187: {  	_ =	sdelay $0x3  }
0x188: {  	p1 =	slt.s32 s6, $0x1  }
.Ltmp22:
0x189: {  	_ = 	snop;
	(pc) =	sbr.rel @p1 .LBB2_32-.Ltmp22, $1  }
0x18a: {  	_ =	sdelay $0x3  }
0x18b: {  	s13 =	simm.s32 $0xF218;
	p1 =	por $0x0, $0x0  }
0x18c: {  	v1 =	vld.msk @!p1 [tilespmem:s13+$0x0], $0x1;
	_ =	sdelay $0x4  }
0x18d: {  	(v2sf) =	vpush @!p1 v1, $0x0;
	_ =	sdelay $0xd  }
0x18e: {  	p3 =	sne.s32 s6, $0x1  }
.Ltmp23:
0x18f: {  	s0 =	spop @!p1 (v2sf);
	(pc) =	sbr.rel @!p3 .LBB2_30-.Ltmp23, $4  }
0x190: {  	p2 =	seq.s32 @!p1 s12, s0  }
0x191: {  	s14 =	simm.s32 $0x0;
	p2 =	por !p2, p1  }
0x192: {  	s2 =	simm.s32 $0xFFFFFFFF;
	s14 =	simm.s32 @p2 $0xFFFFFFFF  }
0x193: {  	s0 =	simm.s32 $0x1;
	s14 =	smov.u32 @p1 s2  }
.LBB2_29:
0x194: {  	s2 =	smov.u32 s14;
	p1 =	sne.s32 s14, $0xFFFFFFFF  }
0x195: {  	s13 =	sadd.s32 $0x1, s13;
	s14 =	smov.u32 s0;
	s0 =	sadd.s32 $0x1, s0  }
0x196: {  	p2 =	sne.s32 s6, s0;
	v1 =	vld.msk @!p1 [tilespmem:s13+$0x0], $0x1;
	_ =	sdelay $0x4  }
0x197: {  	(v2sf) =	vpush @!p1 v1, $0x0;
	_ =	sdelay $0xe  }
.Ltmp24:
0x198: {  	s3 =	spop @!p1 (v2sf);
	(pc) =	sbr.rel @p2 .LBB2_29-.Ltmp24, $4  }
0x199: {  	p3 =	seq.s32 @!p1 s12, s3  }
0x19a: {  	p3 =	por !p3, p1  }
0x19b: {  	s14 =	simm.s32 @p3 $0xFFFFFFFF  }
0x19c: {  	s14 =	smov.u32 @p1 s2  }
.LBB2_30:
0x19d: {  	p1 =	seq.s32 s14, $0xFFFFFFFF  }
.Ltmp25:
0x19e: {  	_ = 	snop;
	(pc) =	sbr.rel @p1 .LBB2_32-.Ltmp25, $1  }
0x19f: {  	_ =	sdelay $0x3  }
0x1a0: {  	s0 =	sshll.u32 s11, $0x7  }
0x1a1: {  	s0 =	sand.u32 $0x3FFFFF80, s0  }
0x1a2: {  	v0 =	vld [tilespmem:s0+$0xF238];
	_ =	sdelay $0x2  }
0x1a3: {  	s2 =	sshll.u32 s14, $0x9  }
0x1a4: {  	s2 =	sshra.s32 s2, $0x2  }
0x1a5: {  	[tilespmem:s2+$0xF238] =	vst.add.f32.msk $0xffff, v0  }
0x1a6: {  	v0 =	vld [tilespmem:s0+$0xF248];
	_ =	sdelay $0x4  }
0x1a7: {  	[tilespmem:s2+$0xF248] =	vst.add.f32.msk $0xffff, v0  }
0x1a8: {  	v0 =	vld [tilespmem:s0+$0xF258];
	_ =	sdelay $0x4  }
0x1a9: {  	[tilespmem:s2+$0xF258] =	vst.add.f32.msk $0xffff, v0  }
0x1aa: {  	v0 =	vld [tilespmem:s0+$0xF268];
	_ =	sdelay $0x4  }
0x1ab: {  	[tilespmem:s2+$0xF268] =	vst.add.f32.msk $0xffff, v0  }
0x1ac: {  	v0 =	vld [tilespmem:s0+$0xF278];
	_ =	sdelay $0x4  }
0x1ad: {  	[tilespmem:s2+$0xF278] =	vst.add.f32.msk $0xffff, v0  }
0x1ae: {  	v0 =	vld [tilespmem:s0+$0xF288];
	_ =	sdelay $0x4  }
0x1af: {  	[tilespmem:s2+$0xF288] =	vst.add.f32.msk $0xffff, v0  }
0x1b0: {  	v0 =	vld [tilespmem:s0+$0xF298];
	_ =	sdelay $0x4  }
0x1b1: {  	[tilespmem:s2+$0xF298] =	vst.add.f32.msk $0xffff, v0  }
0x1b2: {  	v0 =	vld [tilespmem:s0+$0xF2A8]  }
.Ltmp26:
0x1b3: {  	_ = 	snop;
	(pc) =	sbr.rel .LBB2_33-.Ltmp26, $2  }
0x1b4: {  	_ =	sdelay $0x2  }
0x1b5: {  	[tilespmem:s2+$0xF2A8] =	vst.add.f32.msk $0xffff, v0  }
.LBB2_34:
0x1b6: {  	s0 =	simm.s32 $0x6;
	p1 =	seq.s32 s6, $0x0  }
0x1b7: {  	[sflag:s0] =	ssyncpa.u1 $0x1;
	v0 =	vimm.s32 @p1 $0xFFFFFFFF  }
0x1b8: {  	s9 =	sadd.s32 $0xFFFFFFFF, s6;
	[tilespmem:$0x10238] =	vst @p1 v0  }
0x1b9: {  	v0 =	vld.msk @!p1 [tilespmem:s9+$0xF218], $0x1;
	_ =	sdelay $0x1  }
0x1ba: {  	v1 =	vld.msk @!p1 [tilespmem:$0xF218], $0x1;
	_ =	sdelay $0x2  }
0x1bb: {  	p2 =	seq.s32 @!p1 s9, $0x0;
	v0 =	vbroadcast @!p1 v0, $0x0  }
0x1bc: {  	vm0 =	vmmov @!p1 $0x1;
	p2 =	por !p2, p1  }
0x1bd: {  	v1 =	vnsel @!p1 vm0, $0xFFFFFFFF, v1;
	vm0 =	vcmask @!p1 $0x308;
	v0 =	vpsel !p2, $0xFFFFFFFF, v0  }
0x1be: {  	p2 =	sne.s32 @!p1 s8, s7;
	v0 =	vsel @!p1 vm0, v1, v0  }
0x1bf: {  	s0 =	simm.s32 @!p1 $0xF238;
	s2 =	simm.s32 @!p1 $0x0;
	p3 =	por !p2, p1;
	[tilespmem:$0x10238] =	vst @!p1 v0  }
0x1c0: {  	[spmem:s2] =	stream.linear.scatter @!p1 [tilespmem:s0], [sflag:$0x1], $0x80, $0x38;
	[tilespmem:$0x1F6F8] =	vst v63  }
0x1c1: {  	s0 =	sshll.u32 @!p3 s9, $0x9  }
0x1c2: {  	s0 =	sshra.s32 @!p3 s0, $0x2  }
0x1c3: {  	s2 =	simm.s32 @!p3 $0x80;
	s0 =	sadd.s32 @!p3 $0xF238, s0  }
0x1c4: {  	[spmem:s2] =	stream.linear.scatter @!p3 [tilespmem:s0], [sflag:$0x1], $0x80, $0x38;
	[tilespmem:$0x1F6F8] =	vst v63  }
0x1c5: {  	s0 =	simm.s32 @!p3 $0x1  }
0x1c6: {  	_ =	swait.ge @!p3 [sflag:s0], $0x100  }
0x1c7: {  	p1 =	por p2, p1;
	[sflag:s0] =	ssyncset.done @!p3 $0x0  }
0x1c8: {  	[sflag:s0] =	ssyncadd.s32 @!p3 $0xFFFFFF00;
	s0 =	simm.s32 @!p1 $0x1  }
0x1c9: {  	_ =	swait.ge @!p1 [sflag:s0], $0x80  }
0x1ca: {  	s29 =	simm.s32 $0x10238;
	[sflag:s0] =	ssyncset.done @!p1 $0x0  }
0x1cb: {  	s30 =	simm.s32 $0x1000;
	s31 =	simm.s32 $0x1;
	[sflag:s0] =	ssyncadd.s32 @!p1 $0xFFFFFF80  }
0x1cc: {  	[spmem:s30] =	stream.linear.scatter [tilespmem:s29], [sflag:$0x1], $0x10, $0x38;
	[tilespmem:$0x1F6F8] =	vst v63  }
0x1cd: {  	_ =	swait.ge [sflag:s31], $0x10  }
0x1ce: {  	[sflag:s31] =	ssyncset.done $0x0  }
0x1cf: {  	p1 =	seq.s32 s15, $0x0;
	s8 =	rddreg [dreg:$0x2];
	[sflag:s31] =	ssyncadd.s32 $0xFFFFFFF0  }
0x1d0: {  	s2 =	sshll.u32 @p1 s8, $0xE;
	s7 =	rddreg [dreg:$0x3]  }
0x1d1: {  	s0 =	sadd.s32 @p1 $0x15C3C, s2;
	s2 =	sshll.u32 @p1 s7, $0x11  }
0x1d2: {  	_ =	sfence.stream.spmem;
	s0 =	sor.u32 @p1 s2, s0  }
0x1d3: {  	[sflag:s0] =	ssyncadd.remote.s32 @p1 $0x1;
	s0 =	simm.s32 @p1 $0x4  }
0x1d4: {  	s3 =	simm.s32 @!p1 $0x3C;
	s2 =	sand.u32 $0xFFFFFFFE, s8;
	_ =	swait.ge @p1 [sflag:s0], $0x22  }
0x1d5: {  	s4 =	simm.s32 @!p1 $0x0;
	s2 =	sadd.s32 @!p1 $0x4, s2;
	[sflag:s0] =	ssyncset.done @p1 $0x0  }
0x1d6: {  	s5 =	simm.s32 @!p1 $0x100;
	[sflag:s0] =	ssyncadd.s32 @p1 $0xFFFFFFDE;
	s0 =	sshll.u32 @!p1 s2, $0x1A  }
0x1d7: {  	s2 =	sshll.u32 @!p1 s2, $0xD;
	s0 =	sor.u32 @!p1 s0, s7;
	_ =	swait.eq @!p1 [sflag:s3], $0x1  }
0x1d8: {  	s2 =	sor.u32 @!p1 $0x1C04, s2;
	s3 =	simm.s32 @!p1 $0x1C03;
	s0 =	sor.u32 @!p1 $0x80004000, s0  }
0x1d9: {  	[spmem:s5], [sflag:s2] =	dma.general @!p1 [spmem:s4], [sflag:s3], length:$0x20, [dreg:$0x0], stride_count:$0x0, ici_dest:s0, dma_misc:DstOpCode:WRITE  }
0x1da: {  	p2 =	slt.s32 s9, $0x2;
	s4 =	simm.s32 @!p1 $0x200;
	s5 =	simm.s32 @!p1 $0x202  }
0x1db: {  	[spmem:s5], [sflag:s2] =	dma.general @!p1 [spmem:s4], [sflag:s3], length:$0x2, [dreg:$0x0], stride_count:$0x0, ici_dest:s0, dma_misc:DstOpCode:WRITE  }
.Ltmp27:
0x1dc: {  	s0 =	simm.s32 @!p1 $0x3;
	(pc) =	sbr.rel @p2 .LBB2_38-.Ltmp27, $4  }
0x1dd: {  	s2 =	sshll.u32 @!p1 s8, $0xE;
	_ =	swait.ge @!p1 [sflag:s0], $0x22  }
0x1de: {  	s3 =	sshll.u32 @!p1 s7, $0x11;
	s2 =	sadd.s32 @!p1 $0x11C3C, s2;
	[sflag:s0] =	ssyncset.done @!p1 $0x0  }
0x1df: {  	[sflag:s0] =	ssyncadd.s32 @!p1 $0xFFFFFFDE;
	s0 =	sor.u32 @!p1 s3, s2  }
0x1e0: {  	[sflag:s0] =	ssyncadd.remote.s32 @!p1 $0xFFFFFFFF;
	s0 =	simm.s32 $0x0  }
0x1e1: {  	s0 =	simm.s32 $0xF219  }
0x1e2: {  	v0 =	vld.msk [tilespmem:s0+$0x0], $0x1;
	_ =	sdelay $0x4  }
0x1e3: {  	(v2sf) =	vpush v0, $0x0;
	_ =	sdelay $0xb  }
0x1e4: {  	s31 =	sadd.s32 $0xFFFFFFFE, s6  }
0x1e5: {  	s0 =	sadd.s32 $0xFFFFFFFF, s31  }
0x1e6: {  	p2 =	sne.s32 s0, $0x0  }
.Ltmp28:
0x1e7: {  	s2 =	spop (v2sf);
	(pc) =	sbr.rel @!p2 .LBB2_37-.Ltmp28, $4  }
0x1e8: {  	s4 =	simm.s32 $0xF2B8;
	s7 =	simm.s32 $0x0;
	p1 =	sgt.u32 s2, $0x1FFF0  }
0x1e9: {  	s5 =	simm.s32 $0x0;
	s6 =	simm.s32 $0xF21A;
	s3 =	sand.u32 @!p1 $0x1FFF8, s2  }
0x1ea: {  	s2 =	sand.u32 @!p1 $0x7, s2;
	s7 =	simm.s32 @!p1 $0x200;
	s3 =	sadd.s32 @!p1 s1, s3  }
0x1eb: {  	[hbm4b:s3+s2] =	stream.linear.scatter @!p1 [tilespmem:s4], [sflag:$0x5], $0x80, $0x38;
	[tilespmem:$0x1F6F8] =	vst v63  }
.LBB2_36:
0x1ec: {  	v0 =	vld.msk [tilespmem:s6+$0x0], $0x1;
	s0 =	sadd.s32 $0xFFFFFFFF, s0;
	s5 =	sadd.s32 s5, s7  }
0x1ed: {  	p1 =	sne.s32 s0, $0x0;
	_ =	sdelay $0x3  }
0x1ee: {  	(v2sf) =	vpush v0, $0x0;
	_ =	sdelay $0xe  }
.Ltmp29:
0x1ef: {  	s2 =	spop (v2sf);
	(pc) =	sbr.rel @p1 .LBB2_36-.Ltmp29, $4  }
0x1f0: {  	s7 =	simm.s32 $0x0;
	p2 =	sgt.u32 s2, $0x1FFF0  }
0x1f1: {  	s4 =	sadd.s32 $0x80, s4;
	s7 =	simm.s32 @!p2 $0x200;
	s3 =	sand.u32 @!p2 $0x1FFF8, s2  }
0x1f2: {  	s6 =	sadd.s32 $0x1, s6;
	s2 =	sand.u32 @!p2 $0x7, s2;
	s3 =	sadd.s32 @!p2 s1, s3  }
0x1f3: {  	[hbm4b:s3+s2] =	stream.linear.scatter @!p2 [tilespmem:s4], [sflag:$0x5], $0x80, $0x38;
	[tilespmem:$0x1F6F8] =	vst v63  }
.LBB2_37:
0x1f4: {  	s0 =	sadd.s32 s5, s7  }
0x1f5: {  	s0 =	sshrl.u32 s0, $0x2  }
.LBB2_38:
0x1f6: {  	s2 =	simm.s32 $0x5  }
0x1f7: {  	_ =	swait.ge [sflag:s2], s0  }
0x1f8: {  	s31 =	ssub.s32 $0x0, s0;
	[sflag:s2] =	ssyncset.done $0x0  }
0x1f9: {  	[sflag:s2] =	ssyncadd.s32 s31  }
0x1fa: {  	[sflag:s2] =	ssyncpa.u1 $0x1  }
.LBB2_39:
0x1fb: {  	s0 =	sor.u32 s15, s16  }
0x1fc: {  	p1 =	sne.s32 s0, $0x0  }
.Ltmp30:
0x1fd: {  	_ = 	snop;
	(pc) =	sbr.rel @p1 .LBB2_54-.Ltmp30, $3  }
0x1fe: {  	_ =	sdelay $0x1  }
0x1ff: {  	[bflag:$0x0] =	sbarrier.arrive $0xFFFF  }
0x200: {  	_ =	sfence  }
0x201: {  	s0 =	simm.s32 $0x7  }
0x202: {  	s2 =	simm.s32 $0x1000;
	s3 =	simm.s32 $0xF218;
	[sflag:s0] =	ssyncpa.u1 $0x0  }
0x203: {  	[tilespmem:s3], [sflag:$0x7] =	stream.linear.gather [spmem:s2], $0x20, $0x38;
	[tilespmem:$0x1F6F8] =	vst v63  }
0x204: {  	s30 =	simm.s32 $0xF238;
	s2 =	simm.s32 $0x0  }
0x205: {  	[tilespmem:s30], [sflag:$0x7] =	stream.linear.gather [spmem:s2], $0x1000, $0x38;
	[tilespmem:$0x1F6F8] =	vst v63  }
.Ltmp31:
0x206: {  	_ = 	snop;
	(pc) =	sbr.rel .LBB2_41-.Ltmp31, $4  }
0x207: {  	_ =	swait.ge [sflag:s0], $0x1020  }
0x208: {  	[sflag:s0] =	ssyncset.done $0x0  }
0x209: {  	s31 =	simm.s32 $0x8;
	[sflag:s0] =	ssyncadd.s32 $0xFFFFEFE0  }
0x20a: {  	s3 =	simm.s32 $0x0;
	[sflag:s31] =	ssyncpa.u1 $0x0  }
.LBB2_47:
0x20b: {  	p1 =	slt.u32 s4, $0x1FFF1  }
0x20c: {  	s0 =	sand.u32 @p1 $0x1FFF8, s4  }
0x20d: {  	s4 =	sand.u32 @p1 $0x7, s4;
	s5 =	simm.s32 @p1 $0xF188;
	s0 =	sadd.s32 @p1 s1, s0  }
0x20e: {  	[tilespmem:s5], [sflag:$0x8] =	stream.linear.gather @p1 [hbm4b:s0+s4], $0x80, $0x38;
	[tilespmem:$0x1F6F8] =	vst v63  }
0x20f: {  	s0 =	simm.s32 @p1 $0x8  }
0x210: {  	_ =	swait.ge @p1 [sflag:s0], $0x80  }
0x211: {  	[sflag:s0] =	ssyncset.done @p1 $0x0  }
0x212: {  	[sflag:s0] =	ssyncadd.s32 @p1 $0xFFFFFF80  }
0x213: {  	v1 =	vld @p1 [tilespmem:$0xF188];
	_ =	sdelay $0x2  }
0x214: {  	s0 =	sshll.u32 @p1 s3, $0x9  }
0x215: {  	s4 =	sshrl.u32 @p1 s0, $0x2  }
0x216: {  	[tilespmem:s4+$0xF238] =	vst.add.f32.msk @p1 $0xffff, v1  }
0x217: {  	v1 =	vld @p1 [tilespmem:$0xF198];
	_ =	sdelay $0x4  }
0x218: {  	[tilespmem:s4+$0xF248] =	vst.add.f32.msk @p1 $0xffff, v1  }
0x219: {  	v1 =	vld @p1 [tilespmem:$0xF1A8];
	_ =	sdelay $0x4  }
0x21a: {  	[tilespmem:s4+$0xF258] =	vst.add.f32.msk @p1 $0xffff, v1  }
0x21b: {  	v1 =	vld @p1 [tilespmem:$0xF1B8];
	_ =	sdelay $0x4  }
0x21c: {  	[tilespmem:s4+$0xF268] =	vst.add.f32.msk @p1 $0xffff, v1  }
0x21d: {  	v1 =	vld @p1 [tilespmem:$0xF1C8];
	_ =	sdelay $0x4  }
0x21e: {  	[tilespmem:s4+$0xF278] =	vst.add.f32.msk @p1 $0xffff, v1  }
0x21f: {  	v1 =	vld @p1 [tilespmem:$0xF1D8];
	_ =	sdelay $0x4  }
0x220: {  	[tilespmem:s4+$0xF288] =	vst.add.f32.msk @p1 $0xffff, v1  }
0x221: {  	v1 =	vld @p1 [tilespmem:$0xF1E8];
	_ =	sdelay $0x4  }
0x222: {  	[tilespmem:s4+$0xF298] =	vst.add.f32.msk @p1 $0xffff, v1  }
0x223: {  	v1 =	vld @p1 [tilespmem:$0xF1F8];
	_ =	sdelay $0x3  }
0x224: {  	s5 =	sshll.u32 @!p1 s3, $0x9  }
0x225: {  	s5 =	smov.u32 @p1 s0;
	[tilespmem:s4+$0xF2A8] =	vst.add.f32.msk @p1 $0xffff, v1  }
0x226: {  	s0 =	sshrl.u32 s5, $0x2;
	[tilespmem:s2+$0xF218] =	vst.msk $0x1, v0  }
0x227: {  	v0 =	vld [tilespmem:s0+$0xF238];
	_ =	sdelay $0x2  }
0x228: {  	s31 =	sshll.u32 s2, $0x9  }
0x229: {  	s4 =	sshra.s32 s31, $0x2  }
0x22a: {  	[tilespmem:s4+$0xF238] =	vst v0  }
0x22b: {  	v0 =	vld [tilespmem:s0+$0xF248];
	_ =	sdelay $0x4  }
0x22c: {  	[tilespmem:s4+$0xF248] =	vst v0  }
0x22d: {  	v0 =	vld [tilespmem:s0+$0xF258];
	_ =	sdelay $0x4  }
0x22e: {  	[tilespmem:s4+$0xF258] =	vst v0  }
0x22f: {  	v0 =	vld [tilespmem:s0+$0xF268];
	_ =	sdelay $0x4  }
0x230: {  	[tilespmem:s4+$0xF268] =	vst v0  }
0x231: {  	v0 =	vld [tilespmem:s0+$0xF278];
	_ =	sdelay $0x4  }
0x232: {  	[tilespmem:s4+$0xF278] =	vst v0  }
0x233: {  	v0 =	vld [tilespmem:s0+$0xF288];
	_ =	sdelay $0x4  }
0x234: {  	[tilespmem:s4+$0xF288] =	vst v0  }
0x235: {  	v0 =	vld [tilespmem:s0+$0xF298];
	_ =	sdelay $0x4  }
0x236: {  	[tilespmem:s4+$0xF298] =	vst v0  }
0x237: {  	v0 =	vld [tilespmem:s0+$0xF2A8];
	_ =	sdelay $0x4  }
0x238: {  	s2 =	sadd.s32 $0x1, s2;
	[tilespmem:s4+$0xF2A8] =	vst v0  }
.LBB2_48:
0x239: {  	s3 =	sadd.s32 $0x1, s3  }
0x23a: {  	p1 =	sne.s32 s3, $0x20  }
.Ltmp32:
0x23b: {  	_ = 	snop;
	(pc) =	sbr.rel @!p1 .LBB2_49-.Ltmp32, $1  }
0x23c: {  	_ =	sdelay $0x3  }
.LBB2_41:
0x23d: {  	v0 =	vld.msk [tilespmem:s3+$0xF218], $0x1;
	_ =	sdelay $0x4  }
0x23e: {  	(v2sf) =	vpush v0, $0x0;
	_ =	sdelay $0xe  }
0x23f: {  	s4 =	spop (v2sf)  }
0x240: {  	p1 =	seq.s32 s4, $0xFFFFFFFF  }
.Ltmp33:
0x241: {  	_ = 	snop;
	(pc) =	sbr.rel @p1 .LBB2_48-.Ltmp33, $1  }
0x242: {  	_ =	sdelay $0x3  }
0x243: {  	p1 =	slt.s32 s2, $0x1  }
.Ltmp34:
0x244: {  	_ = 	snop;
	(pc) =	sbr.rel @p1 .LBB2_47-.Ltmp34, $1  }
0x245: {  	_ =	sdelay $0x3  }
0x246: {  	s5 =	simm.s32 $0xF218;
	p1 =	por $0x0, $0x0  }
0x247: {  	v1 =	vld.msk @!p1 [tilespmem:s5+$0x0], $0x1;
	_ =	sdelay $0x4  }
0x248: {  	(v2sf) =	vpush @!p1 v1, $0x0;
	_ =	sdelay $0xd  }
0x249: {  	p3 =	sne.s32 s2, $0x1  }
.Ltmp35:
0x24a: {  	s0 =	spop @!p1 (v2sf);
	(pc) =	sbr.rel @!p3 .LBB2_45-.Ltmp35, $4  }
0x24b: {  	p2 =	seq.s32 @!p1 s4, s0  }
0x24c: {  	s6 =	simm.s32 $0x0;
	p2 =	por !p2, p1  }
0x24d: {  	s7 =	simm.s32 $0xFFFFFFFF;
	s6 =	simm.s32 @p2 $0xFFFFFFFF  }
0x24e: {  	s0 =	simm.s32 $0x1;
	s6 =	smov.u32 @p1 s7  }
.LBB2_44:
0x24f: {  	s7 =	smov.u32 s6;
	p1 =	sne.s32 s6, $0xFFFFFFFF  }
0x250: {  	s5 =	sadd.s32 $0x1, s5;
	s6 =	smov.u32 s0;
	s0 =	sadd.s32 $0x1, s0  }
0x251: {  	p2 =	sne.s32 s2, s0;
	v1 =	vld.msk @!p1 [tilespmem:s5+$0x0], $0x1;
	_ =	sdelay $0x4  }
0x252: {  	(v2sf) =	vpush @!p1 v1, $0x0;
	_ =	sdelay $0xe  }
.Ltmp36:
0x253: {  	s8 =	spop @!p1 (v2sf);
	(pc) =	sbr.rel @p2 .LBB2_44-.Ltmp36, $4  }
0x254: {  	p3 =	seq.s32 @!p1 s4, s8  }
0x255: {  	p3 =	por !p3, p1  }
0x256: {  	s6 =	simm.s32 @p3 $0xFFFFFFFF  }
0x257: {  	s6 =	smov.u32 @p1 s7  }
.LBB2_45:
0x258: {  	p1 =	seq.s32 s6, $0xFFFFFFFF  }
.Ltmp37:
0x259: {  	_ = 	snop;
	(pc) =	sbr.rel @p1 .LBB2_47-.Ltmp37, $1  }
0x25a: {  	_ =	sdelay $0x3  }
0x25b: {  	s0 =	sshll.u32 s3, $0x7  }
0x25c: {  	s0 =	sand.u32 $0x3FFFFF80, s0  }
0x25d: {  	v0 =	vld [tilespmem:s0+$0xF238];
	_ =	sdelay $0x2  }
0x25e: {  	s4 =	sshll.u32 s6, $0x9  }
0x25f: {  	s4 =	sshra.s32 s4, $0x2  }
0x260: {  	[tilespmem:s4+$0xF238] =	vst.add.f32.msk $0xffff, v0  }
0x261: {  	v0 =	vld [tilespmem:s0+$0xF248];
	_ =	sdelay $0x4  }
0x262: {  	[tilespmem:s4+$0xF248] =	vst.add.f32.msk $0xffff, v0  }
0x263: {  	v0 =	vld [tilespmem:s0+$0xF258];
	_ =	sdelay $0x4  }
0x264: {  	[tilespmem:s4+$0xF258] =	vst.add.f32.msk $0xffff, v0  }
0x265: {  	v0 =	vld [tilespmem:s0+$0xF268];
	_ =	sdelay $0x4  }
0x266: {  	[tilespmem:s4+$0xF268] =	vst.add.f32.msk $0xffff, v0  }
0x267: {  	v0 =	vld [tilespmem:s0+$0xF278];
	_ =	sdelay $0x4  }
0x268: {  	[tilespmem:s4+$0xF278] =	vst.add.f32.msk $0xffff, v0  }
0x269: {  	v0 =	vld [tilespmem:s0+$0xF288];
	_ =	sdelay $0x4  }
0x26a: {  	[tilespmem:s4+$0xF288] =	vst.add.f32.msk $0xffff, v0  }
0x26b: {  	v0 =	vld [tilespmem:s0+$0xF298];
	_ =	sdelay $0x4  }
0x26c: {  	[tilespmem:s4+$0xF298] =	vst.add.f32.msk $0xffff, v0  }
0x26d: {  	v0 =	vld [tilespmem:s0+$0xF2A8]  }
.Ltmp38:
0x26e: {  	_ = 	snop;
	(pc) =	sbr.rel .LBB2_48-.Ltmp38, $2  }
0x26f: {  	_ =	sdelay $0x2  }
0x270: {  	[tilespmem:s4+$0xF2A8] =	vst.add.f32.msk $0xffff, v0  }
.LBB2_49:
0x271: {  	p1 =	slt.s32 s2, $0x1  }
.Ltmp39:
0x272: {  	_ = 	snop;
	(pc) =	sbr.rel @p1 .LBB2_53-.Ltmp39, $3  }
0x273: {  	_ =	sdelay $0x1  }
0x274: {  	s0 =	simm.s32 $0x8  }
0x275: {  	s3 =	simm.s32 $0x0;
	[sflag:s0] =	ssyncpa.u1 $0x1  }
0x276: {  	s0 =	simm.s32 $0xF218  }
0x277: {  	v0 =	vld.msk [tilespmem:s0+$0x0], $0x1;
	_ =	sdelay $0x4  }
0x278: {  	(v2sf) =	vpush v0, $0x0;
	_ =	sdelay $0xe  }
0x279: {  	s0 =	sadd.s32 $0xFFFFFFFF, s2;
	s5 =	spop (v2sf)  }
0x27a: {  	p2 =	sne.s32 s0, $0x0;
	p1 =	sgt.u32 s5, $0x1FFF0  }
.Ltmp40:
0x27b: {  	s6 =	sand.u32 @!p1 $0x1FFF8, s5;
	(pc) =	sbr.rel @!p2 .LBB2_52-.Ltmp40, $4  }
0x27c: {  	s4 =	simm.s32 $0xF238;
	s5 =	sand.u32 @!p1 $0x7, s5;
	s2 =	sadd.s32 @!p1 s1, s6  }
0x27d: {  	[hbm4b:s2+s5] =	stream.linear.scatter @!p1 [tilespmem:s4], [sflag:$0x7], $0x80, $0x38;
	[tilespmem:$0x1F6F8] =	vst v63  }
0x27e: {  	s5 =	simm.s32 $0x0  }
0x27f: {  	s2 =	simm.s32 $0xF219;
	s5 =	simm.s32 @!p1 $0x200  }
.LBB2_51:
0x280: {  	v0 =	vld.msk [tilespmem:s2+$0x0], $0x1;
	s0 =	sadd.s32 $0xFFFFFFFF, s0;
	s3 =	sadd.s32 s3, s5  }
0x281: {  	p1 =	sne.s32 s0, $0x0;
	_ =	sdelay $0x3  }
0x282: {  	(v2sf) =	vpush v0, $0x0;
	_ =	sdelay $0xe  }
.Ltmp41:
0x283: {  	s6 =	spop (v2sf);
	(pc) =	sbr.rel @p1 .LBB2_51-.Ltmp41, $4  }
0x284: {  	s5 =	simm.s32 $0x0;
	p2 =	sgt.u32 s6, $0x1FFF0  }
0x285: {  	s4 =	sadd.s32 $0x80, s4;
	s5 =	simm.s32 @!p2 $0x200;
	s7 =	sand.u32 @!p2 $0x1FFF8, s6  }
0x286: {  	s2 =	sadd.s32 $0x1, s2;
	s6 =	sand.u32 @!p2 $0x7, s6;
	s7 =	sadd.s32 @!p2 s1, s7  }
0x287: {  	[hbm4b:s7+s6] =	stream.linear.scatter @!p2 [tilespmem:s4], [sflag:$0x7], $0x80, $0x38;
	[tilespmem:$0x1F6F8] =	vst v63  }
.LBB2_52:
0x288: {  	s0 =	sadd.s32 s3, s5  }
0x289: {  	s3 =	sshrl.u32 s0, $0x2  }
.LBB2_53:
0x28a: {  	s0 =	simm.s32 $0x7  }
0x28b: {  	_ =	swait.ge [sflag:s0], s3  }
0x28c: {  	s1 =	ssub.s32 $0x0, s3;
	[sflag:s0] =	ssyncset.done $0x0  }
0x28d: {  	[sflag:s0] =	ssyncadd.s32 s1  }
0x28e: {  	[sflag:s0] =	ssyncpa.u1 $0x1  }
.LBB2_54:
0x28f: {  	_ =	sfence;
	s0 =	simm.s32 $0x1  }
0x290: {  	[sflag:s0] =	ssyncpa.u1 $0x1  }
0x291: {  	_ =	strace $0x9000005C  }
0x292: {  	[bflag:$0x2] =	sbarrier.arrive $0xFFFF  }
0x293: {  	s0 =	rddreg [dreg:$0x4]  }
0x294: {  	s0 =	sadd.s32 @!p0 $0x100000, s0  }
0x295: {  	[sflag:s0] =	ssyncadd.tile.s32 @!p0 $0x1;
	_ =	shalt  }
.Lfunc_end2:
_tile_overlayer_lowered:
.L_overlay_start_2:
0x296: {  	(tag) =	ssettag $0x2  }
0x297: {  	s0 =	rddreg [dreg:$0x0];
	s2 =	stileid.u32  }
0x298: {  	s1 =	rddreg [dreg:$0x1];
	p0 =	sne.s32 s2, $0x0  }
0x299: {  	s3 =	rddreg [dreg:$0x2];
	[bflag:$0x3] =	sbarrier.arrive $0xFFFF;
	s2 =	simm.s32 @!p0 $0x1C01  }
0x29a: {  	[timem:s3], [sflag:s2] =	dma.local @!p0 [hbm:s0], s1  }
0x29b: {  	s0 =	simm.s32 @!p0 $0x1  }
0x29c: {  	_ =	swait.ge @!p0 [sflag:s0], s1  }
0x29d: {  	s1 =	ssub.s32 @!p0 $0x0, s1;
	[sflag:s0] =	ssyncset.done @!p0 $0x0  }
0x29e: {  	[sflag:s0] =	ssyncadd.s32 @!p0 s1  }
0x29f: {  	[bflag:$0x3] =	sbarrier.arrive $0xFFFF  }
0x2a0: {  	_ =	shalt  }

// kernel: scatter_offload_async_start.3
scs
__scs_entry_jumppad:
0x0: {  	(pc) =	sbr.rel $0x88, $3  }
0x1: {  	(tag) =	ssettag $0x0;
	lr =	simm.s32 $0x1  }
0x2: {  	[smem:$0x3F72] =	sst lr;
	_ =	strace $0xD0000000  }
0x3: {  	_ = 	snop  }
0x4: {  	_ = 	snop  }
0x5: {  	_ = 	snop  }
0x6: {  	_ = 	snop  }
0x7: {  	_ = 	snop  }
__scs_overlays_trampoline_lowered:
0x8: {  	[smem:$0x3F81] =	sst s0  }
0x9: {  	[smem:$0x3F82] =	sst s1  }
0xa: {  	[smem:$0x3F83] =	sst s2  }
0xb: {  	[smem:$0x3F84] =	sst s3  }
0xc: {  	[smem:$0x3F85] =	sst s4  }
0xd: {  	[smem:$0x3F86] =	sst s5  }
0xe: {  	[smem:$0x3F87] =	sst s6  }
0xf: {  	[smem:$0x3F88] =	sst s7  }
0x10: {  	[smem:$0x3F89] =	sst s8  }
0x11: {  	[smem:$0x3F8A] =	sst s9;
	s0 =	simm.s32 @!p0 $0x0  }
0x12: {  	s1 =	sld [smem:$0x3F70];
	s0 =	simm.s32 @p0 $0x1  }
0x13: {  	[smem:$0x3F8B] =	sst s0;
	s0 =	simm.s32 @!p1 $0x0  }
0x14: {  	s2 =	sld [smem:$0x3F6F];
	s0 =	simm.s32 @p1 $0x1  }
0x15: {  	[smem:$0x3F8C] =	sst s0;
	s0 =	simm.s32 @!p2 $0x0  }
0x16: {  	s3 =	sld [smem:$0x3FDB];
	s0 =	simm.s32 @p2 $0x1  }
0x17: {  	s4 =	simm.s32 $0x1BF5;
	[smem:$0x3F8E] =	sst s0  }
0x18: {  	s0 =	sld [smem:$0x3F71];
	_ =	swait.ge [sflag:s4], $0x0  }
0x19: {  	s7 =	sld [smem:$0x3F72]  }
0x1a: {  	s8 =	sadd.s32 $0xFFFFE003, lr  }
0x1b: {  	s9 =	sadd.s32 $0xFFFFFEF7, lr;
	s5 =	simm.s32 $0xFFFFFFFF;
	p2 =	slt.u32 s8, $0xFFFFF086  }
0x1c: {  	p1 =	slt.u32 s9, $0xF7A;
	s5 =	simm.s32 @!p2 $0x0  }
0x1d: {  	s5 =	simm.s32 @p1 $0x1;
	p0 =	seq.s32 s7, s2  }
0x1e: {  	s7 =	smul.u32 @!p0 $0xF7A, s2;
	p2 =	seq.s32 @!p0 s5, $0x0  }
0x1f: {  	s9 =	smul.u32 $0xF7A, s1;
	s8 =	simm.s32 @!p0 $0x1BF5;
	p2 =	por !p2, p0  }
0x20: {  	[sflag:s8] =	ssyncset.s32 @!p0 $0xFFFFF086;
	s6 =	sadd.s32 @!p0 s3, s7;
	s7 =	simm.s32 @!p0 $0x108  }
0x21: {  	s3 =	sadd.s32 s3, s9;
	s6 =	sadd.s32 @!p0 $0x88, s6;
	s7 =	simm.s32 @p2 $0x1082  }
0x22: {  	[simem:s7], [sflag:s8] =	dma.local @!p0 [hbm:s6], $0xF7A  }
0x23: {  	s9 =	sor.u32 $0xD0000000, s2;
	s6 =	simm.s32 $0x108;
	_ =	swait.ge @!p0 [sflag:s8], $0x0  }
0x24: {  	s3 =	sadd.s32 $0x88, s3;
	s6 =	simm.s32 @!p1 $0x1082;
	[sflag:s4] =	ssyncset.s32 $0xFFFFF086  }
0x25: {  	[simem:s6], [sflag:s4] =	dma.local [hbm:s3], $0xF7A  }
0x26: {  	[smem:$0x3F72] =	sst s1;
	(tag) =	ssettag s2;
	_ =	strace s9  }
0x27: {  	s1 =	sld [smem:$0x3F82]  }
0x28: {  	s2 =	sld [smem:$0x3F83]  }
0x29: {  	s4 =	sld [smem:$0x3F85]  }
0x2a: {  	p0 =	seq.s32 s5, $0x0;
	s5 =	sld [smem:$0x3F86]  }
0x2b: {  	s6 =	sld [smem:$0x3F87]  }
0x2c: {  	s7 =	sld [smem:$0x3F88]  }
0x2d: {  	s3 =	simm.s32 $0x108;
	s8 =	sld [smem:$0x3F89]  }
0x2e: {  	s3 =	simm.s32 @!p0 $0x1082;
	s9 =	sld [smem:$0x3F8A]  }
0x2f: {  	lr =	sadd.s32 s0, s3;
	s0 =	sld [smem:$0x3F81]  }
0x30: {  	s3 =	sld [smem:$0x3F84]  }
0x31: {  	[smem:$0x3F8D] =	sst s10  }
0x32: {  	s10 =	sld [smem:$0x3F8B];
	_ =	sdelay $0x3  }
0x33: {  	p0 =	seq.s32 s10, $0x1;
	s10 =	sld [smem:$0x3F8D];
	_ =	sdelay $0x3  }
0x34: {  	[smem:$0x3F8D] =	sst s10  }
0x35: {  	s10 =	sld [smem:$0x3F8C];
	_ =	sdelay $0x3  }
0x36: {  	p1 =	seq.s32 s10, $0x1;
	s10 =	sld [smem:$0x3F8D];
	_ =	sdelay $0x3  }
0x37: {  	[smem:$0x3F8D] =	sst s10  }
0x38: {  	s10 =	sld [smem:$0x3F8E]  }
0x39: {  	_ = 	snop;
	(pc) =	sbr.ind lr, $3  }
0x3a: {  	_ = 	snop  }
0x3b: {  	_ = 	snop  }
0x3c: {  	p2 =	seq.s32 s10, $0x1;
	s10 =	sld [smem:$0x3F8D]  }
0x3d: {  	_ =	shalt  }
0x3e: {  	_ =	shalt  }
0x3f: {  	_ =	shalt  }
0x40: {  	_ =	shalt  }
0x41: {  	_ =	shalt  }
0x42: {  	_ =	shalt  }
0x43: {  	_ =	shalt  }
0x44: {  	_ =	shalt  }
0x45: {  	_ =	shalt  }
0x46: {  	_ =	shalt  }
0x47: {  	_ =	shalt  }
0x48: {  	_ =	shalt  }
0x49: {  	_ =	shalt  }
0x4a: {  	_ =	shalt  }
0x4b: {  	_ =	shalt  }
0x4c: {  	_ =	shalt  }
0x4d: {  	_ =	shalt  }
0x4e: {  	_ =	shalt  }
0x4f: {  	_ =	shalt  }
0x50: {  	_ =	shalt  }
0x51: {  	_ =	shalt  }
0x52: {  	_ =	shalt  }
0x53: {  	_ =	shalt  }
0x54: {  	_ =	shalt  }
0x55: {  	_ =	shalt  }
0x56: {  	_ =	shalt  }
0x57: {  	_ =	shalt  }
0x58: {  	_ =	shalt  }
0x59: {  	_ =	shalt  }
0x5a: {  	_ =	shalt  }
0x5b: {  	_ =	shalt  }
0x5c: {  	_ =	shalt  }
0x5d: {  	_ =	shalt  }
0x5e: {  	_ =	shalt  }
0x5f: {  	_ =	shalt  }
0x60: {  	_ =	shalt  }
0x61: {  	_ =	shalt  }
0x62: {  	_ =	shalt  }
0x63: {  	_ =	shalt  }
0x64: {  	_ =	shalt  }
0x65: {  	_ =	shalt  }
0x66: {  	_ =	shalt  }
0x67: {  	_ =	shalt  }
0x68: {  	_ =	shalt  }
0x69: {  	_ =	shalt  }
0x6a: {  	_ =	shalt  }
0x6b: {  	_ =	shalt  }
0x6c: {  	_ =	shalt  }
0x6d: {  	_ =	shalt  }
0x6e: {  	_ =	shalt  }
0x6f: {  	_ =	shalt  }
0x70: {  	_ =	shalt  }
0x71: {  	_ =	shalt  }
0x72: {  	_ =	shalt  }
0x73: {  	_ =	shalt  }
0x74: {  	_ =	shalt  }
0x75: {  	_ =	shalt  }
0x76: {  	_ =	shalt  }
0x77: {  	_ =	shalt  }
0x78: {  	_ =	shalt  }
0x79: {  	_ =	shalt  }
0x7a: {  	_ =	shalt  }
0x7b: {  	_ =	shalt  }
0x7c: {  	_ =	shalt  }
0x7d: {  	_ =	shalt  }
0x7e: {  	_ =	shalt  }
0x7f: {  	_ =	shalt  }
0x80: {  	_ =	shalt  }
0x81: {  	_ =	shalt  }
0x82: {  	_ =	shalt  }
0x83: {  	_ =	shalt  }
0x84: {  	_ =	shalt  }
0x85: {  	_ =	shalt  }
0x86: {  	_ =	shalt  }
0x87: {  	_ =	shalt  }
.Lfunc_end0:
.L_simem_size_0:
called_computation.3_lowered:
.L_overlay_start_0:
0x88: {  	s2 =	sld [smem:$0x3FD9]  }
0x89: {  	s3 =	sld [smem:$0x3FFE];
	_ =	sdelay $0x1  }
0x8a: {  	s1 =	srdreg.scid  }
0x8b: {  	s0 =	sand.u32 $0x1, s1  }
0x8c: {  	s13 =	sshll.u32 s0, $0xA;
	s2 =	sadd.s32 s3, s2  }
0x8d: {  	s2 =	sadd.s32 s2, s13  }
0x8e: {  	[smem:$0x3F99] =	sst s2  }
0x8f: {  	_ = 	snop  }
0x90: {  	s2 =	sld [smem:$0x3FD0];
	_ =	sdelay $0x2  }
0x91: {  	s14 =	simm.s32 $0xB;
	s4 =	simm.s32 $0x10  }
0x92: {  	[smem:s4], [sflag:s14] =	dma.local [hbm:s2], $0x1  }
0x93: {  	_ =	swait.eq [sflag:s14], $0x1  }
0x94: {  	[sflag:s14] =	ssyncset.done $0x0  }
0x95: {  	[sflag:s14] =	ssyncadd.s32 $0xFFFFFFFF  }
0x96: {  	s15 =	sld [smem:$0x12];
	(tm) =	ssettm $0x1  }
0x97: {  	s16 =	sld [smem:$0x3FFB];
	_ =	sdelay $0x3  }
0x98: {  	_ =	strace s16  }
0x99: {  	s3 =	sld [smem:$0x3FFC];
	_ =	sdelay $0x3  }
0x9a: {  	_ =	strace s3  }
0x9b: {  	s3 =	sld [smem:$0x3FFD];
	_ =	sdelay $0x3  }
0x9c: {  	_ =	strace s3  }
0x9d: {  	_ =	strace $0x8FFFFFFF  }
0x9e: {  	s17 =	sld [smem:$0x3FDB];
	_ =	sdelay $0x1  }
0x9f: {  	s18 =	simm.s32 $_scs_section_size  }
0xa0: {  	s5 =	simm.s32 $_size__tile_overlayer_lowered;
	s6 =	simm.s32 $_tile_overlayer_lowered  }
0xa1: {  	s21 =	simm.s32 $0x1BFF;
	s20 =	sshll.u32 s6, $0x1;
	s3 =	sadd.s32 s18, s17  }
0xa2: {  	s7 =	simm.s32 $0x0;
	s19 =	sshll.u32 s5, $0x1;
	s5 =	sadd.s32 s20, s3  }
0xa3: {  	[timem:s7], [sflag:s21] =	dma.local [hbm:s5], s19  }
0xa4: {  	_ =	swait.ge [sflag:s21], s19  }
0xa5: {  	s4 =	ssub.s32 $0x0, s19;
	[sflag:s21] =	ssyncset.done $0x0  }
0xa6: {  	[sflag:s21] =	ssyncadd.s32 s4;
	_ =	sdelay $0x1  }
0xa7: {  	s22 =	simm.s32 $0x1B8B  }
0xa8: {  	_ =	swait.ge [sflag:s22], $0x1  }
0xa9: {  	[sflag:s22] =	ssyncset.done $0x0  }
0xaa: {  	s23 =	sld [smem:$0x3FFE];
	[sflag:s22] =	ssyncadd.s32 $0xFFFFFFFF  }
0xab: {  	s25 =	simm.s32 $0x1B8E;
	s24 =	sld [smem:$0x0]  }
0xac: {  	s26 =	simm.s32 $execute0_lowered;
	[smem:$0x3FD2] =	sst s25  }
0xad: {  	s6 =	sshll.u32 s26, $0x1;
	_ =	strace $0x8000005E;
	[dreg:$0x1] =	wrdreg $0xFFFFFFFF  }
0xae: {  	s28 =	simm.s32 $_size_execute0_lowered;
	s3 =	sadd.s32 s3, s6;
	[dreg:$0x0] =	wrdreg $0x0  }
0xaf: {  	s6 =	sshll.u32 s28, $0x1;
	[dreg:$0x2] =	wrdreg s3  }
0xb0: {  	[dreg:$0x3] =	wrdreg s6  }
0xb1: {  	[dreg:$0x4] =	wrdreg $0xC0  }
0xb2: {  	_ =	task [dreg:s7], $0x5FFFF  }
0xb3: {  	[dreg:$0x1] =	wrdreg $0xFFFFFFFF  }
0xb4: {  	[dreg:$0x0] =	wrdreg $0x60  }
0xb5: {  	[dreg:$0x2] =	wrdreg s23  }
0xb6: {  	[dreg:$0x3] =	wrdreg s15  }
0xb7: {  	[dreg:$0x4] =	wrdreg s1  }
0xb8: {  	[dreg:$0x5] =	wrdreg s24  }
0xb9: {  	[dreg:$0x6] =	wrdreg $0x9  }
0xba: {  	_ =	task.clear_ibuf [dreg:s7], $0x7FFFF;
	_ =	strace $0x9000005E  }
0xbb: {  	s29 =	simm.s32 $0x9;
	_ =	strace $0x80000060  }
0xbc: {  	_ =	swait.ge [sflag:s29], $0x1  }
0xbd: {  	[sflag:s29] =	ssyncadd.s32 $0xFFFFFFFF  }
0xbe: {  	_ =	strace $0x90000060  }
0xbf: {  	_ =	sfence  }
0xc0: {  	s30 =	sld [smem:$0x0];
	_ =	sdelay $0x2  }
0xc1: {  	s31 =	sshll.u32 s1, $0xD;
	s1 =	sshrl.u32 s1, $0x2  }
0xc2: {  	s3 =	sand.u32 $0x4000, s31;
	s1 =	sadd.s32 s1, s30  }
0xc3: {  	s0 =	sor.u32 s3, s0;
	s1 =	sshll.u32 s1, $0x11  }
0xc4: {  	s0 =	sor.u32 s1, s0  }
0xc5: {  	s0 =	sadd.s32 $0x8F2B, s0  }
0xc6: {  	[sflag:s0] =	ssyncadd.remote.s32 $0x1  }
0xc7: {  	_ =	sfence.sel $0xFFFF  }
0xc8: {  	[dreg:$0x0] =	wrdreg $0xFFFFFFFF;
	(pc) =	sbr.abs _section_cstart, $3  }
0xc9: {  	[dreg:$0x1] =	wrdreg $0xFFFFFFFF  }
0xca: {  	_ =	task.clear_ibuf [dreg:s7], $0x2FFFF;
	_ =	strace $0x9FFFFFFF  }
0xcb: {  	(tm) =	ssettm $0x7FFFFFFF  }
tec
execute0_lowered:
.L_overlay_start_1:
0x0: {  	(tag) =	ssettag $0x1  }
0x1: {  	s2 =	rddreg [dreg:$0x0]  }
0x2: {  	s9 =	rddreg [dreg:$0x1]  }
0x3: {  	s3 =	rddreg [dreg:$0x2];
	_ =	strace $0x8000005F;
	s0 =	simm.s32 $0x1  }
0x4: {  	v0 =	vimm.s32 $0x0;
	[sflag:s0] =	ssyncpa.u1 $0x0;
	s0 =	simm.s32 $0x108  }
0x5: {  	[tilespmem:s0+$0x70] =	vst v0  }
0x6: {  	[tilespmem:s0+$0x60] =	vst v0  }
0x7: {  	[tilespmem:s0+$0x50] =	vst v0  }
0x8: {  	[tilespmem:s0+$0x40] =	vst v0  }
0x9: {  	[tilespmem:s0+$0x30] =	vst v0  }
0xa: {  	s1 =	sadd.s32 $0x600, s2;
	s15 =	sadd.s32 $0x2A2800, s2;
	[tilespmem:s0+$0x20] =	vst v0  }
0xb: {  	s14 =	sadd.s32 $0x2A7800, s2;
	s5 =	sand.u32 $0x1, s3;
	s3 =	simm.s32 $0x40;
	[tilespmem:s0+$0x10] =	vst v0  }
.LBB2_1:
0xc: {  	s3 =	sadd.s32 $0x40, s3;
	[tilespmem:s0+$0x0] =	vst v0;
	s0 =	sadd.s32 $0x80, s0  }
0xd: {  	p0 =	slt.u32 s3, $0x3C40;
	[tilespmem:s0+$0x70] =	vst v0  }
0xe: {  	[tilespmem:s0+$0x60] =	vst v0  }
.Ltmp0:
0xf: {  	[tilespmem:s0+$0x50] =	vst v0;
	(pc) =	sbr.rel @p0 .LBB2_1-.Ltmp0, $4  }
0x10: {  	[tilespmem:s0+$0x40] =	vst v0  }
0x11: {  	[tilespmem:s0+$0x30] =	vst v0  }
0x12: {  	[tilespmem:s0+$0x20] =	vst v0  }
0x13: {  	[tilespmem:s0+$0x10] =	vst v0  }
0x14: {  	s6 =	stileid.u32  }
0x15: {  	s2 =	smul.u32 $0x14, s6  }
0x16: {  	s3 =	smin.u32 s6, $0xE  }
0x17: {  	s2 =	sadd.s32 s3, s2  }
0x18: {  	p0 =	slt.u32 s6, $0xE;
	s7 =	smul.u32 $0xF0, s2;
	s2 =	simm.s32 $0x13B0  }
0x19: {  	s2 =	simm.s32 @!p0 $0x12C0  }
0x1a: {  	s2 =	sadd.s32 s2, s7  }
0x1b: {  	s8 =	smin.u32 s2, $0x13880  }
0x1c: {  	s2 =	ssub.s32 s8, s7  }
0x1d: {  	p0 =	sgt.s32 s2, $0x0  }
0x1e: {  	s29 =	simm.s32 $0x2;
	s10 =	simm.s32 $0x9;
	s2 =	simm.s32 @!p0 $0x0  }
0x1f: {  	s4 =	simm.s32 $0xA;
	s11 =	simm.s32 $0xB;
	s28 =	smulhi.u32 $0x88888889, s2  }
0x20: {  	[dreg:$0x5] =	wrdreg s5;
	s31 =	smul.u32 $0x2710, s5;
	s12 =	simm.s32 $0x1  }
0x21: {  	s22 =	simm.s32 $0x0;
	s18 =	simm.s32 $0xC;
	s30 =	sshrl.u32 s28, $0x7  }
0x22: {  	s20 =	simm.s32 $0x0;
	s21 =	simm.s32 $0x0;
	s3 =	smul.u32 $0xF0, s30  }
.Ltmp1:
0x23: {  	[tilespmem:s0+$0x0] =	vst v0;
	v0 =	vimm.s32 $0xFFFFFFFF;
	[sflag:s29] =	ssyncpa.u1 $0x0;
	s16 =	sshll.u32 s6, $0x8;
	(pc) =	sbr.rel .LBB2_3-.Ltmp1, $4  }
0x24: {  	[tilespmem:$0xF208] =	vst v0;
	[sflag:s10] =	ssyncpa.u1 $0x0;
	p0 =	sne.s32 s2, s3;
	s2 =	simm.s32 $0x1  }
0x25: {  	s14 =	sadd.s32 s31, s14;
	[sflag:s4] =	ssyncpa.u1 $0x0;
	s2 =	simm.s32 @!p0 $0x0  }
0x26: {  	s15 =	sadd.s32 s31, s15;
	[sflag:s11] =	ssyncpa.u1 $0x0;
	s13 =	sadd.s32 s2, s30  }
0x27: {  	v0 =	vlaneseq.u32;
	s19 =	smov.u32 s7;
	p0 =	por $0x0, $0x0;
	s17 =	sadd.s32 $0x1, s13  }
.LBB2_18:
0x28: {  	s0 =	sshrl.u32 s31, $0x2  }
.LBB2_20:
0x29: {  	_ =	swait.ge [sflag:s18], s0  }
0x2a: {  	s31 =	ssub.s32 $0x0, s0;
	v1 =	vmov s24;
	vm0 =	veq.s32 v0, $0x0;
	[sflag:s18] =	ssyncset.done $0x0  }
0x2b: {  	vm15 =	veq.s32 v0, $0x2;
	v1 =	vsel vm0, s30, v1;
	[sflag:s18] =	ssyncadd.s32 s31  }
0x2c: {  	v1 =	vsel vm15, s22, v1;
	[sflag:s18] =	ssyncpa.u1 $0x1  }
0x2d: {  	[tilespmem:$0xF208] =	vst v1  }
.LBB2_21:
0x2e: {  	s0 =	sadd.s32 $0xF0, s19  }
0x2f: {  	s2 =	smov.u32 s7;
	p1 =	slt.s32 s0, s8  }
0x30: {  	s2 =	smov.u32 @p1 s0;
	p1 =	sne.s32 s21, s17  }
.Ltmp2:
0x31: {  	_ = 	snop;
	(pc) =	sbr.rel @!p1 .LBB2_22-.Ltmp2, $3  }
0x32: {  	_ =	sdelay $0x1  }
0x33: {  	s22 =	smov.u32 s20;
	s31 =	sadd.s32 $0x1, s21;
	s20 =	smov.u32 s19  }
0x34: {  	p0 =	por !p0, !p0;
	s21 =	smov.u32 s31;
	s19 =	smov.u32 s2  }
.LBB2_3:
0x35: {  	p1 =	sge.u32 s21, s13  }
0x36: {  	s0 =	smulhi.u32 @!p1 $0xAAAAAAAB, s21  }
0x37: {  	s2 =	smov.u32 s19;
	p2 =	sgt.s32 @!p1 s19, $0x13790  }
0x38: {  	s3 =	sshra.s32 @!p1 s19, $0x1F;
	p2 =	por !p2, p1;
	s0 =	sshrl.u32 @!p1 s0, $0x1  }
0x39: {  	s3 =	sand.u32 @!p1 s3, s19;
	s2 =	simm.s32 @p2 $0x13790;
	s0 =	smul.u32 @!p1 $0x3, s0  }
0x3a: {  	s2 =	ssub.s32 @!p1 s2, s3  }
0x3b: {  	s2 =	sadd.s32 @!p1 $0xFFFEC870, s2;
	s0 =	ssub.s32 @!p1 s21, s0  }
0x3c: {  	s3 =	sshll.u32 @!p1 s2, $0x2;
	p2 =	sgt.s32 @!p1 s2, $0xEF;
	s0 =	smul.u32 @!p1 $0x3C0, s0  }
0x3d: {  	s4 =	sand.u32 @!p1 $0x7, s19;
	s2 =	ssub.s32 @!p1 $0x3C0, s3;
	p2 =	por !p2, p1  }
0x3e: {  	s3 =	sshrl.u32 @!p1 s19, $0x3;
	s2 =	sshrl.u32 @!p1 s2, $0x2;
	s0 =	sshrl.u32 @!p1 s0, $0x2  }
0x3f: {  	s3 =	sadd.s32 @!p1 s3, s14;
	s2 =	simm.s32 @!p2 $0x0;
	s0 =	sadd.s32 @!p1 $0x10248, s0  }
0x40: {  	[tilespmem:s0], [sflag:$0xA] =	stream.linear.gather @!p1 [hbm4b:s3+s4], s2, $0x38;
	[tilespmem:$0x1F6F8] =	vst v63  }
0x41: {  	s0 =	sadd.s32 $0xFFFFFFFF, s21  }
0x42: {  	p1 =	sge.u32 s0, s13  }
0x43: {  	p2 =	sgt.s32 @!p1 s20, $0x13790  }
0x44: {  	s2 =	smov.u32 s20;
	s3 =	sshra.s32 @!p1 s20, $0x1F;
	p2 =	por !p2, p1  }
0x45: {  	s3 =	sand.u32 @!p1 s3, s20;
	s2 =	simm.s32 @p2 $0x13790  }
0x46: {  	s2 =	ssub.s32 @!p1 s2, s3  }
0x47: {  	s2 =	sadd.s32 @!p1 $0xFFFEC870, s2  }
0x48: {  	s4 =	sand.u32 @!p1 $0x1, s0;
	s3 =	sshll.u32 @!p1 s2, $0x2  }
0x49: {  	p2 =	sgt.s32 @!p1 s2, $0xEF;
	s2 =	ssub.s32 @!p1 $0x3C0, s3;
	s3 =	smulhi.u32 @!p1 $0xAAAAAAAB, s0  }
0x4a: {  	s23 =	smul.u32 @!p1 $0x3C0, s4;
	p2 =	por !p2, p1;
	s2 =	sshrl.u32 @!p1 s2, $0x2  }
0x4b: {  	s5 =	simm.s32 @!p1 $0xA;
	s2 =	simm.s32 @!p2 $0x0;
	s3 =	sshrl.u32 @!p1 s3, $0x1  }
0x4c: {  	s23 =	sshrl.u32 @!p1 s23, $0x2;
	_ =	swait.ge @!p1 [sflag:s5], s2;
	s3 =	smul.u32 @!p1 $0x3, s3  }
0x4d: {  	s23 =	sadd.s32 @!p1 $0x10518, s23;
	s24 =	ssub.s32 @!p1 $0x0, s2;
	[sflag:s5] =	ssyncset.done @!p1 $0x0  }
0x4e: {  	[sflag:s5] =	ssyncadd.s32 @!p1 s24;
	s5 =	sshrl.u32 @!p1 s20, $0x3;
	s0 =	ssub.s32 @!p1 s0, s3  }
0x4f: {  	s24 =	sand.u32 @!p1 $0x7, s20;
	s5 =	sadd.s32 @!p1 s5, s15;
	s0 =	smul.u32 @!p1 $0x3C0, s0  }
0x50: {  	[tilespmem:s23], [sflag:$0xB] =	stream.linear.gather @!p1 [hbm4b:s5+s24], s2, $0x38;
	[tilespmem:$0x1F6F8] =	vst v63  }
0x51: {  	s3 =	ssub.s32 @!p1 $0x13880, s20;
	s2 =	smul.u32 @!p1 $0x1E000, s4  }
0x52: {  	p2 =	slt.s32 @!p1 s3, $0xF0  }
0x53: {  	p2 =	por !p2, p1;
	s0 =	sshrl.u32 @!p1 s0, $0x2;
	s2 =	sshrl.u32 @!p1 s2, $0x2  }
0x54: {  	s3 =	simm.s32 @p2 $0xF0;
	s0 =	sadd.s32 @!p1 $0x10248, s0;
	s2 =	sor.u32 @!p1 $0x106F8, s2  }
0x55: {  	[tilespmem:s2], [sflag:$0x9] =	stream.indirect.gather @!p1 [hbm4b:s9+s3], $0x80, s0, s3, $0xb8;
	[tilespmem:$0x1F6F8] =	vst v63  }
0x56: {  	p1 =	slt.u32 s21, $0x2  }
.Ltmp3:
0x57: {  	_ = 	snop;
	(pc) =	sbr.rel @p1 .LBB2_21-.Ltmp3, $1  }
0x58: {  	_ =	sdelay $0x3  }
0x59: {  	p1 =	sgt.s32 s22, $0x13790  }
0x5a: {  	s0 =	smov.u32 s22;
	s2 =	sshra.s32 s22, $0x1F;
	s3 =	ssub.s32 $0x13880, s22  }
0x5b: {  	s0 =	simm.s32 @!p1 $0x13790;
	s2 =	sand.u32 s2, s22;
	p1 =	slt.s32 s3, $0xF0  }
0x5c: {  	s0 =	ssub.s32 s0, s2;
	s3 =	simm.s32 @!p1 $0xF0  }
0x5d: {  	s0 =	sadd.s32 $0xFFFEC870, s0;
	s25 =	sshll.u32 s3, $0x7  }
0x5e: {  	s26 =	sshll.u32 s0, $0x2;
	s2 =	sand.u32 $0x3FFFFF80, s25  }
0x5f: {  	p1 =	sgt.s32 s0, $0xEF;
	s29 =	ssub.s32 $0x3C0, s26;
	_ =	swait.ge [sflag:s10], s2  }
0x60: {  	s2 =	ssub.s32 $0x0, s2;
	[sflag:s10] =	ssyncset.done $0x0;
	s0 =	sshrl.u32 s29, $0x2  }
0x61: {  	[sflag:s10] =	ssyncadd.s32 s2;
	s0 =	simm.s32 @p1 $0x0  }
0x62: {  	_ =	swait.ge [sflag:s11], s0  }
0x63: {  	s0 =	ssub.s32 $0x0, s0;
	[sflag:s11] =	ssyncset.done $0x0  }
0x64: {  	[sflag:s11] =	ssyncadd.s32 s0  }
0x65: {  	v1 =	vld [tilespmem:$0xF208];
	_ =	sdelay $0x4  }
0x66: {  	(v2sf) =	vpush v1, $0x0  }
0x67: {  	(v2sf) =	vpush v1, $0x1  }
0x68: {  	(v2sf) =	vpush v1, $0x2;
	_ =	sdelay $0x3  }
0x69: {  	s0 =	sadd.s32 $0xF0, s22  }
0x6a: {  	s2 =	ssub.s32 $0x27100, s22;
	p1 =	slt.s32 s8, s0  }
0x6b: {  	s0 =	smov.u32 @p1 s8;
	p1 =	sgt.s32 s2, $0x0  }
0x6c: {  	s26 =	ssub.s32 s0, s22;
	s2 =	simm.s32 @!p1 $0x0  }
0x6d: {  	p1 =	slt.s32 s2, s26  }
0x6e: {  	s26 =	smov.u32 @p1 s2  }
0x6f: {  	s25 =	simm.s32 $0x1;
	p1 =	slt.s32 s26, $0x1  }
.Ltmp4:
0x70: {  	s25 =	simm.s32 @!p0 $0x0;
	(pc) =	sbr.rel @p1 .LBB2_8-.Ltmp4, $4  }
0x71: {  	s31 =	smul.u32 $0x3C0, s25  }
0x72: {  	s28 =	spop (v2sf)  }
0x73: {  	s0 =	sshrl.u32 s31, $0x2;
	s30 =	spop (v2sf)  }
0x74: {  	s23 =	sadd.s32 $0x10518, s0;
	s22 =	spop (v2sf)  }
0x75: {  	s0 =	smin.u32 s26, $0x10  }
0x76: {  	v1 =	vmov s0  }
0x77: {  	p2 =	sgt.s32 s26, $0x10;
	vm1 =	vgt.u32 v1, v0  }
.Ltmp5:
0x78: {  	_ = 	snop;
	(pc) =	sbr.rel @!p2 .LBB2_7-.Ltmp5, $2  }
0x79: {  	_ =	sdelay $0x2  }
0x7a: {  	s4 =	simm.s32 $0x10;
	s24 =	sadd.s32 $0xFFFFFFF0, s26;
	s0 =	smov.u32 s23;
	vm0 =	vmmov vm1  }
.LBB2_6:
0x7b: {  	s2 =	smin.u32 s24, $0x10;
	s4 =	sadd.s32 $0x10, s4;
	v1 =	vld.msk [tilespmem:s0+$0x0 ss:$0x1], vm1  }
0x7c: {  	v2 =	vmov s2;
	p2 =	slt.s32 s4, s26  }
0x7d: {  	vm1 =	vgt.u32 v2, v0  }
.Ltmp6:
0x7e: {  	(pc) =	sbr.rel @p2 .LBB2_6-.Ltmp6, $3  }
0x7f: {  	_ =	sdelay $0x1  }
0x80: {  	v1 =	vshll.u32 v1, $0x4  }
0x81: {  	s24 =	sadd.s32 $0xFFFFFFF0, s24;
	[tilespmem:s0+$0x0] =	vst.msk vm0, v1;
	s0 =	sadd.s32 $0x10, s0;
	vm0 =	vmmov vm1  }
.LBB2_7:
0x82: {  	_ =	sdelay $0x4  }
0x83: {  	v1 =	vld.msk [tilespmem:s0+$0x0 ss:$0x1], vm1;
	_ =	sdelay $0x4  }
0x84: {  	v1 =	vshll.u32 v1, $0x4  }
0x85: {  	[tilespmem:s0+$0x0] =	vst.msk vm0, v1  }
.LBB2_8:
0x86: {  	s0 =	sand.u32 $0x1, s21  }
0x87: {  	s0 =	smul.u32 $0xF0, s0  }
0x88: {  	p2 =	sne.s32 s30, $0xFFFFFFFF  }
0x89: {  	v1 =	vld.msk @!p2 [tilespmem:s0+$0x10518], $0x1;
	_ =	sdelay $0x4  }
0x8a: {  	(v2sf) =	vpush @!p2 v1, $0x0;
	_ =	sdelay $0xc  }
.Ltmp7:
0x8b: {  	_ = 	snop;
	(pc) =	sbr.rel @p1 .LBB2_19-.Ltmp7, $4  }
0x8c: {  	_ = 	snop  }
0x8d: {  	s29 =	spop @!p2 (v2sf)  }
0x8e: {  	s22 =	simm.s32 @!p2 $0x0;
	s24 =	smov.u32 s29  }
0x8f: {  	[sflag:s18] =	ssyncpa.u1 $0x0;
	s29 =	smov.u32 @p2 s28;
	s24 =	smov.u32 @p2 s30  }
0x90: {  	v1 =	vld.msk [tilespmem:s23+$0x0], $0x1;
	_ =	sdelay $0x4  }
0x91: {  	(v2sf) =	vpush v1, $0x0;
	_ =	sdelay $0xe  }
0x92: {  	s2 =	smul.u32 $0x1E000, s25;
	s0 =	spop (v2sf)  }
0x93: {  	s26 =	ssub.s32 $0x0, s26;
	p1 =	seq.s32 s29, s0  }
0x94: {  	s30 =	sadd.s32 $0x1, s26;
	s2 =	sshrl.u32 s2, $0x2;
	p2 =	sgt.s32 @!p1 s29, $0x0  }
0x95: {  	s25 =	sor.u32 $0x10738, s2;
	s2 =	smov.u32 s29;
	p2 =	por !p2, p1  }
0x96: {  	s2 =	simm.s32 @p2 $0x0;
	p2 =	seq.s32 s30, $0x0  }
.Ltmp8:
0x97: {  	_ = 	snop;
	(pc) =	sbr.rel @p2 .LBB2_11-.Ltmp8, $4  }
0x98: {  	_ = 	snop  }
0x99: {  	s28 =	simm.s32 $0x0;
	s31 =	sadd.s32 $0x1, s23;
	s2 =	smin.u32 @!p1 s2, $0x270F0  }
0x9a: {  	s4 =	simm.s32 @!p1 $0x1;
	s5 =	simm.s32 @!p1 $0x7988;
	s3 =	sand.u32 @!p1 $0x3FFF8, s2  }
0x9b: {  	s4 =	smov.u32 @p1 s28;
	s2 =	sand.u32 @!p1 $0x7, s2;
	s3 =	sadd.s32 @!p1 s1, s3  }
.LBB2_10:
0x9c: {  	s6 =	smov.u32 s4  }
0x9d: {  	[tilespmem:s5], [sflag:$0x2] =	stream.linear.gather @!p1 [hbm4b:s3+s2], $0x80, $0x38;
	[tilespmem:$0x1F6F8] =	vst v63  }
0x9e: {  	s30 =	sadd.s32 $0x1, s30;
	s2 =	smov.u32 s0;
	v1 =	vld.msk [tilespmem:s31+$0x0], $0x1  }
0x9f: {  	p2 =	seq.s32 s30, $0x0;
	_ =	sdelay $0x3  }
0xa0: {  	(v2sf) =	vpush v1, $0x0;
	_ =	sdelay $0xe  }
0xa1: {  	s0 =	spop (v2sf)  }
0xa2: {  	p1 =	seq.s32 s2, s0  }
0xa3: {  	p3 =	sgt.s32 @!p1 s2, $0x0;
	s3 =	sshll.u32 @!p1 s4, $0x9;
	s4 =	sadd.s32 @!p1 $0x1, s4  }
.Ltmp9:
0xa4: {  	p3 =	por !p3, p1;
	s3 =	sshra.s32 @!p1 s3, $0x2;
	(pc) =	sbr.rel @!p2 .LBB2_10-.Ltmp9, $4  }
0xa5: {  	s4 =	smov.u32 @p1 s6;
	s2 =	simm.s32 @p3 $0x0;
	s5 =	sadd.s32 @!p1 $0x7988, s3  }
0xa6: {  	s2 =	smin.u32 @!p1 s2, $0x270F0  }
0xa7: {  	s3 =	sand.u32 @!p1 $0x3FFF8, s2;
	s2 =	sand.u32 @!p1 $0x7, s2  }
0xa8: {  	s31 =	sadd.s32 $0x1, s31;
	s3 =	sadd.s32 @!p1 s1, s3  }
.LBB2_11:
0xa9: {  	[tilespmem:s5], [sflag:$0x2] =	stream.linear.gather @!p1 [hbm4b:s3+s2], $0x80, $0x38;
	[tilespmem:$0x1F6F8] =	vst v63  }
.Ltmp10:
0xaa: {  	s0 =	sshll.u32 s4, $0x7;
	(pc) =	sbr.rel .LBB2_12-.Ltmp10, $4  }
0xab: {  	s30 =	simm.s32 $0x2;
	s0 =	sand.u32 $0x3FFFFF80, s0  }
0xac: {  	_ =	swait.ge [sflag:s30], s0  }
0xad: {  	s0 =	ssub.s32 $0x0, s0;
	[sflag:s30] =	ssyncset.done $0x0  }
0xae: {  	s31 =	simm.s32 $0x0;
	[sflag:s30] =	ssyncadd.s32 s0  }
.LBB2_13:
0xaf: {  	v1 =	vld [tilespmem:s25+$0xFFFFFFC0];
	_ =	sdelay $0x3  }
0xb0: {  	s0 =	sshra.s32 s0, $0x2  }
0xb1: {  	[tilespmem:s0+$0x108] =	vst.add.f32.msk $0xffff, v1  }
0xb2: {  	v1 =	vld [tilespmem:s25+$0xFFFFFFD0];
	_ =	sdelay $0x4  }
0xb3: {  	[tilespmem:s0+$0x118] =	vst.add.f32.msk $0xffff, v1  }
0xb4: {  	v1 =	vld [tilespmem:s25+$0xFFFFFFE0];
	_ =	sdelay $0x4  }
0xb5: {  	[tilespmem:s0+$0x128] =	vst.add.f32.msk $0xffff, v1  }
0xb6: {  	v1 =	vld [tilespmem:s25+$0xFFFFFFF0];
	_ =	sdelay $0x4  }
0xb7: {  	[tilespmem:s0+$0x138] =	vst.add.f32.msk $0xffff, v1  }
0xb8: {  	v1 =	vld [tilespmem:s25+$0x0];
	_ =	sdelay $0x4  }
0xb9: {  	[tilespmem:s0+$0x148] =	vst.add.f32.msk $0xffff, v1  }
0xba: {  	v1 =	vld [tilespmem:s25+$0x10];
	_ =	sdelay $0x4  }
0xbb: {  	[tilespmem:s0+$0x158] =	vst.add.f32.msk $0xffff, v1  }
0xbc: {  	v1 =	vld [tilespmem:s25+$0x20];
	_ =	sdelay $0x4  }
0xbd: {  	[tilespmem:s0+$0x168] =	vst.add.f32.msk $0xffff, v1  }
0xbe: {  	v1 =	vld [tilespmem:s25+$0x30];
	_ =	sdelay $0x4  }
0xbf: {  	[tilespmem:s0+$0x178] =	vst.add.f32.msk $0xffff, v1  }
.LBB2_17:
0xc0: {  	s26 =	sadd.s32 $0x1, s26  }
0xc1: {  	p1 =	seq.s32 s26, $0x0  }
.Ltmp11:
0xc2: {  	_ = 	snop;
	(pc) =	sbr.rel @p1 .LBB2_18-.Ltmp11, $2  }
0xc3: {  	_ =	sdelay $0x2  }
0xc4: {  	s23 =	sadd.s32 $0x1, s23;
	s25 =	sadd.s32 $0x80, s25;
	s29 =	smov.u32 s30  }
.LBB2_12:
0xc5: {  	v1 =	vld.msk [tilespmem:s23+$0x0], $0x1;
	_ =	sdelay $0x4  }
0xc6: {  	(v2sf) =	vpush v1, $0x0;
	_ =	sdelay $0xe  }
0xc7: {  	s30 =	spop (v2sf)  }
0xc8: {  	p1 =	sne.s32 s29, s30  }
.Ltmp12:
0xc9: {  	_ = 	snop;
	(pc) =	sbr.rel @!p1 .LBB2_13-.Ltmp12, $2  }
0xca: {  	_ =	sdelay $0x2  }
0xcb: {  	s0 =	sshll.u32 s22, $0x9  }
0xcc: {  	p1 =	seq.s32 s29, s24  }
.Ltmp13:
0xcd: {  	_ = 	snop;
	(pc) =	sbr.rel @!p1 .LBB2_15-.Ltmp13, $1  }
0xce: {  	_ =	sdelay $0x3  }
0xcf: {  	s0 =	sshra.s32 s0, $0x2  }
.Ltmp14:
0xd0: {  	s0 =	sadd.s32 $0x108, s0;
	(pc) =	sbr.rel .LBB2_16-.Ltmp14, $4  }
0xd1: {  	[spmem:s16] =	stream.linear.scatter [tilespmem:s0], [sflag:$0x1], $0x80, $0x38;
	[tilespmem:$0x1F6F8] =	vst v63  }
0xd2: {  	_ =	swait.ge [sflag:s12], $0x80  }
0xd3: {  	[sflag:s12] =	ssyncset.done $0x0  }
0xd4: {  	[sflag:s12] =	ssyncadd.s32 $0xFFFFFF80  }
.LBB2_15:
0xd5: {  	s2 =	sshll.u32 s28, $0x9  }
0xd6: {  	s2 =	sshra.s32 s2, $0x2  }
0xd7: {  	v1 =	vld [tilespmem:s2+$0x7988];
	_ =	sdelay $0x3  }
0xd8: {  	s0 =	sshra.s32 s0, $0x2  }
0xd9: {  	[tilespmem:s0+$0x108] =	vst.add.f32.msk $0xffff, v1  }
0xda: {  	v1 =	vld [tilespmem:s2+$0x7998];
	_ =	sdelay $0x4  }
0xdb: {  	[tilespmem:s0+$0x118] =	vst.add.f32.msk $0xffff, v1  }
0xdc: {  	v1 =	vld [tilespmem:s2+$0x79A8];
	_ =	sdelay $0x4  }
0xdd: {  	[tilespmem:s0+$0x128] =	vst.add.f32.msk $0xffff, v1  }
0xde: {  	v1 =	vld [tilespmem:s2+$0x79B8];
	_ =	sdelay $0x4  }
0xdf: {  	[tilespmem:s0+$0x138] =	vst.add.f32.msk $0xffff, v1  }
0xe0: {  	v1 =	vld [tilespmem:s2+$0x79C8];
	_ =	sdelay $0x4  }
0xe1: {  	[tilespmem:s0+$0x148] =	vst.add.f32.msk $0xffff, v1  }
0xe2: {  	v1 =	vld [tilespmem:s2+$0x79D8];
	_ =	sdelay $0x4  }
0xe3: {  	[tilespmem:s0+$0x158] =	vst.add.f32.msk $0xffff, v1  }
0xe4: {  	v1 =	vld [tilespmem:s2+$0x79E8];
	_ =	sdelay $0x4  }
0xe5: {  	[tilespmem:s0+$0x168] =	vst.add.f32.msk $0xffff, v1  }
0xe6: {  	v1 =	vld [tilespmem:s2+$0x79F8];
	_ =	sdelay $0x2  }
0xe7: {  	p1 =	sgt.u32 s29, $0x270F0  }
0xe8: {  	s2 =	sand.u32 @!p1 $0x3FFF8, s29  }
0xe9: {  	s3 =	sadd.s32 $0x108, s0;
	[tilespmem:s0+$0x178] =	vst.add.f32.msk $0xffff, v1;
	s0 =	sadd.s32 @!p1 s1, s2;
	s2 =	sand.u32 @!p1 $0x7, s29  }
0xea: {  	[hbm4b:s0+s2] =	stream.linear.scatter @!p1 [tilespmem:s3], [sflag:$0xC], $0x80, $0x38;
	[tilespmem:$0x1F6F8] =	vst v63  }
0xeb: {  	s0 =	simm.s32 $0x0  }
0xec: {  	s0 =	simm.s32 @!p1 $0x200  }
0xed: {  	s31 =	sadd.s32 s0, s31  }
.LBB2_16:
0xee: {  	s0 =	sadd.s32 $0x1, s22  }
0xef: {  	s2 =	smulhi.u32 $0x88888889, s0;
	_ =	sdelay $0x1  }
0xf0: {  	v1 =	vld [tilespmem:s25+$0xFFFFFFC0];
	s2 =	sshrl.u32 s2, $0x7  }
0xf1: {  	s2 =	smul.u32 $0xF0, s2;
	_ =	sdelay $0x1  }
0xf2: {  	s22 =	ssub.s32 s0, s2  }
0xf3: {  	s0 =	sshll.u32 s22, $0x7  }
0xf4: {  	[tilespmem:s0+$0x108] =	vst v1  }
0xf5: {  	v1 =	vld [tilespmem:s25+$0xFFFFFFD0];
	_ =	sdelay $0x4  }
0xf6: {  	[tilespmem:s0+$0x118] =	vst v1  }
0xf7: {  	v1 =	vld [tilespmem:s25+$0xFFFFFFE0];
	_ =	sdelay $0x4  }
0xf8: {  	[tilespmem:s0+$0x128] =	vst v1  }
0xf9: {  	v1 =	vld [tilespmem:s25+$0xFFFFFFF0];
	_ =	sdelay $0x4  }
0xfa: {  	[tilespmem:s0+$0x138] =	vst v1  }
0xfb: {  	v1 =	vld [tilespmem:s25+$0x0];
	_ =	sdelay $0x4  }
0xfc: {  	[tilespmem:s0+$0x148] =	vst v1  }
0xfd: {  	v1 =	vld [tilespmem:s25+$0x10];
	_ =	sdelay $0x4  }
0xfe: {  	[tilespmem:s0+$0x158] =	vst v1  }
0xff: {  	v1 =	vld [tilespmem:s25+$0x20];
	_ =	sdelay $0x4  }
0x100: {  	[tilespmem:s0+$0x168] =	vst v1  }
0x101: {  	v1 =	vld [tilespmem:s25+$0x30]  }
.Ltmp15:
0x102: {  	_ = 	snop;
	(pc) =	sbr.rel .LBB2_17-.Ltmp15, $2  }
0x103: {  	_ =	sdelay $0x2  }
0x104: {  	s28 =	sadd.s32 $0x1, s28;
	[tilespmem:s0+$0x178] =	vst v1  }
.LBB2_19:
.Ltmp16:
0x105: {  	(pc) =	sbr.rel .LBB2_20-.Ltmp16, $4  }
0x106: {  	_ = 	snop  }
0x107: {  	s0 =	simm.s32 $0x2  }
0x108: {  	_ =	swait.ge [sflag:s0], $0x0  }
0x109: {  	s30 =	smov.u32 s29;
	[sflag:s0] =	ssyncset.done $0x0;
	s0 =	simm.s32 $0x0  }
.LBB2_22:
0x10a: {  	_ =	sfence.sel $0x180000  }
0x10b: {  	s0 =	simm.s32 $0x9;
	[bflag:$0x0] =	sbarrier.arrive $0xFFFF  }
0x10c: {  	s24 =	simm.s32 $0xA;
	[sflag:s0] =	ssyncpa.u1 $0x1  }
0x10d: {  	s25 =	simm.s32 $0xB;
	[sflag:s24] =	ssyncpa.u1 $0x1  }
0x10e: {  	s26 =	simm.s32 $0x2;
	[sflag:s25] =	ssyncpa.u1 $0x1  }
0x10f: {  	[sflag:s26] =	ssyncpa.u1 $0x1  }
0x110: {  	v0 =	vld [tilespmem:$0xF208];
	_ =	sdelay $0x4  }
0x111: {  	(v2sf) =	vpush v0, $0x0  }
0x112: {  	(v2sf) =	vpush v0, $0x1;
	_ =	sdelay $0x1  }
0x113: {  	(v2sf) =	vpush v0, $0x2;
	_ =	sdelay $0xb  }
0x114: {  	s0 =	spop (v2sf)  }
0x115: {  	s2 =	spop (v2sf)  }
0x116: {  	s3 =	smov.u32 s0;
	p0 =	sne.s32 s0, s2  }
0x117: {  	s4 =	spop (v2sf);
	s3 =	simm.s32 @!p0 $0xFFFFFFFF  }
0x118: {  	v2 =	vimm.s32 $0x1;
	v3 =	vlaneseq.u32;
	p0 =	seq.s32 s4, $0xFFFFFFFF;
	v1 =	vmov s3  }
0x119: {  	s16 =	stileid.u32;
	v0 =	vperm.xlane v0, v2;
	p1 =	sne.s32 @!p0 s0, s2;
	v1 =	vperm.xlane v1, v3  }
0x11a: {  	vm0 =	vcmask $0x3F04;
	s6 =	simm.s32 $0xF208;
	s0 =	simm.s32 @!p0 $0x1;
	p1 =	por !p1, p0  }
0x11b: {  	s3 =	sshll.u32 s16, $0x1;
	s2 =	sshll.u32 @!p0 s4, $0x9;
	s0 =	simm.s32 @p1 $0x0;
	v0 =	vsel vm0, v1, v0  }
0x11c: {  	s5 =	sor.u32 $0x1000, s3;
	s2 =	sshra.s32 @!p0 s2, $0x2;
	s0 =	sor.u32 @!p0 s0, s3;
	[tilespmem:$0xF208] =	vst v0  }
0x11d: {  	[spmem:s5] =	stream.linear.scatter [tilespmem:s6], [sflag:$0x1], $0x2, $0x38;
	[tilespmem:$0x1F6F8] =	vst v63  }
0x11e: {  	s2 =	sadd.s32 @!p0 $0x108, s2;
	s0 =	sshll.u32 @!p0 s0, $0x7  }
0x11f: {  	[spmem:s0] =	stream.linear.scatter @!p0 [tilespmem:s2], [sflag:$0x1], $0x80, $0x38;
	[tilespmem:$0x1F6F8] =	vst v63  }
0x120: {  	s0 =	simm.s32 @!p0 $0x82  }
0x121: {  	s28 =	simm.s32 $0x1;
	s0 =	simm.s32 @p0 $0x2  }
0x122: {  	_ =	swait.ge [sflag:s28], s0  }
0x123: {  	s0 =	ssub.s32 $0x0, s0;
	[sflag:s28] =	ssyncset.done $0x0  }
0x124: {  	p0 =	sne.s32 s16, $0x0;
	[sflag:s28] =	ssyncadd.s32 s0  }
.Ltmp17:
0x125: {  	_ =	sfence.stream.spmem;
	(pc) =	sbr.rel @p0 .LBB2_39-.Ltmp17, $4  }
0x126: {  	s29 =	simm.s32 $0x3;
	[bflag:$0x0] =	sbarrier.arrive $0xFFFF  }
0x127: {  	s30 =	simm.s32 $0x4;
	[sflag:s29] =	ssyncpa.u1 $0x1  }
0x128: {  	s31 =	simm.s32 $0x3C;
	[sflag:s30] =	ssyncpa.u1 $0x1  }
0x129: {  	s15 =	rddreg [dreg:$0x5];
	[sflag:s31] =	ssyncpa.u1 $0x1  }
0x12a: {  	_ =	sfence.stream.spmem;
	s0 =	simm.s32 $0x5  }
0x12b: {  	s2 =	simm.s32 $0x1000;
	s3 =	simm.s32 $0xF218;
	[sflag:s0] =	ssyncpa.u1 $0x0  }
0x12c: {  	[tilespmem:s3], [sflag:$0x5] =	stream.linear.gather [spmem:s2], $0x20, $0x38;
	[tilespmem:$0x1F6F8] =	vst v63  }
0x12d: {  	s26 =	simm.s32 $0x0;
	s28 =	simm.s32 $0xF238  }
0x12e: {  	[tilespmem:s28], [sflag:$0x5] =	stream.linear.gather [spmem:s26], $0x1000, $0x38;
	[tilespmem:$0x1F6F8] =	vst v63  }
0x12f: {  	_ =	swait.ge [sflag:s0], $0x1020  }
0x130: {  	[sflag:s0] =	ssyncset.done $0x0  }
0x131: {  	s29 =	simm.s32 $0x0;
	[sflag:s0] =	ssyncadd.s32 $0xFFFFEFE0  }
0x132: {  	v0 =	vld.msk [tilespmem:s29+$0xF218], $0x1;
	_ =	sdelay $0x1  }
0x133: {  	s30 =	simm.s32 $0x1  }
0x134: {  	v1 =	vld.msk [tilespmem:s30+$0xF218], $0x1;
	_ =	sdelay $0x1  }
0x135: {  	(v2sf) =	vpush v0, $0x0;
	_ =	sdelay $0x2  }
0x136: {  	(v2sf) =	vpush v1, $0x0;
	_ =	sdelay $0x2  }
0x137: {  	s31 =	simm.s32 $0x2  }
0x138: {  	v0 =	vld.msk [tilespmem:s31+$0xF218], $0x1;
	_ =	sdelay $0x2  }
0x139: {  	s4 =	simm.s32 $0xFFFFFFFF;
	s5 =	simm.s32 $0xFFFFFFFF;
	s0 =	simm.s32 $0xC  }
.LBB2_24:
0x13a: {  	s2 =	smov.u32 s5;
	s3 =	smov.u32 s4  }
0x13b: {  	s4 =	sshra.s32 s0, $0x2;
	p1 =	sne.s32 s0, $0x7C;
	s0 =	sadd.s32 $0x4, s0;
	(v2sf) =	vpush v0, $0x0  }
0x13c: {  	v0 =	vld.msk [tilespmem:s4+$0xF218], $0x1  }
.Ltmp18:
0x13d: {  	(pc) =	sbr.rel @p1 .LBB2_24-.Ltmp18, $4  }
0x13e: {  	s5 =	spop (v2sf)  }
0x13f: {  	p2 =	sne.s32 s3, $0xFFFFFFFF;
	s4 =	smov.u32 s5  }
0x140: {  	p3 =	seq.s32 s5, $0xFFFFFFFF;
	s4 =	smov.u32 @p2 s3  }
0x141: {  	s5 =	smov.u32 @p3 s2;
	s4 =	smov.u32 @p3 s3  }
0x142: {  	(v2sf) =	vpush v0, $0x0;
	_ =	sdelay $0x8  }
0x143: {  	s0 =	spop (v2sf)  }
0x144: {  	p1 =	sne.s32 s4, $0xFFFFFFFF;
	s2 =	smov.u32 s0  }
0x145: {  	s9 =	simm.s32 $0x6;
	p2 =	seq.s32 s0, $0xFFFFFFFF;
	s2 =	smov.u32 @p1 s4  }
0x146: {  	s6 =	simm.s32 $0x0;
	s2 =	smov.u32 @p2 s4;
	s3 =	spop (v2sf)  }
0x147: {  	s0 =	smov.u32 @p2 s5;
	p1 =	sne.s32 s2, $0xFFFFFFFF;
	s4 =	smov.u32 s3  }
.Ltmp19:
0x148: {  	p2 =	seq.s32 s3, $0xFFFFFFFF;
	s4 =	smov.u32 @p1 s2;
	(pc) =	sbr.rel .LBB2_26-.Ltmp19, $4  }
0x149: {  	s10 =	simm.s32 $0xF188;
	s4 =	smov.u32 @p2 s2;
	s7 =	spop (v2sf)  }
0x14a: {  	s11 =	simm.s32 $0x0;
	p1 =	sne.s32 s4, $0xFFFFFFFF;
	s8 =	smov.u32 s7  }
0x14b: {  	s3 =	smov.u32 @p2 s0;
	p2 =	seq.s32 s7, $0xFFFFFFFF;
	s8 =	smov.u32 @p1 s4  }
0x14c: {  	[sflag:s9] =	ssyncpa.u1 $0x0;
	s7 =	smov.u32 @p2 s3;
	s8 =	smov.u32 @p2 s4  }
.LBB2_32:
0x14d: {  	p1 =	sgt.u32 s12, $0x270F0  }
0x14e: {  	p2 =	seq.s32 @!p1 s12, s8  }
0x14f: {  	p1 =	por p1, p2  }
0x150: {  	p2 =	sne.s32 @!p1 s12, s7  }
0x151: {  	p1 =	por p1, !p2  }
0x152: {  	s0 =	sshll.u32 @p1 s11, $0x9  }
0x153: {  	s0 =	sand.u32 @!p1 $0x3FFF8, s12  }
0x154: {  	s2 =	sand.u32 @!p1 $0x7, s12;
	s0 =	sadd.s32 @!p1 s1, s0  }
0x155: {  	[tilespmem:s10], [sflag:$0x6] =	stream.linear.gather @!p1 [hbm4b:s0+s2], $0x80, $0x38;
	[tilespmem:$0x1F6F8] =	vst v63  }
0x156: {  	_ =	swait.ge @!p1 [sflag:s9], $0x80  }
0x157: {  	[sflag:s9] =	ssyncset.done @!p1 $0x0  }
0x158: {  	[sflag:s9] =	ssyncadd.s32 @!p1 $0xFFFFFF80  }
0x159: {  	v1 =	vld @!p1 [tilespmem:$0xF188];
	_ =	sdelay $0x2  }
0x15a: {  	s0 =	sshll.u32 @!p1 s11, $0x9  }
0x15b: {  	s2 =	sshrl.u32 @!p1 s0, $0x2  }
0x15c: {  	[tilespmem:s2+$0xF238] =	vst.add.f32.msk @!p1 $0xffff, v1  }
0x15d: {  	v1 =	vld @!p1 [tilespmem:$0xF198];
	_ =	sdelay $0x4  }
0x15e: {  	[tilespmem:s2+$0xF248] =	vst.add.f32.msk @!p1 $0xffff, v1  }
0x15f: {  	v1 =	vld @!p1 [tilespmem:$0xF1A8];
	_ =	sdelay $0x4  }
0x160: {  	[tilespmem:s2+$0xF258] =	vst.add.f32.msk @!p1 $0xffff, v1  }
0x161: {  	v1 =	vld @!p1 [tilespmem:$0xF1B8];
	_ =	sdelay $0x4  }
0x162: {  	[tilespmem:s2+$0xF268] =	vst.add.f32.msk @!p1 $0xffff, v1  }
0x163: {  	v1 =	vld @!p1 [tilespmem:$0xF1C8];
	_ =	sdelay $0x4  }
0x164: {  	[tilespmem:s2+$0xF278] =	vst.add.f32.msk @!p1 $0xffff, v1  }
0x165: {  	v1 =	vld @!p1 [tilespmem:$0xF1D8];
	_ =	sdelay $0x4  }
0x166: {  	[tilespmem:s2+$0xF288] =	vst.add.f32.msk @!p1 $0xffff, v1  }
0x167: {  	v1 =	vld @!p1 [tilespmem:$0xF1E8];
	_ =	sdelay $0x4  }
0x168: {  	[tilespmem:s2+$0xF298] =	vst.add.f32.msk @!p1 $0xffff, v1  }
0x169: {  	v1 =	vld @!p1 [tilespmem:$0xF1F8];
	_ =	sdelay $0x4  }
0x16a: {  	[tilespmem:s2+$0xF2A8] =	vst.add.f32.msk @!p1 $0xffff, v1  }
0x16b: {  	s0 =	sshrl.u32 s0, $0x2;
	[tilespmem:s6+$0xF218] =	vst.msk $0x1, v0  }
0x16c: {  	v0 =	vld [tilespmem:s0+$0xF238];
	_ =	sdelay $0x2  }
0x16d: {  	s31 =	sshll.u32 s6, $0x9  }
0x16e: {  	s2 =	sshra.s32 s31, $0x2  }
0x16f: {  	[tilespmem:s2+$0xF238] =	vst v0  }
0x170: {  	v0 =	vld [tilespmem:s0+$0xF248];
	_ =	sdelay $0x4  }
0x171: {  	[tilespmem:s2+$0xF248] =	vst v0  }
0x172: {  	v0 =	vld [tilespmem:s0+$0xF258];
	_ =	sdelay $0x4  }
0x173: {  	[tilespmem:s2+$0xF258] =	vst v0  }
0x174: {  	v0 =	vld [tilespmem:s0+$0xF268];
	_ =	sdelay $0x4  }
0x175: {  	[tilespmem:s2+$0xF268] =	vst v0  }
0x176: {  	v0 =	vld [tilespmem:s0+$0xF278];
	_ =	sdelay $0x4  }
0x177: {  	[tilespmem:s2+$0xF278] =	vst v0  }
0x178: {  	v0 =	vld [tilespmem:s0+$0xF288];
	_ =	sdelay $0x4  }
0x179: {  	[tilespmem:s2+$0xF288] =	vst v0  }
0x17a: {  	v0 =	vld [tilespmem:s0+$0xF298];
	_ =	sdelay $0x4  }
0x17b: {  	[tilespmem:s2+$0xF298] =	vst v0  }
0x17c: {  	v0 =	vld [tilespmem:s0+$0xF2A8];
	_ =	sdelay $0x4  }
0x17d: {  	s6 =	sadd.s32 $0x1, s6;
	[tilespmem:s2+$0xF2A8] =	vst v0  }
.LBB2_33:
0x17e: {  	s11 =	sadd.s32 $0x1, s11  }
0x17f: {  	p1 =	sne.s32 s11, $0x20  }
.Ltmp20:
0x180: {  	_ = 	snop;
	(pc) =	sbr.rel @!p1 .LBB2_34-.Ltmp20, $1  }
0x181: {  	_ =	sdelay $0x3  }
.LBB2_26:
0x182: {  	v0 =	vld.msk [tilespmem:s11+$0xF218], $0x1;
	_ =	sdelay $0x4  }
0x183: {  	(v2sf) =	vpush v0, $0x0;
	_ =	sdelay $0xe  }
0x184: {  	s12 =	spop (v2sf)  }
0x185: {  	p1 =	seq.s32 s12, $0xFFFFFFFF  }
.Ltmp21:
0x186: {  	_ = 	snop;
	(pc) =	sbr.rel @p1 .LBB2_33-.Ltmp21, $1  }
0x187: {  	_ =	sdelay $0x3  }
0x188: {  	p1 =	slt.s32 s6, $0x1  }
.Ltmp22:
0x189: {  	_ = 	snop;
	(pc) =	sbr.rel @p1 .LBB2_32-.Ltmp22, $1  }
0x18a: {  	_ =	sdelay $0x3  }
0x18b: {  	s13 =	simm.s32 $0xF218;
	p1 =	por $0x0, $0x0  }
0x18c: {  	v1 =	vld.msk @!p1 [tilespmem:s13+$0x0], $0x1;
	_ =	sdelay $0x4  }
0x18d: {  	(v2sf) =	vpush @!p1 v1, $0x0;
	_ =	sdelay $0xd  }
0x18e: {  	p3 =	sne.s32 s6, $0x1  }
.Ltmp23:
0x18f: {  	s0 =	spop @!p1 (v2sf);
	(pc) =	sbr.rel @!p3 .LBB2_30-.Ltmp23, $4  }
0x190: {  	p2 =	seq.s32 @!p1 s12, s0  }
0x191: {  	s14 =	simm.s32 $0x0;
	p2 =	por !p2, p1  }
0x192: {  	s2 =	simm.s32 $0xFFFFFFFF;
	s14 =	simm.s32 @p2 $0xFFFFFFFF  }
0x193: {  	s0 =	simm.s32 $0x1;
	s14 =	smov.u32 @p1 s2  }
.LBB2_29:
0x194: {  	s2 =	smov.u32 s14;
	p1 =	sne.s32 s14, $0xFFFFFFFF  }
0x195: {  	s13 =	sadd.s32 $0x1, s13;
	s14 =	smov.u32 s0;
	s0 =	sadd.s32 $0x1, s0  }
0x196: {  	p2 =	sne.s32 s6, s0;
	v1 =	vld.msk @!p1 [tilespmem:s13+$0x0], $0x1;
	_ =	sdelay $0x4  }
0x197: {  	(v2sf) =	vpush @!p1 v1, $0x0;
	_ =	sdelay $0xe  }
.Ltmp24:
0x198: {  	s3 =	spop @!p1 (v2sf);
	(pc) =	sbr.rel @p2 .LBB2_29-.Ltmp24, $4  }
0x199: {  	p3 =	seq.s32 @!p1 s12, s3  }
0x19a: {  	p3 =	por !p3, p1  }
0x19b: {  	s14 =	simm.s32 @p3 $0xFFFFFFFF  }
0x19c: {  	s14 =	smov.u32 @p1 s2  }
.LBB2_30:
0x19d: {  	p1 =	seq.s32 s14, $0xFFFFFFFF  }
.Ltmp25:
0x19e: {  	_ = 	snop;
	(pc) =	sbr.rel @p1 .LBB2_32-.Ltmp25, $1  }
0x19f: {  	_ =	sdelay $0x3  }
0x1a0: {  	s0 =	sshll.u32 s11, $0x7  }
0x1a1: {  	s0 =	sand.u32 $0x3FFFFF80, s0  }
0x1a2: {  	v0 =	vld [tilespmem:s0+$0xF238];
	_ =	sdelay $0x2  }
0x1a3: {  	s2 =	sshll.u32 s14, $0x9  }
0x1a4: {  	s2 =	sshra.s32 s2, $0x2  }
0x1a5: {  	[tilespmem:s2+$0xF238] =	vst.add.f32.msk $0xffff, v0  }
0x1a6: {  	v0 =	vld [tilespmem:s0+$0xF248];
	_ =	sdelay $0x4  }
0x1a7: {  	[tilespmem:s2+$0xF248] =	vst.add.f32.msk $0xffff, v0  }
0x1a8: {  	v0 =	vld [tilespmem:s0+$0xF258];
	_ =	sdelay $0x4  }
0x1a9: {  	[tilespmem:s2+$0xF258] =	vst.add.f32.msk $0xffff, v0  }
0x1aa: {  	v0 =	vld [tilespmem:s0+$0xF268];
	_ =	sdelay $0x4  }
0x1ab: {  	[tilespmem:s2+$0xF268] =	vst.add.f32.msk $0xffff, v0  }
0x1ac: {  	v0 =	vld [tilespmem:s0+$0xF278];
	_ =	sdelay $0x4  }
0x1ad: {  	[tilespmem:s2+$0xF278] =	vst.add.f32.msk $0xffff, v0  }
0x1ae: {  	v0 =	vld [tilespmem:s0+$0xF288];
	_ =	sdelay $0x4  }
0x1af: {  	[tilespmem:s2+$0xF288] =	vst.add.f32.msk $0xffff, v0  }
0x1b0: {  	v0 =	vld [tilespmem:s0+$0xF298];
	_ =	sdelay $0x4  }
0x1b1: {  	[tilespmem:s2+$0xF298] =	vst.add.f32.msk $0xffff, v0  }
0x1b2: {  	v0 =	vld [tilespmem:s0+$0xF2A8]  }
.Ltmp26:
0x1b3: {  	_ = 	snop;
	(pc) =	sbr.rel .LBB2_33-.Ltmp26, $2  }
0x1b4: {  	_ =	sdelay $0x2  }
0x1b5: {  	[tilespmem:s2+$0xF2A8] =	vst.add.f32.msk $0xffff, v0  }
.LBB2_34:
0x1b6: {  	s0 =	simm.s32 $0x6;
	p1 =	seq.s32 s6, $0x0  }
0x1b7: {  	[sflag:s0] =	ssyncpa.u1 $0x1;
	v0 =	vimm.s32 @p1 $0xFFFFFFFF  }
0x1b8: {  	s9 =	sadd.s32 $0xFFFFFFFF, s6;
	[tilespmem:$0x10238] =	vst @p1 v0  }
0x1b9: {  	v0 =	vld.msk @!p1 [tilespmem:s9+$0xF218], $0x1;
	_ =	sdelay $0x1  }
0x1ba: {  	v1 =	vld.msk @!p1 [tilespmem:$0xF218], $0x1;
	_ =	sdelay $0x2  }
0x1bb: {  	p2 =	seq.s32 @!p1 s9, $0x0;
	v0 =	vbroadcast @!p1 v0, $0x0  }
0x1bc: {  	vm0 =	vmmov @!p1 $0x1;
	p2 =	por !p2, p1  }
0x1bd: {  	v1 =	vnsel @!p1 vm0, $0xFFFFFFFF, v1;
	vm0 =	vcmask @!p1 $0x308;
	v0 =	vpsel !p2, $0xFFFFFFFF, v0  }
0x1be: {  	p2 =	sne.s32 @!p1 s8, s7;
	v0 =	vsel @!p1 vm0, v1, v0  }
0x1bf: {  	s0 =	simm.s32 @!p1 $0xF238;
	s2 =	simm.s32 @!p1 $0x0;
	p3 =	por !p2, p1;
	[tilespmem:$0x10238] =	vst @!p1 v0  }
0x1c0: {  	[spmem:s2] =	stream.linear.scatter @!p1 [tilespmem:s0], [sflag:$0x1], $0x80, $0x38;
	[tilespmem:$0x1F6F8] =	vst v63  }
0x1c1: {  	s0 =	sshll.u32 @!p3 s9, $0x9  }
0x1c2: {  	s0 =	sshra.s32 @!p3 s0, $0x2  }
0x1c3: {  	s2 =	simm.s32 @!p3 $0x80;
	s0 =	sadd.s32 @!p3 $0xF238, s0  }
0x1c4: {  	[spmem:s2] =	stream.linear.scatter @!p3 [tilespmem:s0], [sflag:$0x1], $0x80, $0x38;
	[tilespmem:$0x1F6F8] =	vst v63  }
0x1c5: {  	s0 =	simm.s32 @!p3 $0x1  }
0x1c6: {  	_ =	swait.ge @!p3 [sflag:s0], $0x100  }
0x1c7: {  	p1 =	por p2, p1;
	[sflag:s0] =	ssyncset.done @!p3 $0x0  }
0x1c8: {  	[sflag:s0] =	ssyncadd.s32 @!p3 $0xFFFFFF00;
	s0 =	simm.s32 @!p1 $0x1  }
0x1c9: {  	_ =	swait.ge @!p1 [sflag:s0], $0x80  }
0x1ca: {  	s29 =	simm.s32 $0x10238;
	[sflag:s0] =	ssyncset.done @!p1 $0x0  }
0x1cb: {  	s30 =	simm.s32 $0x1000;
	s31 =	simm.s32 $0x1;
	[sflag:s0] =	ssyncadd.s32 @!p1 $0xFFFFFF80  }
0x1cc: {  	[spmem:s30] =	stream.linear.scatter [tilespmem:s29], [sflag:$0x1], $0x10, $0x38;
	[tilespmem:$0x1F6F8] =	vst v63  }
0x1cd: {  	_ =	swait.ge [sflag:s31], $0x10  }
0x1ce: {  	[sflag:s31] =	ssyncset.done $0x0  }
0x1cf: {  	p1 =	seq.s32 s15, $0x0;
	s8 =	rddreg [dreg:$0x2];
	[sflag:s31] =	ssyncadd.s32 $0xFFFFFFF0  }
0x1d0: {  	s2 =	sshll.u32 @p1 s8, $0xE;
	s7 =	rddreg [dreg:$0x3]  }
0x1d1: {  	s0 =	sadd.s32 @p1 $0x15C3C, s2;
	s2 =	sshll.u32 @p1 s7, $0x11  }
0x1d2: {  	_ =	sfence.stream.spmem;
	s0 =	sor.u32 @p1 s2, s0  }
0x1d3: {  	[sflag:s0] =	ssyncadd.remote.s32 @p1 $0x1;
	s0 =	simm.s32 @p1 $0x4  }
0x1d4: {  	s3 =	simm.s32 @!p1 $0x3C;
	s2 =	sand.u32 $0xFFFFFFFE, s8;
	_ =	swait.ge @p1 [sflag:s0], $0x22  }
0x1d5: {  	s4 =	simm.s32 @!p1 $0x0;
	s2 =	sadd.s32 @!p1 $0x4, s2;
	[sflag:s0] =	ssyncset.done @p1 $0x0  }
0x1d6: {  	s5 =	simm.s32 @!p1 $0x100;
	[sflag:s0] =	ssyncadd.s32 @p1 $0xFFFFFFDE;
	s0 =	sshll.u32 @!p1 s2, $0x1A  }
0x1d7: {  	s2 =	sshll.u32 @!p1 s2, $0xD;
	s0 =	sor.u32 @!p1 s0, s7;
	_ =	swait.eq @!p1 [sflag:s3], $0x1  }
0x1d8: {  	s2 =	sor.u32 @!p1 $0x1C04, s2;
	s3 =	simm.s32 @!p1 $0x1C03;
	s0 =	sor.u32 @!p1 $0x80004000, s0  }
0x1d9: {  	[spmem:s5], [sflag:s2] =	dma.general @!p1 [spmem:s4], [sflag:s3], length:$0x20, [dreg:$0x0], stride_count:$0x0, ici_dest:s0, dma_misc:DstOpCode:WRITE  }
0x1da: {  	p2 =	slt.s32 s9, $0x2;
	s4 =	simm.s32 @!p1 $0x200;
	s5 =	simm.s32 @!p1 $0x202  }
0x1db: {  	[spmem:s5], [sflag:s2] =	dma.general @!p1 [spmem:s4], [sflag:s3], length:$0x2, [dreg:$0x0], stride_count:$0x0, ici_dest:s0, dma_misc:DstOpCode:WRITE  }
.Ltmp27:
0x1dc: {  	s0 =	simm.s32 @!p1 $0x3;
	(pc) =	sbr.rel @p2 .LBB2_38-.Ltmp27, $4  }
0x1dd: {  	s2 =	sshll.u32 @!p1 s8, $0xE;
	_ =	swait.ge @!p1 [sflag:s0], $0x22  }
0x1de: {  	s3 =	sshll.u32 @!p1 s7, $0x11;
	s2 =	sadd.s32 @!p1 $0x11C3C, s2;
	[sflag:s0] =	ssyncset.done @!p1 $0x0  }
0x1df: {  	[sflag:s0] =	ssyncadd.s32 @!p1 $0xFFFFFFDE;
	s0 =	sor.u32 @!p1 s3, s2  }
0x1e0: {  	[sflag:s0] =	ssyncadd.remote.s32 @!p1 $0xFFFFFFFF;
	s0 =	simm.s32 $0x0  }
0x1e1: {  	s0 =	simm.s32 $0xF219  }
0x1e2: {  	v0 =	vld.msk [tilespmem:s0+$0x0], $0x1;
	_ =	sdelay $0x4  }
0x1e3: {  	(v2sf) =	vpush v0, $0x0;
	_ =	sdelay $0xb  }
0x1e4: {  	s31 =	sadd.s32 $0xFFFFFFFE, s6  }
0x1e5: {  	s0 =	sadd.s32 $0xFFFFFFFF, s31  }
0x1e6: {  	p2 =	sne.s32 s0, $0x0  }
.Ltmp28:
0x1e7: {  	s2 =	spop (v2sf);
	(pc) =	sbr.rel @!p2 .LBB2_37-.Ltmp28, $4  }
0x1e8: {  	s4 =	simm.s32 $0xF2B8;
	s7 =	simm.s32 $0x0;
	p1 =	sgt.u32 s2, $0x270F0  }
0x1e9: {  	s5 =	simm.s32 $0x0;
	s6 =	simm.s32 $0xF21A;
	s3 =	sand.u32 @!p1 $0x3FFF8, s2  }
0x1ea: {  	s2 =	sand.u32 @!p1 $0x7, s2;
	s7 =	simm.s32 @!p1 $0x200;
	s3 =	sadd.s32 @!p1 s1, s3  }
0x1eb: {  	[hbm4b:s3+s2] =	stream.linear.scatter @!p1 [tilespmem:s4], [sflag:$0x5], $0x80, $0x38;
	[tilespmem:$0x1F6F8] =	vst v63  }
.LBB2_36:
0x1ec: {  	v0 =	vld.msk [tilespmem:s6+$0x0], $0x1;
	s0 =	sadd.s32 $0xFFFFFFFF, s0;
	s5 =	sadd.s32 s5, s7  }
0x1ed: {  	p1 =	sne.s32 s0, $0x0;
	_ =	sdelay $0x3  }
0x1ee: {  	(v2sf) =	vpush v0, $0x0;
	_ =	sdelay $0xe  }
.Ltmp29:
0x1ef: {  	s2 =	spop (v2sf);
	(pc) =	sbr.rel @p1 .LBB2_36-.Ltmp29, $4  }
0x1f0: {  	s7 =	simm.s32 $0x0;
	p2 =	sgt.u32 s2, $0x270F0  }
0x1f1: {  	s4 =	sadd.s32 $0x80, s4;
	s7 =	simm.s32 @!p2 $0x200;
	s3 =	sand.u32 @!p2 $0x3FFF8, s2  }
0x1f2: {  	s6 =	sadd.s32 $0x1, s6;
	s2 =	sand.u32 @!p2 $0x7, s2;
	s3 =	sadd.s32 @!p2 s1, s3  }
0x1f3: {  	[hbm4b:s3+s2] =	stream.linear.scatter @!p2 [tilespmem:s4], [sflag:$0x5], $0x80, $0x38;
	[tilespmem:$0x1F6F8] =	vst v63  }
.LBB2_37:
0x1f4: {  	s0 =	sadd.s32 s5, s7  }
0x1f5: {  	s0 =	sshrl.u32 s0, $0x2  }
.LBB2_38:
0x1f6: {  	s2 =	simm.s32 $0x5  }
0x1f7: {  	_ =	swait.ge [sflag:s2], s0  }
0x1f8: {  	s31 =	ssub.s32 $0x0, s0;
	[sflag:s2] =	ssyncset.done $0x0  }
0x1f9: {  	[sflag:s2] =	ssyncadd.s32 s31  }
0x1fa: {  	[sflag:s2] =	ssyncpa.u1 $0x1  }
.LBB2_39:
0x1fb: {  	s0 =	sor.u32 s15, s16  }
0x1fc: {  	p1 =	sne.s32 s0, $0x0  }
.Ltmp30:
0x1fd: {  	_ = 	snop;
	(pc) =	sbr.rel @p1 .LBB2_54-.Ltmp30, $3  }
0x1fe: {  	_ =	sdelay $0x1  }
0x1ff: {  	[bflag:$0x0] =	sbarrier.arrive $0xFFFF  }
0x200: {  	_ =	sfence  }
0x201: {  	s0 =	simm.s32 $0x7  }
0x202: {  	s2 =	simm.s32 $0x1000;
	s3 =	simm.s32 $0xF218;
	[sflag:s0] =	ssyncpa.u1 $0x0  }
0x203: {  	[tilespmem:s3], [sflag:$0x7] =	stream.linear.gather [spmem:s2], $0x20, $0x38;
	[tilespmem:$0x1F6F8] =	vst v63  }
0x204: {  	s30 =	simm.s32 $0xF238;
	s2 =	simm.s32 $0x0  }
0x205: {  	[tilespmem:s30], [sflag:$0x7] =	stream.linear.gather [spmem:s2], $0x1000, $0x38;
	[tilespmem:$0x1F6F8] =	vst v63  }
.Ltmp31:
0x206: {  	_ = 	snop;
	(pc) =	sbr.rel .LBB2_41-.Ltmp31, $4  }
0x207: {  	_ =	swait.ge [sflag:s0], $0x1020  }
0x208: {  	[sflag:s0] =	ssyncset.done $0x0  }
0x209: {  	s31 =	simm.s32 $0x8;
	[sflag:s0] =	ssyncadd.s32 $0xFFFFEFE0  }
0x20a: {  	s3 =	simm.s32 $0x0;
	[sflag:s31] =	ssyncpa.u1 $0x0  }
.LBB2_47:
0x20b: {  	p1 =	slt.u32 s4, $0x270F1  }
0x20c: {  	s0 =	sand.u32 @p1 $0x3FFF8, s4  }
0x20d: {  	s4 =	sand.u32 @p1 $0x7, s4;
	s5 =	simm.s32 @p1 $0xF188;
	s0 =	sadd.s32 @p1 s1, s0  }
0x20e: {  	[tilespmem:s5], [sflag:$0x8] =	stream.linear.gather @p1 [hbm4b:s0+s4], $0x80, $0x38;
	[tilespmem:$0x1F6F8] =	vst v63  }
0x20f: {  	s0 =	simm.s32 @p1 $0x8  }
0x210: {  	_ =	swait.ge @p1 [sflag:s0], $0x80  }
0x211: {  	[sflag:s0] =	ssyncset.done @p1 $0x0  }
0x212: {  	[sflag:s0] =	ssyncadd.s32 @p1 $0xFFFFFF80  }
0x213: {  	v1 =	vld @p1 [tilespmem:$0xF188];
	_ =	sdelay $0x2  }
0x214: {  	s0 =	sshll.u32 @p1 s3, $0x9  }
0x215: {  	s4 =	sshrl.u32 @p1 s0, $0x2  }
0x216: {  	[tilespmem:s4+$0xF238] =	vst.add.f32.msk @p1 $0xffff, v1  }
0x217: {  	v1 =	vld @p1 [tilespmem:$0xF198];
	_ =	sdelay $0x4  }
0x218: {  	[tilespmem:s4+$0xF248] =	vst.add.f32.msk @p1 $0xffff, v1  }
0x219: {  	v1 =	vld @p1 [tilespmem:$0xF1A8];
	_ =	sdelay $0x4  }
0x21a: {  	[tilespmem:s4+$0xF258] =	vst.add.f32.msk @p1 $0xffff, v1  }
0x21b: {  	v1 =	vld @p1 [tilespmem:$0xF1B8];
	_ =	sdelay $0x4  }
0x21c: {  	[tilespmem:s4+$0xF268] =	vst.add.f32.msk @p1 $0xffff, v1  }
0x21d: {  	v1 =	vld @p1 [tilespmem:$0xF1C8];
	_ =	sdelay $0x4  }
0x21e: {  	[tilespmem:s4+$0xF278] =	vst.add.f32.msk @p1 $0xffff, v1  }
0x21f: {  	v1 =	vld @p1 [tilespmem:$0xF1D8];
	_ =	sdelay $0x4  }
0x220: {  	[tilespmem:s4+$0xF288] =	vst.add.f32.msk @p1 $0xffff, v1  }
0x221: {  	v1 =	vld @p1 [tilespmem:$0xF1E8];
	_ =	sdelay $0x4  }
0x222: {  	[tilespmem:s4+$0xF298] =	vst.add.f32.msk @p1 $0xffff, v1  }
0x223: {  	v1 =	vld @p1 [tilespmem:$0xF1F8];
	_ =	sdelay $0x3  }
0x224: {  	s5 =	sshll.u32 @!p1 s3, $0x9  }
0x225: {  	s5 =	smov.u32 @p1 s0;
	[tilespmem:s4+$0xF2A8] =	vst.add.f32.msk @p1 $0xffff, v1  }
0x226: {  	s0 =	sshrl.u32 s5, $0x2;
	[tilespmem:s2+$0xF218] =	vst.msk $0x1, v0  }
0x227: {  	v0 =	vld [tilespmem:s0+$0xF238];
	_ =	sdelay $0x2  }
0x228: {  	s31 =	sshll.u32 s2, $0x9  }
0x229: {  	s4 =	sshra.s32 s31, $0x2  }
0x22a: {  	[tilespmem:s4+$0xF238] =	vst v0  }
0x22b: {  	v0 =	vld [tilespmem:s0+$0xF248];
	_ =	sdelay $0x4  }
0x22c: {  	[tilespmem:s4+$0xF248] =	vst v0  }
0x22d: {  	v0 =	vld [tilespmem:s0+$0xF258];
	_ =	sdelay $0x4  }
0x22e: {  	[tilespmem:s4+$0xF258] =	vst v0  }
0x22f: {  	v0 =	vld [tilespmem:s0+$0xF268];
	_ =	sdelay $0x4  }
0x230: {  	[tilespmem:s4+$0xF268] =	vst v0  }
0x231: {  	v0 =	vld [tilespmem:s0+$0xF278];
	_ =	sdelay $0x4  }
0x232: {  	[tilespmem:s4+$0xF278] =	vst v0  }
0x233: {  	v0 =	vld [tilespmem:s0+$0xF288];
	_ =	sdelay $0x4  }
0x234: {  	[tilespmem:s4+$0xF288] =	vst v0  }
0x235: {  	v0 =	vld [tilespmem:s0+$0xF298];
	_ =	sdelay $0x4  }
0x236: {  	[tilespmem:s4+$0xF298] =	vst v0  }
0x237: {  	v0 =	vld [tilespmem:s0+$0xF2A8];
	_ =	sdelay $0x4  }
0x238: {  	s2 =	sadd.s32 $0x1, s2;
	[tilespmem:s4+$0xF2A8] =	vst v0  }
.LBB2_48:
0x239: {  	s3 =	sadd.s32 $0x1, s3  }
0x23a: {  	p1 =	sne.s32 s3, $0x20  }
.Ltmp32:
0x23b: {  	_ = 	snop;
	(pc) =	sbr.rel @!p1 .LBB2_49-.Ltmp32, $1  }
0x23c: {  	_ =	sdelay $0x3  }
.LBB2_41:
0x23d: {  	v0 =	vld.msk [tilespmem:s3+$0xF218], $0x1;
	_ =	sdelay $0x4  }
0x23e: {  	(v2sf) =	vpush v0, $0x0;
	_ =	sdelay $0xe  }
0x23f: {  	s4 =	spop (v2sf)  }
0x240: {  	p1 =	seq.s32 s4, $0xFFFFFFFF  }
.Ltmp33:
0x241: {  	_ = 	snop;
	(pc) =	sbr.rel @p1 .LBB2_48-.Ltmp33, $1  }
0x242: {  	_ =	sdelay $0x3  }
0x243: {  	p1 =	slt.s32 s2, $0x1  }
.Ltmp34:
0x244: {  	_ = 	snop;
	(pc) =	sbr.rel @p1 .LBB2_47-.Ltmp34, $1  }
0x245: {  	_ =	sdelay $0x3  }
0x246: {  	s5 =	simm.s32 $0xF218;
	p1 =	por $0x0, $0x0  }
0x247: {  	v1 =	vld.msk @!p1 [tilespmem:s5+$0x0], $0x1;
	_ =	sdelay $0x4  }
0x248: {  	(v2sf) =	vpush @!p1 v1, $0x0;
	_ =	sdelay $0xd  }
0x249: {  	p3 =	sne.s32 s2, $0x1  }
.Ltmp35:
0x24a: {  	s0 =	spop @!p1 (v2sf);
	(pc) =	sbr.rel @!p3 .LBB2_45-.Ltmp35, $4  }
0x24b: {  	p2 =	seq.s32 @!p1 s4, s0  }
0x24c: {  	s6 =	simm.s32 $0x0;
	p2 =	por !p2, p1  }
0x24d: {  	s7 =	simm.s32 $0xFFFFFFFF;
	s6 =	simm.s32 @p2 $0xFFFFFFFF  }
0x24e: {  	s0 =	simm.s32 $0x1;
	s6 =	smov.u32 @p1 s7  }
.LBB2_44:
0x24f: {  	s7 =	smov.u32 s6;
	p1 =	sne.s32 s6, $0xFFFFFFFF  }
0x250: {  	s5 =	sadd.s32 $0x1, s5;
	s6 =	smov.u32 s0;
	s0 =	sadd.s32 $0x1, s0  }
0x251: {  	p2 =	sne.s32 s2, s0;
	v1 =	vld.msk @!p1 [tilespmem:s5+$0x0], $0x1;
	_ =	sdelay $0x4  }
0x252: {  	(v2sf) =	vpush @!p1 v1, $0x0;
	_ =	sdelay $0xe  }
.Ltmp36:
0x253: {  	s8 =	spop @!p1 (v2sf);
	(pc) =	sbr.rel @p2 .LBB2_44-.Ltmp36, $4  }
0x254: {  	p3 =	seq.s32 @!p1 s4, s8  }
0x255: {  	p3 =	por !p3, p1  }
0x256: {  	s6 =	simm.s32 @p3 $0xFFFFFFFF  }
0x257: {  	s6 =	smov.u32 @p1 s7  }
.LBB2_45:
0x258: {  	p1 =	seq.s32 s6, $0xFFFFFFFF  }
.Ltmp37:
0x259: {  	_ = 	snop;
	(pc) =	sbr.rel @p1 .LBB2_47-.Ltmp37, $1  }
0x25a: {  	_ =	sdelay $0x3  }
0x25b: {  	s0 =	sshll.u32 s3, $0x7  }
0x25c: {  	s0 =	sand.u32 $0x3FFFFF80, s0  }
0x25d: {  	v0 =	vld [tilespmem:s0+$0xF238];
	_ =	sdelay $0x2  }
0x25e: {  	s4 =	sshll.u32 s6, $0x9  }
0x25f: {  	s4 =	sshra.s32 s4, $0x2  }
0x260: {  	[tilespmem:s4+$0xF238] =	vst.add.f32.msk $0xffff, v0  }
0x261: {  	v0 =	vld [tilespmem:s0+$0xF248];
	_ =	sdelay $0x4  }
0x262: {  	[tilespmem:s4+$0xF248] =	vst.add.f32.msk $0xffff, v0  }
0x263: {  	v0 =	vld [tilespmem:s0+$0xF258];
	_ =	sdelay $0x4  }
0x264: {  	[tilespmem:s4+$0xF258] =	vst.add.f32.msk $0xffff, v0  }
0x265: {  	v0 =	vld [tilespmem:s0+$0xF268];
	_ =	sdelay $0x4  }
0x266: {  	[tilespmem:s4+$0xF268] =	vst.add.f32.msk $0xffff, v0  }
0x267: {  	v0 =	vld [tilespmem:s0+$0xF278];
	_ =	sdelay $0x4  }
0x268: {  	[tilespmem:s4+$0xF278] =	vst.add.f32.msk $0xffff, v0  }
0x269: {  	v0 =	vld [tilespmem:s0+$0xF288];
	_ =	sdelay $0x4  }
0x26a: {  	[tilespmem:s4+$0xF288] =	vst.add.f32.msk $0xffff, v0  }
0x26b: {  	v0 =	vld [tilespmem:s0+$0xF298];
	_ =	sdelay $0x4  }
0x26c: {  	[tilespmem:s4+$0xF298] =	vst.add.f32.msk $0xffff, v0  }
0x26d: {  	v0 =	vld [tilespmem:s0+$0xF2A8]  }
.Ltmp38:
0x26e: {  	_ = 	snop;
	(pc) =	sbr.rel .LBB2_48-.Ltmp38, $2  }
0x26f: {  	_ =	sdelay $0x2  }
0x270: {  	[tilespmem:s4+$0xF2A8] =	vst.add.f32.msk $0xffff, v0  }
.LBB2_49:
0x271: {  	p1 =	slt.s32 s2, $0x1  }
.Ltmp39:
0x272: {  	_ = 	snop;
	(pc) =	sbr.rel @p1 .LBB2_53-.Ltmp39, $3  }
0x273: {  	_ =	sdelay $0x1  }
0x274: {  	s0 =	simm.s32 $0x8  }
0x275: {  	s3 =	simm.s32 $0x0;
	[sflag:s0] =	ssyncpa.u1 $0x1  }
0x276: {  	s0 =	simm.s32 $0xF218  }
0x277: {  	v0 =	vld.msk [tilespmem:s0+$0x0], $0x1;
	_ =	sdelay $0x4  }
0x278: {  	(v2sf) =	vpush v0, $0x0;
	_ =	sdelay $0xe  }
0x279: {  	s0 =	sadd.s32 $0xFFFFFFFF, s2;
	s5 =	spop (v2sf)  }
0x27a: {  	p2 =	sne.s32 s0, $0x0;
	p1 =	sgt.u32 s5, $0x270F0  }
.Ltmp40:
0x27b: {  	s6 =	sand.u32 @!p1 $0x3FFF8, s5;
	(pc) =	sbr.rel @!p2 .LBB2_52-.Ltmp40, $4  }
0x27c: {  	s4 =	simm.s32 $0xF238;
	s5 =	sand.u32 @!p1 $0x7, s5;
	s2 =	sadd.s32 @!p1 s1, s6  }
0x27d: {  	[hbm4b:s2+s5] =	stream.linear.scatter @!p1 [tilespmem:s4], [sflag:$0x7], $0x80, $0x38;
	[tilespmem:$0x1F6F8] =	vst v63  }
0x27e: {  	s5 =	simm.s32 $0x0  }
0x27f: {  	s2 =	simm.s32 $0xF219;
	s5 =	simm.s32 @!p1 $0x200  }
.LBB2_51:
0x280: {  	v0 =	vld.msk [tilespmem:s2+$0x0], $0x1;
	s0 =	sadd.s32 $0xFFFFFFFF, s0;
	s3 =	sadd.s32 s3, s5  }
0x281: {  	p1 =	sne.s32 s0, $0x0;
	_ =	sdelay $0x3  }
0x282: {  	(v2sf) =	vpush v0, $0x0;
	_ =	sdelay $0xe  }
.Ltmp41:
0x283: {  	s6 =	spop (v2sf);
	(pc) =	sbr.rel @p1 .LBB2_51-.Ltmp41, $4  }
0x284: {  	s5 =	simm.s32 $0x0;
	p2 =	sgt.u32 s6, $0x270F0  }
0x285: {  	s4 =	sadd.s32 $0x80, s4;
	s5 =	simm.s32 @!p2 $0x200;
	s7 =	sand.u32 @!p2 $0x3FFF8, s6  }
0x286: {  	s2 =	sadd.s32 $0x1, s2;
	s6 =	sand.u32 @!p2 $0x7, s6;
	s7 =	sadd.s32 @!p2 s1, s7  }
0x287: {  	[hbm4b:s7+s6] =	stream.linear.scatter @!p2 [tilespmem:s4], [sflag:$0x7], $0x80, $0x38;
	[tilespmem:$0x1F6F8] =	vst v63  }
.LBB2_52:
0x288: {  	s0 =	sadd.s32 s3, s5  }
0x289: {  	s3 =	sshrl.u32 s0, $0x2  }
.LBB2_53:
0x28a: {  	s0 =	simm.s32 $0x7  }
0x28b: {  	_ =	swait.ge [sflag:s0], s3  }
0x28c: {  	s1 =	ssub.s32 $0x0, s3;
	[sflag:s0] =	ssyncset.done $0x0  }
0x28d: {  	[sflag:s0] =	ssyncadd.s32 s1  }
0x28e: {  	[sflag:s0] =	ssyncpa.u1 $0x1  }
.LBB2_54:
0x28f: {  	_ =	sfence;
	s0 =	simm.s32 $0x1  }
0x290: {  	[sflag:s0] =	ssyncpa.u1 $0x1  }
0x291: {  	_ =	strace $0x9000005F  }
0x292: {  	[bflag:$0x2] =	sbarrier.arrive $0xFFFF  }
0x293: {  	s0 =	rddreg [dreg:$0x4]  }
0x294: {  	s0 =	sadd.s32 @!p0 $0x100000, s0  }
0x295: {  	[sflag:s0] =	ssyncadd.tile.s32 @!p0 $0x1;
	_ =	shalt  }
.Lfunc_end2:
_tile_overlayer_lowered:
.L_overlay_start_2:
0x296: {  	(tag) =	ssettag $0x2  }
0x297: {  	s0 =	rddreg [dreg:$0x0];
	s2 =	stileid.u32  }
0x298: {  	s1 =	rddreg [dreg:$0x1];
	p0 =	sne.s32 s2, $0x0  }
0x299: {  	s3 =	rddreg [dreg:$0x2];
	[bflag:$0x3] =	sbarrier.arrive $0xFFFF;
	s2 =	simm.s32 @!p0 $0x1C01  }
0x29a: {  	[timem:s3], [sflag:s2] =	dma.local @!p0 [hbm:s0], s1  }
0x29b: {  	s0 =	simm.s32 @!p0 $0x1  }
0x29c: {  	_ =	swait.ge @!p0 [sflag:s0], s1  }
0x29d: {  	s1 =	ssub.s32 @!p0 $0x0, s1;
	[sflag:s0] =	ssyncset.done @!p0 $0x0  }
0x29e: {  	[sflag:s0] =	ssyncadd.s32 @!p0 s1  }
0x29f: {  	[bflag:$0x3] =	sbarrier.arrive $0xFFFF  }
0x2a0: {  	_ =	shalt  }

// kernel: scatter_offload_async_start
scs
__scs_entry_jumppad:
0x0: {  	(pc) =	sbr.rel $0x88, $3  }
0x1: {  	(tag) =	ssettag $0x0;
	lr =	simm.s32 $0x1  }
0x2: {  	[smem:$0x3F72] =	sst lr;
	_ =	strace $0xD0000000  }
0x3: {  	_ = 	snop  }
0x4: {  	_ = 	snop  }
0x5: {  	_ = 	snop  }
0x6: {  	_ = 	snop  }
0x7: {  	_ = 	snop  }
__scs_overlays_trampoline_lowered:
0x8: {  	[smem:$0x3F81] =	sst s0  }
0x9: {  	[smem:$0x3F82] =	sst s1  }
0xa: {  	[smem:$0x3F83] =	sst s2  }
0xb: {  	[smem:$0x3F84] =	sst s3  }
0xc: {  	[smem:$0x3F85] =	sst s4  }
0xd: {  	[smem:$0x3F86] =	sst s5  }
0xe: {  	[smem:$0x3F87] =	sst s6  }
0xf: {  	[smem:$0x3F88] =	sst s7  }
0x10: {  	[smem:$0x3F89] =	sst s8  }
0x11: {  	[smem:$0x3F8A] =	sst s9;
	s0 =	simm.s32 @!p0 $0x0  }
0x12: {  	s1 =	sld [smem:$0x3F70];
	s0 =	simm.s32 @p0 $0x1  }
0x13: {  	[smem:$0x3F8B] =	sst s0;
	s0 =	simm.s32 @!p1 $0x0  }
0x14: {  	s2 =	sld [smem:$0x3F6F];
	s0 =	simm.s32 @p1 $0x1  }
0x15: {  	[smem:$0x3F8C] =	sst s0;
	s0 =	simm.s32 @!p2 $0x0  }
0x16: {  	s3 =	sld [smem:$0x3FDB];
	s0 =	simm.s32 @p2 $0x1  }
0x17: {  	s4 =	simm.s32 $0x1BF5;
	[smem:$0x3F8E] =	sst s0  }
0x18: {  	s0 =	sld [smem:$0x3F71];
	_ =	swait.ge [sflag:s4], $0x0  }
0x19: {  	s7 =	sld [smem:$0x3F72]  }
0x1a: {  	s8 =	sadd.s32 $0xFFFFE003, lr  }
0x1b: {  	s9 =	sadd.s32 $0xFFFFFEF7, lr;
	s5 =	simm.s32 $0xFFFFFFFF;
	p2 =	slt.u32 s8, $0xFFFFF086  }
0x1c: {  	p1 =	slt.u32 s9, $0xF7A;
	s5 =	simm.s32 @!p2 $0x0  }
0x1d: {  	s5 =	simm.s32 @p1 $0x1;
	p0 =	seq.s32 s7, s2  }
0x1e: {  	s7 =	smul.u32 @!p0 $0xF7A, s2;
	p2 =	seq.s32 @!p0 s5, $0x0  }
0x1f: {  	s9 =	smul.u32 $0xF7A, s1;
	s8 =	simm.s32 @!p0 $0x1BF5;
	p2 =	por !p2, p0  }
0x20: {  	[sflag:s8] =	ssyncset.s32 @!p0 $0xFFFFF086;
	s6 =	sadd.s32 @!p0 s3, s7;
	s7 =	simm.s32 @!p0 $0x108  }
0x21: {  	s3 =	sadd.s32 s3, s9;
	s6 =	sadd.s32 @!p0 $0x88, s6;
	s7 =	simm.s32 @p2 $0x1082  }
0x22: {  	[simem:s7], [sflag:s8] =	dma.local @!p0 [hbm:s6], $0xF7A  }
0x23: {  	s9 =	sor.u32 $0xD0000000, s2;
	s6 =	simm.s32 $0x108;
	_ =	swait.ge @!p0 [sflag:s8], $0x0  }
0x24: {  	s3 =	sadd.s32 $0x88, s3;
	s6 =	simm.s32 @!p1 $0x1082;
	[sflag:s4] =	ssyncset.s32 $0xFFFFF086  }
0x25: {  	[simem:s6], [sflag:s4] =	dma.local [hbm:s3], $0xF7A  }
0x26: {  	[smem:$0x3F72] =	sst s1;
	(tag) =	ssettag s2;
	_ =	strace s9  }
0x27: {  	s1 =	sld [smem:$0x3F82]  }
0x28: {  	s2 =	sld [smem:$0x3F83]  }
0x29: {  	s4 =	sld [smem:$0x3F85]  }
0x2a: {  	p0 =	seq.s32 s5, $0x0;
	s5 =	sld [smem:$0x3F86]  }
0x2b: {  	s6 =	sld [smem:$0x3F87]  }
0x2c: {  	s7 =	sld [smem:$0x3F88]  }
0x2d: {  	s3 =	simm.s32 $0x108;
	s8 =	sld [smem:$0x3F89]  }
0x2e: {  	s3 =	simm.s32 @!p0 $0x1082;
	s9 =	sld [smem:$0x3F8A]  }
0x2f: {  	lr =	sadd.s32 s0, s3;
	s0 =	sld [smem:$0x3F81]  }
0x30: {  	s3 =	sld [smem:$0x3F84]  }
0x31: {  	[smem:$0x3F8D] =	sst s10  }
0x32: {  	s10 =	sld [smem:$0x3F8B];
	_ =	sdelay $0x3  }
0x33: {  	p0 =	seq.s32 s10, $0x1;
	s10 =	sld [smem:$0x3F8D];
	_ =	sdelay $0x3  }
0x34: {  	[smem:$0x3F8D] =	sst s10  }
0x35: {  	s10 =	sld [smem:$0x3F8C];
	_ =	sdelay $0x3  }
0x36: {  	p1 =	seq.s32 s10, $0x1;
	s10 =	sld [smem:$0x3F8D];
	_ =	sdelay $0x3  }
0x37: {  	[smem:$0x3F8D] =	sst s10  }
0x38: {  	s10 =	sld [smem:$0x3F8E]  }
0x39: {  	_ = 	snop;
	(pc) =	sbr.ind lr, $3  }
0x3a: {  	_ = 	snop  }
0x3b: {  	_ = 	snop  }
0x3c: {  	p2 =	seq.s32 s10, $0x1;
	s10 =	sld [smem:$0x3F8D]  }
0x3d: {  	_ =	shalt  }
0x3e: {  	_ =	shalt  }
0x3f: {  	_ =	shalt  }
0x40: {  	_ =	shalt  }
0x41: {  	_ =	shalt  }
0x42: {  	_ =	shalt  }
0x43: {  	_ =	shalt  }
0x44: {  	_ =	shalt  }
0x45: {  	_ =	shalt  }
0x46: {  	_ =	shalt  }
0x47: {  	_ =	shalt  }
0x48: {  	_ =	shalt  }
0x49: {  	_ =	shalt  }
0x4a: {  	_ =	shalt  }
0x4b: {  	_ =	shalt  }
0x4c: {  	_ =	shalt  }
0x4d: {  	_ =	shalt  }
0x4e: {  	_ =	shalt  }
0x4f: {  	_ =	shalt  }
0x50: {  	_ =	shalt  }
0x51: {  	_ =	shalt  }
0x52: {  	_ =	shalt  }
0x53: {  	_ =	shalt  }
0x54: {  	_ =	shalt  }
0x55: {  	_ =	shalt  }
0x56: {  	_ =	shalt  }
0x57: {  	_ =	shalt  }
0x58: {  	_ =	shalt  }
0x59: {  	_ =	shalt  }
0x5a: {  	_ =	shalt  }
0x5b: {  	_ =	shalt  }
0x5c: {  	_ =	shalt  }
0x5d: {  	_ =	shalt  }
0x5e: {  	_ =	shalt  }
0x5f: {  	_ =	shalt  }
0x60: {  	_ =	shalt  }
0x61: {  	_ =	shalt  }
0x62: {  	_ =	shalt  }
0x63: {  	_ =	shalt  }
0x64: {  	_ =	shalt  }
0x65: {  	_ =	shalt  }
0x66: {  	_ =	shalt  }
0x67: {  	_ =	shalt  }
0x68: {  	_ =	shalt  }
0x69: {  	_ =	shalt  }
0x6a: {  	_ =	shalt  }
0x6b: {  	_ =	shalt  }
0x6c: {  	_ =	shalt  }
0x6d: {  	_ =	shalt  }
0x6e: {  	_ =	shalt  }
0x6f: {  	_ =	shalt  }
0x70: {  	_ =	shalt  }
0x71: {  	_ =	shalt  }
0x72: {  	_ =	shalt  }
0x73: {  	_ =	shalt  }
0x74: {  	_ =	shalt  }
0x75: {  	_ =	shalt  }
0x76: {  	_ =	shalt  }
0x77: {  	_ =	shalt  }
0x78: {  	_ =	shalt  }
0x79: {  	_ =	shalt  }
0x7a: {  	_ =	shalt  }
0x7b: {  	_ =	shalt  }
0x7c: {  	_ =	shalt  }
0x7d: {  	_ =	shalt  }
0x7e: {  	_ =	shalt  }
0x7f: {  	_ =	shalt  }
0x80: {  	_ =	shalt  }
0x81: {  	_ =	shalt  }
0x82: {  	_ =	shalt  }
0x83: {  	_ =	shalt  }
0x84: {  	_ =	shalt  }
0x85: {  	_ =	shalt  }
0x86: {  	_ =	shalt  }
0x87: {  	_ =	shalt  }
.Lfunc_end0:
.L_simem_size_0:
called_computation_lowered:
.L_overlay_start_0:
0x88: {  	s2 =	sld [smem:$0x3FD9]  }
0x89: {  	s3 =	sld [smem:$0x3FFE];
	_ =	sdelay $0x1  }
0x8a: {  	s1 =	srdreg.scid  }
0x8b: {  	s0 =	sand.u32 $0x1, s1  }
0x8c: {  	s13 =	sshll.u32 s0, $0xA;
	s2 =	sadd.s32 s3, s2  }
0x8d: {  	s2 =	sadd.s32 s2, s13  }
0x8e: {  	[smem:$0x3F99] =	sst s2  }
0x8f: {  	_ = 	snop  }
0x90: {  	s2 =	sld [smem:$0x3FD0];
	_ =	sdelay $0x2  }
0x91: {  	s14 =	simm.s32 $0xB;
	s4 =	simm.s32 $0x10  }
0x92: {  	[smem:s4], [sflag:s14] =	dma.local [hbm:s2], $0x1  }
0x93: {  	_ =	swait.eq [sflag:s14], $0x1  }
0x94: {  	s15 =	sld [smem:$0x10];
	[sflag:s14] =	ssyncset.done $0x0  }
0x95: {  	s16 =	sld [smem:$0x11];
	[sflag:s14] =	ssyncadd.s32 $0xFFFFFFFF  }
0x96: {  	s17 =	sld [smem:$0x12];
	(tm) =	ssettm $0x1  }
0x97: {  	s5 =	sld [smem:$0x3FFB];
	_ =	sdelay $0x3  }
0x98: {  	_ =	strace s5  }
0x99: {  	s5 =	sld [smem:$0x3FFC];
	_ =	sdelay $0x3  }
0x9a: {  	_ =	strace s5  }
0x9b: {  	s5 =	sld [smem:$0x3FFD];
	_ =	sdelay $0x3  }
0x9c: {  	_ =	strace s5  }
0x9d: {  	_ =	strace $0x8FFFFFFF  }
0x9e: {  	s18 =	sld [smem:$0x3FDB];
	_ =	sdelay $0x1  }
0x9f: {  	s6 =	simm.s32 $_scs_section_size  }
0xa0: {  	s7 =	simm.s32 $_size__tile_overlayer_lowered;
	s8 =	simm.s32 $_tile_overlayer_lowered  }
0xa1: {  	s21 =	simm.s32 $0x1BFF;
	s20 =	sshll.u32 s8, $0x1;
	s5 =	sadd.s32 s6, s18  }
0xa2: {  	s9 =	simm.s32 $0x0;
	s19 =	sshll.u32 s7, $0x1;
	s7 =	sadd.s32 s20, s5  }
0xa3: {  	[timem:s9], [sflag:s21] =	dma.local [hbm:s7], s19  }
0xa4: {  	_ =	swait.ge [sflag:s21], s19  }
0xa5: {  	s6 =	ssub.s32 $0x0, s19;
	[sflag:s21] =	ssyncset.done $0x0  }
0xa6: {  	[sflag:s21] =	ssyncadd.s32 s6;
	_ =	sdelay $0x1  }
0xa7: {  	s22 =	simm.s32 $0x1B8B  }
0xa8: {  	_ =	swait.ge [sflag:s22], $0x1  }
0xa9: {  	[sflag:s22] =	ssyncset.done $0x0  }
0xaa: {  	s23 =	sld [smem:$0x3FFE];
	[sflag:s22] =	ssyncadd.s32 $0xFFFFFFFF  }
0xab: {  	s25 =	simm.s32 $0x1B8E;
	s24 =	sld [smem:$0x0]  }
0xac: {  	s26 =	simm.s32 $execute0_lowered;
	[smem:$0x3FD2] =	sst s25  }
0xad: {  	s8 =	sshll.u32 s26, $0x1;
	_ =	strace $0x8000004C;
	[dreg:$0x1] =	wrdreg $0xFFFFFFFF  }
0xae: {  	s28 =	simm.s32 $_size_execute0_lowered;
	s5 =	sadd.s32 s5, s8;
	[dreg:$0x0] =	wrdreg $0x0  }
0xaf: {  	s8 =	sshll.u32 s28, $0x1;
	[dreg:$0x2] =	wrdreg s5  }
0xb0: {  	[dreg:$0x3] =	wrdreg s8  }
0xb1: {  	[dreg:$0x4] =	wrdreg $0xC0  }
0xb2: {  	_ =	task [dreg:s9], $0x5FFFF  }
0xb3: {  	[dreg:$0x1] =	wrdreg $0xFFFFFFFF  }
0xb4: {  	[dreg:$0x0] =	wrdreg $0x60  }
0xb5: {  	[dreg:$0x2] =	wrdreg s17  }
0xb6: {  	[dreg:$0x3] =	wrdreg s16  }
0xb7: {  	[dreg:$0x4] =	wrdreg s23  }
0xb8: {  	[dreg:$0x5] =	wrdreg s15  }
0xb9: {  	[dreg:$0x6] =	wrdreg s1  }
0xba: {  	[dreg:$0x7] =	wrdreg s24  }
0xbb: {  	[dreg:$0x8] =	wrdreg $0x9  }
0xbc: {  	_ =	task.clear_ibuf [dreg:s9], $0x9FFFF;
	_ =	strace $0x9000004C  }
0xbd: {  	s29 =	simm.s32 $0x9;
	_ =	strace $0x8000004E  }
0xbe: {  	_ =	swait.ge [sflag:s29], $0x1  }
0xbf: {  	[sflag:s29] =	ssyncadd.s32 $0xFFFFFFFF  }
0xc0: {  	_ =	strace $0x9000004E  }
0xc1: {  	_ =	sfence  }
0xc2: {  	s30 =	sld [smem:$0x0];
	_ =	sdelay $0x2  }
0xc3: {  	s31 =	sshll.u32 s1, $0xD;
	s1 =	sshrl.u32 s1, $0x2  }
0xc4: {  	s3 =	sand.u32 $0x4000, s31;
	s1 =	sadd.s32 s1, s30  }
0xc5: {  	s0 =	sor.u32 s3, s0;
	s1 =	sshll.u32 s1, $0x11  }
0xc6: {  	s0 =	sor.u32 s1, s0  }
0xc7: {  	s0 =	sadd.s32 $0x8F2B, s0  }
0xc8: {  	[sflag:s0] =	ssyncadd.remote.s32 $0x1  }
0xc9: {  	_ =	sfence.sel $0xFFFF  }
0xca: {  	[dreg:$0x0] =	wrdreg $0xFFFFFFFF;
	(pc) =	sbr.abs _section_cstart, $3  }
0xcb: {  	[dreg:$0x1] =	wrdreg $0xFFFFFFFF  }
0xcc: {  	_ =	task.clear_ibuf [dreg:s9], $0x2FFFF;
	_ =	strace $0x9FFFFFFF  }
0xcd: {  	(tm) =	ssettm $0x7FFFFFFF  }
tec
execute0_lowered:
.L_overlay_start_1:
0x0: {  	(tag) =	ssettag $0x1  }
0x1: {  	s1 =	rddreg [dreg:$0x0]  }
0x2: {  	s0 =	rddreg [dreg:$0x1]  }
0x3: {  	s4 =	rddreg [dreg:$0x2]  }
0x4: {  	s2 =	rddreg [dreg:$0x3]  }
0x5: {  	s5 =	rddreg [dreg:$0x4];
	_ =	strace $0x8000004D;
	s3 =	simm.s32 $0x1  }
0x6: {  	v0 =	vimm.s32 $0x0;
	[sflag:s3] =	ssyncpa.u1 $0x0;
	s3 =	simm.s32 $0x88  }
0x7: {  	[tilespmem:s3+$0x30] =	vst v0  }
0x8: {  	[tilespmem:s3+$0x20] =	vst v0  }
0x9: {  	s6 =	sadd.s32 $0xC5CC00, s4;
	s7 =	sand.u32 $0x1, s5;
	s4 =	simm.s32 $0x40;
	[tilespmem:s3+$0x10] =	vst v0  }
.LBB2_1:
0xa: {  	s4 =	sadd.s32 $0x40, s4  }
0xb: {  	[tilespmem:s3+$0x0] =	vst v0;
	s3 =	sadd.s32 $0x40, s3;
	p0 =	slt.u32 s4, $0x5040  }
.Ltmp0:
0xc: {  	(pc) =	sbr.rel @p0 .LBB2_1-.Ltmp0, $4  }
0xd: {  	_ = 	snop  }
0xe: {  	[tilespmem:s3+$0x30] =	vst v0  }
0xf: {  	[tilespmem:s3+$0x20] =	vst v0  }
0x10: {  	[tilespmem:s3+$0x10] =	vst v0  }
0x11: {  	s8 =	stileid.u32  }
0x12: {  	s4 =	smul.u32 $0x3E, s8  }
0x13: {  	s5 =	smin.u32 s8, $0x8  }
0x14: {  	s4 =	sadd.s32 s5, s4  }
0x15: {  	p0 =	slt.u32 s8, $0x8;
	s12 =	smul.u32 $0x140, s4;
	s4 =	simm.s32 $0x4EC0  }
0x16: {  	s4 =	simm.s32 @!p0 $0x4D80  }
0x17: {  	s25 =	simm.s32 $0x2;
	s4 =	sadd.s32 s4, s12  }
0x18: {  	s28 =	simm.s32 $0x9;
	s9 =	simm.s32 $0xA;
	s14 =	smin.u32 s4, $0x4E200  }
0x19: {  	s30 =	simm.s32 $0xB;
	[dreg:$0x7] =	wrdreg s7;
	s4 =	ssub.s32 s14, s12  }
0x1a: {  	s31 =	smul.u32 $0x9C40, s7;
	s13 =	simm.s32 $0x1;
	p0 =	sgt.s32 s4, $0x0  }
0x1b: {  	s19 =	simm.s32 $0x0;
	s20 =	simm.s32 $0xA808;
	s4 =	simm.s32 @!p0 $0x0  }
0x1c: {  	s21 =	simm.s32 $0xFFFFFFFF;
	p1 =	por $0x0, $0x0;
	s26 =	smulhi.u32 $0x66666667, s4  }
0x1d: {  	[tilespmem:s3+$0x0] =	vst v0;
	s23 =	simm.s32 $0x0;
	[sflag:s25] =	ssyncpa.u1 $0x0;
	s18 =	sshll.u32 s8, $0x7  }
0x1e: {  	s0 =	sadd.s32 s31, s0;
	[dreg:$0xd] =	wrdreg s18;
	s3 =	sshrl.u32 s26, $0x7  }
0x1f: {  	v0 =	vimm.s32 $0xFFFFFFFF;
	s17 =	sadd.s32 s31, s2;
	[dreg:$0xc] =	wrdreg s0;
	s29 =	smul.u32 $0x140, s3  }
0x20: {  	s25 =	simm.s32 $0x0;
	[tilespmem:$0xA108] =	vst v0;
	[sflag:s28] =	ssyncpa.u1 $0x0;
	[dreg:$0xb] =	wrdreg s17  }
.Ltmp1:
0x21: {  	p0 =	sne.s32 s4, s29;
	s4 =	simm.s32 $0x1;
	(pc) =	sbr.rel .LBB2_3-.Ltmp1, $4  }
0x22: {  	[sflag:s9] =	ssyncpa.u1 $0x0;
	[dreg:$0x8] =	wrdreg s12;
	s4 =	simm.s32 @!p0 $0x0  }
0x23: {  	[sflag:s30] =	ssyncpa.u1 $0x0;
	[dreg:$0x9] =	wrdreg s14;
	s15 =	sadd.s32 s4, s3  }
0x24: {  	s24 =	smov.u32 s12;
	s22 =	sadd.s32 $0x1, s15;
	[dreg:$0xa] =	wrdreg s15  }
0x25: {  	v0 =	vlaneseq.u32;
	s26 =	simm.s32 $0x0;
	p0 =	por $0x1, $0x1;
	[dreg:$0xe] =	wrdreg s22  }
.LBB2_22:
0x26: {  	s0 =	sshrl.u32 s3, $0x2  }
.LBB2_24:
0x27: {  	s3 =	simm.s32 $0xC  }
0x28: {  	_ =	swait.ge [sflag:s3], s0  }
0x29: {  	s31 =	ssub.s32 $0x0, s0;
	v1 =	vmov s4;
	vm0 =	veq.s32 v0, $0x0;
	[sflag:s3] =	ssyncset.done $0x0  }
0x2a: {  	vm15 =	veq.s32 v0, $0x2;
	v1 =	vsel vm0, s2, v1;
	[sflag:s3] =	ssyncadd.s32 s31  }
0x2b: {  	v1 =	vsel vm15, s26, v1;
	[sflag:s3] =	ssyncpa.u1 $0x1  }
0x2c: {  	[tilespmem:$0xA108] =	vst v1  }
.LBB2_25:
0x2d: {  	s0 =	sadd.s32 $0x140, s24  }
0x2e: {  	s2 =	smov.u32 s12;
	p2 =	slt.s32 s0, s14  }
0x2f: {  	s2 =	smov.u32 @p2 s0;
	p2 =	sne.s32 s25, s22  }
.Ltmp2:
0x30: {  	_ = 	snop;
	(pc) =	sbr.rel @!p2 .LBB2_26-.Ltmp2, $4  }
0x31: {  	_ = 	snop  }
0x32: {  	s26 =	smov.u32 s23;
	s31 =	sadd.s32 $0x1, s25;
	p0 =	por !p0, !p0  }
0x33: {  	s23 =	smov.u32 s24;
	s20 =	sadd.s32 $0x140, s20;
	s21 =	sadd.s32 $0x1, s21  }
0x34: {  	p1 =	por !p1, !p1;
	s25 =	smov.u32 s31;
	s24 =	smov.u32 s2  }
.LBB2_3:
0x35: {  	p2 =	sge.u32 s25, s15  }
0x36: {  	s0 =	smulhi.u32 @!p2 $0xAAAAAAAB, s25  }
0x37: {  	s2 =	smov.u32 s24;
	p3 =	sgt.s32 @!p2 s24, $0x4E0C0  }
0x38: {  	s3 =	sshra.s32 @!p2 s24, $0x1F;
	p3 =	por !p3, p2;
	s0 =	sshrl.u32 @!p2 s0, $0x1  }
0x39: {  	s3 =	sand.u32 @!p2 s3, s24;
	s2 =	simm.s32 @p3 $0x4E0C0;
	s0 =	smul.u32 @!p2 $0x3, s0  }
0x3a: {  	s2 =	ssub.s32 @!p2 s2, s3  }
0x3b: {  	s2 =	sadd.s32 @!p2 $0xFFFB1F40, s2;
	s0 =	ssub.s32 @!p2 s25, s0  }
0x3c: {  	s3 =	sshll.u32 @!p2 s2, $0x2;
	p3 =	sgt.s32 @!p2 s2, $0x13F;
	s0 =	smul.u32 @!p2 $0x500, s0  }
0x3d: {  	s4 =	sand.u32 @!p2 $0x7, s24;
	s2 =	ssub.s32 @!p2 $0x500, s3;
	p3 =	por !p3, p2  }
0x3e: {  	s3 =	sshrl.u32 @!p2 s24, $0x3;
	s2 =	sshrl.u32 @!p2 s2, $0x2;
	s0 =	sshrl.u32 @!p2 s0, $0x2  }
0x3f: {  	s3 =	sadd.s32 @!p2 s3, s17;
	s2 =	simm.s32 @!p3 $0x0;
	s0 =	sadd.s32 @!p2 $0xA948, s0  }
0x40: {  	[tilespmem:s0], [sflag:$0xA] =	stream.linear.gather @!p2 [hbm4b:s3+s4], s2, $0x38;
	[tilespmem:$0x1EF88] =	vst v63  }
0x41: {  	s0 =	sadd.s32 $0xFFFFFFFF, s25  }
0x42: {  	p2 =	sge.u32 s0, s15  }
.Ltmp3:
0x43: {  	_ = 	snop;
	(pc) =	sbr.rel @p2 .LBB2_7-.Ltmp3, $1  }
0x44: {  	_ =	sdelay $0x3  }
0x45: {  	p2 =	sgt.s32 s23, $0x4E0C0;
	s2 =	smov.u32 s23;
	s3 =	sshra.s32 s23, $0x1F  }
0x46: {  	s2 =	simm.s32 @!p2 $0x4E0C0;
	s3 =	sand.u32 s3, s23  }
0x47: {  	s17 =	smulhi.u32 $0xAAAAAAAB, s21;
	s2 =	ssub.s32 s2, s3  }
0x48: {  	s0 =	sand.u32 $0x1, s0;
	s2 =	sadd.s32 $0xFFFB1F40, s2  }
0x49: {  	s5 =	simm.s32 $0xA;
	s3 =	sshrl.u32 s17, $0x1;
	s4 =	sshll.u32 s2, $0x2  }
0x4a: {  	s7 =	sshrl.u32 s23, $0x3;
	s3 =	smul.u32 $0xFFFFF100, s3;
	s4 =	ssub.s32 $0x500, s4  }
0x4b: {  	s18 =	smul.u32 $0x500, s0;
	p2 =	sgt.s32 s2, $0x13F;
	s2 =	sshrl.u32 s4, $0x2  }
0x4c: {  	s9 =	sand.u32 $0x7, s23;
	s3 =	sshra.s32 s3, $0x2;
	s2 =	simm.s32 @p2 $0x0  }
0x4d: {  	s0 =	sadd.s32 s3, s20;
	s4 =	sshrl.u32 s18, $0x2;
	_ =	swait.ge [sflag:s5], s2  }
0x4e: {  	s22 =	ssub.s32 $0x0, s2;
	[sflag:s5] =	ssyncset.done $0x0;
	s8 =	rddreg [dreg:$0xc]  }
0x4f: {  	s4 =	sadd.s32 $0xAD08, s4;
	[sflag:s5] =	ssyncadd.s32 s22;
	s3 =	sadd.s32 s7, s8  }
0x50: {  	[tilespmem:s4], [sflag:$0xB] =	stream.linear.gather [hbm4b:s3+s9], s2, $0x38;
	[tilespmem:$0x1EF88] =	vst v63  }
0x51: {  	v1 =	vld.msk [tilespmem:s0+$0x0], $0xffff;
	_ =	sdelay $0x4  }
0x52: {  	v1 =	vshll.u32 v1, $0x4  }
0x53: {  	(v2sf) =	vpush v1, $0x0  }
0x54: {  	(v2sf) =	vpush v1, $0x1  }
0x55: {  	(v2sf) =	vpush v1, $0x2;
	_ =	sdelay $0x3  }
0x56: {  	(v2sf) =	vpush v1, $0x3;
	_ =	sdelay $0x1  }
0x57: {  	(v2sf) =	vpush v1, $0x4  }
0x58: {  	s2 =	simm.s32 $0x1;
	(v2sf) =	vpush v1, $0x5  }
0x59: {  	s2 =	simm.s32 @!p0 $0x0  }
0x5a: {  	s2 =	smul.u32 $0x28000, s2;
	(v2sf) =	vpush v1, $0x6;
	_ =	sdelay $0x1  }
0x5b: {  	s2 =	sshrl.u32 s2, $0x2  }
0x5c: {  	s28 =	sadd.s32 $0xB708, s2  }
0x5d: {  	s12 =	sadd.s32 $0xFFFFF880, s28;
	s17 =	sadd.s32 $0xFFFFF900, s28;
	s10 =	spop (v2sf);
	(v2sf) =	vpush v1, $0x7  }
0x5e: {  	s18 =	sadd.s32 $0xFFFFF980, s28;
	s11 =	sand.u32 $0x1FFFFFF0, s10;
	s14 =	spop (v2sf)  }
0x5f: {  	(v2sf) =	vpush v1, $0x8;
	s2 =	sadd.s32 s6, s11;
	s15 =	sand.u32 $0x1FFFFFF0, s14;
	s16 =	spop (v2sf)  }
0x60: {  	[tilespmem:s12], [sflag:$0x9] =	stream.linear.gather [hbm4b:s2+s19], $0x40, $0x38;
	[tilespmem:$0x1EF88] =	vst v63  }
0x61: {  	s5 =	sadd.s32 $0xFFFFFA00, s28;
	s2 =	sadd.s32 s6, s15;
	s3 =	sand.u32 $0x1FFFFFF0, s16  }
0x62: {  	(v2sf) =	vpush v1, $0x9;
	[tilespmem:s17], [sflag:$0x9] =	stream.linear.gather [hbm4b:s2+s19], $0x40, $0x38;
	[tilespmem:$0x1EF88] =	vst v63  }
0x63: {  	s7 =	sadd.s32 $0xFFFFFA80, s28;
	s22 =	spop (v2sf);
	s3 =	sadd.s32 s6, s3  }
0x64: {  	(v2sf) =	vpush v1, $0xA;
	[tilespmem:s18], [sflag:$0x9] =	stream.linear.gather [hbm4b:s3+s19], $0x40, $0x38;
	[tilespmem:$0x1EF88] =	vst v63  }
0x65: {  	s11 =	sadd.s32 $0xFFFFFB00, s28;
	s4 =	spop (v2sf);
	(v2sf) =	vpush v1, $0xB;
	s3 =	sand.u32 $0x1FFFFFF0, s22  }
0x66: {  	s8 =	spop (v2sf);
	s2 =	sadd.s32 s6, s3;
	s3 =	sand.u32 $0x1FFFFFF0, s4  }
0x67: {  	(v2sf) =	vpush v1, $0xC;
	[tilespmem:s5], [sflag:$0x9] =	stream.linear.gather [hbm4b:s2+s19], $0x40, $0x38;
	[tilespmem:$0x1EF88] =	vst v63  }
0x68: {  	s9 =	sand.u32 $0x1FFFFFF0, s8;
	s10 =	spop (v2sf);
	s3 =	sadd.s32 s6, s3  }
0x69: {  	(v2sf) =	vpush v1, $0xD;
	[tilespmem:s7], [sflag:$0x9] =	stream.linear.gather [hbm4b:s3+s19], $0x40, $0x38;
	[tilespmem:$0x1EF88] =	vst v63  }
0x6a: {  	s12 =	sadd.s32 $0xFFFFFB80, s28;
	s2 =	sadd.s32 s6, s9;
	s3 =	sand.u32 $0x1FFFFFF0, s10  }
0x6b: {  	[tilespmem:s11], [sflag:$0x9] =	stream.linear.gather [hbm4b:s2+s19], $0x40, $0x38;
	[tilespmem:$0x1EF88] =	vst v63  }
0x6c: {  	s17 =	sadd.s32 $0xFFFFFC00, s28;
	s3 =	sadd.s32 s6, s3;
	s14 =	spop (v2sf)  }
0x6d: {  	[tilespmem:s12], [sflag:$0x9] =	stream.linear.gather [hbm4b:s3+s19], $0x40, $0x38;
	(v2sf) =	vpush v1, $0xE;
	[tilespmem:$0x1EF88] =	vst v63  }
0x6e: {  	s18 =	sadd.s32 $0xFFFFFC80, s28;
	s15 =	sand.u32 $0x1FFFFFF0, s14;
	s16 =	spop (v2sf)  }
0x6f: {  	s5 =	sadd.s32 $0xFFFFFD00, s28;
	(v2sf) =	vpush v1, $0xF;
	s2 =	sadd.s32 s6, s15;
	s3 =	sand.u32 $0x1FFFFFF0, s16  }
0x70: {  	[tilespmem:s17], [sflag:$0x9] =	stream.linear.gather [hbm4b:s2+s19], $0x40, $0x38;
	[tilespmem:$0x1EF88] =	vst v63  }
0x71: {  	s7 =	sadd.s32 $0xFFFFFD80, s28;
	s22 =	spop (v2sf);
	s3 =	sadd.s32 s6, s3  }
0x72: {  	[tilespmem:s18], [sflag:$0x9] =	stream.linear.gather [hbm4b:s3+s19], $0x40, $0x38;
	[tilespmem:$0x1EF88] =	vst v63  }
0x73: {  	s11 =	sadd.s32 $0xFFFFFE00, s28;
	s4 =	spop (v2sf);
	s3 =	sand.u32 $0x1FFFFFF0, s22  }
0x74: {  	s8 =	spop (v2sf);
	s2 =	sadd.s32 s6, s3;
	s3 =	sand.u32 $0x1FFFFFF0, s4  }
0x75: {  	[tilespmem:s5], [sflag:$0x9] =	stream.linear.gather [hbm4b:s2+s19], $0x40, $0x38;
	[tilespmem:$0x1EF88] =	vst v63  }
0x76: {  	s9 =	sand.u32 $0x1FFFFFF0, s8;
	s10 =	spop (v2sf);
	s3 =	sadd.s32 s6, s3  }
0x77: {  	[tilespmem:s7], [sflag:$0x9] =	stream.linear.gather [hbm4b:s3+s19], $0x40, $0x38;
	[tilespmem:$0x1EF88] =	vst v63  }
0x78: {  	s14 =	spop (v2sf);
	s2 =	sadd.s32 s6, s9;
	s3 =	sand.u32 $0x1FFFFFF0, s10  }
0x79: {  	[tilespmem:s11], [sflag:$0x9] =	stream.linear.gather [hbm4b:s2+s19], $0x40, $0x38;
	[tilespmem:$0x1EF88] =	vst v63  }
0x7a: {  	s12 =	sadd.s32 $0xFFFFFE80, s28;
	s15 =	sand.u32 $0x1FFFFFF0, s14;
	s3 =	sadd.s32 s6, s3  }
0x7b: {  	[tilespmem:s12], [sflag:$0x9] =	stream.linear.gather [hbm4b:s3+s19], $0x40, $0x38;
	[tilespmem:$0x1EF88] =	vst v63  }
0x7c: {  	s17 =	sadd.s32 $0xFFFFFF00, s28;
	s2 =	sadd.s32 s6, s15;
	s16 =	spop (v2sf)  }
0x7d: {  	[tilespmem:s17], [sflag:$0x9] =	stream.linear.gather [hbm4b:s2+s19], $0x40, $0x38;
	[tilespmem:$0x1EF88] =	vst v63  }
0x7e: {  	s29 =	simm.s32 $0x0;
	s3 =	sand.u32 $0x1FFFFFF0, s16;
	s18 =	spop (v2sf)  }
0x7f: {  	s22 =	sadd.s32 $0xFFFFFF80, s28;
	s3 =	sadd.s32 s6, s3;
	s2 =	sand.u32 $0x1FFFFFF0, s18  }
0x80: {  	[tilespmem:s22], [sflag:$0x9] =	stream.linear.gather [hbm4b:s3+s19], $0x40, $0x38;
	[tilespmem:$0x1EF88] =	vst v63  }
0x81: {  	s31 =	sadd.s32 $0x10, s0;
	s30 =	sadd.s32 $0x800, s28;
	s2 =	sadd.s32 s6, s2  }
.LBB2_5:
0x82: {  	[tilespmem:s28], [sflag:$0x9] =	stream.linear.gather [hbm4b:s2+s19], $0x40, $0x38;
	[tilespmem:$0x1EF88] =	vst v63  }
0x83: {  	s29 =	sadd.s32 $0x10, s29;
	s28 =	smov.u32 s30  }
0x84: {  	p2 =	slt.u32 s29, $0x130;
	v1 =	vld.msk [tilespmem:s31+$0x0], $0xffff;
	_ =	sdelay $0x4  }
0x85: {  	v1 =	vshll.u32 v1, $0x4  }
0x86: {  	(v2sf) =	vpush v1, $0x0  }
0x87: {  	(v2sf) =	vpush v1, $0x1  }
0x88: {  	(v2sf) =	vpush v1, $0x2;
	_ =	sdelay $0x1  }
0x89: {  	(v2sf) =	vpush v1, $0x3;
	_ =	sdelay $0x1  }
0x8a: {  	(v2sf) =	vpush v1, $0x4;
	_ =	sdelay $0x1  }
0x8b: {  	(v2sf) =	vpush v1, $0x5;
	_ =	sdelay $0x1  }
0x8c: {  	(v2sf) =	vpush v1, $0x6  }
0x8d: {  	s4 =	sadd.s32 $0xFFFFFE80, s30;
	s0 =	sadd.s32 $0xFFFFFF00, s30  }
0x8e: {  	s3 =	sadd.s32 $0xFFFFFD00, s30;
	s2 =	sadd.s32 $0xFFFFFD80, s30;
	s5 =	sadd.s32 $0xFFFFFE00, s30;
	(v2sf) =	vpush v1, $0x7  }
0x8f: {  	s10 =	sadd.s32 $0xFFFFFB80, s30;
	s9 =	sadd.s32 $0xFFFFFC00, s30;
	s16 =	sadd.s32 $0xFFFFFC80, s30  }
0x90: {  	s11 =	sadd.s32 $0xFFFFFA00, s30;
	s12 =	sadd.s32 $0xFFFFFA80, s30;
	s15 =	sadd.s32 $0xFFFFFB00, s30;
	(v2sf) =	vpush v1, $0x8  }
0x91: {  	s18 =	sadd.s32 $0xFFFFF900, s30;
	s7 =	sadd.s32 $0xFFFFF980, s30;
	s22 =	spop (v2sf)  }
0x92: {  	s8 =	sadd.s32 $0xFFFFF880, s30;
	s22 =	sand.u32 $0x1FFFFFF0, s22;
	s14 =	spop (v2sf);
	(v2sf) =	vpush v1, $0x9  }
0x93: {  	s22 =	sadd.s32 s6, s22;
	s14 =	sand.u32 $0x1FFFFFF0, s14;
	s17 =	spop (v2sf)  }
0x94: {  	[tilespmem:s8], [sflag:$0x9] =	stream.linear.gather [hbm4b:s22+s19], $0x40, $0x38;
	(v2sf) =	vpush v1, $0xA;
	[tilespmem:$0x1EF88] =	vst v63  }
0x95: {  	s8 =	sadd.s32 s6, s14;
	s14 =	sand.u32 $0x1FFFFFF0, s17;
	s17 =	spop (v2sf)  }
0x96: {  	[tilespmem:s18], [sflag:$0x9] =	stream.linear.gather [hbm4b:s8+s19], $0x40, $0x38;
	(v2sf) =	vpush v1, $0xB;
	[tilespmem:$0x1EF88] =	vst v63  }
0x97: {  	s8 =	sadd.s32 s6, s14;
	s14 =	sand.u32 $0x1FFFFFF0, s17;
	s17 =	spop (v2sf)  }
0x98: {  	[tilespmem:s7], [sflag:$0x9] =	stream.linear.gather [hbm4b:s8+s19], $0x40, $0x38;
	(v2sf) =	vpush v1, $0xC;
	[tilespmem:$0x1EF88] =	vst v63  }
0x99: {  	s7 =	sadd.s32 s6, s14;
	s8 =	sand.u32 $0x1FFFFFF0, s17;
	s14 =	spop (v2sf)  }
0x9a: {  	[tilespmem:s11], [sflag:$0x9] =	stream.linear.gather [hbm4b:s7+s19], $0x40, $0x38;
	(v2sf) =	vpush v1, $0xD;
	[tilespmem:$0x1EF88] =	vst v63  }
0x9b: {  	s7 =	sadd.s32 s6, s8;
	s8 =	sand.u32 $0x1FFFFFF0, s14;
	s11 =	spop (v2sf)  }
0x9c: {  	[tilespmem:s12], [sflag:$0x9] =	stream.linear.gather [hbm4b:s7+s19], $0x40, $0x38;
	(v2sf) =	vpush v1, $0xE;
	[tilespmem:$0x1EF88] =	vst v63  }
0x9d: {  	s7 =	sadd.s32 s6, s8;
	s8 =	sand.u32 $0x1FFFFFF0, s11;
	s11 =	spop (v2sf)  }
0x9e: {  	[tilespmem:s15], [sflag:$0x9] =	stream.linear.gather [hbm4b:s7+s19], $0x40, $0x38;
	(v2sf) =	vpush v1, $0xF;
	[tilespmem:$0x1EF88] =	vst v63  }
0x9f: {  	s7 =	sadd.s32 s6, s8;
	s8 =	sand.u32 $0x1FFFFFF0, s11;
	s11 =	spop (v2sf)  }
0xa0: {  	[tilespmem:s10], [sflag:$0x9] =	stream.linear.gather [hbm4b:s7+s19], $0x40, $0x38;
	[tilespmem:$0x1EF88] =	vst v63  }
0xa1: {  	s7 =	sadd.s32 s6, s8;
	s8 =	sand.u32 $0x1FFFFFF0, s11;
	s10 =	spop (v2sf)  }
0xa2: {  	[tilespmem:s9], [sflag:$0x9] =	stream.linear.gather [hbm4b:s7+s19], $0x40, $0x38;
	[tilespmem:$0x1EF88] =	vst v63  }
0xa3: {  	s7 =	sadd.s32 s6, s8;
	s8 =	sand.u32 $0x1FFFFFF0, s10;
	s9 =	spop (v2sf)  }
0xa4: {  	[tilespmem:s16], [sflag:$0x9] =	stream.linear.gather [hbm4b:s7+s19], $0x40, $0x38;
	[tilespmem:$0x1EF88] =	vst v63  }
0xa5: {  	s7 =	sadd.s32 s6, s8;
	s8 =	sand.u32 $0x1FFFFFF0, s9;
	s9 =	spop (v2sf)  }
0xa6: {  	[tilespmem:s3], [sflag:$0x9] =	stream.linear.gather [hbm4b:s7+s19], $0x40, $0x38;
	[tilespmem:$0x1EF88] =	vst v63  }
0xa7: {  	s3 =	sadd.s32 s6, s8;
	s7 =	sand.u32 $0x1FFFFFF0, s9;
	s8 =	spop (v2sf)  }
0xa8: {  	[tilespmem:s2], [sflag:$0x9] =	stream.linear.gather [hbm4b:s3+s19], $0x40, $0x38;
	[tilespmem:$0x1EF88] =	vst v63  }
0xa9: {  	s2 =	sadd.s32 s6, s7;
	s3 =	sand.u32 $0x1FFFFFF0, s8;
	s7 =	spop (v2sf)  }
0xaa: {  	[tilespmem:s5], [sflag:$0x9] =	stream.linear.gather [hbm4b:s2+s19], $0x40, $0x38;
	[tilespmem:$0x1EF88] =	vst v63  }
0xab: {  	s2 =	sadd.s32 s6, s3;
	s3 =	sand.u32 $0x1FFFFFF0, s7;
	s5 =	spop (v2sf)  }
0xac: {  	[tilespmem:s4], [sflag:$0x9] =	stream.linear.gather [hbm4b:s2+s19], $0x40, $0x38;
	[tilespmem:$0x1EF88] =	vst v63  }
0xad: {  	s2 =	sadd.s32 s6, s3  }
.Ltmp4:
0xae: {  	s3 =	sand.u32 $0x1FFFFFF0, s5;
	s4 =	spop (v2sf);
	(pc) =	sbr.rel @p2 .LBB2_5-.Ltmp4, $4  }
0xaf: {  	[tilespmem:s0], [sflag:$0x9] =	stream.linear.gather [hbm4b:s2+s19], $0x40, $0x38;
	[tilespmem:$0x1EF88] =	vst v63  }
0xb0: {  	s0 =	sadd.s32 s6, s3;
	s2 =	sadd.s32 $0xFFFFFF80, s30;
	s3 =	sand.u32 $0x1FFFFFF0, s4  }
0xb1: {  	[tilespmem:s2], [sflag:$0x9] =	stream.linear.gather [hbm4b:s0+s19], $0x40, $0x38;
	[tilespmem:$0x1EF88] =	vst v63  }
0xb2: {  	s31 =	sadd.s32 $0x10, s31;
	s30 =	sadd.s32 $0x800, s30;
	s2 =	sadd.s32 s6, s3  }
0xb3: {  	[tilespmem:s28], [sflag:$0x9] =	stream.linear.gather [hbm4b:s2+s19], $0x40, $0x38;
	[tilespmem:$0x1EF88] =	vst v63  }
0xb4: {  	s12 =	rddreg [dreg:$0x8]  }
0xb5: {  	s14 =	rddreg [dreg:$0x9]  }
0xb6: {  	s15 =	rddreg [dreg:$0xa]  }
0xb7: {  	s17 =	rddreg [dreg:$0xb]  }
0xb8: {  	s18 =	rddreg [dreg:$0xd]  }
0xb9: {  	s22 =	rddreg [dreg:$0xe]  }
.LBB2_7:
0xba: {  	p2 =	slt.u32 s25, $0x2  }
.Ltmp5:
0xbb: {  	_ = 	snop;
	(pc) =	sbr.rel @p2 .LBB2_25-.Ltmp5, $1  }
0xbc: {  	_ =	sdelay $0x3  }
0xbd: {  	p2 =	sgt.s32 s26, $0x4E0C0;
	s0 =	smov.u32 s26;
	s2 =	sshra.s32 s26, $0x1F  }
0xbe: {  	s0 =	simm.s32 @!p2 $0x4E0C0;
	s2 =	sand.u32 s2, s26  }
0xbf: {  	s0 =	ssub.s32 s0, s2  }
0xc0: {  	s0 =	sadd.s32 $0xFFFB1F40, s0  }
0xc1: {  	s3 =	simm.s32 $0x9;
	s29 =	sshll.u32 s0, $0x2  }
0xc2: {  	_ =	swait.ge [sflag:s3], $0x5000;
	s2 =	ssub.s32 $0x500, s29  }
0xc3: {  	[sflag:s3] =	ssyncset.done $0x0;
	p2 =	sgt.s32 s0, $0x13F;
	s0 =	sshrl.u32 s2, $0x2  }
0xc4: {  	s30 =	simm.s32 $0xB;
	[sflag:s3] =	ssyncadd.s32 $0xFFFFB000;
	s0 =	simm.s32 @p2 $0x0  }
0xc5: {  	_ =	swait.ge [sflag:s30], s0  }
0xc6: {  	s0 =	ssub.s32 $0x0, s0;
	[sflag:s30] =	ssyncset.done $0x0  }
0xc7: {  	[sflag:s30] =	ssyncadd.s32 s0  }
0xc8: {  	v1 =	vld [tilespmem:$0xA108];
	_ =	sdelay $0x4  }
0xc9: {  	(v2sf) =	vpush v1, $0x0  }
0xca: {  	(v2sf) =	vpush v1, $0x1  }
0xcb: {  	(v2sf) =	vpush v1, $0x2;
	_ =	sdelay $0x3  }
0xcc: {  	s0 =	sadd.s32 $0x140, s26  }
0xcd: {  	s4 =	ssub.s32 $0x9C400, s26;
	p2 =	slt.s32 s14, s0  }
0xce: {  	s0 =	smov.u32 @p2 s14;
	p2 =	sgt.s32 s4, $0x0  }
0xcf: {  	s0 =	ssub.s32 s0, s26;
	s4 =	simm.s32 @!p2 $0x0  }
0xd0: {  	p2 =	slt.s32 s4, s0  }
0xd1: {  	s0 =	smov.u32 @p2 s4  }
0xd2: {  	s2 =	simm.s32 $0x1;
	p2 =	slt.s32 s0, $0x1  }
.Ltmp6:
0xd3: {  	s2 =	simm.s32 @!p1 $0x0;
	(pc) =	sbr.rel @p2 .LBB2_12-.Ltmp6, $4  }
0xd4: {  	s7 =	smul.u32 $0x500, s2  }
0xd5: {  	s3 =	spop (v2sf)  }
0xd6: {  	s31 =	sshrl.u32 s7, $0x2;
	s5 =	spop (v2sf)  }
0xd7: {  	s28 =	sadd.s32 $0xAD08, s31;
	s26 =	spop (v2sf)  }
0xd8: {  	s4 =	smin.u32 s0, $0x10  }
0xd9: {  	v1 =	vmov s4  }
0xda: {  	p3 =	sgt.s32 s0, $0x10;
	vm1 =	vgt.u32 v1, v0  }
.Ltmp7:
0xdb: {  	_ = 	snop;
	(pc) =	sbr.rel @!p3 .LBB2_11-.Ltmp7, $2  }
0xdc: {  	_ =	sdelay $0x2  }
0xdd: {  	s9 =	simm.s32 $0x10;
	s10 =	sadd.s32 $0xFFFFFFF0, s0;
	s4 =	smov.u32 s28;
	vm0 =	vmmov vm1  }
.LBB2_10:
0xde: {  	s7 =	smin.u32 s10, $0x10;
	s9 =	sadd.s32 $0x10, s9;
	v1 =	vld.msk [tilespmem:s4+$0x0 ss:$0x1], vm1  }
0xdf: {  	v2 =	vmov s7;
	p3 =	slt.s32 s9, s0  }
0xe0: {  	vm1 =	vgt.u32 v2, v0  }
.Ltmp8:
0xe1: {  	(pc) =	sbr.rel @p3 .LBB2_10-.Ltmp8, $3  }
0xe2: {  	_ =	sdelay $0x1  }
0xe3: {  	v1 =	vshll.u32 v1, $0x4  }
0xe4: {  	s10 =	sadd.s32 $0xFFFFFFF0, s10;
	[tilespmem:s4+$0x0] =	vst.msk vm0, v1;
	s4 =	sadd.s32 $0x10, s4;
	vm0 =	vmmov vm1  }
.LBB2_11:
0xe5: {  	_ =	sdelay $0x4  }
0xe6: {  	v1 =	vld.msk [tilespmem:s4+$0x0 ss:$0x1], vm1;
	_ =	sdelay $0x4  }
0xe7: {  	v1 =	vshll.u32 v1, $0x4  }
0xe8: {  	[tilespmem:s4+$0x0] =	vst.msk vm0, v1  }
.LBB2_12:
0xe9: {  	s4 =	sand.u32 $0x1, s25  }
0xea: {  	s4 =	smul.u32 $0x140, s4  }
0xeb: {  	p3 =	sne.s32 s5, $0xFFFFFFFF  }
0xec: {  	v1 =	vld.msk @!p3 [tilespmem:s4+$0xAD08], $0x1;
	_ =	sdelay $0x4  }
0xed: {  	(v2sf) =	vpush @!p3 v1, $0x0;
	_ =	sdelay $0xc  }
.Ltmp9:
0xee: {  	_ = 	snop;
	(pc) =	sbr.rel @p2 .LBB2_23-.Ltmp9, $4  }
0xef: {  	_ = 	snop  }
0xf0: {  	s29 =	spop @!p3 (v2sf)  }
0xf1: {  	s31 =	simm.s32 $0xC;
	s26 =	simm.s32 @!p3 $0x0;
	s4 =	smov.u32 s29  }
0xf2: {  	[sflag:s31] =	ssyncpa.u1 $0x0;
	s29 =	smov.u32 @p3 s3;
	s4 =	smov.u32 @p3 s5  }
0xf3: {  	v1 =	vld.msk [tilespmem:s28+$0x0], $0x1;
	_ =	sdelay $0x4  }
0xf4: {  	(v2sf) =	vpush v1, $0x0;
	_ =	sdelay $0xe  }
0xf5: {  	s2 =	smul.u32 $0x28000, s2;
	s5 =	spop (v2sf)  }
0xf6: {  	s31 =	ssub.s32 $0x0, s0;
	p2 =	seq.s32 s29, s5  }
0xf7: {  	s3 =	smov.u32 s29;
	s2 =	sshrl.u32 s2, $0x2;
	p3 =	sgt.s32 @!p2 s29, $0x0  }
0xf8: {  	s30 =	sadd.s32 $0xAFA8, s2;
	s2 =	sadd.s32 $0x1, s31;
	p3 =	por !p3, p2  }
0xf9: {  	s3 =	simm.s32 @p3 $0x0;
	p3 =	seq.s32 s2, $0x0  }
.Ltmp10:
0xfa: {  	_ = 	snop;
	(pc) =	sbr.rel @p3 .LBB2_15-.Ltmp10, $4  }
0xfb: {  	_ = 	snop  }
0xfc: {  	s0 =	simm.s32 $0x0;
	s9 =	simm.s32 @!p2 $0x1;
	s3 =	smin.u32 @!p2 s3, $0x4E1FF8  }
0xfd: {  	s10 =	simm.s32 @!p2 $0x50C8;
	s9 =	smov.u32 @p2 s0;
	s7 =	sand.u32 @!p2 $0x7FFFF8, s3  }
0xfe: {  	s16 =	sand.u32 @!p2 $0x7, s3;
	s3 =	sadd.s32 $0x1, s28;
	s11 =	sadd.s32 @!p2 s1, s7  }
.LBB2_14:
0xff: {  	s7 =	smov.u32 s9  }
0x100: {  	[tilespmem:s10], [sflag:$0x2] =	stream.linear.gather @!p2 [hbm4b:s11+s16], $0x40, $0x38;
	[tilespmem:$0x1EF88] =	vst v63  }
0x101: {  	s2 =	sadd.s32 $0x1, s2;
	s8 =	smov.u32 s5;
	v1 =	vld.msk [tilespmem:s3+$0x0], $0x1  }
0x102: {  	p3 =	seq.s32 s2, $0x0;
	_ =	sdelay $0x3  }
0x103: {  	(v2sf) =	vpush v1, $0x0;
	_ =	sdelay $0xe  }
0x104: {  	s5 =	spop (v2sf)  }
0x105: {  	p2 =	seq.s32 s8, s5  }
0x106: {  	p4 =	sgt.s32 @!p2 s8, $0x0;
	s10 =	sshll.u32 @!p2 s9, $0x8;
	s9 =	sadd.s32 @!p2 $0x1, s9  }
.Ltmp11:
0x107: {  	p4 =	por !p4, p2;
	s10 =	sshra.s32 @!p2 s10, $0x2;
	(pc) =	sbr.rel @!p3 .LBB2_14-.Ltmp11, $4  }
0x108: {  	s9 =	smov.u32 @p2 s7;
	s8 =	simm.s32 @p4 $0x0;
	s10 =	sadd.s32 @!p2 $0x50C8, s10  }
0x109: {  	s7 =	smin.u32 @!p2 s8, $0x4E1FF8  }
0x10a: {  	s8 =	sand.u32 @!p2 $0x7FFFF8, s7;
	s16 =	sand.u32 @!p2 $0x7, s7  }
0x10b: {  	s3 =	sadd.s32 $0x1, s3;
	s11 =	sadd.s32 @!p2 s1, s8  }
.LBB2_15:
0x10c: {  	[tilespmem:s10], [sflag:$0x2] =	stream.linear.gather @!p2 [hbm4b:s11+s16], $0x40, $0x38;
	[tilespmem:$0x1EF88] =	vst v63  }
.Ltmp12:
0x10d: {  	s2 =	sshll.u32 s9, $0x6;
	(pc) =	sbr.rel .LBB2_16-.Ltmp12, $4  }
0x10e: {  	s3 =	simm.s32 $0x2;
	s2 =	sand.u32 $0x3FFFFFC0, s2  }
0x10f: {  	_ =	swait.ge [sflag:s3], s2  }
0x110: {  	s2 =	ssub.s32 $0x0, s2;
	[sflag:s3] =	ssyncset.done $0x0  }
0x111: {  	[sflag:s3] =	ssyncadd.s32 s2;
	s3 =	simm.s32 $0x0  }
.LBB2_17:
0x112: {  	v1 =	vld [tilespmem:s30+$0xFFFFFFE0];
	_ =	sdelay $0x4  }
0x113: {  	[tilespmem:s5+$0x88] =	vst.add.f32.msk $0xffff, v1  }
0x114: {  	v1 =	vld [tilespmem:s30+$0xFFFFFFF0];
	_ =	sdelay $0x4  }
0x115: {  	[tilespmem:s5+$0x98] =	vst.add.f32.msk $0xffff, v1  }
0x116: {  	v1 =	vld [tilespmem:s30+$0x0];
	_ =	sdelay $0x4  }
0x117: {  	[tilespmem:s5+$0xA8] =	vst.add.f32.msk $0xffff, v1  }
0x118: {  	v1 =	vld [tilespmem:s30+$0x10];
	_ =	sdelay $0x4  }
0x119: {  	[tilespmem:s5+$0xB8] =	vst.add.f32.msk $0xffff, v1  }
.LBB2_21:
0x11a: {  	s31 =	sadd.s32 $0x1, s31  }
0x11b: {  	p2 =	seq.s32 s31, $0x0  }
.Ltmp13:
0x11c: {  	_ = 	snop;
	(pc) =	sbr.rel @p2 .LBB2_22-.Ltmp13, $2  }
0x11d: {  	_ =	sdelay $0x2  }
0x11e: {  	s30 =	sadd.s32 $0x80, s30;
	s28 =	sadd.s32 $0x1, s28;
	s29 =	smov.u32 s2  }
.LBB2_16:
0x11f: {  	v1 =	vld.msk [tilespmem:s28+$0x0], $0x1;
	_ =	sdelay $0x4  }
0x120: {  	(v2sf) =	vpush v1, $0x0;
	_ =	sdelay $0xe  }
0x121: {  	s2 =	spop (v2sf)  }
0x122: {  	p2 =	sne.s32 s29, s2  }
.Ltmp14:
0x123: {  	_ = 	snop;
	(pc) =	sbr.rel @!p2 .LBB2_17-.Ltmp14, $3  }
0x124: {  	_ =	sdelay $0x1  }
0x125: {  	s5 =	sshll.u32 s26, $0x8  }
0x126: {  	s5 =	sshra.s32 s5, $0x2  }
0x127: {  	p2 =	seq.s32 s29, s4  }
.Ltmp15:
0x128: {  	_ = 	snop;
	(pc) =	sbr.rel @!p2 .LBB2_19-.Ltmp15, $1  }
0x129: {  	_ =	sdelay $0x3  }
.Ltmp16:
0x12a: {  	s5 =	sadd.s32 $0x88, s5;
	(pc) =	sbr.rel .LBB2_20-.Ltmp16, $4  }
0x12b: {  	[spmem:s18] =	stream.linear.scatter [tilespmem:s5], [sflag:$0x1], $0x40, $0x38;
	[tilespmem:$0x1EF88] =	vst v63  }
0x12c: {  	_ =	swait.ge [sflag:s13], $0x40  }
0x12d: {  	[sflag:s13] =	ssyncset.done $0x0  }
0x12e: {  	[sflag:s13] =	ssyncadd.s32 $0xFFFFFFC0  }
.LBB2_19:
0x12f: {  	s7 =	sshll.u32 s0, $0x8  }
0x130: {  	s7 =	sshra.s32 s7, $0x2  }
0x131: {  	v1 =	vld [tilespmem:s7+$0x50C8];
	_ =	sdelay $0x4  }
0x132: {  	[tilespmem:s5+$0x88] =	vst.add.f32.msk $0xffff, v1  }
0x133: {  	v1 =	vld [tilespmem:s7+$0x50D8];
	_ =	sdelay $0x4  }
0x134: {  	[tilespmem:s5+$0x98] =	vst.add.f32.msk $0xffff, v1  }
0x135: {  	v1 =	vld [tilespmem:s7+$0x50E8];
	_ =	sdelay $0x4  }
0x136: {  	[tilespmem:s5+$0xA8] =	vst.add.f32.msk $0xffff, v1  }
0x137: {  	v1 =	vld [tilespmem:s7+$0x50F8];
	_ =	sdelay $0x2  }
0x138: {  	p2 =	sgt.u32 s29, $0x4E1FF8  }
0x139: {  	s7 =	sand.u32 @!p2 $0x7FFFF8, s29  }
0x13a: {  	s8 =	sadd.s32 $0x88, s5;
	[tilespmem:s5+$0xB8] =	vst.add.f32.msk $0xffff, v1;
	s5 =	sadd.s32 @!p2 s1, s7;
	s7 =	sand.u32 @!p2 $0x7, s29  }
0x13b: {  	[hbm4b:s5+s7] =	stream.linear.scatter @!p2 [tilespmem:s8], [sflag:$0xC], $0x40, $0x38;
	[tilespmem:$0x1EF88] =	vst v63  }
0x13c: {  	s5 =	simm.s32 $0x0  }
0x13d: {  	s5 =	simm.s32 @!p2 $0x100  }
0x13e: {  	s3 =	sadd.s32 s5, s3  }
.LBB2_20:
0x13f: {  	s5 =	sadd.s32 $0x1, s26  }
0x140: {  	s7 =	smulhi.u32 $0xCCCCCCCD, s5;
	_ =	sdelay $0x1  }
0x141: {  	v1 =	vld [tilespmem:s30+$0xFFFFFFE0];
	s7 =	sshrl.u32 s7, $0x8  }
0x142: {  	s7 =	smul.u32 $0x140, s7;
	_ =	sdelay $0x1  }
0x143: {  	s26 =	ssub.s32 s5, s7  }
0x144: {  	s5 =	sshll.u32 s26, $0x6  }
0x145: {  	[tilespmem:s5+$0x88] =	vst v1  }
0x146: {  	v1 =	vld [tilespmem:s30+$0xFFFFFFF0];
	_ =	sdelay $0x4  }
0x147: {  	[tilespmem:s5+$0x98] =	vst v1  }
0x148: {  	v1 =	vld [tilespmem:s30+$0x0];
	_ =	sdelay $0x4  }
0x149: {  	[tilespmem:s5+$0xA8] =	vst v1  }
0x14a: {  	v1 =	vld [tilespmem:s30+$0x10]  }
.Ltmp17:
0x14b: {  	_ = 	snop;
	(pc) =	sbr.rel .LBB2_21-.Ltmp17, $2  }
0x14c: {  	_ =	sdelay $0x2  }
0x14d: {  	s0 =	sadd.s32 $0x1, s0;
	[tilespmem:s5+$0xB8] =	vst v1  }
.LBB2_23:
.Ltmp18:
0x14e: {  	(pc) =	sbr.rel .LBB2_24-.Ltmp18, $4  }
0x14f: {  	_ = 	snop  }
0x150: {  	s0 =	simm.s32 $0x2  }
0x151: {  	_ =	swait.ge [sflag:s0], $0x0  }
0x152: {  	s2 =	smov.u32 s29;
	[sflag:s0] =	ssyncset.done $0x0;
	s0 =	simm.s32 $0x0  }
.LBB2_26:
0x153: {  	_ =	sfence.sel $0x180000  }
0x154: {  	s0 =	simm.s32 $0x9;
	[bflag:$0x0] =	sbarrier.arrive $0xFFFF  }
0x155: {  	s24 =	simm.s32 $0xA;
	[sflag:s0] =	ssyncpa.u1 $0x1  }
0x156: {  	s25 =	simm.s32 $0xB;
	[sflag:s24] =	ssyncpa.u1 $0x1  }
0x157: {  	s26 =	simm.s32 $0x2;
	[sflag:s25] =	ssyncpa.u1 $0x1  }
0x158: {  	[sflag:s26] =	ssyncpa.u1 $0x1  }
0x159: {  	v0 =	vld [tilespmem:$0xA108];
	_ =	sdelay $0x4  }
0x15a: {  	(v2sf) =	vpush v0, $0x0  }
0x15b: {  	(v2sf) =	vpush v0, $0x1;
	_ =	sdelay $0x1  }
0x15c: {  	(v2sf) =	vpush v0, $0x2;
	_ =	sdelay $0xb  }
0x15d: {  	s0 =	spop (v2sf)  }
0x15e: {  	s2 =	spop (v2sf)  }
0x15f: {  	s3 =	smov.u32 s0;
	p0 =	sne.s32 s0, s2  }
0x160: {  	s4 =	spop (v2sf);
	s3 =	simm.s32 @!p0 $0xFFFFFFFF  }
0x161: {  	v2 =	vimm.s32 $0x1;
	v3 =	vlaneseq.u32;
	p0 =	seq.s32 s4, $0xFFFFFFFF;
	v1 =	vmov s3  }
0x162: {  	s14 =	stileid.u32;
	v0 =	vperm.xlane v0, v2;
	p1 =	sne.s32 @!p0 s0, s2;
	v1 =	vperm.xlane v1, v3  }
0x163: {  	vm0 =	vcmask $0x3F04;
	s6 =	simm.s32 $0xA108;
	s0 =	simm.s32 @!p0 $0x1;
	p1 =	por !p1, p0  }
0x164: {  	s3 =	sshll.u32 s14, $0x1;
	s2 =	sshll.u32 @!p0 s4, $0x8;
	s0 =	simm.s32 @p1 $0x0;
	v0 =	vsel vm0, v1, v0  }
0x165: {  	s5 =	sor.u32 $0x800, s3;
	s2 =	sshra.s32 @!p0 s2, $0x2;
	s0 =	sor.u32 @!p0 s0, s3;
	[tilespmem:$0xA108] =	vst v0  }
0x166: {  	[spmem:s5] =	stream.linear.scatter [tilespmem:s6], [sflag:$0x1], $0x2, $0x38;
	[tilespmem:$0x1EF88] =	vst v63  }
0x167: {  	s2 =	sadd.s32 @!p0 $0x88, s2;
	s0 =	sshll.u32 @!p0 s0, $0x6  }
0x168: {  	[spmem:s0] =	stream.linear.scatter @!p0 [tilespmem:s2], [sflag:$0x1], $0x40, $0x38;
	[tilespmem:$0x1EF88] =	vst v63  }
0x169: {  	s0 =	simm.s32 @!p0 $0x42  }
0x16a: {  	s28 =	simm.s32 $0x1;
	s0 =	simm.s32 @p0 $0x2  }
0x16b: {  	_ =	swait.ge [sflag:s28], s0  }
0x16c: {  	s0 =	ssub.s32 $0x0, s0;
	[sflag:s28] =	ssyncset.done $0x0  }
0x16d: {  	p0 =	sne.s32 s14, $0x0;
	[sflag:s28] =	ssyncadd.s32 s0  }
.Ltmp19:
0x16e: {  	_ =	sfence.stream.spmem;
	(pc) =	sbr.rel @p0 .LBB2_43-.Ltmp19, $4  }
0x16f: {  	s29 =	simm.s32 $0x3;
	[bflag:$0x0] =	sbarrier.arrive $0xFFFF  }
0x170: {  	s30 =	simm.s32 $0x4;
	[sflag:s29] =	ssyncpa.u1 $0x1  }
0x171: {  	s31 =	simm.s32 $0x3C;
	[sflag:s30] =	ssyncpa.u1 $0x1  }
0x172: {  	s13 =	rddreg [dreg:$0x7];
	[sflag:s31] =	ssyncpa.u1 $0x1  }
0x173: {  	_ =	sfence.stream.spmem;
	s0 =	simm.s32 $0x5  }
0x174: {  	s2 =	simm.s32 $0x800;
	s3 =	simm.s32 $0xA118;
	[sflag:s0] =	ssyncpa.u1 $0x0  }
0x175: {  	[tilespmem:s3], [sflag:$0x5] =	stream.linear.gather [spmem:s2], $0x20, $0x38;
	[tilespmem:$0x1EF88] =	vst v63  }
0x176: {  	s26 =	simm.s32 $0x0;
	s28 =	simm.s32 $0xA138  }
0x177: {  	[tilespmem:s28], [sflag:$0x5] =	stream.linear.gather [spmem:s26], $0x800, $0x38;
	[tilespmem:$0x1EF88] =	vst v63  }
0x178: {  	_ =	swait.ge [sflag:s0], $0x820  }
0x179: {  	[sflag:s0] =	ssyncset.done $0x0  }
0x17a: {  	s29 =	simm.s32 $0x0;
	[sflag:s0] =	ssyncadd.s32 $0xFFFFF7E0  }
0x17b: {  	v0 =	vld.msk [tilespmem:s29+$0xA118], $0x1;
	_ =	sdelay $0x1  }
0x17c: {  	s30 =	simm.s32 $0x1  }
0x17d: {  	v1 =	vld.msk [tilespmem:s30+$0xA118], $0x1;
	_ =	sdelay $0x1  }
0x17e: {  	(v2sf) =	vpush v0, $0x0;
	_ =	sdelay $0x2  }
0x17f: {  	(v2sf) =	vpush v1, $0x0;
	_ =	sdelay $0x2  }
0x180: {  	s31 =	simm.s32 $0x2  }
0x181: {  	v0 =	vld.msk [tilespmem:s31+$0xA118], $0x1;
	_ =	sdelay $0x2  }
0x182: {  	s2 =	simm.s32 $0xFFFFFFFF;
	s3 =	simm.s32 $0xFFFFFFFF;
	s0 =	simm.s32 $0xC  }
.LBB2_28:
0x183: {  	s4 =	smov.u32 s3;
	s5 =	smov.u32 s2  }
0x184: {  	s2 =	sshra.s32 s0, $0x2;
	p1 =	sne.s32 s0, $0x7C;
	s0 =	sadd.s32 $0x4, s0;
	(v2sf) =	vpush v0, $0x0  }
0x185: {  	v0 =	vld.msk [tilespmem:s2+$0xA118], $0x1  }
.Ltmp20:
0x186: {  	(pc) =	sbr.rel @p1 .LBB2_28-.Ltmp20, $4  }
0x187: {  	s3 =	spop (v2sf)  }
0x188: {  	p2 =	sne.s32 s5, $0xFFFFFFFF;
	s2 =	smov.u32 s3  }
0x189: {  	p3 =	seq.s32 s3, $0xFFFFFFFF;
	s2 =	smov.u32 @p2 s5  }
0x18a: {  	s3 =	smov.u32 @p3 s4;
	s2 =	smov.u32 @p3 s5  }
0x18b: {  	(v2sf) =	vpush v0, $0x0;
	_ =	sdelay $0x8  }
0x18c: {  	s0 =	spop (v2sf)  }
0x18d: {  	p1 =	sne.s32 s2, $0xFFFFFFFF;
	s4 =	smov.u32 s0  }
0x18e: {  	s6 =	simm.s32 $0x0;
	p2 =	seq.s32 s0, $0xFFFFFFFF;
	s4 =	smov.u32 @p1 s2  }
0x18f: {  	s9 =	simm.s32 $0xA0C8;
	s4 =	smov.u32 @p2 s2;
	s2 =	spop (v2sf)  }
0x190: {  	s0 =	smov.u32 @p2 s3;
	p1 =	sne.s32 s4, $0xFFFFFFFF;
	s5 =	smov.u32 s2  }
.Ltmp21:
0x191: {  	p2 =	seq.s32 s2, $0xFFFFFFFF;
	s5 =	smov.u32 @p1 s4;
	(pc) =	sbr.rel .LBB2_30-.Ltmp21, $4  }
0x192: {  	s10 =	simm.s32 $0x0;
	s5 =	smov.u32 @p2 s4;
	s7 =	spop (v2sf)  }
0x193: {  	s2 =	smov.u32 @p2 s0;
	p1 =	sne.s32 s5, $0xFFFFFFFF;
	s8 =	smov.u32 s7  }
0x194: {  	s0 =	simm.s32 $0x6;
	p2 =	seq.s32 s7, $0xFFFFFFFF;
	s8 =	smov.u32 @p1 s5  }
0x195: {  	[sflag:s0] =	ssyncpa.u1 $0x0;
	s7 =	smov.u32 @p2 s2;
	s8 =	smov.u32 @p2 s5  }
.LBB2_36:
0x196: {  	p1 =	sgt.u32 s2, $0x4E1FF8  }
0x197: {  	p2 =	seq.s32 @!p1 s2, s8  }
0x198: {  	p1 =	por p1, p2  }
0x199: {  	p2 =	sne.s32 @!p1 s2, s7  }
0x19a: {  	p1 =	por p1, !p2  }
0x19b: {  	s2 =	sshll.u32 @p1 s10, $0x8  }
0x19c: {  	s3 =	sand.u32 @!p1 $0x7FFFF8, s2  }
0x19d: {  	s2 =	sand.u32 @!p1 $0x7, s2;
	s3 =	sadd.s32 @!p1 s1, s3  }
0x19e: {  	[tilespmem:s9], [sflag:$0x6] =	stream.linear.gather @!p1 [hbm4b:s3+s2], $0x40, $0x38;
	[tilespmem:$0x1EF88] =	vst v63  }
0x19f: {  	_ =	swait.ge @!p1 [sflag:s0], $0x40  }
0x1a0: {  	[sflag:s0] =	ssyncset.done @!p1 $0x0  }
0x1a1: {  	[sflag:s0] =	ssyncadd.s32 @!p1 $0xFFFFFFC0  }
0x1a2: {  	v1 =	vld @!p1 [tilespmem:$0xA0C8];
	_ =	sdelay $0x2  }
0x1a3: {  	s2 =	sshll.u32 @!p1 s10, $0x8  }
0x1a4: {  	s3 =	sshrl.u32 @!p1 s2, $0x2  }
0x1a5: {  	[tilespmem:s3+$0xA138] =	vst.add.f32.msk @!p1 $0xffff, v1  }
0x1a6: {  	v1 =	vld @!p1 [tilespmem:$0xA0D8];
	_ =	sdelay $0x4  }
0x1a7: {  	[tilespmem:s3+$0xA148] =	vst.add.f32.msk @!p1 $0xffff, v1  }
0x1a8: {  	v1 =	vld @!p1 [tilespmem:$0xA0E8];
	_ =	sdelay $0x4  }
0x1a9: {  	[tilespmem:s3+$0xA158] =	vst.add.f32.msk @!p1 $0xffff, v1  }
0x1aa: {  	v1 =	vld @!p1 [tilespmem:$0xA0F8];
	_ =	sdelay $0x4  }
0x1ab: {  	[tilespmem:s3+$0xA168] =	vst.add.f32.msk @!p1 $0xffff, v1  }
0x1ac: {  	s2 =	sshrl.u32 s2, $0x2;
	[tilespmem:s6+$0xA118] =	vst.msk $0x1, v0  }
0x1ad: {  	v0 =	vld [tilespmem:s2+$0xA138];
	_ =	sdelay $0x2  }
0x1ae: {  	s31 =	sshll.u32 s6, $0x8  }
0x1af: {  	s3 =	sshra.s32 s31, $0x2  }
0x1b0: {  	[tilespmem:s3+$0xA138] =	vst v0  }
0x1b1: {  	v0 =	vld [tilespmem:s2+$0xA148];
	_ =	sdelay $0x4  }
0x1b2: {  	[tilespmem:s3+$0xA148] =	vst v0  }
0x1b3: {  	v0 =	vld [tilespmem:s2+$0xA158];
	_ =	sdelay $0x4  }
0x1b4: {  	[tilespmem:s3+$0xA158] =	vst v0  }
0x1b5: {  	v0 =	vld [tilespmem:s2+$0xA168];
	_ =	sdelay $0x4  }
0x1b6: {  	s6 =	sadd.s32 $0x1, s6;
	[tilespmem:s3+$0xA168] =	vst v0  }
.LBB2_37:
0x1b7: {  	s10 =	sadd.s32 $0x1, s10  }
0x1b8: {  	p1 =	sne.s32 s10, $0x20  }
.Ltmp22:
0x1b9: {  	_ = 	snop;
	(pc) =	sbr.rel @!p1 .LBB2_38-.Ltmp22, $1  }
0x1ba: {  	_ =	sdelay $0x3  }
.LBB2_30:
0x1bb: {  	v0 =	vld.msk [tilespmem:s10+$0xA118], $0x1;
	_ =	sdelay $0x4  }
0x1bc: {  	(v2sf) =	vpush v0, $0x0;
	_ =	sdelay $0xe  }
0x1bd: {  	s2 =	spop (v2sf)  }
0x1be: {  	p1 =	seq.s32 s2, $0xFFFFFFFF  }
.Ltmp23:
0x1bf: {  	_ = 	snop;
	(pc) =	sbr.rel @p1 .LBB2_37-.Ltmp23, $1  }
0x1c0: {  	_ =	sdelay $0x3  }
0x1c1: {  	p1 =	slt.s32 s6, $0x1  }
.Ltmp24:
0x1c2: {  	_ = 	snop;
	(pc) =	sbr.rel @p1 .LBB2_36-.Ltmp24, $1  }
0x1c3: {  	_ =	sdelay $0x3  }
0x1c4: {  	s3 =	simm.s32 $0xA118;
	p1 =	por $0x0, $0x0  }
0x1c5: {  	v1 =	vld.msk @!p1 [tilespmem:s3+$0x0], $0x1;
	_ =	sdelay $0x4  }
0x1c6: {  	(v2sf) =	vpush @!p1 v1, $0x0;
	_ =	sdelay $0xd  }
0x1c7: {  	p3 =	sne.s32 s6, $0x1  }
.Ltmp25:
0x1c8: {  	s4 =	spop @!p1 (v2sf);
	(pc) =	sbr.rel @!p3 .LBB2_34-.Ltmp25, $4  }
0x1c9: {  	p2 =	seq.s32 @!p1 s2, s4  }
0x1ca: {  	s4 =	simm.s32 $0x0;
	p2 =	por !p2, p1  }
0x1cb: {  	s11 =	simm.s32 $0xFFFFFFFF;
	s4 =	simm.s32 @p2 $0xFFFFFFFF  }
0x1cc: {  	s5 =	simm.s32 $0x1;
	s4 =	smov.u32 @p1 s11  }
.LBB2_33:
0x1cd: {  	s11 =	smov.u32 s4;
	p1 =	sne.s32 s4, $0xFFFFFFFF  }
0x1ce: {  	s3 =	sadd.s32 $0x1, s3;
	s4 =	smov.u32 s5;
	s5 =	sadd.s32 $0x1, s5  }
0x1cf: {  	p2 =	sne.s32 s6, s5;
	v1 =	vld.msk @!p1 [tilespmem:s3+$0x0], $0x1;
	_ =	sdelay $0x4  }
0x1d0: {  	(v2sf) =	vpush @!p1 v1, $0x0;
	_ =	sdelay $0xe  }
.Ltmp26:
0x1d1: {  	s12 =	spop @!p1 (v2sf);
	(pc) =	sbr.rel @p2 .LBB2_33-.Ltmp26, $4  }
0x1d2: {  	p3 =	seq.s32 @!p1 s2, s12  }
0x1d3: {  	p3 =	por !p3, p1  }
0x1d4: {  	s4 =	simm.s32 @p3 $0xFFFFFFFF  }
0x1d5: {  	s4 =	smov.u32 @p1 s11  }
.LBB2_34:
0x1d6: {  	p1 =	seq.s32 s4, $0xFFFFFFFF  }
.Ltmp27:
0x1d7: {  	_ = 	snop;
	(pc) =	sbr.rel @p1 .LBB2_36-.Ltmp27, $1  }
0x1d8: {  	_ =	sdelay $0x3  }
0x1d9: {  	s2 =	sshll.u32 s10, $0x6  }
0x1da: {  	s2 =	sand.u32 $0x3FFFFFC0, s2  }
0x1db: {  	v0 =	vld [tilespmem:s2+$0xA138];
	_ =	sdelay $0x2  }
0x1dc: {  	s3 =	sshll.u32 s4, $0x8  }
0x1dd: {  	s3 =	sshra.s32 s3, $0x2  }
0x1de: {  	[tilespmem:s3+$0xA138] =	vst.add.f32.msk $0xffff, v0  }
0x1df: {  	v0 =	vld [tilespmem:s2+$0xA148];
	_ =	sdelay $0x4  }
0x1e0: {  	[tilespmem:s3+$0xA148] =	vst.add.f32.msk $0xffff, v0  }
0x1e1: {  	v0 =	vld [tilespmem:s2+$0xA158];
	_ =	sdelay $0x4  }
0x1e2: {  	[tilespmem:s3+$0xA158] =	vst.add.f32.msk $0xffff, v0  }
0x1e3: {  	v0 =	vld [tilespmem:s2+$0xA168]  }
.Ltmp28:
0x1e4: {  	_ = 	snop;
	(pc) =	sbr.rel .LBB2_37-.Ltmp28, $2  }
0x1e5: {  	_ =	sdelay $0x2  }
0x1e6: {  	[tilespmem:s3+$0xA168] =	vst.add.f32.msk $0xffff, v0  }
.LBB2_38:
0x1e7: {  	s0 =	simm.s32 $0x6;
	p1 =	seq.s32 s6, $0x0  }
0x1e8: {  	[sflag:s0] =	ssyncpa.u1 $0x1;
	v0 =	vimm.s32 @p1 $0xFFFFFFFF  }
0x1e9: {  	s0 =	sadd.s32 $0xFFFFFFFF, s6;
	[tilespmem:$0xA938] =	vst @p1 v0  }
0x1ea: {  	v0 =	vld.msk @!p1 [tilespmem:s0+$0xA118], $0x1;
	_ =	sdelay $0x1  }
0x1eb: {  	v1 =	vld.msk @!p1 [tilespmem:$0xA118], $0x1;
	_ =	sdelay $0x2  }
0x1ec: {  	p2 =	seq.s32 @!p1 s0, $0x0;
	v0 =	vbroadcast @!p1 v0, $0x0  }
0x1ed: {  	vm0 =	vmmov @!p1 $0x1;
	p2 =	por !p2, p1  }
0x1ee: {  	v1 =	vnsel @!p1 vm0, $0xFFFFFFFF, v1;
	vm0 =	vcmask @!p1 $0x308;
	v0 =	vpsel !p2, $0xFFFFFFFF, v0  }
0x1ef: {  	p2 =	sne.s32 @!p1 s8, s7;
	v0 =	vsel @!p1 vm0, v1, v0  }
0x1f0: {  	s2 =	simm.s32 @!p1 $0xA138;
	s3 =	simm.s32 @!p1 $0x0;
	p3 =	por !p2, p1;
	[tilespmem:$0xA938] =	vst @!p1 v0  }
0x1f1: {  	[spmem:s3] =	stream.linear.scatter @!p1 [tilespmem:s2], [sflag:$0x1], $0x40, $0x38;
	[tilespmem:$0x1EF88] =	vst v63  }
0x1f2: {  	s2 =	sshll.u32 @!p3 s0, $0x8  }
0x1f3: {  	s2 =	sshra.s32 @!p3 s2, $0x2  }
0x1f4: {  	s3 =	simm.s32 @!p3 $0x40;
	s2 =	sadd.s32 @!p3 $0xA138, s2  }
0x1f5: {  	[spmem:s3] =	stream.linear.scatter @!p3 [tilespmem:s2], [sflag:$0x1], $0x40, $0x38;
	[tilespmem:$0x1EF88] =	vst v63  }
0x1f6: {  	s2 =	simm.s32 @!p3 $0x1  }
0x1f7: {  	_ =	swait.ge @!p3 [sflag:s2], $0x80  }
0x1f8: {  	p1 =	por p2, p1;
	[sflag:s2] =	ssyncset.done @!p3 $0x0  }
0x1f9: {  	[sflag:s2] =	ssyncadd.s32 @!p3 $0xFFFFFF80;
	s2 =	simm.s32 @!p1 $0x1  }
0x1fa: {  	_ =	swait.ge @!p1 [sflag:s2], $0x40  }
0x1fb: {  	s29 =	simm.s32 $0xA938;
	[sflag:s2] =	ssyncset.done @!p1 $0x0  }
0x1fc: {  	s30 =	simm.s32 $0x800;
	s31 =	simm.s32 $0x1;
	[sflag:s2] =	ssyncadd.s32 @!p1 $0xFFFFFFC0  }
0x1fd: {  	[spmem:s30] =	stream.linear.scatter [tilespmem:s29], [sflag:$0x1], $0x10, $0x38;
	[tilespmem:$0x1EF88] =	vst v63  }
0x1fe: {  	_ =	swait.ge [sflag:s31], $0x10  }
0x1ff: {  	[sflag:s31] =	ssyncset.done $0x0  }
0x200: {  	p1 =	seq.s32 s13, $0x0;
	s9 =	rddreg [dreg:$0x4];
	[sflag:s31] =	ssyncadd.s32 $0xFFFFFFF0  }
0x201: {  	s3 =	sshll.u32 @p1 s9, $0xE;
	s8 =	rddreg [dreg:$0x5]  }
0x202: {  	s2 =	sadd.s32 @p1 $0x15C3C, s3;
	s3 =	sshll.u32 @p1 s8, $0x11  }
0x203: {  	_ =	sfence.stream.spmem;
	s2 =	sor.u32 @p1 s3, s2  }
0x204: {  	[sflag:s2] =	ssyncadd.remote.s32 @p1 $0x1;
	s2 =	simm.s32 @p1 $0x4  }
0x205: {  	s4 =	simm.s32 @!p1 $0x3C;
	s3 =	sand.u32 $0xFFFFFFFE, s9;
	_ =	swait.ge @p1 [sflag:s2], $0x12  }
0x206: {  	s5 =	simm.s32 @!p1 $0x0;
	s3 =	sadd.s32 @!p1 $0x4, s3;
	[sflag:s2] =	ssyncset.done @p1 $0x0  }
0x207: {  	s7 =	simm.s32 @!p1 $0x80;
	[sflag:s2] =	ssyncadd.s32 @p1 $0xFFFFFFEE;
	s2 =	sshll.u32 @!p1 s3, $0x1A  }
0x208: {  	s3 =	sshll.u32 @!p1 s3, $0xD;
	s2 =	sor.u32 @!p1 s2, s8;
	_ =	swait.eq @!p1 [sflag:s4], $0x1  }
0x209: {  	s3 =	sor.u32 @!p1 $0x1C04, s3;
	s4 =	simm.s32 @!p1 $0x1C03;
	s2 =	sor.u32 @!p1 $0x80004000, s2  }
0x20a: {  	[spmem:s7], [sflag:s3] =	dma.general @!p1 [spmem:s5], [sflag:s4], length:$0x10, [dreg:$0x0], stride_count:$0x0, ici_dest:s2, dma_misc:DstOpCode:WRITE  }
0x20b: {  	p2 =	slt.s32 s0, $0x2;
	s5 =	simm.s32 @!p1 $0x100;
	s7 =	simm.s32 @!p1 $0x102  }
0x20c: {  	[spmem:s7], [sflag:s3] =	dma.general @!p1 [spmem:s5], [sflag:s4], length:$0x2, [dreg:$0x0], stride_count:$0x0, ici_dest:s2, dma_misc:DstOpCode:WRITE  }
.Ltmp29:
0x20d: {  	s2 =	simm.s32 @!p1 $0x3;
	(pc) =	sbr.rel @p2 .LBB2_42-.Ltmp29, $4  }
0x20e: {  	s3 =	sshll.u32 @!p1 s9, $0xE;
	_ =	swait.ge @!p1 [sflag:s2], $0x12  }
0x20f: {  	s4 =	sshll.u32 @!p1 s8, $0x11;
	s3 =	sadd.s32 @!p1 $0x11C3C, s3;
	[sflag:s2] =	ssyncset.done @!p1 $0x0  }
0x210: {  	[sflag:s2] =	ssyncadd.s32 @!p1 $0xFFFFFFEE;
	s2 =	sor.u32 @!p1 s4, s3  }
0x211: {  	s0 =	simm.s32 $0x0;
	[sflag:s2] =	ssyncadd.remote.s32 @!p1 $0xFFFFFFFF  }
0x212: {  	s0 =	simm.s32 $0xA119  }
0x213: {  	v0 =	vld.msk [tilespmem:s0+$0x0], $0x1;
	_ =	sdelay $0x4  }
0x214: {  	(v2sf) =	vpush v0, $0x0;
	_ =	sdelay $0xc  }
0x215: {  	s2 =	sadd.s32 $0xFFFFFFFE, s6  }
0x216: {  	s2 =	sadd.s32 $0xFFFFFFFF, s2  }
0x217: {  	p2 =	sne.s32 s2, $0x0;
	s3 =	spop (v2sf)  }
.Ltmp30:
0x218: {  	p1 =	sgt.u32 s3, $0x4E1FF8;
	(pc) =	sbr.rel @!p2 .LBB2_41-.Ltmp30, $4  }
0x219: {  	s5 =	simm.s32 $0x0;
	s4 =	sand.u32 @!p1 $0x7FFFF8, s3  }
0x21a: {  	s0 =	simm.s32 $0xA178;
	s3 =	sand.u32 @!p1 $0x7, s3;
	s4 =	sadd.s32 @!p1 s1, s4  }
0x21b: {  	[hbm4b:s4+s3] =	stream.linear.scatter @!p1 [tilespmem:s0], [sflag:$0x5], $0x40, $0x38;
	[tilespmem:$0x1EF88] =	vst v63  }
0x21c: {  	s5 =	simm.s32 @!p1 $0x100;
	s3 =	simm.s32 $0x0;
	s4 =	simm.s32 $0xA11A  }
.LBB2_40:
0x21d: {  	v0 =	vld.msk [tilespmem:s4+$0x0], $0x1;
	s2 =	sadd.s32 $0xFFFFFFFF, s2;
	s3 =	sadd.s32 s3, s5  }
0x21e: {  	p1 =	sne.s32 s2, $0x0;
	_ =	sdelay $0x3  }
0x21f: {  	(v2sf) =	vpush v0, $0x0;
	_ =	sdelay $0xe  }
.Ltmp31:
0x220: {  	s6 =	spop (v2sf);
	(pc) =	sbr.rel @p1 .LBB2_40-.Ltmp31, $4  }
0x221: {  	s5 =	simm.s32 $0x0;
	p2 =	sgt.u32 s6, $0x4E1FF8  }
0x222: {  	s0 =	sadd.s32 $0x40, s0;
	s5 =	simm.s32 @!p2 $0x100;
	s7 =	sand.u32 @!p2 $0x7FFFF8, s6  }
0x223: {  	s4 =	sadd.s32 $0x1, s4;
	s6 =	sand.u32 @!p2 $0x7, s6;
	s7 =	sadd.s32 @!p2 s1, s7  }
0x224: {  	[hbm4b:s7+s6] =	stream.linear.scatter @!p2 [tilespmem:s0], [sflag:$0x5], $0x40, $0x38;
	[tilespmem:$0x1EF88] =	vst v63  }
.LBB2_41:
0x225: {  	s0 =	sadd.s32 s3, s5  }
0x226: {  	s0 =	sshrl.u32 s0, $0x2  }
.LBB2_42:
0x227: {  	s2 =	simm.s32 $0x5  }
0x228: {  	_ =	swait.ge [sflag:s2], s0  }
0x229: {  	s31 =	ssub.s32 $0x0, s0;
	[sflag:s2] =	ssyncset.done $0x0  }
0x22a: {  	[sflag:s2] =	ssyncadd.s32 s31  }
0x22b: {  	[sflag:s2] =	ssyncpa.u1 $0x1  }
.LBB2_43:
0x22c: {  	s0 =	sor.u32 s13, s14  }
0x22d: {  	p1 =	sne.s32 s0, $0x0  }
.Ltmp32:
0x22e: {  	_ = 	snop;
	(pc) =	sbr.rel @p1 .LBB2_58-.Ltmp32, $3  }
0x22f: {  	_ =	sdelay $0x1  }
0x230: {  	[bflag:$0x0] =	sbarrier.arrive $0xFFFF  }
0x231: {  	_ =	sfence  }
0x232: {  	s2 =	simm.s32 $0x7  }
0x233: {  	s0 =	simm.s32 $0x800;
	s3 =	simm.s32 $0xA118;
	[sflag:s2] =	ssyncpa.u1 $0x0  }
0x234: {  	[tilespmem:s3], [sflag:$0x7] =	stream.linear.gather [spmem:s0], $0x20, $0x38;
	[tilespmem:$0x1EF88] =	vst v63  }
0x235: {  	s30 =	simm.s32 $0xA138;
	s0 =	simm.s32 $0x0  }
0x236: {  	[tilespmem:s30], [sflag:$0x7] =	stream.linear.gather [spmem:s0], $0x800, $0x38;
	[tilespmem:$0x1EF88] =	vst v63  }
.Ltmp33:
0x237: {  	_ = 	snop;
	(pc) =	sbr.rel .LBB2_45-.Ltmp33, $4  }
0x238: {  	_ =	swait.ge [sflag:s2], $0x820  }
0x239: {  	[sflag:s2] =	ssyncset.done $0x0  }
0x23a: {  	s31 =	simm.s32 $0x8;
	[sflag:s2] =	ssyncadd.s32 $0xFFFFF7E0  }
0x23b: {  	s2 =	simm.s32 $0x0;
	[sflag:s31] =	ssyncpa.u1 $0x0  }
.LBB2_51:
0x23c: {  	p1 =	slt.u32 s3, $0x4E1FF9  }
0x23d: {  	s4 =	sand.u32 @p1 $0x7FFFF8, s3  }
0x23e: {  	s3 =	sand.u32 @p1 $0x7, s3;
	s5 =	simm.s32 @p1 $0xA0C8;
	s4 =	sadd.s32 @p1 s1, s4  }
0x23f: {  	[tilespmem:s5], [sflag:$0x8] =	stream.linear.gather @p1 [hbm4b:s4+s3], $0x40, $0x38;
	[tilespmem:$0x1EF88] =	vst v63  }
0x240: {  	s3 =	simm.s32 @p1 $0x8  }
0x241: {  	_ =	swait.ge @p1 [sflag:s3], $0x40  }
0x242: {  	[sflag:s3] =	ssyncset.done @p1 $0x0  }
0x243: {  	[sflag:s3] =	ssyncadd.s32 @p1 $0xFFFFFFC0  }
0x244: {  	v1 =	vld @p1 [tilespmem:$0xA0C8];
	_ =	sdelay $0x2  }
0x245: {  	s3 =	sshll.u32 @p1 s2, $0x8  }
0x246: {  	s4 =	sshrl.u32 @p1 s3, $0x2  }
0x247: {  	[tilespmem:s4+$0xA138] =	vst.add.f32.msk @p1 $0xffff, v1  }
0x248: {  	v1 =	vld @p1 [tilespmem:$0xA0D8];
	_ =	sdelay $0x4  }
0x249: {  	[tilespmem:s4+$0xA148] =	vst.add.f32.msk @p1 $0xffff, v1  }
0x24a: {  	v1 =	vld @p1 [tilespmem:$0xA0E8];
	_ =	sdelay $0x4  }
0x24b: {  	[tilespmem:s4+$0xA158] =	vst.add.f32.msk @p1 $0xffff, v1  }
0x24c: {  	v1 =	vld @p1 [tilespmem:$0xA0F8];
	_ =	sdelay $0x3  }
0x24d: {  	s5 =	sshll.u32 @!p1 s2, $0x8  }
0x24e: {  	s5 =	smov.u32 @p1 s3;
	[tilespmem:s4+$0xA168] =	vst.add.f32.msk @p1 $0xffff, v1  }
0x24f: {  	s3 =	sshrl.u32 s5, $0x2;
	[tilespmem:s0+$0xA118] =	vst.msk $0x1, v0  }
0x250: {  	v0 =	vld [tilespmem:s3+$0xA138];
	_ =	sdelay $0x2  }
0x251: {  	s31 =	sshll.u32 s0, $0x8  }
0x252: {  	s4 =	sshra.s32 s31, $0x2  }
0x253: {  	[tilespmem:s4+$0xA138] =	vst v0  }
0x254: {  	v0 =	vld [tilespmem:s3+$0xA148];
	_ =	sdelay $0x4  }
0x255: {  	[tilespmem:s4+$0xA148] =	vst v0  }
0x256: {  	v0 =	vld [tilespmem:s3+$0xA158];
	_ =	sdelay $0x4  }
0x257: {  	[tilespmem:s4+$0xA158] =	vst v0  }
0x258: {  	v0 =	vld [tilespmem:s3+$0xA168];
	_ =	sdelay $0x4  }
0x259: {  	s0 =	sadd.s32 $0x1, s0;
	[tilespmem:s4+$0xA168] =	vst v0  }
.LBB2_52:
0x25a: {  	s2 =	sadd.s32 $0x1, s2  }
0x25b: {  	p1 =	sne.s32 s2, $0x20  }
.Ltmp34:
0x25c: {  	_ = 	snop;
	(pc) =	sbr.rel @!p1 .LBB2_53-.Ltmp34, $1  }
0x25d: {  	_ =	sdelay $0x3  }
.LBB2_45:
0x25e: {  	v0 =	vld.msk [tilespmem:s2+$0xA118], $0x1;
	_ =	sdelay $0x4  }
0x25f: {  	(v2sf) =	vpush v0, $0x0;
	_ =	sdelay $0xe  }
0x260: {  	s3 =	spop (v2sf)  }
0x261: {  	p1 =	seq.s32 s3, $0xFFFFFFFF  }
.Ltmp35:
0x262: {  	_ = 	snop;
	(pc) =	sbr.rel @p1 .LBB2_52-.Ltmp35, $1  }
0x263: {  	_ =	sdelay $0x3  }
0x264: {  	p1 =	slt.s32 s0, $0x1  }
.Ltmp36:
0x265: {  	_ = 	snop;
	(pc) =	sbr.rel @p1 .LBB2_51-.Ltmp36, $1  }
0x266: {  	_ =	sdelay $0x3  }
0x267: {  	s4 =	simm.s32 $0xA118;
	p1 =	por $0x0, $0x0  }
0x268: {  	v1 =	vld.msk @!p1 [tilespmem:s4+$0x0], $0x1;
	_ =	sdelay $0x4  }
0x269: {  	(v2sf) =	vpush @!p1 v1, $0x0;
	_ =	sdelay $0xd  }
0x26a: {  	p3 =	sne.s32 s0, $0x1  }
.Ltmp37:
0x26b: {  	s5 =	spop @!p1 (v2sf);
	(pc) =	sbr.rel @!p3 .LBB2_49-.Ltmp37, $4  }
0x26c: {  	p2 =	seq.s32 @!p1 s3, s5  }
0x26d: {  	s5 =	simm.s32 $0x0;
	p2 =	por !p2, p1  }
0x26e: {  	s7 =	simm.s32 $0xFFFFFFFF;
	s5 =	simm.s32 @p2 $0xFFFFFFFF  }
0x26f: {  	s6 =	simm.s32 $0x1;
	s5 =	smov.u32 @p1 s7  }
.LBB2_48:
0x270: {  	s7 =	smov.u32 s5;
	p1 =	sne.s32 s5, $0xFFFFFFFF  }
0x271: {  	s4 =	sadd.s32 $0x1, s4;
	s5 =	smov.u32 s6;
	s6 =	sadd.s32 $0x1, s6  }
0x272: {  	p2 =	sne.s32 s0, s6;
	v1 =	vld.msk @!p1 [tilespmem:s4+$0x0], $0x1;
	_ =	sdelay $0x4  }
0x273: {  	(v2sf) =	vpush @!p1 v1, $0x0;
	_ =	sdelay $0xe  }
.Ltmp38:
0x274: {  	s8 =	spop @!p1 (v2sf);
	(pc) =	sbr.rel @p2 .LBB2_48-.Ltmp38, $4  }
0x275: {  	p3 =	seq.s32 @!p1 s3, s8  }
0x276: {  	p3 =	por !p3, p1  }
0x277: {  	s5 =	simm.s32 @p3 $0xFFFFFFFF  }
0x278: {  	s5 =	smov.u32 @p1 s7  }
.LBB2_49:
0x279: {  	p1 =	seq.s32 s5, $0xFFFFFFFF  }
.Ltmp39:
0x27a: {  	_ = 	snop;
	(pc) =	sbr.rel @p1 .LBB2_51-.Ltmp39, $1  }
0x27b: {  	_ =	sdelay $0x3  }
0x27c: {  	s3 =	sshll.u32 s2, $0x6  }
0x27d: {  	s3 =	sand.u32 $0x3FFFFFC0, s3  }
0x27e: {  	v0 =	vld [tilespmem:s3+$0xA138];
	_ =	sdelay $0x2  }
0x27f: {  	s4 =	sshll.u32 s5, $0x8  }
0x280: {  	s4 =	sshra.s32 s4, $0x2  }
0x281: {  	[tilespmem:s4+$0xA138] =	vst.add.f32.msk $0xffff, v0  }
0x282: {  	v0 =	vld [tilespmem:s3+$0xA148];
	_ =	sdelay $0x4  }
0x283: {  	[tilespmem:s4+$0xA148] =	vst.add.f32.msk $0xffff, v0  }
0x284: {  	v0 =	vld [tilespmem:s3+$0xA158];
	_ =	sdelay $0x4  }
0x285: {  	[tilespmem:s4+$0xA158] =	vst.add.f32.msk $0xffff, v0  }
0x286: {  	v0 =	vld [tilespmem:s3+$0xA168]  }
.Ltmp40:
0x287: {  	_ = 	snop;
	(pc) =	sbr.rel .LBB2_52-.Ltmp40, $2  }
0x288: {  	_ =	sdelay $0x2  }
0x289: {  	[tilespmem:s4+$0xA168] =	vst.add.f32.msk $0xffff, v0  }
.LBB2_53:
0x28a: {  	p1 =	slt.s32 s0, $0x1  }
.Ltmp41:
0x28b: {  	_ = 	snop;
	(pc) =	sbr.rel @p1 .LBB2_57-.Ltmp41, $3  }
0x28c: {  	_ =	sdelay $0x1  }
0x28d: {  	s2 =	simm.s32 $0x8  }
0x28e: {  	[sflag:s2] =	ssyncpa.u1 $0x1;
	s2 =	simm.s32 $0x0  }
0x28f: {  	s3 =	simm.s32 $0xA118  }
0x290: {  	v0 =	vld.msk [tilespmem:s3+$0x0], $0x1;
	_ =	sdelay $0x4  }
0x291: {  	(v2sf) =	vpush v0, $0x0;
	_ =	sdelay $0xe  }
0x292: {  	s0 =	sadd.s32 $0xFFFFFFFF, s0;
	s4 =	spop (v2sf)  }
0x293: {  	p2 =	sne.s32 s0, $0x0;
	p1 =	sgt.u32 s4, $0x4E1FF8  }
.Ltmp42:
0x294: {  	s5 =	sand.u32 @!p1 $0x7FFFF8, s4;
	(pc) =	sbr.rel @!p2 .LBB2_56-.Ltmp42, $4  }
0x295: {  	s3 =	simm.s32 $0xA138;
	s4 =	sand.u32 @!p1 $0x7, s4;
	s5 =	sadd.s32 @!p1 s1, s5  }
0x296: {  	[hbm4b:s5+s4] =	stream.linear.scatter @!p1 [tilespmem:s3], [sflag:$0x7], $0x40, $0x38;
	[tilespmem:$0x1EF88] =	vst v63  }
0x297: {  	s5 =	simm.s32 $0x0  }
0x298: {  	s4 =	simm.s32 $0xA119;
	s5 =	simm.s32 @!p1 $0x100  }
.LBB2_55:
0x299: {  	v0 =	vld.msk [tilespmem:s4+$0x0], $0x1;
	s0 =	sadd.s32 $0xFFFFFFFF, s0;
	s2 =	sadd.s32 s2, s5  }
0x29a: {  	p1 =	sne.s32 s0, $0x0;
	_ =	sdelay $0x3  }
0x29b: {  	(v2sf) =	vpush v0, $0x0;
	_ =	sdelay $0xe  }
.Ltmp43:
0x29c: {  	s6 =	spop (v2sf);
	(pc) =	sbr.rel @p1 .LBB2_55-.Ltmp43, $4  }
0x29d: {  	s5 =	simm.s32 $0x0;
	p2 =	sgt.u32 s6, $0x4E1FF8  }
0x29e: {  	s3 =	sadd.s32 $0x40, s3;
	s5 =	simm.s32 @!p2 $0x100;
	s7 =	sand.u32 @!p2 $0x7FFFF8, s6  }
0x29f: {  	s4 =	sadd.s32 $0x1, s4;
	s6 =	sand.u32 @!p2 $0x7, s6;
	s7 =	sadd.s32 @!p2 s1, s7  }
0x2a0: {  	[hbm4b:s7+s6] =	stream.linear.scatter @!p2 [tilespmem:s3], [sflag:$0x7], $0x40, $0x38;
	[tilespmem:$0x1EF88] =	vst v63  }
.LBB2_56:
0x2a1: {  	s0 =	sadd.s32 s2, s5  }
0x2a2: {  	s2 =	sshrl.u32 s0, $0x2  }
.LBB2_57:
0x2a3: {  	s0 =	simm.s32 $0x7  }
0x2a4: {  	_ =	swait.ge [sflag:s0], s2  }
0x2a5: {  	s1 =	ssub.s32 $0x0, s2;
	[sflag:s0] =	ssyncset.done $0x0  }
0x2a6: {  	[sflag:s0] =	ssyncadd.s32 s1  }
0x2a7: {  	[sflag:s0] =	ssyncpa.u1 $0x1  }
.LBB2_58:
0x2a8: {  	_ =	sfence;
	s0 =	simm.s32 $0x1  }
0x2a9: {  	[sflag:s0] =	ssyncpa.u1 $0x1  }
0x2aa: {  	_ =	strace $0x9000004D  }
0x2ab: {  	[bflag:$0x2] =	sbarrier.arrive $0xFFFF  }
0x2ac: {  	s0 =	rddreg [dreg:$0x6]  }
0x2ad: {  	s0 =	sadd.s32 @!p0 $0x100000, s0  }
0x2ae: {  	[sflag:s0] =	ssyncadd.tile.s32 @!p0 $0x1;
	_ =	shalt  }
.Lfunc_end2:
_tile_overlayer_lowered:
.L_overlay_start_2:
0x2af: {  	(tag) =	ssettag $0x2  }
0x2b0: {  	s0 =	rddreg [dreg:$0x0];
	s2 =	stileid.u32  }
0x2b1: {  	s1 =	rddreg [dreg:$0x1];
	p0 =	sne.s32 s2, $0x0  }
0x2b2: {  	s3 =	rddreg [dreg:$0x2];
	[bflag:$0x3] =	sbarrier.arrive $0xFFFF;
	s2 =	simm.s32 @!p0 $0x1C01  }
0x2b3: {  	[timem:s3], [sflag:s2] =	dma.local @!p0 [hbm:s0], s1  }
0x2b4: {  	s0 =	simm.s32 @!p0 $0x1  }
0x2b5: {  	_ =	swait.ge @!p0 [sflag:s0], s1  }
0x2b6: {  	s1 =	ssub.s32 @!p0 $0x0, s1;
	[sflag:s0] =	ssyncset.done @!p0 $0x0  }
0x2b7: {  	[sflag:s0] =	ssyncadd.s32 @!p0 s1  }
0x2b8: {  	[bflag:$0x3] =	sbarrier.arrive $0xFFFF  }
0x2b9: {  	_ =	shalt  }

// kernel: sparse-core-data-format-call.1.cloned.1.call-start
scs
called_computation.5_lowered:
.L_overlay_start_0:
0x0: {  	s2 =	sld [smem:$0x3FD9]  }
0x1: {  	s3 =	sld [smem:$0x3FFE];
	_ =	sdelay $0x1  }
0x2: {  	s1 =	srdreg.scid  }
0x3: {  	s0 =	sand.u32 $0x1, s1  }
0x4: {  	s15 =	sshll.u32 s0, $0xA;
	s2 =	sadd.s32 s3, s2  }
0x5: {  	s2 =	sadd.s32 s2, s15  }
0x6: {  	[smem:$0x3F99] =	sst s2  }
0x7: {  	_ = 	snop  }
0x8: {  	s2 =	sld [smem:$0x3FD0];
	_ =	sdelay $0x2  }
0x9: {  	s16 =	simm.s32 $0xB;
	s4 =	simm.s32 $0x10  }
0xa: {  	[smem:s4], [sflag:s16] =	dma.local [hbm:s2], $0x1  }
0xb: {  	_ =	swait.eq [sflag:s16], $0x1  }
0xc: {  	[sflag:s16] =	ssyncset.done $0x0  }
0xd: {  	[sflag:s16] =	ssyncadd.s32 $0xFFFFFFFF  }
0xe: {  	s17 =	sld [smem:$0x12];
	(tm) =	ssettm $0x1  }
0xf: {  	s18 =	sld [smem:$0x3FFB];
	_ =	sdelay $0x3  }
0x10: {  	_ =	strace s18  }
0x11: {  	s3 =	sld [smem:$0x3FFC];
	_ =	sdelay $0x3  }
0x12: {  	_ =	strace s3  }
0x13: {  	s3 =	sld [smem:$0x3FFD];
	_ =	sdelay $0x3  }
0x14: {  	_ =	strace s3  }
0x15: {  	_ =	strace $0x8FFFFFFF  }
0x16: {  	s19 =	sld [smem:$0x3FDB];
	_ =	sdelay $0x1  }
0x17: {  	s20 =	simm.s32 $_scs_section_size  }
0x18: {  	s5 =	simm.s32 $_size__tile_overlayer_lowered;
	s6 =	simm.s32 $_tile_overlayer_lowered  }
0x19: {  	s23 =	simm.s32 $0x1BFF;
	s22 =	sshll.u32 s6, $0x1;
	s3 =	sadd.s32 s20, s19  }
0x1a: {  	s7 =	simm.s32 $0x0;
	s21 =	sshll.u32 s5, $0x1;
	s5 =	sadd.s32 s22, s3  }
0x1b: {  	[timem:s7], [sflag:s23] =	dma.local [hbm:s5], s21  }
0x1c: {  	_ =	swait.ge [sflag:s23], s21  }
0x1d: {  	s4 =	ssub.s32 $0x0, s21;
	[sflag:s23] =	ssyncset.done $0x0  }
0x1e: {  	[sflag:s23] =	ssyncadd.s32 s4;
	_ =	sdelay $0x1  }
0x1f: {  	s24 =	simm.s32 $0x1B8B  }
0x20: {  	_ =	swait.ge [sflag:s24], $0x1  }
0x21: {  	[sflag:s24] =	ssyncset.done $0x0  }
0x22: {  	s26 =	simm.s32 $0x1B8E;
	s25 =	sld [smem:$0x3FFE];
	[sflag:s24] =	ssyncadd.s32 $0xFFFFFFFF  }
0x23: {  	s27 =	simm.s32 $execute0_lowered;
	[smem:$0x3FD2] =	sst s26  }
0x24: {  	s5 =	sshll.u32 s27, $0x1;
	_ =	strace $0x80000046;
	[dreg:$0x1] =	wrdreg $0xFFFFFFFF  }
0x25: {  	s28 =	simm.s32 $_size_execute0_lowered;
	s3 =	sadd.s32 s3, s5;
	[dreg:$0x0] =	wrdreg $0x0  }
0x26: {  	s5 =	sshll.u32 s28, $0x1;
	[dreg:$0x2] =	wrdreg s3  }
0x27: {  	[dreg:$0x3] =	wrdreg s5  }
0x28: {  	[dreg:$0x4] =	wrdreg $0xC0  }
0x29: {  	_ =	task [dreg:s7], $0x5FFFF  }
0x2a: {  	[dreg:$0x1] =	wrdreg $0xFFFFFFFF  }
0x2b: {  	[dreg:$0x0] =	wrdreg $0x60  }
0x2c: {  	[dreg:$0x2] =	wrdreg s25  }
0x2d: {  	[dreg:$0x3] =	wrdreg s17  }
0x2e: {  	[dreg:$0x4] =	wrdreg $0x9  }
0x2f: {  	_ =	task.clear_ibuf [dreg:s7], $0x5FFFF;
	_ =	strace $0x90000046  }
0x30: {  	s29 =	simm.s32 $0x9;
	_ =	strace $0x80000048  }
0x31: {  	_ =	swait.ge [sflag:s29], $0x1  }
0x32: {  	[sflag:s29] =	ssyncadd.s32 $0xFFFFFFFF  }
0x33: {  	_ =	strace $0x90000048  }
0x34: {  	_ =	sfence  }
0x35: {  	s30 =	sld [smem:$0x0];
	_ =	sdelay $0x2  }
0x36: {  	s31 =	sshll.u32 s1, $0xD;
	s1 =	sshrl.u32 s1, $0x2  }
0x37: {  	s3 =	sand.u32 $0x4000, s31;
	s1 =	sadd.s32 s1, s30  }
0x38: {  	s0 =	sor.u32 s3, s0;
	s1 =	sshll.u32 s1, $0x11  }
0x39: {  	s0 =	sor.u32 s1, s0  }
0x3a: {  	s0 =	sadd.s32 $0x8F2B, s0  }
0x3b: {  	[sflag:s0] =	ssyncadd.remote.s32 $0x1  }
0x3c: {  	_ =	sfence.sel $0xFFFF  }
0x3d: {  	[dreg:$0x0] =	wrdreg $0xFFFFFFFF;
	(pc) =	sbr.abs _section_cstart, $3  }
0x3e: {  	[dreg:$0x1] =	wrdreg $0xFFFFFFFF  }
0x3f: {  	_ =	task.clear_ibuf [dreg:s7], $0x2FFFF;
	_ =	strace $0x9FFFFFFF  }
0x40: {  	(tm) =	ssettm $0x7FFFFFFF  }
0x41: {  	_ =	shalt  }
tec
execute0_lowered:
.L_overlay_start_1:
0x0: {  	(tag) =	ssettag $0x1  }
0x1: {  	s0 =	srdreg.scid;
	s6 =	rddreg [dreg:$0x0]  }
0x2: {  	s3 =	rddreg [dreg:$0x1];
	s1 =	sshll.u32 s0, $0x4  }
0x3: {  	s7 =	simm.s32 $0x1;
	s0 =	stileid.u32;
	s1 =	sand.u32 $0x10, s1  }
0x4: {  	s8 =	simm.s32 $0x2;
	s13 =	simm.s32 $0x0;
	s1 =	sor.u32 s0, s1  }
0x5: {  	s12 =	simm.s32 $0x0;
	s10 =	simm.s32 $0x0;
	s2 =	sshll.u32 s1, $0x8  }
0x6: {  	s11 =	simm.s32 $0x0;
	s6 =	sadd.s32 $0x14200, s6;
	s5 =	ssub.s32 $0x4E200, s2  }
.Ltmp0:
0x7: {  	s1 =	rddreg [dreg:$0x2];
	s4 =	sand.u32 $0x1F00, s5;
	(pc) =	sbr.rel .LBB1_1-.Ltmp0, $4  }
0x8: {  	_ =	strace $0x80000047;
	s9 =	smov.u32 s2;
	p0 =	sne.s32 s4, $0x0  }
0x9: {  	s5 =	sshrl.u32 s5, $0xD;
	s4 =	simm.s32 $0x1;
	s7 =	simm.s32 @!p0 $0x0  }
0xa: {  	[sflag:s4] =	ssyncpa.u1 $0x0;
	p0 =	por $0x0, $0x0;
	s5 =	sadd.s32 s7, s5  }
0xb: {  	[sflag:s8] =	ssyncpa.u1 $0x0;
	s8 =	simm.s32 $0x80;
	s7 =	sadd.s32 $0x1, s5  }
.LBB1_4:
0xc: {  	_ =	sdelay $0x3  }
0xd: {  	s21 =	sor.u32 s24, s23;
	v47 =	vld.idx.msk [tilespmem:v0+s16+$0x470 ss:$0x1], $0xffff  }
0xe: {  	v57 =	vld.idx.msk [tilespmem:v0+s21+$0x410 ss:$0x1], $0xffff  }
0xf: {  	v58 =	vld.idx.msk [tilespmem:v0+s21+$0x420 ss:$0x1], $0xffff  }
0x10: {  	[tilespmem:s18+$0x1860 ss:$0x41] =	vst.msk $0xffff, v8;
	v59 =	vld.idx.msk [tilespmem:v0+s21+$0x430 ss:$0x1], $0xffff  }
0x11: {  	[tilespmem:s18+$0x1C70 ss:$0x41] =	vst.msk $0xffff, v7;
	v60 =	vld.idx.msk [tilespmem:v0+s21+$0x440 ss:$0x1], $0xffff  }
0x12: {  	[tilespmem:s18+$0x2490 ss:$0x41] =	vst.msk $0xffff, v1;
	s22 =	sand.u32 $0x3B00, s21;
	v61 =	vld.idx.msk [tilespmem:v0+s21+$0x450 ss:$0x1], $0xffff  }
0x13: {  	s20 =	sand.u32 $0x80, s20;
	[tilespmem:s18+$0x28A0 ss:$0x41] =	vst.msk $0xffff, v2;
	v62 =	vld.idx.msk [tilespmem:v0+s21+$0x460 ss:$0x1], $0xffff;
	s15 =	sadd.s32 s22, s15  }
0x14: {  	[tilespmem:s18+$0x2CB0 ss:$0x41] =	vst.msk $0xffff, v3;
	v63 =	vld.idx.msk [tilespmem:v0+s21+$0x470 ss:$0x1], $0xffff;
	s15 =	sadd.s32 s20, s15  }
0x15: {  	[tilespmem:s18+$0x30C0 ss:$0x41] =	vst.msk $0xffff, v4;
	v48 =	vld [tilespmem:s15+$0x400]  }
0x16: {  	[tilespmem:s18+$0x34D0 ss:$0x41] =	vst.msk $0xffff, v5;
	v49 =	vld [tilespmem:s15+$0x0]  }
0x17: {  	s25 =	sshra.s32 s19, $0x2;
	[tilespmem:s18+$0x38E0 ss:$0x41] =	vst.msk $0xffff, v6;
	v50 =	vld [tilespmem:s15+$0x10]  }
0x18: {  	s16 =	sadd.s32 s25, s17;
	v51 =	vld [tilespmem:s15+$0x20];
	[tilespmem:s18+$0x3CF0 ss:$0x41] =	vst.msk $0xffff, v47  }
0x19: {  	v52 =	vld [tilespmem:s15+$0x30];
	[tilespmem:s16+$0x2490 ss:$0x41] =	vst.msk $0xffff, v57  }
0x1a: {  	v53 =	vld [tilespmem:s15+$0x40];
	[tilespmem:s16+$0x28A0 ss:$0x41] =	vst.msk $0xffff, v58  }
0x1b: {  	v54 =	vld [tilespmem:s15+$0x50];
	[tilespmem:s16+$0x2CB0 ss:$0x41] =	vst.msk $0xffff, v59  }
0x1c: {  	s13 =	sshll.u32 s13, $0x7;
	s26 =	sshll.u32 s12, $0x3;
	v55 =	vld [tilespmem:s15+$0x60];
	[tilespmem:s16+$0x30C0 ss:$0x41] =	vst.msk $0xffff, v60  }
0x1d: {  	s27 =	sand.u32 $0xFFFFFC00, s13;
	v56 =	vld [tilespmem:s15+$0x70];
	s15 =	sand.u32 $0xFFFFFC00, s26;
	[tilespmem:s16+$0x34D0 ss:$0x41] =	vst.msk $0xffff, v61  }
0x1e: {  	s13 =	sand.u32 $0x380, s13;
	s15 =	sadd.s32 s15, s27;
	[tilespmem:s16+$0x38E0 ss:$0x41] =	vst.msk $0xffff, v62  }
0x1f: {  	s13 =	sor.u32 s13, s15;
	[tilespmem:s16+$0x3CF0 ss:$0x41] =	vst.msk $0xffff, v63  }
0x20: {  	s13 =	sshrl.u32 s13, $0x7;
	[tilespmem:s16+$0x2080 ss:$0x41] =	vst.msk $0xffff, v48  }
0x21: {  	s28 =	smulhi.u32 $0x1A36E2F, s13;
	[tilespmem:s16+$0x0 ss:$0x41] =	vst.msk $0xffff, v49  }
0x22: {  	[tilespmem:s16+$0x410 ss:$0x41] =	vst.msk $0xffff, v50  }
0x23: {  	[tilespmem:s16+$0x820 ss:$0x41] =	vst.msk $0xffff, v51;
	s15 =	sshrl.u32 s28, $0xB  }
0x24: {  	[tilespmem:s16+$0xC30 ss:$0x41] =	vst.msk $0xffff, v52;
	s15 =	smul.u32 $0x4E200, s15  }
0x25: {  	s29 =	sshrl.u32 s12, $0x3;
	[tilespmem:s16+$0x1040 ss:$0x41] =	vst.msk $0xffff, v53  }
0x26: {  	s31 =	sand.u32 $0x7, s12;
	s30 =	sand.u32 $0xF, s29;
	[tilespmem:s16+$0x1450 ss:$0x41] =	vst.msk $0xffff, v54;
	s13 =	ssub.s32 s13, s15  }
0x27: {  	s12 =	sshll.u32 s31, $0x12;
	[tilespmem:s16+$0x1860 ss:$0x41] =	vst.msk $0xffff, v55;
	s15 =	sadd.s32 s3, s30;
	s13 =	sshll.u32 s13, $0x4  }
0x28: {  	s12 =	sor.u32 $0x40, s12;
	[tilespmem:s16+$0x1C70 ss:$0x41] =	vst.msk $0xffff, v56;
	s13 =	sadd.s32 s13, s15  }
0x29: {  	[hbm4b:s13+s12] =	stream.strided.scatter [tilespmem:s14], [sflag:$0x2], $0x4000, s8, s12, $0x18;
	[tilespmem:$0x10200] =	vst v63  }
.LBB1_5:
0x2a: {  	s14 =	sadd.s32 $0x2000, s9  }
0x2b: {  	s12 =	sadd.s32 $0x40, s10;
	s16 =	smov.u32 s10;
	p2 =	sgt.s32 s14, $0x4E1FF  }
0x2c: {  	s16 =	smov.u32 @p2 s12  }
0x2d: {  	s14 =	smov.u32 @p2 s2;
	p2 =	sgt.s32 s16, $0x3F  }
0x2e: {  	s16 =	simm.s32 @p2 $0x0;
	p2 =	sne.s32 s11, s7  }
.Ltmp1:
0x2f: {  	p1 =	slt.u32 s11, $0x2;
	(pc) =	sbr.rel @!p2 .LBB1_6-.Ltmp1, $4  }
0x30: {  	s15 =	simm.s32 @!p1 $0x2  }
0x31: {  	s13 =	smov.u32 s9;
	p0 =	por !p0, !p0;
	_ =	swait.ge @!p1 [sflag:s15], $0x4000  }
0x32: {  	s12 =	smov.u32 s10;
	[sflag:s15] =	ssyncset.done @!p1 $0x0;
	s9 =	smov.u32 s14  }
0x33: {  	s11 =	sadd.s32 $0x1, s11;
	[sflag:s15] =	ssyncadd.s32 @!p1 $0xFFFFC000;
	s10 =	smov.u32 s16  }
.LBB1_1:
0x34: {  	p1 =	sge.u32 s11, s5  }
0x35: {  	s14 =	sshrl.u32 @!p1 s10, $0x3  }
0x36: {  	s15 =	sshll.u32 @!p1 s9, $0x3;
	s14 =	smul.u32 @!p1 $0x271000, s14  }
0x37: {  	s16 =	sshll.u32 @!p1 s10, $0x7;
	s15 =	sand.u32 @!p1 $0xFFFFFC00, s15  }
0x38: {  	s14 =	sadd.s32 @!p1 s14, s15;
	s15 =	sand.u32 @!p1 $0x380, s16  }
0x39: {  	s16 =	sand.u32 @!p1 $0x7F, s9;
	s14 =	sor.u32 @!p1 s15, s14  }
0x3a: {  	s15 =	sor.u32 @!p1 s16, s14  }
0x3b: {  	s16 =	smulhi.u32 @!p1 $0xD1B71759, s15;
	_ =	sdelay $0x1  }
0x3c: {  	s14 =	smulhi.u32 @!p1 $0xD1B71759, s14;
	s16 =	sshrl.u32 @!p1 s16, $0x12  }
0x3d: {  	s16 =	smul.u32 @!p1 $0x4E200, s16  }
0x3e: {  	s31 =	sadd.s32 $0xFFFFFFFF, s11;
	s17 =	sxor.u32 @!p1 $0xFFFFFFFF, s11;
	s14 =	sshrl.u32 @!p1 s14, $0x12  }
0x3f: {  	s17 =	sshll.u32 @!p1 s17, $0xE;
	s14 =	sand.u32 @!p1 $0x3F, s14;
	s15 =	ssub.s32 @!p1 s15, s16  }
0x40: {  	s14 =	smul.u32 @!p1 $0x9C40, s14;
	s16 =	sshrl.u32 @!p1 s15, $0x3;
	s15 =	sand.u32 @!p1 $0x7, s15  }
0x41: {  	s17 =	sand.u32 @!p1 $0x4000, s17;
	s16 =	sadd.s32 @!p1 s6, s16;
	s15 =	sshll.u32 @!p1 s15, $0x12  }
0x42: {  	s14 =	sadd.s32 @!p1 s14, s16;
	s15 =	sor.u32 @!p1 $0x800, s15;
	s16 =	simm.s32 @!p1 $0x271000  }
0x43: {  	[tilespmem:s17], [sflag:$0x1] =	stream.strided.gather @!p1 [hbm4b:s14+s15], $0x4000, s16, s15, $0x38;
	[tilespmem:$0x10200] =	vst v63  }
0x44: {  	p1 =	sge.u32 s31, s5  }
.Ltmp2:
0x45: {  	_ = 	snop;
	(pc) =	sbr.rel @p1 .LBB1_5-.Ltmp2, $1  }
0x46: {  	_ =	sdelay $0x3  }
0x47: {  	s17 =	simm.s32 $0x0  }
0x48: {  	s16 =	sand.u32 $0x3800, s17;
	s18 =	sand.u32 $0x380, s17  }
0x49: {  	s14 =	sand.u32 $0x1, s11;
	s16 =	sor.u32 s18, s16  }
0x4a: {  	_ =	swait.ge [sflag:s4], $0x4000;
	s15 =	sshll.u32 s14, $0xE;
	s18 =	sand.u32 $0x3B00, s16  }
0x4b: {  	[sflag:s4] =	ssyncset.done $0x0;
	s17 =	sand.u32 $0x80, s17;
	s18 =	sadd.s32 s18, s15  }
0x4c: {  	[sflag:s4] =	ssyncadd.s32 $0xFFFFC000;
	s20 =	sadd.s32 s17, s18  }
0x4d: {  	v4 =	vld [tilespmem:s20+$0x400]  }
0x4e: {  	s19 =	simm.s32 $0x1;
	v5 =	vld [tilespmem:s20+$0x0]  }
0x4f: {  	s19 =	simm.s32 @!p0 $0x0;
	v6 =	vld [tilespmem:s20+$0x10]  }
0x50: {  	v0 =	vmov s15;
	s31 =	smul.u32 $0x10400, s19;
	v7 =	vld [tilespmem:s20+$0x20]  }
0x51: {  	v9 =	vld [tilespmem:s20+$0x30]  }
0x52: {  	s17 =	sshrl.u32 s31, $0x2;
	v10 =	vld [tilespmem:s20+$0x40]  }
0x53: {  	s17 =	sor.u32 $0x8000, s17;
	v11 =	vld [tilespmem:s20+$0x50]  }
0x54: {  	v8 =	vld [tilespmem:s20+$0x60];
	s18 =	sadd.s32 $0x0, s17  }
0x55: {  	v1 =	vld.idx.msk [tilespmem:v0+s16+$0x410 ss:$0x1], $0xffff;
	[tilespmem:s18+$0x2080 ss:$0x41] =	vst.msk $0xffff, v4  }
0x56: {  	v2 =	vld.idx.msk [tilespmem:v0+s16+$0x420 ss:$0x1], $0xffff;
	[tilespmem:s18+$0x0 ss:$0x41] =	vst.msk $0xffff, v5  }
0x57: {  	v3 =	vld.idx.msk [tilespmem:v0+s16+$0x430 ss:$0x1], $0xffff;
	[tilespmem:s18+$0x410 ss:$0x41] =	vst.msk $0xffff, v6  }
0x58: {  	s14 =	smul.u32 $0x10400, s14;
	[tilespmem:s18+$0x820 ss:$0x41] =	vst.msk $0xffff, v7;
	v7 =	vld [tilespmem:s20+$0x70]  }
0x59: {  	s21 =	simm.s32 $0x100;
	s22 =	simm.s32 $0x8;
	[tilespmem:s18+$0xC30 ss:$0x41] =	vst.msk $0xffff, v9;
	v4 =	vld.idx.msk [tilespmem:v0+s16+$0x440 ss:$0x1], $0xffff  }
0x5a: {  	s23 =	sand.u32 $0x3800, s21;
	s14 =	sshrl.u32 s14, $0x2;
	[tilespmem:s18+$0x1040 ss:$0x41] =	vst.msk $0xffff, v10;
	v5 =	vld.idx.msk [tilespmem:v0+s16+$0x450 ss:$0x1], $0xffff;
	s20 =	simm.s32 $0x80  }
0x5b: {  	s19 =	simm.s32 $0x4;
	s14 =	sor.u32 $0x8000, s14;
	[tilespmem:s18+$0x1450 ss:$0x41] =	vst.msk $0xffff, v11;
	v6 =	vld.idx.msk [tilespmem:v0+s16+$0x460 ss:$0x1], $0xffff;
	s24 =	sand.u32 $0x380, s20  }
.LBB1_3:
0x5c: {  	p1 =	sne.s32 s22, $0xFC;
	[tilespmem:s18+$0x1860 ss:$0x41] =	vst.msk $0xffff, v8;
	v8 =	vld.idx.msk [tilespmem:v0+s16+$0x470 ss:$0x1], $0xffff;
	s16 =	sor.u32 s24, s23  }
0x5d: {  	s23 =	sand.u32 $0x3B00, s16;
	v9 =	vld.idx.msk [tilespmem:v0+s16+$0x410 ss:$0x1], $0xffff;
	[tilespmem:s18+$0x1C70 ss:$0x41] =	vst.msk $0xffff, v7  }
0x5e: {  	s24 =	sand.u32 $0x80, s20;
	s23 =	sadd.s32 s23, s15;
	v7 =	vld.idx.msk [tilespmem:v0+s16+$0x420 ss:$0x1], $0xffff;
	[tilespmem:s18+$0x2490 ss:$0x41] =	vst.msk $0xffff, v1  }
0x5f: {  	s23 =	sadd.s32 s24, s23;
	v10 =	vld.idx.msk [tilespmem:v0+s16+$0x430 ss:$0x1], $0xffff;
	[tilespmem:s18+$0x28A0 ss:$0x41] =	vst.msk $0xffff, v2  }
0x60: {  	v11 =	vld [tilespmem:s23+$0x400];
	[tilespmem:s18+$0x2CB0 ss:$0x41] =	vst.msk $0xffff, v3  }
0x61: {  	v12 =	vld [tilespmem:s23+$0x0];
	[tilespmem:s18+$0x30C0 ss:$0x41] =	vst.msk $0xffff, v4  }
0x62: {  	v4 =	vld [tilespmem:s23+$0x10];
	[tilespmem:s18+$0x34D0 ss:$0x41] =	vst.msk $0xffff, v5  }
0x63: {  	s24 =	sshra.s32 s19, $0x2;
	s19 =	smov.u32 s22;
	v1 =	vmov v9;
	v5 =	vld [tilespmem:s23+$0x20];
	[tilespmem:s18+$0x38E0 ss:$0x41] =	vst.msk $0xffff, v6  }
0x64: {  	v2 =	vmov v7;
	v6 =	vld [tilespmem:s23+$0x30];
	[tilespmem:s18+$0x3CF0 ss:$0x41] =	vst.msk $0xffff, v8;
	s18 =	sadd.s32 s24, s17  }
0x65: {  	v3 =	vmov v10;
	v9 =	vld [tilespmem:s23+$0x40];
	[tilespmem:s18+$0x2080 ss:$0x41] =	vst.msk $0xffff, v11  }
0x66: {  	[tilespmem:s18+$0x0 ss:$0x41] =	vst.msk $0xffff, v12;
	v10 =	vld [tilespmem:s23+$0x50]  }
.Ltmp3:
0x67: {  	[tilespmem:s18+$0x410 ss:$0x41] =	vst.msk $0xffff, v4;
	v8 =	vld [tilespmem:s23+$0x60];
	(pc) =	sbr.rel @p1 .LBB1_3-.Ltmp3, $4  }
0x68: {  	[tilespmem:s18+$0x820 ss:$0x41] =	vst.msk $0xffff, v5;
	v7 =	vld [tilespmem:s23+$0x70]  }
0x69: {  	[tilespmem:s18+$0xC30 ss:$0x41] =	vst.msk $0xffff, v6;
	v4 =	vld.idx.msk [tilespmem:v0+s16+$0x440 ss:$0x1], $0xffff  }
0x6a: {  	s20 =	sadd.s32 $0x80, s20;
	s21 =	sadd.s32 $0x100, s21;
	[tilespmem:s18+$0x1040 ss:$0x41] =	vst.msk $0xffff, v9;
	v5 =	vld.idx.msk [tilespmem:v0+s16+$0x450 ss:$0x1], $0xffff  }
0x6b: {  	s22 =	sadd.s32 $0x4, s22;
	s24 =	sand.u32 $0x380, s20;
	s23 =	sand.u32 $0x3800, s21;
	[tilespmem:s18+$0x1450 ss:$0x41] =	vst.msk $0xffff, v10;
	v6 =	vld.idx.msk [tilespmem:v0+s16+$0x460 ss:$0x1], $0xffff  }
.Ltmp4:
0x6c: {  	_ = 	snop;
	(pc) =	sbr.rel .LBB1_4-.Ltmp4, $1  }
0x6d: {  	_ =	sdelay $0x3  }
.LBB1_6:
0x6e: {  	_ =	sfence.sel $0x180000  }
0x6f: {  	s2 =	simm.s32 $0x1;
	[bflag:$0x0] =	sbarrier.arrive $0xFFFF  }
0x70: {  	s31 =	simm.s32 $0x2;
	[sflag:s2] =	ssyncpa.u1 $0x1  }
0x71: {  	[sflag:s31] =	ssyncpa.u1 $0x1  }
0x72: {  	p0 =	sne.s32 s0, $0x0;
	_ =	strace $0x90000047  }
0x73: {  	s0 =	sadd.s32 @!p0 $0x100000, s1;
	[bflag:$0x2] =	sbarrier.arrive $0xFFFF  }
0x74: {  	[sflag:s0] =	ssyncadd.tile.s32 @!p0 $0x1;
	_ =	shalt  }
.Lfunc_end1:
_tile_overlayer_lowered:
.L_overlay_start_2:
0x75: {  	(tag) =	ssettag $0x2  }
0x76: {  	s0 =	rddreg [dreg:$0x0];
	s2 =	stileid.u32  }
0x77: {  	s1 =	rddreg [dreg:$0x1];
	p0 =	sne.s32 s2, $0x0  }
0x78: {  	s3 =	rddreg [dreg:$0x2];
	[bflag:$0x3] =	sbarrier.arrive $0xFFFF;
	s2 =	simm.s32 @!p0 $0x1C01  }
0x79: {  	[timem:s3], [sflag:s2] =	dma.local @!p0 [hbm:s0], s1  }
0x7a: {  	s0 =	simm.s32 @!p0 $0x1  }
0x7b: {  	_ =	swait.ge @!p0 [sflag:s0], s1  }
0x7c: {  	s1 =	ssub.s32 @!p0 $0x0, s1;
	[sflag:s0] =	ssyncset.done @!p0 $0x0  }
0x7d: {  	[sflag:s0] =	ssyncadd.s32 @!p0 s1  }
0x7e: {  	[bflag:$0x3] =	sbarrier.arrive $0xFFFF  }
0x7f: {  	_ =	shalt  }

// kernel: sparse-core-data-format-call.cloned.1.call-start
scs
called_computation.4_lowered:
.L_overlay_start_0:
0x0: {  	s2 =	sld [smem:$0x3FD9]  }
0x1: {  	s3 =	sld [smem:$0x3FFE];
	_ =	sdelay $0x1  }
0x2: {  	s1 =	srdreg.scid  }
0x3: {  	s0 =	sand.u32 $0x1, s1  }
0x4: {  	s15 =	sshll.u32 s0, $0xA;
	s2 =	sadd.s32 s3, s2  }
0x5: {  	s2 =	sadd.s32 s2, s15  }
0x6: {  	[smem:$0x3F99] =	sst s2  }
0x7: {  	_ = 	snop  }
0x8: {  	s2 =	sld [smem:$0x3FD0];
	_ =	sdelay $0x2  }
0x9: {  	s16 =	simm.s32 $0xB;
	s4 =	simm.s32 $0x10  }
0xa: {  	[smem:s4], [sflag:s16] =	dma.local [hbm:s2], $0x1  }
0xb: {  	_ =	swait.eq [sflag:s16], $0x1  }
0xc: {  	[sflag:s16] =	ssyncset.done $0x0  }
0xd: {  	[sflag:s16] =	ssyncadd.s32 $0xFFFFFFFF  }
0xe: {  	s17 =	sld [smem:$0x12];
	(tm) =	ssettm $0x1  }
0xf: {  	s18 =	sld [smem:$0x3FFB];
	_ =	sdelay $0x3  }
0x10: {  	_ =	strace s18  }
0x11: {  	s3 =	sld [smem:$0x3FFC];
	_ =	sdelay $0x3  }
0x12: {  	_ =	strace s3  }
0x13: {  	s3 =	sld [smem:$0x3FFD];
	_ =	sdelay $0x3  }
0x14: {  	_ =	strace s3  }
0x15: {  	_ =	strace $0x8FFFFFFF  }
0x16: {  	s19 =	sld [smem:$0x3FDB];
	_ =	sdelay $0x1  }
0x17: {  	s20 =	simm.s32 $_scs_section_size  }
0x18: {  	s5 =	simm.s32 $_size__tile_overlayer_lowered;
	s6 =	simm.s32 $_tile_overlayer_lowered  }
0x19: {  	s23 =	simm.s32 $0x1BFF;
	s22 =	sshll.u32 s6, $0x1;
	s3 =	sadd.s32 s20, s19  }
0x1a: {  	s7 =	simm.s32 $0x0;
	s21 =	sshll.u32 s5, $0x1;
	s5 =	sadd.s32 s22, s3  }
0x1b: {  	[timem:s7], [sflag:s23] =	dma.local [hbm:s5], s21  }
0x1c: {  	_ =	swait.ge [sflag:s23], s21  }
0x1d: {  	s4 =	ssub.s32 $0x0, s21;
	[sflag:s23] =	ssyncset.done $0x0  }
0x1e: {  	[sflag:s23] =	ssyncadd.s32 s4;
	_ =	sdelay $0x1  }
0x1f: {  	s24 =	simm.s32 $0x1B8B  }
0x20: {  	_ =	swait.ge [sflag:s24], $0x1  }
0x21: {  	[sflag:s24] =	ssyncset.done $0x0  }
0x22: {  	s26 =	simm.s32 $0x1B8E;
	s25 =	sld [smem:$0x3FFE];
	[sflag:s24] =	ssyncadd.s32 $0xFFFFFFFF  }
0x23: {  	s27 =	simm.s32 $execute0_lowered;
	[smem:$0x3FD2] =	sst s26  }
0x24: {  	s5 =	sshll.u32 s27, $0x1;
	_ =	strace $0x8000004F;
	[dreg:$0x1] =	wrdreg $0xFFFFFFFF  }
0x25: {  	s28 =	simm.s32 $_size_execute0_lowered;
	s3 =	sadd.s32 s3, s5;
	[dreg:$0x0] =	wrdreg $0x0  }
0x26: {  	s5 =	sshll.u32 s28, $0x1;
	[dreg:$0x2] =	wrdreg s3  }
0x27: {  	[dreg:$0x3] =	wrdreg s5  }
0x28: {  	[dreg:$0x4] =	wrdreg $0xC0  }
0x29: {  	_ =	task [dreg:s7], $0x5FFFF  }
0x2a: {  	[dreg:$0x1] =	wrdreg $0xFFFFFFFF  }
0x2b: {  	[dreg:$0x0] =	wrdreg $0x60  }
0x2c: {  	[dreg:$0x2] =	wrdreg s17  }
0x2d: {  	[dreg:$0x3] =	wrdreg s25  }
0x2e: {  	[dreg:$0x4] =	wrdreg $0x9  }
0x2f: {  	_ =	task.clear_ibuf [dreg:s7], $0x5FFFF;
	_ =	strace $0x9000004F  }
0x30: {  	s29 =	simm.s32 $0x9;
	_ =	strace $0x80000051  }
0x31: {  	_ =	swait.ge [sflag:s29], $0x1  }
0x32: {  	[sflag:s29] =	ssyncadd.s32 $0xFFFFFFFF  }
0x33: {  	_ =	strace $0x90000051  }
0x34: {  	_ =	sfence  }
0x35: {  	s30 =	sld [smem:$0x0];
	_ =	sdelay $0x2  }
0x36: {  	s31 =	sshll.u32 s1, $0xD;
	s1 =	sshrl.u32 s1, $0x2  }
0x37: {  	s3 =	sand.u32 $0x4000, s31;
	s1 =	sadd.s32 s1, s30  }
0x38: {  	s0 =	sor.u32 s3, s0;
	s1 =	sshll.u32 s1, $0x11  }
0x39: {  	s0 =	sor.u32 s1, s0  }
0x3a: {  	s0 =	sadd.s32 $0x8F2B, s0  }
0x3b: {  	[sflag:s0] =	ssyncadd.remote.s32 $0x1  }
0x3c: {  	_ =	sfence.sel $0xFFFF  }
0x3d: {  	[dreg:$0x0] =	wrdreg $0xFFFFFFFF;
	(pc) =	sbr.abs _section_cstart, $3  }
0x3e: {  	[dreg:$0x1] =	wrdreg $0xFFFFFFFF  }
0x3f: {  	_ =	task.clear_ibuf [dreg:s7], $0x2FFFF;
	_ =	strace $0x9FFFFFFF  }
0x40: {  	(tm) =	ssettm $0x7FFFFFFF  }
0x41: {  	_ =	shalt  }
tec
execute0_lowered:
.L_overlay_start_1:
0x0: {  	(tag) =	ssettag $0x1  }
0x1: {  	s0 =	srdreg.scid  }
0x2: {  	s1 =	sshll.u32 s0, $0x4  }
0x3: {  	s2 =	rddreg [dreg:$0x0];
	s0 =	stileid.u32;
	s1 =	sand.u32 $0x10, s1  }
0x4: {  	s4 =	rddreg [dreg:$0x1];
	s7 =	simm.s32 $0x1;
	s1 =	sor.u32 s0, s1  }
0x5: {  	s8 =	simm.s32 $0x2;
	s11 =	simm.s32 $0x0;
	s3 =	sshll.u32 s1, $0x7  }
0x6: {  	s10 =	simm.s32 $0x0;
	s4 =	sadd.s32 $0x1E000, s4;
	s6 =	ssub.s32 $0x4E200, s3  }
.Ltmp0:
0x7: {  	s1 =	rddreg [dreg:$0x2];
	s5 =	sand.u32 $0xF80, s6;
	(pc) =	sbr.rel .LBB1_1-.Ltmp0, $4  }
0x8: {  	_ =	strace $0x80000050;
	s9 =	smov.u32 s3;
	p0 =	sne.s32 s5, $0x0  }
0x9: {  	s6 =	sshrl.u32 s6, $0xC;
	s5 =	simm.s32 $0x1;
	s7 =	simm.s32 @!p0 $0x0  }
0xa: {  	[sflag:s5] =	ssyncpa.u1 $0x0;
	p0 =	por $0x0, $0x0;
	s6 =	sadd.s32 s7, s6  }
0xb: {  	[sflag:s8] =	ssyncpa.u1 $0x0;
	s8 =	simm.s32 $0x271000;
	s7 =	sadd.s32 $0x1, s6  }
.LBB1_4:
0xc: {  	s14 =	sshll.u32 s11, $0x3  }
0xd: {  	s30 =	sand.u32 $0x7F, s11;
	s14 =	sand.u32 $0xFFFFFC00, s14  }
0xe: {  	s11 =	sor.u32 s30, s14  }
0xf: {  	s15 =	smulhi.u32 $0xD1B71759, s11;
	_ =	sdelay $0x1  }
0x10: {  	s14 =	smulhi.u32 $0xD1B71759, s14;
	s15 =	sshrl.u32 s15, $0x12  }
0x11: {  	s15 =	smul.u32 $0x4E200, s15  }
0x12: {  	s14 =	sshrl.u32 s14, $0x12  }
0x13: {  	s14 =	sand.u32 $0x3F, s14;
	s11 =	ssub.s32 s11, s15  }
0x14: {  	[tilespmem:s13+$0x810 ss:$0x81] =	vst.msk $0xffff, v2;
	s14 =	smul.u32 $0x9C40, s14;
	s15 =	sshrl.u32 s11, $0x3;
	s11 =	sand.u32 $0x7, s11  }
0x15: {  	[tilespmem:s13+$0x1020 ss:$0x81] =	vst.msk $0xffff, v0;
	s15 =	sadd.s32 s4, s15;
	s11 =	sshll.u32 s11, $0x12  }
0x16: {  	[tilespmem:s13+$0x0 ss:$0x81] =	vst.msk $0xffff, v1;
	s31 =	sadd.s32 s14, s15;
	s11 =	sor.u32 $0x400, s11  }
0x17: {  	[hbm4b:s31+s11] =	stream.strided.scatter [tilespmem:s12], [sflag:$0x2], $0x2000, s8, s11, $0x20;
	[tilespmem:$0x8080] =	vst v63  }
.LBB1_5:
0x18: {  	s13 =	sadd.s32 $0x1000, s9  }
0x19: {  	p2 =	sgt.s32 s13, $0x4E1FF  }
0x1a: {  	s13 =	smov.u32 @p2 s3;
	p2 =	sne.s32 s10, s7  }
.Ltmp1:
0x1b: {  	p1 =	slt.u32 s10, $0x2;
	(pc) =	sbr.rel @!p2 .LBB1_6-.Ltmp1, $4  }
0x1c: {  	s12 =	simm.s32 @!p1 $0x2  }
0x1d: {  	s14 =	sadd.s32 $0x1, s10;
	_ =	swait.ge @!p1 [sflag:s12], $0x2000  }
0x1e: {  	s11 =	smov.u32 s9;
	p0 =	por !p0, !p0;
	[sflag:s12] =	ssyncset.done @!p1 $0x0  }
0x1f: {  	s10 =	smov.u32 s14;
	s9 =	smov.u32 s13;
	[sflag:s12] =	ssyncadd.s32 @!p1 $0xFFFFE000  }
.LBB1_1:
0x20: {  	p1 =	sge.u32 s10, s6  }
0x21: {  	s12 =	sand.u32 @!p1 $0x1FFFFFF, s9  }
0x22: {  	s13 =	smulhi.u32 @!p1 $0x1A36E2F, s12;
	_ =	sdelay $0x1  }
0x23: {  	s13 =	sshrl.u32 @!p1 s13, $0xB  }
0x24: {  	s13 =	smul.u32 @!p1 $0x4E200, s13;
	_ =	sdelay $0x1  }
0x25: {  	s31 =	sadd.s32 $0xFFFFFFFF, s10;
	s14 =	sxor.u32 @!p1 $0xFFFFFFFF, s10;
	s12 =	ssub.s32 @!p1 s12, s13  }
0x26: {  	s15 =	simm.s32 @!p1 $0x80;
	s14 =	sshll.u32 @!p1 s14, $0xD;
	s12 =	sshll.u32 @!p1 s12, $0x4  }
0x27: {  	s13 =	sand.u32 @!p1 $0x2000, s14;
	s14 =	simm.s32 @!p1 $0x40;
	s12 =	sadd.s32 @!p1 s2, s12  }
0x28: {  	[tilespmem:s13], [sflag:$0x1] =	stream.strided.gather @!p1 [hbm4b:s12+s14], $0x2000, s15, s14, $0x38;
	[tilespmem:$0x8080] =	vst v63  }
0x29: {  	p1 =	sge.u32 s31, s6  }
.Ltmp2:
0x2a: {  	_ = 	snop;
	(pc) =	sbr.rel @p1 .LBB1_5-.Ltmp2, $1  }
0x2b: {  	_ =	sdelay $0x3  }
0x2c: {  	s12 =	simm.s32 $0x1  }
0x2d: {  	_ =	swait.ge [sflag:s5], $0x2000;
	s12 =	simm.s32 @!p0 $0x0  }
0x2e: {  	[sflag:s5] =	ssyncset.done $0x0;
	s13 =	sshll.u32 s12, $0xD  }
0x2f: {  	[sflag:s5] =	ssyncadd.s32 $0xFFFFE000;
	s16 =	sor.u32 $0x20, s13  }
0x30: {  	s12 =	smul.u32 $0x8100, s12;
	v3 =	vld [tilespmem:s16+$0x10]  }
0x31: {  	s30 =	sand.u32 $0x1, s10;
	v2 =	vld [tilespmem:s16+$0xFFFFFFF0]  }
0x32: {  	s13 =	smul.u32 $0x8100, s30;
	s12 =	sshrl.u32 s12, $0x2;
	v0 =	vld [tilespmem:s16+$0x0]  }
0x33: {  	v1 =	vld [tilespmem:s16+$0xFFFFFFE0];
	s14 =	sor.u32 $0x4000, s12  }
0x34: {  	s31 =	sshrl.u32 s13, $0x2;
	s13 =	sadd.s32 $0x0, s14  }
0x35: {  	s15 =	simm.s32 $0x4;
	s16 =	sadd.s32 $0x40, s16;
	s12 =	sor.u32 $0x4000, s31;
	[tilespmem:s13+$0x1830 ss:$0x81] =	vst.msk $0xffff, v3  }
.LBB1_3:
0x36: {  	v3 =	vld [tilespmem:s16+$0x10];
	p1 =	sne.s32 s15, $0x1FC;
	[tilespmem:s13+$0x810 ss:$0x81] =	vst.msk $0xffff, v2;
	s17 =	smov.u32 s15;
	s15 =	sadd.s32 $0x4, s15  }
.Ltmp3:
0x37: {  	v2 =	vld [tilespmem:s16+$0xFFFFFFF0];
	[tilespmem:s13+$0x1020 ss:$0x81] =	vst.msk $0xffff, v0;
	(pc) =	sbr.rel @p1 .LBB1_3-.Ltmp3, $4  }
0x38: {  	v0 =	vld [tilespmem:s16+$0x0];
	[tilespmem:s13+$0x0 ss:$0x81] =	vst.msk $0xffff, v1  }
0x39: {  	s13 =	sshra.s32 s17, $0x2;
	v1 =	vld [tilespmem:s16+$0xFFFFFFE0]  }
0x3a: {  	s13 =	sadd.s32 s13, s14  }
0x3b: {  	s16 =	sadd.s32 $0x40, s16;
	[tilespmem:s13+$0x1830 ss:$0x81] =	vst.msk $0xffff, v3  }
.Ltmp4:
0x3c: {  	_ = 	snop;
	(pc) =	sbr.rel .LBB1_4-.Ltmp4, $1  }
0x3d: {  	_ =	sdelay $0x3  }
.LBB1_6:
0x3e: {  	_ =	sfence.sel $0x180000  }
0x3f: {  	s2 =	simm.s32 $0x1;
	[bflag:$0x0] =	sbarrier.arrive $0xFFFF  }
0x40: {  	s31 =	simm.s32 $0x2;
	[sflag:s2] =	ssyncpa.u1 $0x1  }
0x41: {  	[sflag:s31] =	ssyncpa.u1 $0x1  }
0x42: {  	p0 =	sne.s32 s0, $0x0;
	_ =	strace $0x90000050  }
0x43: {  	s0 =	sadd.s32 @!p0 $0x100000, s1;
	[bflag:$0x2] =	sbarrier.arrive $0xFFFF  }
0x44: {  	[sflag:s0] =	ssyncadd.tile.s32 @!p0 $0x1;
	_ =	shalt  }
.Lfunc_end1:
_tile_overlayer_lowered:
.L_overlay_start_2:
0x45: {  	(tag) =	ssettag $0x2  }
0x46: {  	s0 =	rddreg [dreg:$0x0];
	s2 =	stileid.u32  }
0x47: {  	s1 =	rddreg [dreg:$0x1];
	p0 =	sne.s32 s2, $0x0  }
0x48: {  	s3 =	rddreg [dreg:$0x2];
	[bflag:$0x3] =	sbarrier.arrive $0xFFFF;
	s2 =	simm.s32 @!p0 $0x1C01  }
0x49: {  	[timem:s3], [sflag:s2] =	dma.local @!p0 [hbm:s0], s1  }
0x4a: {  	s0 =	simm.s32 @!p0 $0x1  }
0x4b: {  	_ =	swait.ge @!p0 [sflag:s0], s1  }
0x4c: {  	s1 =	ssub.s32 @!p0 $0x0, s1;
	[sflag:s0] =	ssyncset.done @!p0 $0x0  }
0x4d: {  	[sflag:s0] =	ssyncadd.s32 @!p0 s1  }
0x4e: {  	[bflag:$0x3] =	sbarrier.arrive $0xFFFF  }
0x4f: {  	_ =	shalt  }

</sc_bundles>
